<compile_context>
chip_gen: v7x
topology: tpu7x:2x2x1
jax: 0.10.2.dev20260603
libtpu: 0.0.44.dev20260713+nightly
codegen_flags: <defaults>
</compile_context>

<pallas_src>
import functools

import jax
import jax.numpy as jnp
from jax import lax
from jax.experimental import pallas as pl
from jax.experimental.pallas import tpu as pltpu
from jax.experimental.pallas import tpu_sc as plsc

N = 10000
E = 320000
D_IN = 128
H = 8
C = 128
HC = H * C
D_EMB = 32
HE = H * D_EMB
D_HID = 128

NC = 2
NS = 16
NW = NC * NS
K = 128
E_TOT = E + N
CH = 2 * (-(-E_TOT // (NW * K * 2)))
E_PAD = NW * K * CH
NP = 10112
NP_T = NP // NS

BLK = 1000


def _tc_a1_body(x_ref, wg_ref, asrc_ref, adst_ref,
                as_ref, ad_ref, mx_ref, fold_ref):
    i = pl.program_id(0)

    @pl.when(i == 0)
    def _():
        zs = jnp.zeros((D_IN, 8), dtype=jnp.float32)
        ts = wg_ref[...] * asrc_ref[...]
        td = wg_ref[...] * adst_ref[...]
        fold_ref[...] = jnp.concatenate(
            [jnp.sum(ts[:, hh * C:(hh + 1) * C], axis=1, keepdims=True)
             for hh in range(H)] + [zs]
            + [jnp.sum(td[:, hh * C:(hh + 1) * C], axis=1, keepdims=True)
               for hh in range(H)] + [zs], axis=1)

    xb = x_ref[...]
    asd = jnp.dot(xb, fold_ref[...], preferred_element_type=jnp.float32)
    a_s = asd[:, :16]
    a_d = asd[:, 16:]
    as_ref[...] = a_s
    ad_ref[...] = a_d
    ms = jnp.max(a_s, axis=0, keepdims=True)
    md = jnp.max(a_d, axis=0, keepdims=True)
    upd = jnp.concatenate([ms, md, jnp.full((6, 16), -jnp.inf, jnp.float32)],
                          axis=0)

    @pl.when(i == 0)
    def _():
        mx_ref[...] = upd

    @pl.when(i > 0)
    def _():
        mx_ref[...] = jnp.maximum(mx_ref[...], upd)


def _tc_a1(x, w_gat, asrc_flat, adst_flat):
    grid = N // BLK
    return pl.pallas_call(
        _tc_a1_body,
        grid=(grid,),
        in_specs=[
            pl.BlockSpec((BLK, D_IN), lambda i: (i, 0)),
            pl.BlockSpec((D_IN, HC), lambda i: (0, 0)),
            pl.BlockSpec((1, HC), lambda i: (0, 0)),
            pl.BlockSpec((1, HC), lambda i: (0, 0)),
        ],
        out_specs=[
            pl.BlockSpec((BLK, 16), lambda i: (i, 0)),
            pl.BlockSpec((BLK, 16), lambda i: (i, 0)),
            pl.BlockSpec((8, 16), lambda i: (0, 0)),
        ],
        out_shape=[
            jax.ShapeDtypeStruct((N, 16), jnp.float32),
            jax.ShapeDtypeStruct((N, 16), jnp.float32),
            jax.ShapeDtypeStruct((8, 16), jnp.float32),
        ],
        scratch_shapes=[pltpu.VMEM((D_IN, 32), jnp.float32)],
    )(x, w_gat, asrc_flat, adst_flat)


def _tc_a2_body(x_ref, wg_ref, bd_ref, he_ref, whe_ref):
    i = pl.program_id(0)

    @pl.when(i == 0)
    def _():
        whe_ref[...] = jnp.dot(wg_ref[...], bd_ref[...],
                               preferred_element_type=jnp.float32)

    he_ref[...] = jnp.dot(
        x_ref[...], whe_ref[...],
        preferred_element_type=jnp.float32).astype(jnp.bfloat16)


def _tc_a2(x, w_gat, bd):
    grid = N // BLK
    return pl.pallas_call(
        _tc_a2_body,
        grid=(grid,),
        in_specs=[
            pl.BlockSpec((BLK, D_IN), lambda i: (i, 0)),
            pl.BlockSpec((D_IN, HC), lambda i: (0, 0)),
            pl.BlockSpec((HC, HE), lambda i: (0, 0)),
        ],
        out_specs=pl.BlockSpec((BLK, HE), lambda i: (i, 0)),
        out_shape=jax.ShapeDtypeStruct((N, HE), jnp.bfloat16),
        scratch_shapes=[pltpu.VMEM((D_IN, HE), jnp.float32)],
    )(x, w_gat, bd)


def _leaky(t):
    return jnp.where(t >= 0.0, t, 0.2 * t)


ZCH = NP_T // 4


def _sc1_body(ei_hbm, as_hbm, ad_hbm, m_hbm, dpart_hbm,
              den_sh, i0, i1, i2, i3, as0, ad0, as1, ad1,
              s0, s1, z_v, m_v, semi, semg0, semg1, sems0, sems1):
    cid = lax.axis_index("c")
    sid = lax.axis_index("s")
    wid = cid * NS + sid

    @pl.loop(0, ZCH)
    def _(r):
        z_v[r] = jnp.zeros((16,), jnp.float32)
    for q in range(4):
        pltpu.sync_copy(z_v, den_sh.at[pl.ds(sid * NP_T + q * ZCH, ZCH)])
    pltpu.sync_copy(m_hbm, m_v)
    plsc.subcore_barrier()

    mvec = m_v[...]
    cb = wid * CH
    islot = (i0, i1, i2, i3)
    dat = ((as0, ad0), (as1, ad1))
    sv = (s0, s1)
    sgg = (semg0, semg1)
    sgs = (sems0, sems1)

    def fire_idx(j, q):
        pltpu.async_copy(ei_hbm.at[cb + j], islot[q], semi)

    def wait_idx(j, q):
        pltpu.make_async_copy(ei_hbm.at[cb + j], islot[q], semi).wait()

    def fire_g(q, b):
        pltpu.async_copy(as_hbm.at[islot[q].at[0]], dat[b][0], sgg[b])
        pltpu.async_copy(ad_hbm.at[islot[q].at[1]], dat[b][1], sgg[b])

    def wait_g(q, b):
        pltpu.make_async_copy(as_hbm.at[islot[q].at[0]], dat[b][0],
                              sgg[b]).wait()
        pltpu.make_async_copy(ad_hbm.at[islot[q].at[1]], dat[b][1],
                              sgg[b]).wait()

    def drain_scat(q, b):
        pltpu.make_async_copy(sv[b], den_sh.at[islot[q].at[1]],
                              sgs[b]).wait()

    fire_idx(0, 0)
    wait_idx(0, 0)
    fire_g(0, 0)
    fire_idx(1, 1)

    @pl.loop(0, CH // 2)
    def _(jo):
        for b in range(2):
            j = jo * 2 + b

            def body(q, qn, qp):
                wait_g(q, b)

                @pl.when(j >= 2)
                def _():
                    drain_scat(qp, b)

                @pl.when(j < CH - 1)
                def _():
                    wait_idx(j + 1, qn)
                    fire_g(qn, 1 - b)

                as_v, ad_v = dat[b]
                s_v = sv[b]

                @pl.loop(0, K)
                def _(r):
                    t = _leaky(as_v[r] + ad_v[r]) - mvec
                    s_v[r] = jnp.exp(t)

                pltpu.async_copy(s_v, den_sh.at[islot[q].at[1]], sgs[b],
                                 add=True)

                @pl.when(j < CH - 2)
                def _():
                    fire_idx(j + 2, qp)

            @pl.when(jo % 2 == 0)
            def _():
                body(b, b + 1 if b == 0 else 2, b + 2)

            @pl.when(jo % 2 == 1)
            def _():
                body(b + 2, 3 if b == 0 else 0, b)

    if CH % 4 == 0:
        drain_scat(2, 0)
        drain_scat(3, 1)
    else:
        drain_scat(0, 0)
        drain_scat(1, 1)

    plsc.subcore_barrier()
    pltpu.sync_copy(den_sh.at[pl.ds(sid * NP_T, NP_T)],
                    dpart_hbm.at[cid, pl.ds(sid * NP_T, NP_T)])


def _sc1(ei, a_s, a_d, m16):
    mesh = plsc.VectorSubcoreMesh(core_axis_name="c", subcore_axis_name="s", num_cores=NC, num_subcores=NS)
    f = pl.kernel(
        _sc1_body,
        out_type=jax.ShapeDtypeStruct((NC, NP, 16), jnp.float32),
        mesh=mesh,
        compiler_params=pltpu.CompilerParams(use_tc_tiling_on_sc=False),
        scratch_types=[
            pltpu.VMEM_SHARED((NP, 16), jnp.float32),
            pltpu.VMEM((2, K), jnp.int32),
            pltpu.VMEM((2, K), jnp.int32),
            pltpu.VMEM((2, K), jnp.int32),
            pltpu.VMEM((2, K), jnp.int32),
            pltpu.VMEM((K, 16), jnp.float32),
            pltpu.VMEM((K, 16), jnp.float32),
            pltpu.VMEM((K, 16), jnp.float32),
            pltpu.VMEM((K, 16), jnp.float32),
            pltpu.VMEM((K, 16), jnp.float32),
            pltpu.VMEM((K, 16), jnp.float32),
            pltpu.VMEM((ZCH, 16), jnp.float32),
            pltpu.VMEM((16,), jnp.float32),
            pltpu.SemaphoreType.DMA,
            pltpu.SemaphoreType.DMA,
            pltpu.SemaphoreType.DMA,
            pltpu.SemaphoreType.DMA,
            pltpu.SemaphoreType.DMA,
        ],
    )
    return f(ei, a_s, a_d, m16)


def _sc2_body(ei_hbm, as_hbm, addn_hbm, he_hbm, m_hbm,
              epart_hbm, wpart_hbm,
              emb_sh, w_sh, i0, i1, i2, i3,
              as0, ad0, he0, as1, ad1, he1,
              al0, msg0, al1, msg1, z_v, z16_v, m_v,
              semi, semg0, semg1, sems0, sems1):
    cid = lax.axis_index("c")
    sid = lax.axis_index("s")
    wid = cid * NS + sid

    @pl.loop(0, ZCH)
    def _(r):
        z_v[r] = jnp.zeros((32,), jnp.float32)
        z16_v[r] = jnp.zeros((16,), jnp.float32)
    for q in range(4):
        pltpu.sync_copy(z_v, emb_sh.at[pl.ds(sid * NP_T + q * ZCH, ZCH)])
        pltpu.sync_copy(z16_v, w_sh.at[pl.ds(sid * NP_T + q * ZCH, ZCH)])
    pltpu.sync_copy(m_hbm, m_v)
    plsc.subcore_barrier()

    mvec = m_v[...]
    cb = wid * CH
    islot = (i0, i1, i2, i3)
    dat = ((as0, ad0, he0), (as1, ad1, he1))
    sv = ((al0, msg0), (al1, msg1))
    sgg = (semg0, semg1)
    sgs = (sems0, sems1)

    def fire_idx(j, q):
        pltpu.async_copy(ei_hbm.at[cb + j], islot[q], semi)

    def wait_idx(j, q):
        pltpu.make_async_copy(ei_hbm.at[cb + j], islot[q], semi).wait()

    def fire_g(q, b):
        pltpu.async_copy(as_hbm.at[islot[q].at[0]], dat[b][0], sgg[b])
        pltpu.async_copy(addn_hbm.at[islot[q].at[1]], dat[b][1], sgg[b])
        pltpu.async_copy(he_hbm.at[islot[q].at[0]], dat[b][2], sgg[b])

    def wait_g(q, b):
        pltpu.make_async_copy(as_hbm.at[islot[q].at[0]], dat[b][0],
                              sgg[b]).wait()
        pltpu.make_async_copy(addn_hbm.at[islot[q].at[1]], dat[b][1],
                              sgg[b]).wait()
        pltpu.make_async_copy(he_hbm.at[islot[q].at[0]], dat[b][2],
                              sgg[b]).wait()

    def drain_scat(q, b):
        pltpu.make_async_copy(sv[b][1], emb_sh.at[islot[q].at[1]],
                              sgs[b]).wait()
        pltpu.make_async_copy(sv[b][0], w_sh.at[islot[q].at[0]],
                              sgs[b]).wait()

    fire_idx(0, 0)
    wait_idx(0, 0)
    fire_g(0, 0)
    fire_idx(1, 1)

    @pl.loop(0, CH // 2)
    def _(jo):
        for b in range(2):
            j = jo * 2 + b

            def body(q, qn, qp):
                wait_g(q, b)

                @pl.when(j >= 2)
                def _():
                    drain_scat(qp, b)

                @pl.when(j < CH - 1)
                def _():
                    wait_idx(j + 1, qn)
                    fire_g(qn, 1 - b)

                as_v, ad_v, he_v = dat[b]
                al_v, msg_v = sv[b]

                @pl.loop(0, K)
                def _(r):
                    t = _leaky(as_v[r] + ad_v[r, pl.ds(0, 16)]) - mvec
                    al = jnp.exp(t) / ad_v[r, pl.ds(16, 16)]
                    al_v[r] = al
                    acc0 = jnp.zeros((16,), jnp.float32)
                    acc1 = jnp.zeros((16,), jnp.float32)
                    for hh in range(H):
                        a = al[hh]
                        u = he_v[r, pl.ds(hh * 16, 16)]
                        va = lax.bitcast_convert_type(u << 16, jnp.float32)
                        vb = lax.bitcast_convert_type(
                            u & jnp.int32(-65536), jnp.float32)
                        acc0 = acc0 + a * va
                        acc1 = acc1 + a * vb
                    msg_v[r, pl.ds(0, 16)] = acc0
                    msg_v[r, pl.ds(16, 16)] = acc1

                pltpu.async_copy(msg_v, emb_sh.at[islot[q].at[1]], sgs[b],
                                 add=True)
                pltpu.async_copy(al_v, w_sh.at[islot[q].at[0]], sgs[b],
                                 add=True)

                @pl.when(j < CH - 2)
                def _():
                    fire_idx(j + 2, qp)

            @pl.when(jo % 2 == 0)
            def _():
                body(b, b + 1 if b == 0 else 2, b + 2)

            @pl.when(jo % 2 == 1)
            def _():
                body(b + 2, 3 if b == 0 else 0, b)

    if CH % 4 == 0:
        drain_scat(2, 0)
        drain_scat(3, 1)
    else:
        drain_scat(0, 0)
        drain_scat(1, 1)

    plsc.subcore_barrier()
    pltpu.sync_copy(emb_sh.at[pl.ds(sid * NP_T, NP_T)],
                    epart_hbm.at[cid, pl.ds(sid * NP_T, NP_T)])
    pltpu.sync_copy(w_sh.at[pl.ds(sid * NP_T, NP_T)],
                    wpart_hbm.at[cid, pl.ds(sid * NP_T, NP_T)])


def _sc2(ei, a_s, addn, he, m16):
    mesh = plsc.VectorSubcoreMesh(core_axis_name="c", subcore_axis_name="s", num_cores=NC, num_subcores=NS)
    f = pl.kernel(
        _sc2_body,
        out_type=(jax.ShapeDtypeStruct((NC, NP, 32), jnp.float32),
                  jax.ShapeDtypeStruct((NC, NP, 16), jnp.float32)),
        mesh=mesh,
        compiler_params=pltpu.CompilerParams(use_tc_tiling_on_sc=False),
        scratch_types=[
            pltpu.VMEM_SHARED((NP, 32), jnp.float32),
            pltpu.VMEM_SHARED((NP, 16), jnp.float32),
            pltpu.VMEM((2, K), jnp.int32),
            pltpu.VMEM((2, K), jnp.int32),
            pltpu.VMEM((2, K), jnp.int32),
            pltpu.VMEM((2, K), jnp.int32),
            pltpu.VMEM((K, 16), jnp.float32),
            pltpu.VMEM((K, 32), jnp.float32),
            pltpu.VMEM((K, HE // 2), jnp.int32),
            pltpu.VMEM((K, 16), jnp.float32),
            pltpu.VMEM((K, 32), jnp.float32),
            pltpu.VMEM((K, HE // 2), jnp.int32),
            pltpu.VMEM((K, 16), jnp.float32),
            pltpu.VMEM((K, 32), jnp.float32),
            pltpu.VMEM((K, 16), jnp.float32),
            pltpu.VMEM((K, 32), jnp.float32),
            pltpu.VMEM((ZCH, 32), jnp.float32),
            pltpu.VMEM((ZCH, 16), jnp.float32),
            pltpu.VMEM((16,), jnp.float32),
            pltpu.SemaphoreType.DMA,
            pltpu.SemaphoreType.DMA,
            pltpu.SemaphoreType.DMA,
            pltpu.SemaphoreType.DMA,
            pltpu.SemaphoreType.DMA,
        ],
    )
    return f(ei, a_s, addn, he, m16)


def _tc_b1_body(x_ref, wg_ref, wp_ref, p16_ref, wpool_ref, bg_ref, bp_ref,
                g_ref, acc_ref):
    i = pl.program_id(0)
    hb = jnp.dot(x_ref[...], wg_ref[...], preferred_element_type=jnp.float32)
    w_blk = wp_ref[0] + wp_ref[1]
    wexp = jnp.dot(w_blk, p16_ref[...],
                   preferred_element_type=jnp.float32)
    part = jnp.sum(hb * wexp, axis=0, keepdims=True)

    @pl.when(i == 0)
    def _():
        acc_ref[...] = part

    @pl.when(i > 0)
    def _():
        acc_ref[...] = acc_ref[...] + part

    @pl.when(i == pl.num_programs(0) - 1)
    def _():
        m = acc_ref[...] / jnp.float32(N) + bg_ref[...]
        g_ref[...] = jnp.maximum(
            jnp.dot(m, wpool_ref[...], preferred_element_type=jnp.float32)
            + bp_ref[...], 0.0)


def _tc_b1(x, w_gat, wpart, p16, w_pool, b_gat, b_pool):
    grid = N // BLK
    return pl.pallas_call(
        _tc_b1_body,
        grid=(grid,),
        in_specs=[
            pl.BlockSpec((BLK, D_IN), lambda i: (i, 0)),
            pl.BlockSpec((D_IN, HC), lambda i: (0, 0)),
            pl.BlockSpec((NC, BLK, 16), lambda i: (0, i, 0)),
            pl.BlockSpec((16, HC), lambda i: (0, 0)),
            pl.BlockSpec((HC, D_HID), lambda i: (0, 0)),
            pl.BlockSpec((1, HC), lambda i: (0, 0)),
            pl.BlockSpec((1, D_HID), lambda i: (0, 0)),
        ],
        out_specs=pl.BlockSpec((1, D_HID), lambda i: (0, 0)),
        out_shape=jax.ShapeDtypeStruct((1, D_HID), jnp.float32),
        scratch_shapes=[pltpu.VMEM((1, HC), jnp.float32)],
    )(x, w_gat, wpart, p16, w_pool, b_gat, b_pool)


def _tc_b2_body(ep_ref, ebias_ref, g_ref, wi1_ref, bi1_ref, wi2_ref, bi2_ref,
                emb_ref, inf_ref):
    emb = ep_ref[0] + ep_ref[1] + ebias_ref[...]
    emb_ref[...] = emb
    gb = jnp.broadcast_to(g_ref[...], (BLK, D_HID))
    comb = jnp.concatenate([emb, gb], axis=1)
    hid = jnp.maximum(
        jnp.dot(comb, wi1_ref[...], preferred_element_type=jnp.float32)
        + bi1_ref[...], 0.0)
    z = jnp.dot(hid, wi2_ref[...], preferred_element_type=jnp.float32) \
        + bi2_ref[...]
    inf_ref[...] = 1.0 / (1.0 + jnp.exp(-z))


def _tc_b2(epart, ebias, g, w_i1, b_i1, w_i2, b_i2):
    grid = N // BLK
    return pl.pallas_call(
        _tc_b2_body,
        grid=(grid,),
        in_specs=[
            pl.BlockSpec((NC, BLK, D_EMB), lambda i: (0, i, 0)),
            pl.BlockSpec((1, D_EMB), lambda i: (0, 0)),
            pl.BlockSpec((1, D_HID), lambda i: (0, 0)),
            pl.BlockSpec((D_EMB + D_HID, 64), lambda i: (0, 0)),
            pl.BlockSpec((1, 64), lambda i: (0, 0)),
            pl.BlockSpec((64, 1), lambda i: (0, 0)),
            pl.BlockSpec((1, 1), lambda i: (0, 0)),
        ],
        out_specs=[
            pl.BlockSpec((BLK, D_EMB), lambda i: (i, 0)),
            pl.BlockSpec((BLK, 1), lambda i: (i, 0)),
        ],
        out_shape=[
            jax.ShapeDtypeStruct((N, D_EMB), jnp.float32),
            jax.ShapeDtypeStruct((N, 1), jnp.float32),
        ],
    )(epart, ebias, g, w_i1, b_i1, w_i2, b_i2)


def kernel(x, edge_index, W_gat, att_src, att_dst, b_gat, W_pool, b_pool,
           W_emb, b_emb, W_i1, b_i1, W_i2, b_i2):
    asrc_flat = att_src.reshape(1, HC)
    adst_flat = att_dst.reshape(1, HC)
    bd = jnp.zeros((H, C, H, D_EMB), jnp.float32)
    ii = jnp.arange(H)
    bd = bd.at[ii, :, ii, :].set(W_emb.reshape(H, C, D_EMB))
    bd = bd.reshape(HC, HE)
    blk_perm = jnp.stack(
        [jnp.arange(16), jnp.arange(16, 32)], axis=1).reshape(32)
    perm_cols = (jnp.arange(H)[:, None] * 32 + blk_perm[None, :]).reshape(HE)
    bd = bd[:, perm_cols]
    p16 = jnp.zeros((16, H, C), jnp.float32)
    p16 = p16.at[jnp.arange(H), jnp.arange(H), :].set(1.0)
    p16 = p16.reshape(16, HC)

    a_s, a_d, mx = _tc_a1(x, W_gat, asrc_flat, adst_flat)
    m16 = _leaky(mx[0] + mx[1])

    loop_idx = jnp.arange(N, dtype=jnp.int32)
    pad_idx = N + jnp.arange(E_PAD - E_TOT, dtype=jnp.int32) % (NP - N)
    src = jnp.concatenate([edge_index[0].astype(jnp.int32), loop_idx,
                           pad_idx])
    dst = jnp.concatenate([edge_index[1].astype(jnp.int32), loop_idx,
                           pad_idx])
    ei = jnp.stack([src, dst]).reshape(2, NW * CH, K).transpose(1, 0, 2)

    pad_rows = NP - N
    a_s_p = jnp.concatenate([a_s, jnp.zeros((pad_rows, 16), jnp.float32)])
    a_d_p = jnp.concatenate([a_d, jnp.zeros((pad_rows, 16), jnp.float32)])

    dpart = _sc1(ei, a_s_p, a_d_p, m16)

    he = _tc_a2(x, W_gat, bd)
    he_p = jnp.concatenate([he, jnp.zeros((pad_rows, HE), jnp.bfloat16)])
    he_p = lax.bitcast_convert_type(
        he_p.reshape(NP, HE // 2, 2), jnp.int32)

    denom = dpart[0] + dpart[1]

    addn = jnp.concatenate([a_d_p, denom], axis=1)
    epart, wpart = _sc2(ei, a_s_p, addn, he_p, m16)

    g = _tc_b1(x, W_gat, wpart[:, :N, :], p16, W_pool, b_gat.reshape(1, HC),
               b_pool.reshape(1, D_HID))
    ebias = (b_gat @ W_emb + b_emb).reshape(1, D_EMB)
    emb, inf = _tc_b2(epart[:, :N, :], ebias, g, W_i1,
                      b_i1.reshape(1, 64), W_i2, b_i2.reshape(1, 1))
    return (emb, inf)

# --- scband reference (transcript-rebuilt; emitter-appended) ---
"""Pipeline reference for scband-influence-analysis-gnn-67929202753826 (READ-ONLY COPY).

The authoritative reference and input builder live on the scoring server;
editing this copy changes nothing except your own understanding.
"""

import jax, jax.numpy as jnp
import numpy as np

N = 10000
E = 320000
D_IN = 128
H = 8
C = 128
D_HID = 128
D_OUT = 32


def setup_inputs(seed: int = 0) -> dict:
    key = jax.random.key(seed)
    ks = jax.random.split(key, 12)
    sc = 0.05
    inp = {}
    inp['x'] = jax.random.normal(ks[0], (N, D_IN), dtype=jnp.float32)
    inp['edge_index'] = jax.random.randint(ks[1], (2, E), 0, N)
    inp['W_gat'] = jax.random.normal(ks[2], (D_IN, H * C), dtype=jnp.float32) * sc
    inp['att_src'] = jax.random.normal(ks[3], (H, C), dtype=jnp.float32) * sc
    inp['att_dst'] = jax.random.normal(ks[4], (H, C), dtype=jnp.float32) * sc
    inp['b_gat'] = jnp.zeros((H * C,), dtype=jnp.float32)
    inp['W_pool'] = jax.random.normal(ks[5], (H * C, D_HID), dtype=jnp.float32) * sc
    inp['b_pool'] = jnp.zeros((D_HID,), dtype=jnp.float32)
    inp['W_emb'] = jax.random.normal(ks[6], (H * C, D_OUT), dtype=jnp.float32) * sc
    inp['b_emb'] = jnp.zeros((D_OUT,), dtype=jnp.float32)
    inp['W_i1'] = jax.random.normal(ks[7], (D_HID + D_OUT, D_HID // 2), dtype=jnp.float32) * sc
    inp['b_i1'] = jnp.zeros((D_HID // 2,), dtype=jnp.float32)
    inp['W_i2'] = jax.random.normal(ks[8], (D_HID // 2, 1), dtype=jnp.float32) * sc
    inp['b_i2'] = jnp.zeros((1,), dtype=jnp.float32)
    return inp


def _gat_conv(x, edge_index, W_gat, att_src, att_dst, b_gat):
    n = x.shape[0]
    loop = jnp.arange(n, dtype=edge_index.dtype)
    src = jnp.concatenate([edge_index[0], loop])
    dst = jnp.concatenate([edge_index[1], loop])
    h = (x @ W_gat).reshape(n, H, C)
    a_s = (h * att_src[None, :, :]).sum(-1)  # [N, H]
    a_d = (h * att_dst[None, :, :]).sum(-1)  # [N, H]
    e = jax.nn.leaky_relu(a_s[src] + a_d[dst], negative_slope=0.2)  # [E+N, H]
    e_max = jax.ops.segment_max(e, dst, num_segments=n)
    e_exp = jnp.exp(e - e_max[dst])
    denom = jax.ops.segment_sum(e_exp, dst, num_segments=n)
    alpha = e_exp / (denom[dst] + 1e-16)
    msg = h[src] * alpha[:, :, None]  # [E+N, H, C]
    out = jax.ops.segment_sum(msg, dst, num_segments=n).reshape(n, H * C) + b_gat
    return out


def reference(x, edge_index, W_gat, att_src, att_dst, b_gat, W_pool, b_pool, W_emb, b_emb, W_i1, b_i1, W_i2, b_i2):
    n = x.shape[0]
    encoded = _gat_conv(x, edge_index, W_gat, att_src, att_dst, b_gat)
    g = jnp.mean(encoded, axis=0, keepdims=True)
    g = jax.nn.relu(g @ W_pool + b_pool)  # dropout is identity in eval mode
    g = jnp.broadcast_to(g, (n, g.shape[1]))
    emb = encoded @ W_emb + b_emb
    comb = jnp.concatenate([emb, g], axis=1)
    hid = jax.nn.relu(comb @ W_i1 + b_i1)
    inf = jax.nn.sigmoid(hid @ W_i2 + b_i2)
    return (emb, inf)

if __name__ == "__main__":
    import jax
    _d = setup_inputs()
    print(jax.jit(kernel)(*tuple(_d.values())))

</pallas_src>

<mosaic_0001>
#map = affine_map<(d0, d1) -> (0, 0, 0)>
#map1 = affine_map<(d0, d1) -> (0, 0)>
#map2 = affine_map<(d0, d1) -> (0)>
module attributes {stable_mosaic.version = 14 : i64} {
  func.func @_sc2_body(%arg0: i32, %arg1: i32, %arg2: memref<2624x2x128xi32, #tpu.memory_space<hbm>>, %arg3: memref<10112x16xf32, #tpu.memory_space<hbm>>, %arg4: memref<10112x32xf32, #tpu.memory_space<hbm>>, %arg5: memref<10112x128xi32, #tpu.memory_space<hbm>>, %arg6: memref<16xf32, #tpu.memory_space<hbm>>, %arg7: memref<2x10112x32xf32, #tpu.memory_space<hbm>>, %arg8: memref<2x10112x16xf32, #tpu.memory_space<hbm>>, %arg9: memref<10112x32xf32, #tpu.memory_space<vmem_shared>>, %arg10: memref<10112x16xf32, #tpu.memory_space<vmem_shared>>, %arg11: memref<2x128xi32, #tpu.memory_space<vmem>>, %arg12: memref<2x128xi32, #tpu.memory_space<vmem>>, %arg13: memref<2x128xi32, #tpu.memory_space<vmem>>, %arg14: memref<2x128xi32, #tpu.memory_space<vmem>>, %arg15: memref<128x16xf32, #tpu.memory_space<vmem>>, %arg16: memref<128x32xf32, #tpu.memory_space<vmem>>, %arg17: memref<128x128xi32, #tpu.memory_space<vmem>>, %arg18: memref<128x16xf32, #tpu.memory_space<vmem>>, %arg19: memref<128x32xf32, #tpu.memory_space<vmem>>, %arg20: memref<128x128xi32, #tpu.memory_space<vmem>>, %arg21: memref<128x16xf32, #tpu.memory_space<vmem>>, %arg22: memref<128x32xf32, #tpu.memory_space<vmem>>, %arg23: memref<128x16xf32, #tpu.memory_space<vmem>>, %arg24: memref<128x32xf32, #tpu.memory_space<vmem>>, %arg25: memref<158x32xf32, #tpu.memory_space<vmem>>, %arg26: memref<158x16xf32, #tpu.memory_space<vmem>>, %arg27: memref<16xf32, #tpu.memory_space<vmem>>, %arg28: memref<!tpu.dma_semaphore, #tpu.memory_space<semaphore_mem>>, %arg29: memref<!tpu.dma_semaphore, #tpu.memory_space<semaphore_mem>>, %arg30: memref<!tpu.dma_semaphore, #tpu.memory_space<semaphore_mem>>, %arg31: memref<!tpu.dma_semaphore, #tpu.memory_space<semaphore_mem>>, %arg32: memref<!tpu.dma_semaphore, #tpu.memory_space<semaphore_mem>>) attributes {dimension_semantics = [#tpu.dimension_semantics<core_parallel>, #tpu.dimension_semantics<subcore_parallel>], iteration_bounds = array<i64: 2, 16>, scalar_prefetch = 0 : i64, scratch_operands = 24 : i64, tpu.core_type = #tpu.core_type<sc_vector_subcore>, window_params = [{transform_indices = #map}, {transform_indices = #map1}, {transform_indices = #map1}, {transform_indices = #map1}, {transform_indices = #map2}, {transform_indices = #map}, {transform_indices = #map}]} {
    %mul3A = arith.constant 16 : i32
    %mul3A_0 = arith.muli %arg0, %mul3A : i32
    %add3A = arith.addi %mul3A_0, %arg1 : i32
    %scan3A = arith.constant 0 : i32
    %scan3A_1 = arith.constant 158 : i32
    %scan3A_2 = arith.addi %scan3A, %scan3A_1 : i32
    %scan3A_3 = arith.constant 1 : i32
    scf.for %scan3A_132 = %scan3A to %scan3A_2 step %scan3A_3  : i32 {
      %mul3A_133 = arith.constant 1 : i32
      %mul3A_134 = arith.muli %scan3A_132, %mul3A_133 : i32
      %add3A_135 = arith.constant 0 : i32
      %add3A_136 = arith.addi %add3A_135, %mul3A_134 : i32
      %broadcast_in_dim3A = arith.constant 0.000000e+00 : f32
      %broadcast_in_dim3A_137 = vector.broadcast %broadcast_in_dim3A : f32 to vector<32xf32>
      %swap3A = arith.index_cast %add3A_136 : i32 to index
      %swap3A_138 = arith.constant 0 : index
      %swap3A_139 = tpu.vector_load %arg25[%swap3A, %swap3A_138] {strides = array<i32>} : memref<158x32xf32, #tpu.memory_space<vmem>>, vector<1x32xf32>,
      %swap3A_140 = vector.shape_cast %swap3A_139 : vector<1x32xf32> to vector<32xf32>
      %swap3A_141 = vector.shape_cast %broadcast_in_dim3A_137 : vector<32xf32> to vector<1x32xf32>
      tpu.vector_store %arg25[%swap3A, %swap3A_138], %swap3A_141 {strides = array<i32>} : memref<158x32xf32, #tpu.memory_space<vmem>>, vector<1x32xf32>,
      %broadcast_in_dim3A_142 = arith.constant 0.000000e+00 : f32
      %broadcast_in_dim3A_143 = vector.broadcast %broadcast_in_dim3A_142 : f32 to vector<16xf32>
      %swap3A_144 = arith.index_cast %add3A_136 : i32 to index
      %swap3A_145 = arith.constant 0 : index
      %swap3A_146 = tpu.vector_load %arg26[%swap3A_144, %swap3A_145] {strides = array<i32>} : memref<158x16xf32, #tpu.memory_space<vmem>>, vector<1x16xf32>,
      %swap3A_147 = vector.shape_cast %swap3A_146 : vector<1x16xf32> to vector<16xf32>
      %swap3A_148 = vector.shape_cast %broadcast_in_dim3A_143 : vector<16xf32> to vector<1x16xf32>
      tpu.vector_store %arg26[%swap3A_144, %swap3A_145], %swap3A_148 {strides = array<i32>} : memref<158x16xf32, #tpu.memory_space<vmem>>, vector<1x16xf32>,
    }
    %scan3A_4 = arith.constant 158 : i32
    %mul3A_5 = arith.constant 632 : i32
    %mul3A_6 = arith.muli %arg1, %mul3A_5 : i32
    %add3A_7 = arith.constant 0 : i32
    %add3A_8 = arith.addi %mul3A_6, %add3A_7 : i32
    "tpu.region"() ({
      %run_scoped3A = tpu.sem_alloc : memref<!tpu.dma_semaphore, #tpu.memory_space<semaphore_mem>>
      %dma_start3A_132 = arith.constant 0 : i32
      %dma_start3A_133 = tpu.memref_slice %arg9[%add3A_8, %dma_start3A_132] : memref<10112x32xf32, #tpu.memory_space<vmem_shared>> -> memref<158x32xf32, #tpu.memory_space<vmem_shared>>
      %dma_start3A_134 = arith.constant 0 : i32
      %dma_start3A_135 = tpu.memref_slice %arg9[%add3A_8, %dma_start3A_134] : memref<10112x32xf32, #tpu.memory_space<vmem_shared>> -> memref<158x32xf32, #tpu.memory_space<vmem_shared>>
      tpu.enqueue_dma source(%arg25 : memref<158x32xf32, #tpu.memory_space<vmem>>) target(%dma_start3A_135 : memref<158x32xf32, #tpu.memory_space<vmem_shared>>) target_semaphore(%run_scoped3A : memref<!tpu.dma_semaphore, #tpu.memory_space<semaphore_mem>>)
      %dma_wait3A_136 = arith.constant 0 : i32
      %dma_wait3A_137 = tpu.memref_slice %arg9[%add3A_8, %dma_wait3A_136] : memref<10112x32xf32, #tpu.memory_space<vmem_shared>> -> memref<158x32xf32, #tpu.memory_space<vmem_shared>>
      %dma_wait3A_138 = arith.constant 0 : i32
      %dma_wait3A_139 = tpu.memref_slice %arg9[%add3A_8, %dma_wait3A_138] : memref<10112x32xf32, #tpu.memory_space<vmem_shared>> -> memref<158x32xf32, #tpu.memory_space<vmem_shared>>
      tpu.wait_dma2 semaphore(%run_scoped3A : memref<!tpu.dma_semaphore, #tpu.memory_space<semaphore_mem>>) src(%arg25 : memref<158x32xf32, #tpu.memory_space<vmem>>) dst(%dma_wait3A_139 : memref<158x32xf32, #tpu.memory_space<vmem_shared>>)
      tpu.yield
    }) : () -> ()
    %mul3A_9 = arith.constant 632 : i32
    %mul3A_10 = arith.muli %arg1, %mul3A_9 : i32
    %add3A_11 = arith.constant 0 : i32
    %add3A_12 = arith.addi %mul3A_10, %add3A_11 : i32
    "tpu.region"() ({
      %run_scoped3A = tpu.sem_alloc : memref<!tpu.dma_semaphore, #tpu.memory_space<semaphore_mem>>
      %dma_start3A_132 = arith.constant 0 : i32
      %dma_start3A_133 = tpu.memref_slice %arg10[%add3A_12, %dma_start3A_132] : memref<10112x16xf32, #tpu.memory_space<vmem_shared>> -> memref<158x16xf32, #tpu.memory_space<vmem_shared>>
      %dma_start3A_134 = arith.constant 0 : i32
      %dma_start3A_135 = tpu.memref_slice %arg10[%add3A_12, %dma_start3A_134] : memref<10112x16xf32, #tpu.memory_space<vmem_shared>> -> memref<158x16xf32, #tpu.memory_space<vmem_shared>>
      tpu.enqueue_dma source(%arg26 : memref<158x16xf32, #tpu.memory_space<vmem>>) target(%dma_start3A_135 : memref<158x16xf32, #tpu.memory_space<vmem_shared>>) target_semaphore(%run_scoped3A : memref<!tpu.dma_semaphore, #tpu.memory_space<semaphore_mem>>)
      %dma_wait3A_136 = arith.constant 0 : i32
      %dma_wait3A_137 = tpu.memref_slice %arg10[%add3A_12, %dma_wait3A_136] : memref<10112x16xf32, #tpu.memory_space<vmem_shared>> -> memref<158x16xf32, #tpu.memory_space<vmem_shared>>
      %dma_wait3A_138 = arith.constant 0 : i32
      %dma_wait3A_139 = tpu.memref_slice %arg10[%add3A_12, %dma_wait3A_138] : memref<10112x16xf32, #tpu.memory_space<vmem_shared>> -> memref<158x16xf32, #tpu.memory_space<vmem_shared>>
      tpu.wait_dma2 semaphore(%run_scoped3A : memref<!tpu.dma_semaphore, #tpu.memory_space<semaphore_mem>>) src(%arg26 : memref<158x16xf32, #tpu.memory_space<vmem>>) dst(%dma_wait3A_139 : memref<158x16xf32, #tpu.memory_space<vmem_shared>>)
      tpu.yield
    }) : () -> ()
    %mul3A_13 = arith.constant 632 : i32
    %mul3A_14 = arith.muli %arg1, %mul3A_13 : i32
    %add3A_15 = arith.constant 158 : i32
    %add3A_16 = arith.addi %mul3A_14, %add3A_15 : i32
    "tpu.region"() ({
      %run_scoped3A = tpu.sem_alloc : memref<!tpu.dma_semaphore, #tpu.memory_space<semaphore_mem>>
      %dma_start3A_132 = arith.constant 0 : i32
      %dma_start3A_133 = tpu.memref_slice %arg9[%add3A_16, %dma_start3A_132] : memref<10112x32xf32, #tpu.memory_space<vmem_shared>> -> memref<158x32xf32, #tpu.memory_space<vmem_shared>>
      %dma_start3A_134 = arith.constant 0 : i32
      %dma_start3A_135 = tpu.memref_slice %arg9[%add3A_16, %dma_start3A_134] : memref<10112x32xf32, #tpu.memory_space<vmem_shared>> -> memref<158x32xf32, #tpu.memory_space<vmem_shared>>
      tpu.enqueue_dma source(%arg25 : memref<158x32xf32, #tpu.memory_space<vmem>>) target(%dma_start3A_135 : memref<158x32xf32, #tpu.memory_space<vmem_shared>>) target_semaphore(%run_scoped3A : memref<!tpu.dma_semaphore, #tpu.memory_space<semaphore_mem>>)
      %dma_wait3A_136 = arith.constant 0 : i32
      %dma_wait3A_137 = tpu.memref_slice %arg9[%add3A_16, %dma_wait3A_136] : memref<10112x32xf32, #tpu.memory_space<vmem_shared>> -> memref<158x32xf32, #tpu.memory_space<vmem_shared>>
      %dma_wait3A_138 = arith.constant 0 : i32
      %dma_wait3A_139 = tpu.memref_slice %arg9[%add3A_16, %dma_wait3A_138] : memref<10112x32xf32, #tpu.memory_space<vmem_shared>> -> memref<158x32xf32, #tpu.memory_space<vmem_shared>>
      tpu.wait_dma2 semaphore(%run_scoped3A : memref<!tpu.dma_semaphore, #tpu.memory_space<semaphore_mem>>) src(%arg25 : memref<158x32xf32, #tpu.memory_space<vmem>>) dst(%dma_wait3A_139 : memref<158x32xf32, #tpu.memory_space<vmem_shared>>)
      tpu.yield
    }) : () -> ()
    %mul3A_17 = arith.constant 632 : i32
    %mul3A_18 = arith.muli %arg1, %mul3A_17 : i32
    %add3A_19 = arith.constant 158 : i32
    %add3A_20 = arith.addi %mul3A_18, %add3A_19 : i32
    "tpu.region"() ({
      %run_scoped3A = tpu.sem_alloc : memref<!tpu.dma_semaphore, #tpu.memory_space<semaphore_mem>>
      %dma_start3A_132 = arith.constant 0 : i32
      %dma_start3A_133 = tpu.memref_slice %arg10[%add3A_20, %dma_start3A_132] : memref<10112x16xf32, #tpu.memory_space<vmem_shared>> -> memref<158x16xf32, #tpu.memory_space<vmem_shared>>
      %dma_start3A_134 = arith.constant 0 : i32
      %dma_start3A_135 = tpu.memref_slice %arg10[%add3A_20, %dma_start3A_134] : memref<10112x16xf32, #tpu.memory_space<vmem_shared>> -> memref<158x16xf32, #tpu.memory_space<vmem_shared>>
      tpu.enqueue_dma source(%arg26 : memref<158x16xf32, #tpu.memory_space<vmem>>) target(%dma_start3A_135 : memref<158x16xf32, #tpu.memory_space<vmem_shared>>) target_semaphore(%run_scoped3A : memref<!tpu.dma_semaphore, #tpu.memory_space<semaphore_mem>>)
      %dma_wait3A_136 = arith.constant 0 : i32
      %dma_wait3A_137 = tpu.memref_slice %arg10[%add3A_20, %dma_wait3A_136] : memref<10112x16xf32, #tpu.memory_space<vmem_shared>> -> memref<158x16xf32, #tpu.memory_space<vmem_shared>>
      %dma_wait3A_138 = arith.constant 0 : i32
      %dma_wait3A_139 = tpu.memref_slice %arg10[%add3A_20, %dma_wait3A_138] : memref<10112x16xf32, #tpu.memory_space<vmem_shared>> -> memref<158x16xf32, #tpu.memory_space<vmem_shared>>
      tpu.wait_dma2 semaphore(%run_scoped3A : memref<!tpu.dma_semaphore, #tpu.memory_space<semaphore_mem>>) src(%arg26 : memref<158x16xf32, #tpu.memory_space<vmem>>) dst(%dma_wait3A_139 : memref<158x16xf32, #tpu.memory_space<vmem_shared>>)
      tpu.yield
    }) : () -> ()
    %mul3A_21 = arith.constant 632 : i32
    %mul3A_22 = arith.muli %arg1, %mul3A_21 : i32
    %add3A_23 = arith.constant 316 : i32
    %add3A_24 = arith.addi %mul3A_22, %add3A_23 : i32
    "tpu.region"() ({
      %run_scoped3A = tpu.sem_alloc : memref<!tpu.dma_semaphore, #tpu.memory_space<semaphore_mem>>
      %dma_start3A_132 = arith.constant 0 : i32
      %dma_start3A_133 = tpu.memref_slice %arg9[%add3A_24, %dma_start3A_132] : memref<10112x32xf32, #tpu.memory_space<vmem_shared>> -> memref<158x32xf32, #tpu.memory_space<vmem_shared>>
      %dma_start3A_134 = arith.constant 0 : i32
      %dma_start3A_135 = tpu.memref_slice %arg9[%add3A_24, %dma_start3A_134] : memref<10112x32xf32, #tpu.memory_space<vmem_shared>> -> memref<158x32xf32, #tpu.memory_space<vmem_shared>>
      tpu.enqueue_dma source(%arg25 : memref<158x32xf32, #tpu.memory_space<vmem>>) target(%dma_start3A_135 : memref<158x32xf32, #tpu.memory_space<vmem_shared>>) target_semaphore(%run_scoped3A : memref<!tpu.dma_semaphore, #tpu.memory_space<semaphore_mem>>)
      %dma_wait3A_136 = arith.constant 0 : i32
      %dma_wait3A_137 = tpu.memref_slice %arg9[%add3A_24, %dma_wait3A_136] : memref<10112x32xf32, #tpu.memory_space<vmem_shared>> -> memref<158x32xf32, #tpu.memory_space<vmem_shared>>
      %dma_wait3A_138 = arith.constant 0 : i32
      %dma_wait3A_139 = tpu.memref_slice %arg9[%add3A_24, %dma_wait3A_138] : memref<10112x32xf32, #tpu.memory_space<vmem_shared>> -> memref<158x32xf32, #tpu.memory_space<vmem_shared>>
      tpu.wait_dma2 semaphore(%run_scoped3A : memref<!tpu.dma_semaphore, #tpu.memory_space<semaphore_mem>>) src(%arg25 : memref<158x32xf32, #tpu.memory_space<vmem>>) dst(%dma_wait3A_139 : memref<158x32xf32, #tpu.memory_space<vmem_shared>>)
      tpu.yield
    }) : () -> ()
    %mul3A_25 = arith.constant 632 : i32
    %mul3A_26 = arith.muli %arg1, %mul3A_25 : i32
    %add3A_27 = arith.constant 316 : i32
    %add3A_28 = arith.addi %mul3A_26, %add3A_27 : i32
    "tpu.region"() ({
      %run_scoped3A = tpu.sem_alloc : memref<!tpu.dma_semaphore, #tpu.memory_space<semaphore_mem>>
      %dma_start3A_132 = arith.constant 0 : i32
      %dma_start3A_133 = tpu.memref_slice %arg10[%add3A_28, %dma_start3A_132] : memref<10112x16xf32, #tpu.memory_space<vmem_shared>> -> memref<158x16xf32, #tpu.memory_space<vmem_shared>>
      %dma_start3A_134 = arith.constant 0 : i32
      %dma_start3A_135 = tpu.memref_slice %arg10[%add3A_28, %dma_start3A_134] : memref<10112x16xf32, #tpu.memory_space<vmem_shared>> -> memref<158x16xf32, #tpu.memory_space<vmem_shared>>
      tpu.enqueue_dma source(%arg26 : memref<158x16xf32, #tpu.memory_space<vmem>>) target(%dma_start3A_135 : memref<158x16xf32, #tpu.memory_space<vmem_shared>>) target_semaphore(%run_scoped3A : memref<!tpu.dma_semaphore, #tpu.memory_space<semaphore_mem>>)
      %dma_wait3A_136 = arith.constant 0 : i32
      %dma_wait3A_137 = tpu.memref_slice %arg10[%add3A_28, %dma_wait3A_136] : memref<10112x16xf32, #tpu.memory_space<vmem_shared>> -> memref<158x16xf32, #tpu.memory_space<vmem_shared>>
      %dma_wait3A_138 = arith.constant 0 : i32
      %dma_wait3A_139 = tpu.memref_slice %arg10[%add3A_28, %dma_wait3A_138] : memref<10112x16xf32, #tpu.memory_space<vmem_shared>> -> memref<158x16xf32, #tpu.memory_space<vmem_shared>>
      tpu.wait_dma2 semaphore(%run_scoped3A : memref<!tpu.dma_semaphore, #tpu.memory_space<semaphore_mem>>) src(%arg26 : memref<158x16xf32, #tpu.memory_space<vmem>>) dst(%dma_wait3A_139 : memref<158x16xf32, #tpu.memory_space<vmem_shared>>)
      tpu.yield
    }) : () -> ()
    %mul3A_29 = arith.constant 632 : i32
    %mul3A_30 = arith.muli %arg1, %mul3A_29 : i32
    %add3A_31 = arith.constant 474 : i32
    %add3A_32 = arith.addi %mul3A_30, %add3A_31 : i32
    "tpu.region"() ({
      %run_scoped3A = tpu.sem_alloc : memref<!tpu.dma_semaphore, #tpu.memory_space<semaphore_mem>>
      %dma_start3A_132 = arith.constant 0 : i32
      %dma_start3A_133 = tpu.memref_slice %arg9[%add3A_32, %dma_start3A_132] : memref<10112x32xf32, #tpu.memory_space<vmem_shared>> -> memref<158x32xf32, #tpu.memory_space<vmem_shared>>
      %dma_start3A_134 = arith.constant 0 : i32
      %dma_start3A_135 = tpu.memref_slice %arg9[%add3A_32, %dma_start3A_134] : memref<10112x32xf32, #tpu.memory_space<vmem_shared>> -> memref<158x32xf32, #tpu.memory_space<vmem_shared>>
      tpu.enqueue_dma source(%arg25 : memref<158x32xf32, #tpu.memory_space<vmem>>) target(%dma_start3A_135 : memref<158x32xf32, #tpu.memory_space<vmem_shared>>) target_semaphore(%run_scoped3A : memref<!tpu.dma_semaphore, #tpu.memory_space<semaphore_mem>>)
      %dma_wait3A_136 = arith.constant 0 : i32
      %dma_wait3A_137 = tpu.memref_slice %arg9[%add3A_32, %dma_wait3A_136] : memref<10112x32xf32, #tpu.memory_space<vmem_shared>> -> memref<158x32xf32, #tpu.memory_space<vmem_shared>>
      %dma_wait3A_138 = arith.constant 0 : i32
      %dma_wait3A_139 = tpu.memref_slice %arg9[%add3A_32, %dma_wait3A_138] : memref<10112x32xf32, #tpu.memory_space<vmem_shared>> -> memref<158x32xf32, #tpu.memory_space<vmem_shared>>
      tpu.wait_dma2 semaphore(%run_scoped3A : memref<!tpu.dma_semaphore, #tpu.memory_space<semaphore_mem>>) src(%arg25 : memref<158x32xf32, #tpu.memory_space<vmem>>) dst(%dma_wait3A_139 : memref<158x32xf32, #tpu.memory_space<vmem_shared>>)
      tpu.yield
    }) : () -> ()
    %mul3A_33 = arith.constant 632 : i32
    %mul3A_34 = arith.muli %arg1, %mul3A_33 : i32
    %add3A_35 = arith.constant 474 : i32
    %add3A_36 = arith.addi %mul3A_34, %add3A_35 : i32
    "tpu.region"() ({
      %run_scoped3A = tpu.sem_alloc : memref<!tpu.dma_semaphore, #tpu.memory_space<semaphore_mem>>
      %dma_start3A_132 = arith.constant 0 : i32
      %dma_start3A_133 = tpu.memref_slice %arg10[%add3A_36, %dma_start3A_132] : memref<10112x16xf32, #tpu.memory_space<vmem_shared>> -> memref<158x16xf32, #tpu.memory_space<vmem_shared>>
      %dma_start3A_134 = arith.constant 0 : i32
      %dma_start3A_135 = tpu.memref_slice %arg10[%add3A_36, %dma_start3A_134] : memref<10112x16xf32, #tpu.memory_space<vmem_shared>> -> memref<158x16xf32, #tpu.memory_space<vmem_shared>>
      tpu.enqueue_dma source(%arg26 : memref<158x16xf32, #tpu.memory_space<vmem>>) target(%dma_start3A_135 : memref<158x16xf32, #tpu.memory_space<vmem_shared>>) target_semaphore(%run_scoped3A : memref<!tpu.dma_semaphore, #tpu.memory_space<semaphore_mem>>)
      %dma_wait3A_136 = arith.constant 0 : i32
      %dma_wait3A_137 = tpu.memref_slice %arg10[%add3A_36, %dma_wait3A_136] : memref<10112x16xf32, #tpu.memory_space<vmem_shared>> -> memref<158x16xf32, #tpu.memory_space<vmem_shared>>
      %dma_wait3A_138 = arith.constant 0 : i32
      %dma_wait3A_139 = tpu.memref_slice %arg10[%add3A_36, %dma_wait3A_138] : memref<10112x16xf32, #tpu.memory_space<vmem_shared>> -> memref<158x16xf32, #tpu.memory_space<vmem_shared>>
      tpu.wait_dma2 semaphore(%run_scoped3A : memref<!tpu.dma_semaphore, #tpu.memory_space<semaphore_mem>>) src(%arg26 : memref<158x16xf32, #tpu.memory_space<vmem>>) dst(%dma_wait3A_139 : memref<158x16xf32, #tpu.memory_space<vmem_shared>>)
      tpu.yield
    }) : () -> ()
    "tpu.region"() ({
      %run_scoped3A = tpu.sem_alloc : memref<!tpu.dma_semaphore, #tpu.memory_space<semaphore_mem>>
      tpu.enqueue_dma source(%arg6 : memref<16xf32, #tpu.memory_space<hbm>>) target(%arg27 : memref<16xf32, #tpu.memory_space<vmem>>) target_semaphore(%run_scoped3A : memref<!tpu.dma_semaphore, #tpu.memory_space<semaphore_mem>>)
      tpu.wait_dma2 semaphore(%run_scoped3A : memref<!tpu.dma_semaphore, #tpu.memory_space<semaphore_mem>>) src(%arg6 : memref<16xf32, #tpu.memory_space<hbm>>) dst(%arg27 : memref<16xf32, #tpu.memory_space<vmem>>)
      tpu.yield
    }) : () -> ()
    %barrier3A = arith.constant 0 : index
    tpu.barrier barrier_id(%barrier3A)
    %get3A = arith.constant 0 : index
    %get3A_37 = tpu.vector_load %arg27[%get3A] {strides = array<i32>} : memref<16xf32, #tpu.memory_space<vmem>>, vector<16xf32>,
    %get3A_38 = vector.shape_cast %get3A_37 : vector<16xf32> to vector<16xf32>
    %mul3A_39 = arith.constant 82 : i32
    %mul3A_40 = arith.muli %add3A, %mul3A_39 : i32
    %add3A_41 = arith.constant 0 : i32
    %add3A_42 = arith.addi %mul3A_40, %add3A_41 : i32
    %dma_start3A = arith.constant 0 : i32
    %dma_start3A_43 = arith.constant 0 : i32
    %dma_start3A_44 = tpu.memref_slice %arg2[%add3A_42, %dma_start3A, %dma_start3A_43] : memref<2624x2x128xi32, #tpu.memory_space<hbm>> -> memref<1x2x128xi32, #tpu.memory_space<hbm>>
    %dma_start3A_45 = tpu.memref_squeeze %dma_start3A_44 : memref<1x2x128xi32, #tpu.memory_space<hbm>> -> memref<2x128xi32, #tpu.memory_space<hbm>>
    %dma_start3A_46 = arith.constant 0 : i32
    %dma_start3A_47 = arith.constant 0 : i32
    %dma_start3A_48 = tpu.memref_slice %arg2[%add3A_42, %dma_start3A_46, %dma_start3A_47] : memref<2624x2x128xi32, #tpu.memory_space<hbm>> -> memref<1x2x128xi32, #tpu.memory_space<hbm>>
    %dma_start3A_49 = tpu.memref_squeeze %dma_start3A_48 : memref<1x2x128xi32, #tpu.memory_space<hbm>> -> memref<2x128xi32, #tpu.memory_space<hbm>>
    tpu.enqueue_dma source(%dma_start3A_49 : memref<2x128xi32, #tpu.memory_space<hbm>>) target(%arg11 : memref<2x128xi32, #tpu.memory_space<vmem>>) target_semaphore(%arg28 : memref<!tpu.dma_semaphore, #tpu.memory_space<semaphore_mem>>)
    %add3A_50 = arith.constant 0 : i32
    %add3A_51 = arith.addi %mul3A_40, %add3A_50 : i32
    %dma_wait3A = arith.constant 0 : i32
    %dma_wait3A_52 = arith.constant 0 : i32
    %dma_wait3A_53 = tpu.memref_slice %arg2[%add3A_51, %dma_wait3A, %dma_wait3A_52] : memref<2624x2x128xi32, #tpu.memory_space<hbm>> -> memref<1x2x128xi32, #tpu.memory_space<hbm>>
    %dma_wait3A_54 = tpu.memref_squeeze %dma_wait3A_53 : memref<1x2x128xi32, #tpu.memory_space<hbm>> -> memref<2x128xi32, #tpu.memory_space<hbm>>
    %dma_wait3A_55 = arith.constant 0 : i32
    %dma_wait3A_56 = arith.constant 0 : i32
    %dma_wait3A_57 = tpu.memref_slice %arg2[%add3A_51, %dma_wait3A_55, %dma_wait3A_56] : memref<2624x2x128xi32, #tpu.memory_space<hbm>> -> memref<1x2x128xi32, #tpu.memory_space<hbm>>
    %dma_wait3A_58 = tpu.memref_squeeze %dma_wait3A_57 : memref<1x2x128xi32, #tpu.memory_space<hbm>> -> memref<2x128xi32, #tpu.memory_space<hbm>>
    tpu.wait_dma2 semaphore(%arg28 : memref<!tpu.dma_semaphore, #tpu.memory_space<semaphore_mem>>) src(%dma_wait3A_58 : memref<2x128xi32, #tpu.memory_space<hbm>>) dst(%arg11 : memref<2x128xi32, #tpu.memory_space<vmem>>)
    %dma_start3A_59 = arith.constant 0 : i32
    %dma_start3A_60 = arith.constant 0 : i32
    %dma_start3A_61 = tpu.memref_slice %arg11[%dma_start3A_59, %dma_start3A_60] : memref<2x128xi32, #tpu.memory_space<vmem>> -> memref<1x128xi32, #tpu.memory_space<vmem>>
    %dma_start3A_62 = tpu.memref_squeeze %dma_start3A_61 : memref<1x128xi32, #tpu.memory_space<vmem>> -> memref<128xi32, #tpu.memory_space<vmem>>
    %dma_start3A_63 = arith.constant 0 : i32
    %dma_start3A_64 = arith.constant 0 : i32
    %dma_start3A_65 = tpu.memref_slice %arg3[%dma_start3A_63, %dma_start3A_64] : memref<10112x16xf32, #tpu.memory_space<hbm>> -> memref<10112x16xf32, #tpu.memory_space<hbm>>
    tpu.enqueue_indirect_dma source(%dma_start3A_65 : memref<10112x16xf32, #tpu.memory_space<hbm>>) target(%arg15 : memref<128x16xf32, #tpu.memory_space<vmem>>) offsets(%dma_start3A_62 : memref<128xi32, #tpu.memory_space<vmem>>) semaphore(%arg29 : memref<!tpu.dma_semaphore, #tpu.memory_space<semaphore_mem>>)
    %dma_start3A_66 = arith.constant 1 : i32
    %dma_start3A_67 = arith.constant 0 : i32
    %dma_start3A_68 = tpu.memref_slice %arg11[%dma_start3A_66, %dma_start3A_67] : memref<2x128xi32, #tpu.memory_space<vmem>> -> memref<1x128xi32, #tpu.memory_space<vmem>>
    %dma_start3A_69 = tpu.memref_squeeze %dma_start3A_68 : memref<1x128xi32, #tpu.memory_space<vmem>> -> memref<128xi32, #tpu.memory_space<vmem>>
    %dma_start3A_70 = arith.constant 0 : i32
    %dma_start3A_71 = arith.constant 0 : i32
    %dma_start3A_72 = tpu.memref_slice %arg4[%dma_start3A_70, %dma_start3A_71] : memref<10112x32xf32, #tpu.memory_space<hbm>> -> memref<10112x32xf32, #tpu.memory_space<hbm>>
    tpu.enqueue_indirect_dma source(%dma_start3A_72 : memref<10112x32xf32, #tpu.memory_space<hbm>>) target(%arg16 : memref<128x32xf32, #tpu.memory_space<vmem>>) offsets(%dma_start3A_69 : memref<128xi32, #tpu.memory_space<vmem>>) semaphore(%arg29 : memref<!tpu.dma_semaphore, #tpu.memory_space<semaphore_mem>>)
    %dma_start3A_73 = arith.constant 0 : i32
    %dma_start3A_74 = arith.constant 0 : i32
    %dma_start3A_75 = tpu.memref_slice %arg11[%dma_start3A_73, %dma_start3A_74] : memref<2x128xi32, #tpu.memory_space<vmem>> -> memref<1x128xi32, #tpu.memory_space<vmem>>
    %dma_start3A_76 = tpu.memref_squeeze %dma_start3A_75 : memref<1x128xi32, #tpu.memory_space<vmem>> -> memref<128xi32, #tpu.memory_space<vmem>>
    %dma_start3A_77 = arith.constant 0 : i32
    %dma_start3A_78 = arith.constant 0 : i32
    %dma_start3A_79 = tpu.memref_slice %arg5[%dma_start3A_77, %dma_start3A_78] : memref<10112x128xi32, #tpu.memory_space<hbm>> -> memref<10112x128xi32, #tpu.memory_space<hbm>>
    tpu.enqueue_indirect_dma source(%dma_start3A_79 : memref<10112x128xi32, #tpu.memory_space<hbm>>) target(%arg17 : memref<128x128xi32, #tpu.memory_space<vmem>>) offsets(%dma_start3A_76 : memref<128xi32, #tpu.memory_space<vmem>>) semaphore(%arg29 : memref<!tpu.dma_semaphore, #tpu.memory_space<semaphore_mem>>)
    %add3A_80 = arith.constant 1 : i32
    %add3A_81 = arith.addi %mul3A_40, %add3A_80 : i32
    %dma_start3A_82 = arith.constant 0 : i32
    %dma_start3A_83 = arith.constant 0 : i32
    %dma_start3A_84 = tpu.memref_slice %arg2[%add3A_81, %dma_start3A_82, %dma_start3A_83] : memref<2624x2x128xi32, #tpu.memory_space<hbm>> -> memref<1x2x128xi32, #tpu.memory_space<hbm>>
    %dma_start3A_85 = tpu.memref_squeeze %dma_start3A_84 : memref<1x2x128xi32, #tpu.memory_space<hbm>> -> memref<2x128xi32, #tpu.memory_space<hbm>>
    %dma_start3A_86 = arith.constant 0 : i32
    %dma_start3A_87 = arith.constant 0 : i32
    %dma_start3A_88 = tpu.memref_slice %arg2[%add3A_81, %dma_start3A_86, %dma_start3A_87] : memref<2624x2x128xi32, #tpu.memory_space<hbm>> -> memref<1x2x128xi32, #tpu.memory_space<hbm>>
    %dma_start3A_89 = tpu.memref_squeeze %dma_start3A_88 : memref<1x2x128xi32, #tpu.memory_space<hbm>> -> memref<2x128xi32, #tpu.memory_space<hbm>>
    tpu.enqueue_dma source(%dma_start3A_89 : memref<2x128xi32, #tpu.memory_space<hbm>>) target(%arg12 : memref<2x128xi32, #tpu.memory_space<vmem>>) target_semaphore(%arg28 : memref<!tpu.dma_semaphore, #tpu.memory_space<semaphore_mem>>)
    %scan3A_90 = arith.constant 0 : i32
    %scan3A_91 = arith.constant 41 : i32
    %scan3A_92 = arith.addi %scan3A_90, %scan3A_91 : i32
    %scan3A_93 = arith.constant 1 : i32
    scf.for %scan3A_132 = %scan3A_90 to %scan3A_92 step %scan3A_93  : i32 {
      %mul3A_133 = arith.constant 1 : i32
      %mul3A_134 = arith.muli %scan3A_132, %mul3A_133 : i32
      %add3A_135 = arith.constant 0 : i32
      %add3A_136 = arith.addi %add3A_135, %mul3A_134 : i32
      %mul3A_137 = arith.constant 2 : i32
      %mul3A_138 = arith.muli %add3A_136, %mul3A_137 : i32
      %add3A_139 = arith.constant 0 : i32
      %add3A_140 = arith.addi %mul3A_138, %add3A_139 : i32
      %jit3A = arith.constant 2 : i32
      %eq3A = arith.constant 0 : i32
      %eq3A_141 = arith.cmpi eq, %jit3A, %eq3A : i32
      %jit3A_142 = arith.constant 1 : i32
      %select_n3A = arith.select %eq3A_141, %jit3A_142, %jit3A : i32
      %rem3A = arith.remsi %add3A_136, %select_n3A : i32
      %ne3A = arith.constant 0 : i32
      %ne3A_143 = arith.cmpi ne, %rem3A, %ne3A : i32
      %lt3A = arith.constant 0 : i32
      %lt3A_144 = arith.cmpi slt, %rem3A, %lt3A : i32
      %lt3A_145 = arith.constant 0 : i32
      %lt3A_146 = arith.cmpi slt, %select_n3A, %lt3A_145 : i32
      %ne3A_147 = arith.xori %lt3A_144, %lt3A_146 : i1
      %and3A = arith.andi %ne3A_147, %ne3A_143 : i1
      %add3A_148 = arith.addi %rem3A, %select_n3A : i32
      %select_n3A_149 = arith.select %and3A, %add3A_148, %rem3A : i32
      %eq3A_150 = arith.constant 0 : i32
      %eq3A_151 = arith.cmpi eq, %select_n3A_149, %eq3A_150 : i32
      %convert_element_type3A = arith.extui %eq3A_151 : i1 to i32
      %cond3A = arith.constant 0 : i32
      %cond3A_152 = arith.cmpi ne, %convert_element_type3A, %cond3A : i32
      scf.if %cond3A_152 {
        %dma_wait3A_220 = arith.constant 0 : i32
        %dma_wait3A_221 = arith.constant 0 : i32
        %dma_wait3A_222 = tpu.memref_slice %arg11[%dma_wait3A_220, %dma_wait3A_221] : memref<2x128xi32, #tpu.memory_space<vmem>> -> memref<1x128xi32, #tpu.memory_space<vmem>>
        %dma_wait3A_223 = tpu.memref_squeeze %dma_wait3A_222 : memref<1x128xi32, #tpu.memory_space<vmem>> -> memref<128xi32, #tpu.memory_space<vmem>>
        %dma_wait3A_224 = arith.constant 0 : i32
        %dma_wait3A_225 = arith.constant 0 : i32
        %dma_wait3A_226 = tpu.memref_slice %arg3[%dma_wait3A_224, %dma_wait3A_225] : memref<10112x16xf32, #tpu.memory_space<hbm>> -> memref<10112x16xf32, #tpu.memory_space<hbm>>
        tpu.wait_indirect_dma semaphore(%arg29 : memref<!tpu.dma_semaphore, #tpu.memory_space<semaphore_mem>>) src(%dma_wait3A_226 : memref<10112x16xf32, #tpu.memory_space<hbm>>) dst(%arg15 : memref<128x16xf32, #tpu.memory_space<vmem>>)
        %dma_wait3A_227 = arith.constant 1 : i32
        %dma_wait3A_228 = arith.constant 0 : i32
        %dma_wait3A_229 = tpu.memref_slice %arg11[%dma_wait3A_227, %dma_wait3A_228] : memref<2x128xi32, #tpu.memory_space<vmem>> -> memref<1x128xi32, #tpu.memory_space<vmem>>
        %dma_wait3A_230 = tpu.memref_squeeze %dma_wait3A_229 : memref<1x128xi32, #tpu.memory_space<vmem>> -> memref<128xi32, #tpu.memory_space<vmem>>
        %dma_wait3A_231 = arith.constant 0 : i32
        %dma_wait3A_232 = arith.constant 0 : i32
        %dma_wait3A_233 = tpu.memref_slice %arg4[%dma_wait3A_231, %dma_wait3A_232] : memref<10112x32xf32, #tpu.memory_space<hbm>> -> memref<10112x32xf32, #tpu.memory_space<hbm>>
        tpu.wait_indirect_dma semaphore(%arg29 : memref<!tpu.dma_semaphore, #tpu.memory_space<semaphore_mem>>) src(%dma_wait3A_233 : memref<10112x32xf32, #tpu.memory_space<hbm>>) dst(%arg16 : memref<128x32xf32, #tpu.memory_space<vmem>>)
        %dma_wait3A_234 = arith.constant 0 : i32
        %dma_wait3A_235 = arith.constant 0 : i32
        %dma_wait3A_236 = tpu.memref_slice %arg11[%dma_wait3A_234, %dma_wait3A_235] : memref<2x128xi32, #tpu.memory_space<vmem>> -> memref<1x128xi32, #tpu.memory_space<vmem>>
        %dma_wait3A_237 = tpu.memref_squeeze %dma_wait3A_236 : memref<1x128xi32, #tpu.memory_space<vmem>> -> memref<128xi32, #tpu.memory_space<vmem>>
        %dma_wait3A_238 = arith.constant 0 : i32
        %dma_wait3A_239 = arith.constant 0 : i32
        %dma_wait3A_240 = tpu.memref_slice %arg5[%dma_wait3A_238, %dma_wait3A_239] : memref<10112x128xi32, #tpu.memory_space<hbm>> -> memref<10112x128xi32, #tpu.memory_space<hbm>>
        tpu.wait_indirect_dma semaphore(%arg29 : memref<!tpu.dma_semaphore, #tpu.memory_space<semaphore_mem>>) src(%dma_wait3A_240 : memref<10112x128xi32, #tpu.memory_space<hbm>>) dst(%arg17 : memref<128x128xi32, #tpu.memory_space<vmem>>)
        %ge3A = arith.constant 2 : i32
        %ge3A_241 = arith.cmpi sge, %add3A_140, %ge3A : i32
        %convert_element_type3A_242 = arith.extui %ge3A_241 : i1 to i32
        %cond3A_243 = arith.constant 0 : i32
        %cond3A_244 = arith.cmpi ne, %convert_element_type3A_242, %cond3A_243 : i32
        scf.if %cond3A_244 {
          %dma_wait3A_274 = arith.constant 1 : i32
          %dma_wait3A_275 = arith.constant 0 : i32
          %dma_wait3A_276 = tpu.memref_slice %arg13[%dma_wait3A_274, %dma_wait3A_275] : memref<2x128xi32, #tpu.memory_space<vmem>> -> memref<1x128xi32, #tpu.memory_space<vmem>>
          %dma_wait3A_277 = tpu.memref_squeeze %dma_wait3A_276 : memref<1x128xi32, #tpu.memory_space<vmem>> -> memref<128xi32, #tpu.memory_space<vmem>>
          %dma_wait3A_278 = arith.constant 0 : i32
          %dma_wait3A_279 = arith.constant 0 : i32
          %dma_wait3A_280 = tpu.memref_slice %arg9[%dma_wait3A_278, %dma_wait3A_279] : memref<10112x32xf32, #tpu.memory_space<vmem_shared>> -> memref<10112x32xf32, #tpu.memory_space<vmem_shared>>
          tpu.wait_indirect_dma semaphore(%arg31 : memref<!tpu.dma_semaphore, #tpu.memory_space<semaphore_mem>>) src(%arg22 : memref<128x32xf32, #tpu.memory_space<vmem>>) dst(%dma_wait3A_280 : memref<10112x32xf32, #tpu.memory_space<vmem_shared>>)
          %dma_wait3A_281 = arith.constant 0 : i32
          %dma_wait3A_282 = arith.constant 0 : i32
          %dma_wait3A_283 = tpu.memref_slice %arg13[%dma_wait3A_281, %dma_wait3A_282] : memref<2x128xi32, #tpu.memory_space<vmem>> -> memref<1x128xi32, #tpu.memory_space<vmem>>
          %dma_wait3A_284 = tpu.memref_squeeze %dma_wait3A_283 : memref<1x128xi32, #tpu.memory_space<vmem>> -> memref<128xi32, #tpu.memory_space<vmem>>
          %dma_wait3A_285 = arith.constant 0 : i32
          %dma_wait3A_286 = arith.constant 0 : i32
          %dma_wait3A_287 = tpu.memref_slice %arg10[%dma_wait3A_285, %dma_wait3A_286] : memref<10112x16xf32, #tpu.memory_space<vmem_shared>> -> memref<10112x16xf32, #tpu.memory_space<vmem_shared>>
          tpu.wait_indirect_dma semaphore(%arg31 : memref<!tpu.dma_semaphore, #tpu.memory_space<semaphore_mem>>) src(%arg21 : memref<128x16xf32, #tpu.memory_space<vmem>>) dst(%dma_wait3A_287 : memref<10112x16xf32, #tpu.memory_space<vmem_shared>>)
        } else {
        }
        %lt3A_245 = arith.constant 81 : i32
        %lt3A_246 = arith.cmpi slt, %add3A_140, %lt3A_245 : i32
        %convert_element_type3A_247 = arith.extui %lt3A_246 : i1 to i32
        %cond3A_248 = arith.constant 0 : i32
        %cond3A_249 = arith.cmpi ne, %convert_element_type3A_247, %cond3A_248 : i32
        scf.if %cond3A_249 {
          %add3A_274 = arith.constant 1 : i32
          %add3A_275 = arith.addi %add3A_140, %add3A_274 : i32
          %add3A_276 = arith.addi %mul3A_40, %add3A_275 : i32
          %dma_wait3A_277 = arith.constant 0 : i32
          %dma_wait3A_278 = arith.constant 0 : i32
          %dma_wait3A_279 = tpu.memref_slice %arg2[%add3A_276, %dma_wait3A_277, %dma_wait3A_278] : memref<2624x2x128xi32, #tpu.memory_space<hbm>> -> memref<1x2x128xi32, #tpu.memory_space<hbm>>
          %dma_wait3A_280 = tpu.memref_squeeze %dma_wait3A_279 : memref<1x2x128xi32, #tpu.memory_space<hbm>> -> memref<2x128xi32, #tpu.memory_space<hbm>>
          %dma_wait3A_281 = arith.constant 0 : i32
          %dma_wait3A_282 = arith.constant 0 : i32
          %dma_wait3A_283 = tpu.memref_slice %arg2[%add3A_276, %dma_wait3A_281, %dma_wait3A_282] : memref<2624x2x128xi32, #tpu.memory_space<hbm>> -> memref<1x2x128xi32, #tpu.memory_space<hbm>>
          %dma_wait3A_284 = tpu.memref_squeeze %dma_wait3A_283 : memref<1x2x128xi32, #tpu.memory_space<hbm>> -> memref<2x128xi32, #tpu.memory_space<hbm>>
          tpu.wait_dma2 semaphore(%arg28 : memref<!tpu.dma_semaphore, #tpu.memory_space<semaphore_mem>>) src(%dma_wait3A_284 : memref<2x128xi32, #tpu.memory_space<hbm>>) dst(%arg12 : memref<2x128xi32, #tpu.memory_space<vmem>>)
          %dma_start3A_285 = arith.constant 0 : i32
          %dma_start3A_286 = arith.constant 0 : i32
          %dma_start3A_287 = tpu.memref_slice %arg12[%dma_start3A_285, %dma_start3A_286] : memref<2x128xi32, #tpu.memory_space<vmem>> -> memref<1x128xi32, #tpu.memory_space<vmem>>
          %dma_start3A_288 = tpu.memref_squeeze %dma_start3A_287 : memref<1x128xi32, #tpu.memory_space<vmem>> -> memref<128xi32, #tpu.memory_space<vmem>>
          %dma_start3A_289 = arith.constant 0 : i32
          %dma_start3A_290 = arith.constant 0 : i32
          %dma_start3A_291 = tpu.memref_slice %arg3[%dma_start3A_289, %dma_start3A_290] : memref<10112x16xf32, #tpu.memory_space<hbm>> -> memref<10112x16xf32, #tpu.memory_space<hbm>>
          tpu.enqueue_indirect_dma source(%dma_start3A_291 : memref<10112x16xf32, #tpu.memory_space<hbm>>) target(%arg18 : memref<128x16xf32, #tpu.memory_space<vmem>>) offsets(%dma_start3A_288 : memref<128xi32, #tpu.memory_space<vmem>>) semaphore(%arg30 : memref<!tpu.dma_semaphore, #tpu.memory_space<semaphore_mem>>)
          %dma_start3A_292 = arith.constant 1 : i32
          %dma_start3A_293 = arith.constant 0 : i32
          %dma_start3A_294 = tpu.memref_slice %arg12[%dma_start3A_292, %dma_start3A_293] : memref<2x128xi32, #tpu.memory_space<vmem>> -> memref<1x128xi32, #tpu.memory_space<vmem>>
          %dma_start3A_295 = tpu.memref_squeeze %dma_start3A_294 : memref<1x128xi32, #tpu.memory_space<vmem>> -> memref<128xi32, #tpu.memory_space<vmem>>
          %dma_start3A_296 = arith.constant 0 : i32
          %dma_start3A_297 = arith.constant 0 : i32
          %dma_start3A_298 = tpu.memref_slice %arg4[%dma_start3A_296, %dma_start3A_297] : memref<10112x32xf32, #tpu.memory_space<hbm>> -> memref<10112x32xf32, #tpu.memory_space<hbm>>
          tpu.enqueue_indirect_dma source(%dma_start3A_298 : memref<10112x32xf32, #tpu.memory_space<hbm>>) target(%arg19 : memref<128x32xf32, #tpu.memory_space<vmem>>) offsets(%dma_start3A_295 : memref<128xi32, #tpu.memory_space<vmem>>) semaphore(%arg30 : memref<!tpu.dma_semaphore, #tpu.memory_space<semaphore_mem>>)
          %dma_start3A_299 = arith.constant 0 : i32
          %dma_start3A_300 = arith.constant 0 : i32
          %dma_start3A_301 = tpu.memref_slice %arg12[%dma_start3A_299, %dma_start3A_300] : memref<2x128xi32, #tpu.memory_space<vmem>> -> memref<1x128xi32, #tpu.memory_space<vmem>>
          %dma_start3A_302 = tpu.memref_squeeze %dma_start3A_301 : memref<1x128xi32, #tpu.memory_space<vmem>> -> memref<128xi32, #tpu.memory_space<vmem>>
          %dma_start3A_303 = arith.constant 0 : i32
          %dma_start3A_304 = arith.constant 0 : i32
          %dma_start3A_305 = tpu.memref_slice %arg5[%dma_start3A_303, %dma_start3A_304] : memref<10112x128xi32, #tpu.memory_space<hbm>> -> memref<10112x128xi32, #tpu.memory_space<hbm>>
          tpu.enqueue_indirect_dma source(%dma_start3A_305 : memref<10112x128xi32, #tpu.memory_space<hbm>>) target(%arg20 : memref<128x128xi32, #tpu.memory_space<vmem>>) offsets(%dma_start3A_302 : memref<128xi32, #tpu.memory_space<vmem>>) semaphore(%arg30 : memref<!tpu.dma_semaphore, #tpu.memory_space<semaphore_mem>>)
        } else {
        }
        %scan3A_250 = arith.constant 0 : i32
        %scan3A_251 = arith.constant 128 : i32
        %scan3A_252 = arith.addi %scan3A_250, %scan3A_251 : i32
        %scan3A_253 = arith.constant 1 : i32
        scf.for %scan3A_274 = %scan3A_250 to %scan3A_252 step %scan3A_253  : i32 {
          %mul3A_275 = arith.constant 1 : i32
          %mul3A_276 = arith.muli %scan3A_274, %mul3A_275 : i32
          %add3A_277 = arith.constant 0 : i32
          %add3A_278 = arith.addi %add3A_277, %mul3A_276 : i32
          %get3A_279 = arith.index_cast %add3A_278 : i32 to index
          %get3A_280 = arith.constant 0 : index
          %get3A_281 = tpu.vector_load %arg15[%get3A_279, %get3A_280] {strides = array<i32>} : memref<128x16xf32, #tpu.memory_space<vmem>>, vector<1x16xf32>,
          %get3A_282 = vector.shape_cast %get3A_281 : vector<1x16xf32> to vector<16xf32>
          %get3A_283 = arith.index_cast %add3A_278 : i32 to index
          %get3A_284 = arith.constant 0 : index
          %get3A_285 = tpu.vector_load %arg16[%get3A_283, %get3A_284] {strides = array<i32>} : memref<128x32xf32, #tpu.memory_space<vmem>>, vector<1x16xf32>,
          %get3A_286 = vector.shape_cast %get3A_285 : vector<1x16xf32> to vector<16xf32>
          %add3A_287 = arith.addf %get3A_282, %get3A_286 : vector<16xf32>
          %ge3A_288 = arith.constant 0.000000e+00 : f32
          %ge3A_289 = vector.broadcast %ge3A_288 : f32 to vector<16xf32>
          %ge3A_290 = arith.cmpf oge, %add3A_287, %ge3A_289 : vector<16xf32>
          %mul3A_291 = arith.constant 2.000000e-01 : f32
          %mul3A_292 = vector.broadcast %mul3A_291 : f32 to vector<16xf32>
          %mul3A_293 = arith.mulf %mul3A_292, %add3A_287 : vector<16xf32>
          %select_n3A_294 = arith.select %ge3A_290, %add3A_287, %mul3A_293 : vector<16xi1>, vector<16xf32>
          %sub3A = arith.subf %select_n3A_294, %get3A_38 : vector<16xf32>
          %exp3A = math.exp %sub3A : vector<16xf32>
          %get3A_295 = arith.index_cast %add3A_278 : i32 to index
          %get3A_296 = arith.constant 16 : index
          %get3A_297 = tpu.vector_load %arg16[%get3A_295, %get3A_296] {strides = array<i32>} : memref<128x32xf32, #tpu.memory_space<vmem>>, vector<1x16xf32>,
          %get3A_298 = vector.shape_cast %get3A_297 : vector<1x16xf32> to vector<16xf32>
          %div3A = arith.divf %exp3A, %get3A_298 : vector<16xf32>
          %swap3A = arith.index_cast %add3A_278 : i32 to index
          %swap3A_299 = arith.constant 0 : index
          %swap3A_300 = tpu.vector_load %arg21[%swap3A, %swap3A_299] {strides = array<i32>} : memref<128x16xf32, #tpu.memory_space<vmem>>, vector<1x16xf32>,
          %swap3A_301 = vector.shape_cast %swap3A_300 : vector<1x16xf32> to vector<16xf32>
          %swap3A_302 = vector.shape_cast %div3A : vector<16xf32> to vector<1x16xf32>
          tpu.vector_store %arg21[%swap3A, %swap3A_299], %swap3A_302 {strides = array<i32>} : memref<128x16xf32, #tpu.memory_space<vmem>>, vector<1x16xf32>,
          %broadcast_in_dim3A = arith.constant 0.000000e+00 : f32
          %broadcast_in_dim3A_303 = vector.broadcast %broadcast_in_dim3A : f32 to vector<16xf32>
          %broadcast_in_dim3A_304 = arith.constant 0.000000e+00 : f32
          %broadcast_in_dim3A_305 = vector.broadcast %broadcast_in_dim3A_304 : f32 to vector<16xf32>
          %slice3A = vector.extract_strided_slice %div3A {offsets = [0], sizes = [1], strides = [1]} : vector<16xf32> to vector<1xf32>
          %squeeze3A = vector.extract %slice3A[0] : f32 from vector<1xf32>
          %get3A_306 = arith.index_cast %add3A_278 : i32 to index
          %get3A_307 = arith.constant 0 : index
          %get3A_308 = tpu.vector_load %arg17[%get3A_306, %get3A_307] {strides = array<i32>} : memref<128x128xi32, #tpu.memory_space<vmem>>, vector<1x16xi32>,
          %get3A_309 = vector.shape_cast %get3A_308 : vector<1x16xi32> to vector<16xi32>
          %shift_left3A = arith.constant 16 : i32
          %shift_left3A_310 = vector.broadcast %shift_left3A : i32 to vector<16xi32>
          %shift_left3A_311 = arith.shli %get3A_309, %shift_left3A_310 : vector<16xi32>
          %bitcast_convert_type3A = tpu.bitcast %shift_left3A_311 : vector<16xi32> -> vector<16xf32>
          %and3A_312 = arith.constant -65536 : i32
          %and3A_313 = vector.broadcast %and3A_312 : i32 to vector<16xi32>
          %and3A_314 = arith.andi %get3A_309, %and3A_313 : vector<16xi32>
          %bitcast_convert_type3A_315 = tpu.bitcast %and3A_314 : vector<16xi32> -> vector<16xf32>
          %mul3A_316 = vector.broadcast %squeeze3A : f32 to vector<16xf32>
          %mul3A_317 = arith.mulf %mul3A_316, %bitcast_convert_type3A : vector<16xf32>
          %add3A_318 = arith.addf %broadcast_in_dim3A_303, %mul3A_317 : vector<16xf32>
          %mul3A_319 = vector.broadcast %squeeze3A : f32 to vector<16xf32>
          %mul3A_320 = arith.mulf %mul3A_319, %bitcast_convert_type3A_315 : vector<16xf32>
          %add3A_321 = arith.addf %broadcast_in_dim3A_305, %mul3A_320 : vector<16xf32>
          %slice3A_322 = vector.extract_strided_slice %div3A {offsets = [1], sizes = [1], strides = [1]} : vector<16xf32> to vector<1xf32>
          %squeeze3A_323 = vector.extract %slice3A_322[0] : f32 from vector<1xf32>
          %get3A_324 = arith.index_cast %add3A_278 : i32 to index
          %get3A_325 = arith.constant 16 : index
          %get3A_326 = tpu.vector_load %arg17[%get3A_324, %get3A_325] {strides = array<i32>} : memref<128x128xi32, #tpu.memory_space<vmem>>, vector<1x16xi32>,
          %get3A_327 = vector.shape_cast %get3A_326 : vector<1x16xi32> to vector<16xi32>
          %shift_left3A_328 = arith.constant 16 : i32
          %shift_left3A_329 = vector.broadcast %shift_left3A_328 : i32 to vector<16xi32>
          %shift_left3A_330 = arith.shli %get3A_327, %shift_left3A_329 : vector<16xi32>
          %bitcast_convert_type3A_331 = tpu.bitcast %shift_left3A_330 : vector<16xi32> -> vector<16xf32>
          %and3A_332 = arith.constant -65536 : i32
          %and3A_333 = vector.broadcast %and3A_332 : i32 to vector<16xi32>
          %and3A_334 = arith.andi %get3A_327, %and3A_333 : vector<16xi32>
          %bitcast_convert_type3A_335 = tpu.bitcast %and3A_334 : vector<16xi32> -> vector<16xf32>
          %mul3A_336 = vector.broadcast %squeeze3A_323 : f32 to vector<16xf32>
          %mul3A_337 = arith.mulf %mul3A_336, %bitcast_convert_type3A_331 : vector<16xf32>
          %add3A_338 = arith.addf %add3A_318, %mul3A_337 : vector<16xf32>
          %mul3A_339 = vector.broadcast %squeeze3A_323 : f32 to vector<16xf32>
          %mul3A_340 = arith.mulf %mul3A_339, %bitcast_convert_type3A_335 : vector<16xf32>
          %add3A_341 = arith.addf %add3A_321, %mul3A_340 : vector<16xf32>
          %slice3A_342 = vector.extract_strided_slice %div3A {offsets = [2], sizes = [1], strides = [1]} : vector<16xf32> to vector<1xf32>
          %squeeze3A_343 = vector.extract %slice3A_342[0] : f32 from vector<1xf32>
          %get3A_344 = arith.index_cast %add3A_278 : i32 to index
          %get3A_345 = arith.constant 32 : index
          %get3A_346 = tpu.vector_load %arg17[%get3A_344, %get3A_345] {strides = array<i32>} : memref<128x128xi32, #tpu.memory_space<vmem>>, vector<1x16xi32>,
          %get3A_347 = vector.shape_cast %get3A_346 : vector<1x16xi32> to vector<16xi32>
          %shift_left3A_348 = arith.constant 16 : i32
          %shift_left3A_349 = vector.broadcast %shift_left3A_348 : i32 to vector<16xi32>
          %shift_left3A_350 = arith.shli %get3A_347, %shift_left3A_349 : vector<16xi32>
          %bitcast_convert_type3A_351 = tpu.bitcast %shift_left3A_350 : vector<16xi32> -> vector<16xf32>
          %and3A_352 = arith.constant -65536 : i32
          %and3A_353 = vector.broadcast %and3A_352 : i32 to vector<16xi32>
          %and3A_354 = arith.andi %get3A_347, %and3A_353 : vector<16xi32>
          %bitcast_convert_type3A_355 = tpu.bitcast %and3A_354 : vector<16xi32> -> vector<16xf32>
          %mul3A_356 = vector.broadcast %squeeze3A_343 : f32 to vector<16xf32>
          %mul3A_357 = arith.mulf %mul3A_356, %bitcast_convert_type3A_351 : vector<16xf32>
          %add3A_358 = arith.addf %add3A_338, %mul3A_357 : vector<16xf32>
          %mul3A_359 = vector.broadcast %squeeze3A_343 : f32 to vector<16xf32>
          %mul3A_360 = arith.mulf %mul3A_359, %bitcast_convert_type3A_355 : vector<16xf32>
          %add3A_361 = arith.addf %add3A_341, %mul3A_360 : vector<16xf32>
          %slice3A_362 = vector.extract_strided_slice %div3A {offsets = [3], sizes = [1], strides = [1]} : vector<16xf32> to vector<1xf32>
          %squeeze3A_363 = vector.extract %slice3A_362[0] : f32 from vector<1xf32>
          %get3A_364 = arith.index_cast %add3A_278 : i32 to index
          %get3A_365 = arith.constant 48 : index
          %get3A_366 = tpu.vector_load %arg17[%get3A_364, %get3A_365] {strides = array<i32>} : memref<128x128xi32, #tpu.memory_space<vmem>>, vector<1x16xi32>,
          %get3A_367 = vector.shape_cast %get3A_366 : vector<1x16xi32> to vector<16xi32>
          %shift_left3A_368 = arith.constant 16 : i32
          %shift_left3A_369 = vector.broadcast %shift_left3A_368 : i32 to vector<16xi32>
          %shift_left3A_370 = arith.shli %get3A_367, %shift_left3A_369 : vector<16xi32>
          %bitcast_convert_type3A_371 = tpu.bitcast %shift_left3A_370 : vector<16xi32> -> vector<16xf32>
          %and3A_372 = arith.constant -65536 : i32
          %and3A_373 = vector.broadcast %and3A_372 : i32 to vector<16xi32>
          %and3A_374 = arith.andi %get3A_367, %and3A_373 : vector<16xi32>
          %bitcast_convert_type3A_375 = tpu.bitcast %and3A_374 : vector<16xi32> -> vector<16xf32>
          %mul3A_376 = vector.broadcast %squeeze3A_363 : f32 to vector<16xf32>
          %mul3A_377 = arith.mulf %mul3A_376, %bitcast_convert_type3A_371 : vector<16xf32>
          %add3A_378 = arith.addf %add3A_358, %mul3A_377 : vector<16xf32>
          %mul3A_379 = vector.broadcast %squeeze3A_363 : f32 to vector<16xf32>
          %mul3A_380 = arith.mulf %mul3A_379, %bitcast_convert_type3A_375 : vector<16xf32>
          %add3A_381 = arith.addf %add3A_361, %mul3A_380 : vector<16xf32>
          %slice3A_382 = vector.extract_strided_slice %div3A {offsets = [4], sizes = [1], strides = [1]} : vector<16xf32> to vector<1xf32>
          %squeeze3A_383 = vector.extract %slice3A_382[0] : f32 from vector<1xf32>
          %get3A_384 = arith.index_cast %add3A_278 : i32 to index
          %get3A_385 = arith.constant 64 : index
          %get3A_386 = tpu.vector_load %arg17[%get3A_384, %get3A_385] {strides = array<i32>} : memref<128x128xi32, #tpu.memory_space<vmem>>, vector<1x16xi32>,
          %get3A_387 = vector.shape_cast %get3A_386 : vector<1x16xi32> to vector<16xi32>
          %shift_left3A_388 = arith.constant 16 : i32
          %shift_left3A_389 = vector.broadcast %shift_left3A_388 : i32 to vector<16xi32>
          %shift_left3A_390 = arith.shli %get3A_387, %shift_left3A_389 : vector<16xi32>
          %bitcast_convert_type3A_391 = tpu.bitcast %shift_left3A_390 : vector<16xi32> -> vector<16xf32>
          %and3A_392 = arith.constant -65536 : i32
          %and3A_393 = vector.broadcast %and3A_392 : i32 to vector<16xi32>
          %and3A_394 = arith.andi %get3A_387, %and3A_393 : vector<16xi32>
          %bitcast_convert_type3A_395 = tpu.bitcast %and3A_394 : vector<16xi32> -> vector<16xf32>
          %mul3A_396 = vector.broadcast %squeeze3A_383 : f32 to vector<16xf32>
          %mul3A_397 = arith.mulf %mul3A_396, %bitcast_convert_type3A_391 : vector<16xf32>
          %add3A_398 = arith.addf %add3A_378, %mul3A_397 : vector<16xf32>
          %mul3A_399 = vector.broadcast %squeeze3A_383 : f32 to vector<16xf32>
          %mul3A_400 = arith.mulf %mul3A_399, %bitcast_convert_type3A_395 : vector<16xf32>
          %add3A_401 = arith.addf %add3A_381, %mul3A_400 : vector<16xf32>
          %slice3A_402 = vector.extract_strided_slice %div3A {offsets = [5], sizes = [1], strides = [1]} : vector<16xf32> to vector<1xf32>
          %squeeze3A_403 = vector.extract %slice3A_402[0] : f32 from vector<1xf32>
          %get3A_404 = arith.index_cast %add3A_278 : i32 to index
          %get3A_405 = arith.constant 80 : index
          %get3A_406 = tpu.vector_load %arg17[%get3A_404, %get3A_405] {strides = array<i32>} : memref<128x128xi32, #tpu.memory_space<vmem>>, vector<1x16xi32>,
          %get3A_407 = vector.shape_cast %get3A_406 : vector<1x16xi32> to vector<16xi32>
          %shift_left3A_408 = arith.constant 16 : i32
          %shift_left3A_409 = vector.broadcast %shift_left3A_408 : i32 to vector<16xi32>
          %shift_left3A_410 = arith.shli %get3A_407, %shift_left3A_409 : vector<16xi32>
          %bitcast_convert_type3A_411 = tpu.bitcast %shift_left3A_410 : vector<16xi32> -> vector<16xf32>
          %and3A_412 = arith.constant -65536 : i32
          %and3A_413 = vector.broadcast %and3A_412 : i32 to vector<16xi32>
          %and3A_414 = arith.andi %get3A_407, %and3A_413 : vector<16xi32>
          %bitcast_convert_type3A_415 = tpu.bitcast %and3A_414 : vector<16xi32> -> vector<16xf32>
          %mul3A_416 = vector.broadcast %squeeze3A_403 : f32 to vector<16xf32>
          %mul3A_417 = arith.mulf %mul3A_416, %bitcast_convert_type3A_411 : vector<16xf32>
          %add3A_418 = arith.addf %add3A_398, %mul3A_417 : vector<16xf32>
          %mul3A_419 = vector.broadcast %squeeze3A_403 : f32 to vector<16xf32>
          %mul3A_420 = arith.mulf %mul3A_419, %bitcast_convert_type3A_415 : vector<16xf32>
          %add3A_421 = arith.addf %add3A_401, %mul3A_420 : vector<16xf32>
          %slice3A_422 = vector.extract_strided_slice %div3A {offsets = [6], sizes = [1], strides = [1]} : vector<16xf32> to vector<1xf32>
          %squeeze3A_423 = vector.extract %slice3A_422[0] : f32 from vector<1xf32>
          %get3A_424 = arith.index_cast %add3A_278 : i32 to index
          %get3A_425 = arith.constant 96 : index
          %get3A_426 = tpu.vector_load %arg17[%get3A_424, %get3A_425] {strides = array<i32>} : memref<128x128xi32, #tpu.memory_space<vmem>>, vector<1x16xi32>,
          %get3A_427 = vector.shape_cast %get3A_426 : vector<1x16xi32> to vector<16xi32>
          %shift_left3A_428 = arith.constant 16 : i32
          %shift_left3A_429 = vector.broadcast %shift_left3A_428 : i32 to vector<16xi32>
          %shift_left3A_430 = arith.shli %get3A_427, %shift_left3A_429 : vector<16xi32>
          %bitcast_convert_type3A_431 = tpu.bitcast %shift_left3A_430 : vector<16xi32> -> vector<16xf32>
          %and3A_432 = arith.constant -65536 : i32
          %and3A_433 = vector.broadcast %and3A_432 : i32 to vector<16xi32>
          %and3A_434 = arith.andi %get3A_427, %and3A_433 : vector<16xi32>
          %bitcast_convert_type3A_435 = tpu.bitcast %and3A_434 : vector<16xi32> -> vector<16xf32>
          %mul3A_436 = vector.broadcast %squeeze3A_423 : f32 to vector<16xf32>
          %mul3A_437 = arith.mulf %mul3A_436, %bitcast_convert_type3A_431 : vector<16xf32>
          %add3A_438 = arith.addf %add3A_418, %mul3A_437 : vector<16xf32>
          %mul3A_439 = vector.broadcast %squeeze3A_423 : f32 to vector<16xf32>
          %mul3A_440 = arith.mulf %mul3A_439, %bitcast_convert_type3A_435 : vector<16xf32>
          %add3A_441 = arith.addf %add3A_421, %mul3A_440 : vector<16xf32>
          %slice3A_442 = vector.extract_strided_slice %div3A {offsets = [7], sizes = [1], strides = [1]} : vector<16xf32> to vector<1xf32>
          %squeeze3A_443 = vector.extract %slice3A_442[0] : f32 from vector<1xf32>
          %get3A_444 = arith.index_cast %add3A_278 : i32 to index
          %get3A_445 = arith.constant 112 : index
          %get3A_446 = tpu.vector_load %arg17[%get3A_444, %get3A_445] {strides = array<i32>} : memref<128x128xi32, #tpu.memory_space<vmem>>, vector<1x16xi32>,
          %get3A_447 = vector.shape_cast %get3A_446 : vector<1x16xi32> to vector<16xi32>
          %shift_left3A_448 = arith.constant 16 : i32
          %shift_left3A_449 = vector.broadcast %shift_left3A_448 : i32 to vector<16xi32>
          %shift_left3A_450 = arith.shli %get3A_447, %shift_left3A_449 : vector<16xi32>
          %bitcast_convert_type3A_451 = tpu.bitcast %shift_left3A_450 : vector<16xi32> -> vector<16xf32>
          %and3A_452 = arith.constant -65536 : i32
          %and3A_453 = vector.broadcast %and3A_452 : i32 to vector<16xi32>
          %and3A_454 = arith.andi %get3A_447, %and3A_453 : vector<16xi32>
          %bitcast_convert_type3A_455 = tpu.bitcast %and3A_454 : vector<16xi32> -> vector<16xf32>
          %mul3A_456 = vector.broadcast %squeeze3A_443 : f32 to vector<16xf32>
          %mul3A_457 = arith.mulf %mul3A_456, %bitcast_convert_type3A_451 : vector<16xf32>
          %add3A_458 = arith.addf %add3A_438, %mul3A_457 : vector<16xf32>
          %mul3A_459 = vector.broadcast %squeeze3A_443 : f32 to vector<16xf32>
          %mul3A_460 = arith.mulf %mul3A_459, %bitcast_convert_type3A_455 : vector<16xf32>
          %add3A_461 = arith.addf %add3A_441, %mul3A_460 : vector<16xf32>
          %swap3A_462 = arith.index_cast %add3A_278 : i32 to index
          %swap3A_463 = arith.constant 0 : index
          %swap3A_464 = tpu.vector_load %arg22[%swap3A_462, %swap3A_463] {strides = array<i32>} : memref<128x32xf32, #tpu.memory_space<vmem>>, vector<1x16xf32>,
          %swap3A_465 = vector.shape_cast %swap3A_464 : vector<1x16xf32> to vector<16xf32>
          %swap3A_466 = vector.shape_cast %add3A_458 : vector<16xf32> to vector<1x16xf32>
          tpu.vector_store %arg22[%swap3A_462, %swap3A_463], %swap3A_466 {strides = array<i32>} : memref<128x32xf32, #tpu.memory_space<vmem>>, vector<1x16xf32>,
          %swap3A_467 = arith.index_cast %add3A_278 : i32 to index
          %swap3A_468 = arith.constant 16 : index
          %swap3A_469 = tpu.vector_load %arg22[%swap3A_467, %swap3A_468] {strides = array<i32>} : memref<128x32xf32, #tpu.memory_space<vmem>>, vector<1x16xf32>,
          %swap3A_470 = vector.shape_cast %swap3A_469 : vector<1x16xf32> to vector<16xf32>
          %swap3A_471 = vector.shape_cast %add3A_461 : vector<16xf32> to vector<1x16xf32>
          tpu.vector_store %arg22[%swap3A_467, %swap3A_468], %swap3A_471 {strides = array<i32>} : memref<128x32xf32, #tpu.memory_space<vmem>>, vector<1x16xf32>,
        }
        %scan3A_254 = arith.constant 128 : i32
        %dma_start3A_255 = arith.constant 1 : i32
        %dma_start3A_256 = arith.constant 0 : i32
        %dma_start3A_257 = tpu.memref_slice %arg11[%dma_start3A_255, %dma_start3A_256] : memref<2x128xi32, #tpu.memory_space<vmem>> -> memref<1x128xi32, #tpu.memory_space<vmem>>
        %dma_start3A_258 = tpu.memref_squeeze %dma_start3A_257 : memref<1x128xi32, #tpu.memory_space<vmem>> -> memref<128xi32, #tpu.memory_space<vmem>>
        %dma_start3A_259 = arith.constant 0 : i32
        %dma_start3A_260 = arith.constant 0 : i32
        %dma_start3A_261 = tpu.memref_slice %arg9[%dma_start3A_259, %dma_start3A_260] : memref<10112x32xf32, #tpu.memory_space<vmem_shared>> -> memref<10112x32xf32, #tpu.memory_space<vmem_shared>>
        tpu.enqueue_indirect_dma source(%arg22 : memref<128x32xf32, #tpu.memory_space<vmem>>) target(%dma_start3A_261 : memref<10112x32xf32, #tpu.memory_space<vmem_shared>>) offsets(%dma_start3A_258 : memref<128xi32, #tpu.memory_space<vmem>>) semaphore(%arg31 : memref<!tpu.dma_semaphore, #tpu.memory_space<semaphore_mem>>) {add = true}
        %dma_start3A_262 = arith.constant 0 : i32
        %dma_start3A_263 = arith.constant 0 : i32
        %dma_start3A_264 = tpu.memref_slice %arg11[%dma_start3A_262, %dma_start3A_263] : memref<2x128xi32, #tpu.memory_space<vmem>> -> memref<1x128xi32, #tpu.memory_space<vmem>>
        %dma_start3A_265 = tpu.memref_squeeze %dma_start3A_264 : memref<1x128xi32, #tpu.memory_space<vmem>> -> memref<128xi32, #tpu.memory_space<vmem>>
        %dma_start3A_266 = arith.constant 0 : i32
        %dma_start3A_267 = arith.constant 0 : i32
        %dma_start3A_268 = tpu.memref_slice %arg10[%dma_start3A_266, %dma_start3A_267] : memref<10112x16xf32, #tpu.memory_space<vmem_shared>> -> memref<10112x16xf32, #tpu.memory_space<vmem_shared>>
        tpu.enqueue_indirect_dma source(%arg21 : memref<128x16xf32, #tpu.memory_space<vmem>>) target(%dma_start3A_268 : memref<10112x16xf32, #tpu.memory_space<vmem_shared>>) offsets(%dma_start3A_265 : memref<128xi32, #tpu.memory_space<vmem>>) semaphore(%arg31 : memref<!tpu.dma_semaphore, #tpu.memory_space<semaphore_mem>>) {add = true}
        %lt3A_269 = arith.constant 80 : i32
        %lt3A_270 = arith.cmpi slt, %add3A_140, %lt3A_269 : i32
        %convert_element_type3A_271 = arith.extui %lt3A_270 : i1 to i32
        %cond3A_272 = arith.constant 0 : i32
        %cond3A_273 = arith.cmpi ne, %convert_element_type3A_271, %cond3A_272 : i32
        scf.if %cond3A_273 {
          %add3A_274 = arith.constant 2 : i32
          %add3A_275 = arith.addi %add3A_140, %add3A_274 : i32
          %add3A_276 = arith.addi %mul3A_40, %add3A_275 : i32
          %dma_start3A_277 = arith.constant 0 : i32
          %dma_start3A_278 = arith.constant 0 : i32
          %dma_start3A_279 = tpu.memref_slice %arg2[%add3A_276, %dma_start3A_277, %dma_start3A_278] : memref<2624x2x128xi32, #tpu.memory_space<hbm>> -> memref<1x2x128xi32, #tpu.memory_space<hbm>>
          %dma_start3A_280 = tpu.memref_squeeze %dma_start3A_279 : memref<1x2x128xi32, #tpu.memory_space<hbm>> -> memref<2x128xi32, #tpu.memory_space<hbm>>
          %dma_start3A_281 = arith.constant 0 : i32
          %dma_start3A_282 = arith.constant 0 : i32
          %dma_start3A_283 = tpu.memref_slice %arg2[%add3A_276, %dma_start3A_281, %dma_start3A_282] : memref<2624x2x128xi32, #tpu.memory_space<hbm>> -> memref<1x2x128xi32, #tpu.memory_space<hbm>>
          %dma_start3A_284 = tpu.memref_squeeze %dma_start3A_283 : memref<1x2x128xi32, #tpu.memory_space<hbm>> -> memref<2x128xi32, #tpu.memory_space<hbm>>
          tpu.enqueue_dma source(%dma_start3A_284 : memref<2x128xi32, #tpu.memory_space<hbm>>) target(%arg13 : memref<2x128xi32, #tpu.memory_space<vmem>>) target_semaphore(%arg28 : memref<!tpu.dma_semaphore, #tpu.memory_space<semaphore_mem>>)
        } else {
        }
      } else {
      }
      %jit3A_153 = arith.constant 2 : i32
      %eq3A_154 = arith.constant 0 : i32
      %eq3A_155 = arith.cmpi eq, %jit3A_153, %eq3A_154 : i32
      %jit3A_156 = arith.constant 1 : i32
      %select_n3A_157 = arith.select %eq3A_155, %jit3A_156, %jit3A_153 : i32
      %rem3A_158 = arith.remsi %add3A_136, %select_n3A_157 : i32
      %ne3A_159 = arith.constant 0 : i32
      %ne3A_160 = arith.cmpi ne, %rem3A_158, %ne3A_159 : i32
      %lt3A_161 = arith.constant 0 : i32
      %lt3A_162 = arith.cmpi slt, %rem3A_158, %lt3A_161 : i32
      %lt3A_163 = arith.constant 0 : i32
      %lt3A_164 = arith.cmpi slt, %select_n3A_157, %lt3A_163 : i32
      %ne3A_165 = arith.xori %lt3A_162, %lt3A_164 : i1
      %and3A_166 = arith.andi %ne3A_165, %ne3A_160 : i1
      %add3A_167 = arith.addi %rem3A_158, %select_n3A_157 : i32
      %select_n3A_168 = arith.select %and3A_166, %add3A_167, %rem3A_158 : i32
      %eq3A_169 = arith.constant 1 : i32
      %eq3A_170 = arith.cmpi eq, %select_n3A_168, %eq3A_169 : i32
      %convert_element_type3A_171 = arith.extui %eq3A_170 : i1 to i32
      %cond3A_172 = arith.constant 0 : i32
      %cond3A_173 = arith.cmpi ne, %convert_element_type3A_171, %cond3A_172 : i32
      scf.if %cond3A_173 {
        %dma_wait3A_220 = arith.constant 0 : i32
        %dma_wait3A_221 = arith.constant 0 : i32
        %dma_wait3A_222 = tpu.memref_slice %arg13[%dma_wait3A_220, %dma_wait3A_221] : memref<2x128xi32, #tpu.memory_space<vmem>> -> memref<1x128xi32, #tpu.memory_space<vmem>>
        %dma_wait3A_223 = tpu.memref_squeeze %dma_wait3A_222 : memref<1x128xi32, #tpu.memory_space<vmem>> -> memref<128xi32, #tpu.memory_space<vmem>>
        %dma_wait3A_224 = arith.constant 0 : i32
        %dma_wait3A_225 = arith.constant 0 : i32
        %dma_wait3A_226 = tpu.memref_slice %arg3[%dma_wait3A_224, %dma_wait3A_225] : memref<10112x16xf32, #tpu.memory_space<hbm>> -> memref<10112x16xf32, #tpu.memory_space<hbm>>
        tpu.wait_indirect_dma semaphore(%arg29 : memref<!tpu.dma_semaphore, #tpu.memory_space<semaphore_mem>>) src(%dma_wait3A_226 : memref<10112x16xf32, #tpu.memory_space<hbm>>) dst(%arg15 : memref<128x16xf32, #tpu.memory_space<vmem>>)
        %dma_wait3A_227 = arith.constant 1 : i32
        %dma_wait3A_228 = arith.constant 0 : i32
        %dma_wait3A_229 = tpu.memref_slice %arg13[%dma_wait3A_227, %dma_wait3A_228] : memref<2x128xi32, #tpu.memory_space<vmem>> -> memref<1x128xi32, #tpu.memory_space<vmem>>
        %dma_wait3A_230 = tpu.memref_squeeze %dma_wait3A_229 : memref<1x128xi32, #tpu.memory_space<vmem>> -> memref<128xi32, #tpu.memory_space<vmem>>
        %dma_wait3A_231 = arith.constant 0 : i32
        %dma_wait3A_232 = arith.constant 0 : i32
        %dma_wait3A_233 = tpu.memref_slice %arg4[%dma_wait3A_231, %dma_wait3A_232] : memref<10112x32xf32, #tpu.memory_space<hbm>> -> memref<10112x32xf32, #tpu.memory_space<hbm>>
        tpu.wait_indirect_dma semaphore(%arg29 : memref<!tpu.dma_semaphore, #tpu.memory_space<semaphore_mem>>) src(%dma_wait3A_233 : memref<10112x32xf32, #tpu.memory_space<hbm>>) dst(%arg16 : memref<128x32xf32, #tpu.memory_space<vmem>>)
        %dma_wait3A_234 = arith.constant 0 : i32
        %dma_wait3A_235 = arith.constant 0 : i32
        %dma_wait3A_236 = tpu.memref_slice %arg13[%dma_wait3A_234, %dma_wait3A_235] : memref<2x128xi32, #tpu.memory_space<vmem>> -> memref<1x128xi32, #tpu.memory_space<vmem>>
        %dma_wait3A_237 = tpu.memref_squeeze %dma_wait3A_236 : memref<1x128xi32, #tpu.memory_space<vmem>> -> memref<128xi32, #tpu.memory_space<vmem>>
        %dma_wait3A_238 = arith.constant 0 : i32
        %dma_wait3A_239 = arith.constant 0 : i32
        %dma_wait3A_240 = tpu.memref_slice %arg5[%dma_wait3A_238, %dma_wait3A_239] : memref<10112x128xi32, #tpu.memory_space<hbm>> -> memref<10112x128xi32, #tpu.memory_space<hbm>>
        tpu.wait_indirect_dma semaphore(%arg29 : memref<!tpu.dma_semaphore, #tpu.memory_space<semaphore_mem>>) src(%dma_wait3A_240 : memref<10112x128xi32, #tpu.memory_space<hbm>>) dst(%arg17 : memref<128x128xi32, #tpu.memory_space<vmem>>)
        %ge3A = arith.constant 2 : i32
        %ge3A_241 = arith.cmpi sge, %add3A_140, %ge3A : i32
        %convert_element_type3A_242 = arith.extui %ge3A_241 : i1 to i32
        %cond3A_243 = arith.constant 0 : i32
        %cond3A_244 = arith.cmpi ne, %convert_element_type3A_242, %cond3A_243 : i32
        scf.if %cond3A_244 {
          %dma_wait3A_274 = arith.constant 1 : i32
          %dma_wait3A_275 = arith.constant 0 : i32
          %dma_wait3A_276 = tpu.memref_slice %arg11[%dma_wait3A_274, %dma_wait3A_275] : memref<2x128xi32, #tpu.memory_space<vmem>> -> memref<1x128xi32, #tpu.memory_space<vmem>>
          %dma_wait3A_277 = tpu.memref_squeeze %dma_wait3A_276 : memref<1x128xi32, #tpu.memory_space<vmem>> -> memref<128xi32, #tpu.memory_space<vmem>>
          %dma_wait3A_278 = arith.constant 0 : i32
          %dma_wait3A_279 = arith.constant 0 : i32
          %dma_wait3A_280 = tpu.memref_slice %arg9[%dma_wait3A_278, %dma_wait3A_279] : memref<10112x32xf32, #tpu.memory_space<vmem_shared>> -> memref<10112x32xf32, #tpu.memory_space<vmem_shared>>
          tpu.wait_indirect_dma semaphore(%arg31 : memref<!tpu.dma_semaphore, #tpu.memory_space<semaphore_mem>>) src(%arg22 : memref<128x32xf32, #tpu.memory_space<vmem>>) dst(%dma_wait3A_280 : memref<10112x32xf32, #tpu.memory_space<vmem_shared>>)
          %dma_wait3A_281 = arith.constant 0 : i32
          %dma_wait3A_282 = arith.constant 0 : i32
          %dma_wait3A_283 = tpu.memref_slice %arg11[%dma_wait3A_281, %dma_wait3A_282] : memref<2x128xi32, #tpu.memory_space<vmem>> -> memref<1x128xi32, #tpu.memory_space<vmem>>
          %dma_wait3A_284 = tpu.memref_squeeze %dma_wait3A_283 : memref<1x128xi32, #tpu.memory_space<vmem>> -> memref<128xi32, #tpu.memory_space<vmem>>
          %dma_wait3A_285 = arith.constant 0 : i32
          %dma_wait3A_286 = arith.constant 0 : i32
          %dma_wait3A_287 = tpu.memref_slice %arg10[%dma_wait3A_285, %dma_wait3A_286] : memref<10112x16xf32, #tpu.memory_space<vmem_shared>> -> memref<10112x16xf32, #tpu.memory_space<vmem_shared>>
          tpu.wait_indirect_dma semaphore(%arg31 : memref<!tpu.dma_semaphore, #tpu.memory_space<semaphore_mem>>) src(%arg21 : memref<128x16xf32, #tpu.memory_space<vmem>>) dst(%dma_wait3A_287 : memref<10112x16xf32, #tpu.memory_space<vmem_shared>>)
        } else {
        }
        %lt3A_245 = arith.constant 81 : i32
        %lt3A_246 = arith.cmpi slt, %add3A_140, %lt3A_245 : i32
        %convert_element_type3A_247 = arith.extui %lt3A_246 : i1 to i32
        %cond3A_248 = arith.constant 0 : i32
        %cond3A_249 = arith.cmpi ne, %convert_element_type3A_247, %cond3A_248 : i32
        scf.if %cond3A_249 {
          %add3A_274 = arith.constant 1 : i32
          %add3A_275 = arith.addi %add3A_140, %add3A_274 : i32
          %add3A_276 = arith.addi %mul3A_40, %add3A_275 : i32
          %dma_wait3A_277 = arith.constant 0 : i32
          %dma_wait3A_278 = arith.constant 0 : i32
          %dma_wait3A_279 = tpu.memref_slice %arg2[%add3A_276, %dma_wait3A_277, %dma_wait3A_278] : memref<2624x2x128xi32, #tpu.memory_space<hbm>> -> memref<1x2x128xi32, #tpu.memory_space<hbm>>
          %dma_wait3A_280 = tpu.memref_squeeze %dma_wait3A_279 : memref<1x2x128xi32, #tpu.memory_space<hbm>> -> memref<2x128xi32, #tpu.memory_space<hbm>>
          %dma_wait3A_281 = arith.constant 0 : i32
          %dma_wait3A_282 = arith.constant 0 : i32
          %dma_wait3A_283 = tpu.memref_slice %arg2[%add3A_276, %dma_wait3A_281, %dma_wait3A_282] : memref<2624x2x128xi32, #tpu.memory_space<hbm>> -> memref<1x2x128xi32, #tpu.memory_space<hbm>>
          %dma_wait3A_284 = tpu.memref_squeeze %dma_wait3A_283 : memref<1x2x128xi32, #tpu.memory_space<hbm>> -> memref<2x128xi32, #tpu.memory_space<hbm>>
          tpu.wait_dma2 semaphore(%arg28 : memref<!tpu.dma_semaphore, #tpu.memory_space<semaphore_mem>>) src(%dma_wait3A_284 : memref<2x128xi32, #tpu.memory_space<hbm>>) dst(%arg14 : memref<2x128xi32, #tpu.memory_space<vmem>>)
          %dma_start3A_285 = arith.constant 0 : i32
          %dma_start3A_286 = arith.constant 0 : i32
          %dma_start3A_287 = tpu.memref_slice %arg14[%dma_start3A_285, %dma_start3A_286] : memref<2x128xi32, #tpu.memory_space<vmem>> -> memref<1x128xi32, #tpu.memory_space<vmem>>
          %dma_start3A_288 = tpu.memref_squeeze %dma_start3A_287 : memref<1x128xi32, #tpu.memory_space<vmem>> -> memref<128xi32, #tpu.memory_space<vmem>>
          %dma_start3A_289 = arith.constant 0 : i32
          %dma_start3A_290 = arith.constant 0 : i32
          %dma_start3A_291 = tpu.memref_slice %arg3[%dma_start3A_289, %dma_start3A_290] : memref<10112x16xf32, #tpu.memory_space<hbm>> -> memref<10112x16xf32, #tpu.memory_space<hbm>>
          tpu.enqueue_indirect_dma source(%dma_start3A_291 : memref<10112x16xf32, #tpu.memory_space<hbm>>) target(%arg18 : memref<128x16xf32, #tpu.memory_space<vmem>>) offsets(%dma_start3A_288 : memref<128xi32, #tpu.memory_space<vmem>>) semaphore(%arg30 : memref<!tpu.dma_semaphore, #tpu.memory_space<semaphore_mem>>)
          %dma_start3A_292 = arith.constant 1 : i32
          %dma_start3A_293 = arith.constant 0 : i32
          %dma_start3A_294 = tpu.memref_slice %arg14[%dma_start3A_292, %dma_start3A_293] : memref<2x128xi32, #tpu.memory_space<vmem>> -> memref<1x128xi32, #tpu.memory_space<vmem>>
          %dma_start3A_295 = tpu.memref_squeeze %dma_start3A_294 : memref<1x128xi32, #tpu.memory_space<vmem>> -> memref<128xi32, #tpu.memory_space<vmem>>
          %dma_start3A_296 = arith.constant 0 : i32
          %dma_start3A_297 = arith.constant 0 : i32
          %dma_start3A_298 = tpu.memref_slice %arg4[%dma_start3A_296, %dma_start3A_297] : memref<10112x32xf32, #tpu.memory_space<hbm>> -> memref<10112x32xf32, #tpu.memory_space<hbm>>
          tpu.enqueue_indirect_dma source(%dma_start3A_298 : memref<10112x32xf32, #tpu.memory_space<hbm>>) target(%arg19 : memref<128x32xf32, #tpu.memory_space<vmem>>) offsets(%dma_start3A_295 : memref<128xi32, #tpu.memory_space<vmem>>) semaphore(%arg30 : memref<!tpu.dma_semaphore, #tpu.memory_space<semaphore_mem>>)
          %dma_start3A_299 = arith.constant 0 : i32
          %dma_start3A_300 = arith.constant 0 : i32
          %dma_start3A_301 = tpu.memref_slice %arg14[%dma_start3A_299, %dma_start3A_300] : memref<2x128xi32, #tpu.memory_space<vmem>> -> memref<1x128xi32, #tpu.memory_space<vmem>>
          %dma_start3A_302 = tpu.memref_squeeze %dma_start3A_301 : memref<1x128xi32, #tpu.memory_space<vmem>> -> memref<128xi32, #tpu.memory_space<vmem>>
          %dma_start3A_303 = arith.constant 0 : i32
          %dma_start3A_304 = arith.constant 0 : i32
          %dma_start3A_305 = tpu.memref_slice %arg5[%dma_start3A_303, %dma_start3A_304] : memref<10112x128xi32, #tpu.memory_space<hbm>> -> memref<10112x128xi32, #tpu.memory_space<hbm>>
          tpu.enqueue_indirect_dma source(%dma_start3A_305 : memref<10112x128xi32, #tpu.memory_space<hbm>>) target(%arg20 : memref<128x128xi32, #tpu.memory_space<vmem>>) offsets(%dma_start3A_302 : memref<128xi32, #tpu.memory_space<vmem>>) semaphore(%arg30 : memref<!tpu.dma_semaphore, #tpu.memory_space<semaphore_mem>>)
        } else {
        }
        %scan3A_250 = arith.constant 0 : i32
        %scan3A_251 = arith.constant 128 : i32
        %scan3A_252 = arith.addi %scan3A_250, %scan3A_251 : i32
        %scan3A_253 = arith.constant 1 : i32
        scf.for %scan3A_274 = %scan3A_250 to %scan3A_252 step %scan3A_253  : i32 {
          %mul3A_275 = arith.constant 1 : i32
          %mul3A_276 = arith.muli %scan3A_274, %mul3A_275 : i32
          %add3A_277 = arith.constant 0 : i32
          %add3A_278 = arith.addi %add3A_277, %mul3A_276 : i32
          %get3A_279 = arith.index_cast %add3A_278 : i32 to index
          %get3A_280 = arith.constant 0 : index
          %get3A_281 = tpu.vector_load %arg15[%get3A_279, %get3A_280] {strides = array<i32>} : memref<128x16xf32, #tpu.memory_space<vmem>>, vector<1x16xf32>,
          %get3A_282 = vector.shape_cast %get3A_281 : vector<1x16xf32> to vector<16xf32>
          %get3A_283 = arith.index_cast %add3A_278 : i32 to index
          %get3A_284 = arith.constant 0 : index
          %get3A_285 = tpu.vector_load %arg16[%get3A_283, %get3A_284] {strides = array<i32>} : memref<128x32xf32, #tpu.memory_space<vmem>>, vector<1x16xf32>,
          %get3A_286 = vector.shape_cast %get3A_285 : vector<1x16xf32> to vector<16xf32>
          %add3A_287 = arith.addf %get3A_282, %get3A_286 : vector<16xf32>
          %ge3A_288 = arith.constant 0.000000e+00 : f32
          %ge3A_289 = vector.broadcast %ge3A_288 : f32 to vector<16xf32>
          %ge3A_290 = arith.cmpf oge, %add3A_287, %ge3A_289 : vector<16xf32>
          %mul3A_291 = arith.constant 2.000000e-01 : f32
          %mul3A_292 = vector.broadcast %mul3A_291 : f32 to vector<16xf32>
          %mul3A_293 = arith.mulf %mul3A_292, %add3A_287 : vector<16xf32>
          %select_n3A_294 = arith.select %ge3A_290, %add3A_287, %mul3A_293 : vector<16xi1>, vector<16xf32>
          %sub3A = arith.subf %select_n3A_294, %get3A_38 : vector<16xf32>
          %exp3A = math.exp %sub3A : vector<16xf32>
          %get3A_295 = arith.index_cast %add3A_278 : i32 to index
          %get3A_296 = arith.constant 16 : index
          %get3A_297 = tpu.vector_load %arg16[%get3A_295, %get3A_296] {strides = array<i32>} : memref<128x32xf32, #tpu.memory_space<vmem>>, vector<1x16xf32>,
          %get3A_298 = vector.shape_cast %get3A_297 : vector<1x16xf32> to vector<16xf32>
          %div3A = arith.divf %exp3A, %get3A_298 : vector<16xf32>
          %swap3A = arith.index_cast %add3A_278 : i32 to index
          %swap3A_299 = arith.constant 0 : index
          %swap3A_300 = tpu.vector_load %arg21[%swap3A, %swap3A_299] {strides = array<i32>} : memref<128x16xf32, #tpu.memory_space<vmem>>, vector<1x16xf32>,
          %swap3A_301 = vector.shape_cast %swap3A_300 : vector<1x16xf32> to vector<16xf32>
          %swap3A_302 = vector.shape_cast %div3A : vector<16xf32> to vector<1x16xf32>
          tpu.vector_store %arg21[%swap3A, %swap3A_299], %swap3A_302 {strides = array<i32>} : memref<128x16xf32, #tpu.memory_space<vmem>>, vector<1x16xf32>,
          %broadcast_in_dim3A = arith.constant 0.000000e+00 : f32
          %broadcast_in_dim3A_303 = vector.broadcast %broadcast_in_dim3A : f32 to vector<16xf32>
          %broadcast_in_dim3A_304 = arith.constant 0.000000e+00 : f32
          %broadcast_in_dim3A_305 = vector.broadcast %broadcast_in_dim3A_304 : f32 to vector<16xf32>
          %slice3A = vector.extract_strided_slice %div3A {offsets = [0], sizes = [1], strides = [1]} : vector<16xf32> to vector<1xf32>
          %squeeze3A = vector.extract %slice3A[0] : f32 from vector<1xf32>
          %get3A_306 = arith.index_cast %add3A_278 : i32 to index
          %get3A_307 = arith.constant 0 : index
          %get3A_308 = tpu.vector_load %arg17[%get3A_306, %get3A_307] {strides = array<i32>} : memref<128x128xi32, #tpu.memory_space<vmem>>, vector<1x16xi32>,
          %get3A_309 = vector.shape_cast %get3A_308 : vector<1x16xi32> to vector<16xi32>
          %shift_left3A = arith.constant 16 : i32
          %shift_left3A_310 = vector.broadcast %shift_left3A : i32 to vector<16xi32>
          %shift_left3A_311 = arith.shli %get3A_309, %shift_left3A_310 : vector<16xi32>
          %bitcast_convert_type3A = tpu.bitcast %shift_left3A_311 : vector<16xi32> -> vector<16xf32>
          %and3A_312 = arith.constant -65536 : i32
          %and3A_313 = vector.broadcast %and3A_312 : i32 to vector<16xi32>
          %and3A_314 = arith.andi %get3A_309, %and3A_313 : vector<16xi32>
          %bitcast_convert_type3A_315 = tpu.bitcast %and3A_314 : vector<16xi32> -> vector<16xf32>
          %mul3A_316 = vector.broadcast %squeeze3A : f32 to vector<16xf32>
          %mul3A_317 = arith.mulf %mul3A_316, %bitcast_convert_type3A : vector<16xf32>
          %add3A_318 = arith.addf %broadcast_in_dim3A_303, %mul3A_317 : vector<16xf32>
          %mul3A_319 = vector.broadcast %squeeze3A : f32 to vector<16xf32>
          %mul3A_320 = arith.mulf %mul3A_319, %bitcast_convert_type3A_315 : vector<16xf32>
          %add3A_321 = arith.addf %broadcast_in_dim3A_305, %mul3A_320 : vector<16xf32>
          %slice3A_322 = vector.extract_strided_slice %div3A {offsets = [1], sizes = [1], strides = [1]} : vector<16xf32> to vector<1xf32>
          %squeeze3A_323 = vector.extract %slice3A_322[0] : f32 from vector<1xf32>
          %get3A_324 = arith.index_cast %add3A_278 : i32 to index
          %get3A_325 = arith.constant 16 : index
          %get3A_326 = tpu.vector_load %arg17[%get3A_324, %get3A_325] {strides = array<i32>} : memref<128x128xi32, #tpu.memory_space<vmem>>, vector<1x16xi32>,
          %get3A_327 = vector.shape_cast %get3A_326 : vector<1x16xi32> to vector<16xi32>
          %shift_left3A_328 = arith.constant 16 : i32
          %shift_left3A_329 = vector.broadcast %shift_left3A_328 : i32 to vector<16xi32>
          %shift_left3A_330 = arith.shli %get3A_327, %shift_left3A_329 : vector<16xi32>
          %bitcast_convert_type3A_331 = tpu.bitcast %shift_left3A_330 : vector<16xi32> -> vector<16xf32>
          %and3A_332 = arith.constant -65536 : i32
          %and3A_333 = vector.broadcast %and3A_332 : i32 to vector<16xi32>
          %and3A_334 = arith.andi %get3A_327, %and3A_333 : vector<16xi32>
          %bitcast_convert_type3A_335 = tpu.bitcast %and3A_334 : vector<16xi32> -> vector<16xf32>
          %mul3A_336 = vector.broadcast %squeeze3A_323 : f32 to vector<16xf32>
          %mul3A_337 = arith.mulf %mul3A_336, %bitcast_convert_type3A_331 : vector<16xf32>
          %add3A_338 = arith.addf %add3A_318, %mul3A_337 : vector<16xf32>
          %mul3A_339 = vector.broadcast %squeeze3A_323 : f32 to vector<16xf32>
          %mul3A_340 = arith.mulf %mul3A_339, %bitcast_convert_type3A_335 : vector<16xf32>
          %add3A_341 = arith.addf %add3A_321, %mul3A_340 : vector<16xf32>
          %slice3A_342 = vector.extract_strided_slice %div3A {offsets = [2], sizes = [1], strides = [1]} : vector<16xf32> to vector<1xf32>
          %squeeze3A_343 = vector.extract %slice3A_342[0] : f32 from vector<1xf32>
          %get3A_344 = arith.index_cast %add3A_278 : i32 to index
          %get3A_345 = arith.constant 32 : index
          %get3A_346 = tpu.vector_load %arg17[%get3A_344, %get3A_345] {strides = array<i32>} : memref<128x128xi32, #tpu.memory_space<vmem>>, vector<1x16xi32>,
          %get3A_347 = vector.shape_cast %get3A_346 : vector<1x16xi32> to vector<16xi32>
          %shift_left3A_348 = arith.constant 16 : i32
          %shift_left3A_349 = vector.broadcast %shift_left3A_348 : i32 to vector<16xi32>
          %shift_left3A_350 = arith.shli %get3A_347, %shift_left3A_349 : vector<16xi32>
          %bitcast_convert_type3A_351 = tpu.bitcast %shift_left3A_350 : vector<16xi32> -> vector<16xf32>
          %and3A_352 = arith.constant -65536 : i32
          %and3A_353 = vector.broadcast %and3A_352 : i32 to vector<16xi32>
          %and3A_354 = arith.andi %get3A_347, %and3A_353 : vector<16xi32>
          %bitcast_convert_type3A_355 = tpu.bitcast %and3A_354 : vector<16xi32> -> vector<16xf32>
          %mul3A_356 = vector.broadcast %squeeze3A_343 : f32 to vector<16xf32>
          %mul3A_357 = arith.mulf %mul3A_356, %bitcast_convert_type3A_351 : vector<16xf32>
          %add3A_358 = arith.addf %add3A_338, %mul3A_357 : vector<16xf32>
          %mul3A_359 = vector.broadcast %squeeze3A_343 : f32 to vector<16xf32>
          %mul3A_360 = arith.mulf %mul3A_359, %bitcast_convert_type3A_355 : vector<16xf32>
          %add3A_361 = arith.addf %add3A_341, %mul3A_360 : vector<16xf32>
          %slice3A_362 = vector.extract_strided_slice %div3A {offsets = [3], sizes = [1], strides = [1]} : vector<16xf32> to vector<1xf32>
          %squeeze3A_363 = vector.extract %slice3A_362[0] : f32 from vector<1xf32>
          %get3A_364 = arith.index_cast %add3A_278 : i32 to index
          %get3A_365 = arith.constant 48 : index
          %get3A_366 = tpu.vector_load %arg17[%get3A_364, %get3A_365] {strides = array<i32>} : memref<128x128xi32, #tpu.memory_space<vmem>>, vector<1x16xi32>,
          %get3A_367 = vector.shape_cast %get3A_366 : vector<1x16xi32> to vector<16xi32>
          %shift_left3A_368 = arith.constant 16 : i32
          %shift_left3A_369 = vector.broadcast %shift_left3A_368 : i32 to vector<16xi32>
          %shift_left3A_370 = arith.shli %get3A_367, %shift_left3A_369 : vector<16xi32>
          %bitcast_convert_type3A_371 = tpu.bitcast %shift_left3A_370 : vector<16xi32> -> vector<16xf32>
          %and3A_372 = arith.constant -65536 : i32
          %and3A_373 = vector.broadcast %and3A_372 : i32 to vector<16xi32>
          %and3A_374 = arith.andi %get3A_367, %and3A_373 : vector<16xi32>
          %bitcast_convert_type3A_375 = tpu.bitcast %and3A_374 : vector<16xi32> -> vector<16xf32>
          %mul3A_376 = vector.broadcast %squeeze3A_363 : f32 to vector<16xf32>
          %mul3A_377 = arith.mulf %mul3A_376, %bitcast_convert_type3A_371 : vector<16xf32>
          %add3A_378 = arith.addf %add3A_358, %mul3A_377 : vector<16xf32>
          %mul3A_379 = vector.broadcast %squeeze3A_363 : f32 to vector<16xf32>
          %mul3A_380 = arith.mulf %mul3A_379, %bitcast_convert_type3A_375 : vector<16xf32>
          %add3A_381 = arith.addf %add3A_361, %mul3A_380 : vector<16xf32>
          %slice3A_382 = vector.extract_strided_slice %div3A {offsets = [4], sizes = [1], strides = [1]} : vector<16xf32> to vector<1xf32>
          %squeeze3A_383 = vector.extract %slice3A_382[0] : f32 from vector<1xf32>
          %get3A_384 = arith.index_cast %add3A_278 : i32 to index
          %get3A_385 = arith.constant 64 : index
          %get3A_386 = tpu.vector_load %arg17[%get3A_384, %get3A_385] {strides = array<i32>} : memref<128x128xi32, #tpu.memory_space<vmem>>, vector<1x16xi32>,
          %get3A_387 = vector.shape_cast %get3A_386 : vector<1x16xi32> to vector<16xi32>
          %shift_left3A_388 = arith.constant 16 : i32
          %shift_left3A_389 = vector.broadcast %shift_left3A_388 : i32 to vector<16xi32>
          %shift_left3A_390 = arith.shli %get3A_387, %shift_left3A_389 : vector<16xi32>
          %bitcast_convert_type3A_391 = tpu.bitcast %shift_left3A_390 : vector<16xi32> -> vector<16xf32>
          %and3A_392 = arith.constant -65536 : i32
          %and3A_393 = vector.broadcast %and3A_392 : i32 to vector<16xi32>
          %and3A_394 = arith.andi %get3A_387, %and3A_393 : vector<16xi32>
          %bitcast_convert_type3A_395 = tpu.bitcast %and3A_394 : vector<16xi32> -> vector<16xf32>
          %mul3A_396 = vector.broadcast %squeeze3A_383 : f32 to vector<16xf32>
          %mul3A_397 = arith.mulf %mul3A_396, %bitcast_convert_type3A_391 : vector<16xf32>
          %add3A_398 = arith.addf %add3A_378, %mul3A_397 : vector<16xf32>
          %mul3A_399 = vector.broadcast %squeeze3A_383 : f32 to vector<16xf32>
          %mul3A_400 = arith.mulf %mul3A_399, %bitcast_convert_type3A_395 : vector<16xf32>
          %add3A_401 = arith.addf %add3A_381, %mul3A_400 : vector<16xf32>
          %slice3A_402 = vector.extract_strided_slice %div3A {offsets = [5], sizes = [1], strides = [1]} : vector<16xf32> to vector<1xf32>
          %squeeze3A_403 = vector.extract %slice3A_402[0] : f32 from vector<1xf32>
          %get3A_404 = arith.index_cast %add3A_278 : i32 to index
          %get3A_405 = arith.constant 80 : index
          %get3A_406 = tpu.vector_load %arg17[%get3A_404, %get3A_405] {strides = array<i32>} : memref<128x128xi32, #tpu.memory_space<vmem>>, vector<1x16xi32>,
          %get3A_407 = vector.shape_cast %get3A_406 : vector<1x16xi32> to vector<16xi32>
          %shift_left3A_408 = arith.constant 16 : i32
          %shift_left3A_409 = vector.broadcast %shift_left3A_408 : i32 to vector<16xi32>
          %shift_left3A_410 = arith.shli %get3A_407, %shift_left3A_409 : vector<16xi32>
          %bitcast_convert_type3A_411 = tpu.bitcast %shift_left3A_410 : vector<16xi32> -> vector<16xf32>
          %and3A_412 = arith.constant -65536 : i32
          %and3A_413 = vector.broadcast %and3A_412 : i32 to vector<16xi32>
          %and3A_414 = arith.andi %get3A_407, %and3A_413 : vector<16xi32>
          %bitcast_convert_type3A_415 = tpu.bitcast %and3A_414 : vector<16xi32> -> vector<16xf32>
          %mul3A_416 = vector.broadcast %squeeze3A_403 : f32 to vector<16xf32>
          %mul3A_417 = arith.mulf %mul3A_416, %bitcast_convert_type3A_411 : vector<16xf32>
          %add3A_418 = arith.addf %add3A_398, %mul3A_417 : vector<16xf32>
          %mul3A_419 = vector.broadcast %squeeze3A_403 : f32 to vector<16xf32>
          %mul3A_420 = arith.mulf %mul3A_419, %bitcast_convert_type3A_415 : vector<16xf32>
          %add3A_421 = arith.addf %add3A_401, %mul3A_420 : vector<16xf32>
          %slice3A_422 = vector.extract_strided_slice %div3A {offsets = [6], sizes = [1], strides = [1]} : vector<16xf32> to vector<1xf32>
          %squeeze3A_423 = vector.extract %slice3A_422[0] : f32 from vector<1xf32>
          %get3A_424 = arith.index_cast %add3A_278 : i32 to index
          %get3A_425 = arith.constant 96 : index
          %get3A_426 = tpu.vector_load %arg17[%get3A_424, %get3A_425] {strides = array<i32>} : memref<128x128xi32, #tpu.memory_space<vmem>>, vector<1x16xi32>,
          %get3A_427 = vector.shape_cast %get3A_426 : vector<1x16xi32> to vector<16xi32>
          %shift_left3A_428 = arith.constant 16 : i32
          %shift_left3A_429 = vector.broadcast %shift_left3A_428 : i32 to vector<16xi32>
          %shift_left3A_430 = arith.shli %get3A_427, %shift_left3A_429 : vector<16xi32>
          %bitcast_convert_type3A_431 = tpu.bitcast %shift_left3A_430 : vector<16xi32> -> vector<16xf32>
          %and3A_432 = arith.constant -65536 : i32
          %and3A_433 = vector.broadcast %and3A_432 : i32 to vector<16xi32>
          %and3A_434 = arith.andi %get3A_427, %and3A_433 : vector<16xi32>
          %bitcast_convert_type3A_435 = tpu.bitcast %and3A_434 : vector<16xi32> -> vector<16xf32>
          %mul3A_436 = vector.broadcast %squeeze3A_423 : f32 to vector<16xf32>
          %mul3A_437 = arith.mulf %mul3A_436, %bitcast_convert_type3A_431 : vector<16xf32>
          %add3A_438 = arith.addf %add3A_418, %mul3A_437 : vector<16xf32>
          %mul3A_439 = vector.broadcast %squeeze3A_423 : f32 to vector<16xf32>
          %mul3A_440 = arith.mulf %mul3A_439, %bitcast_convert_type3A_435 : vector<16xf32>
          %add3A_441 = arith.addf %add3A_421, %mul3A_440 : vector<16xf32>
          %slice3A_442 = vector.extract_strided_slice %div3A {offsets = [7], sizes = [1], strides = [1]} : vector<16xf32> to vector<1xf32>
          %squeeze3A_443 = vector.extract %slice3A_442[0] : f32 from vector<1xf32>
          %get3A_444 = arith.index_cast %add3A_278 : i32 to index
          %get3A_445 = arith.constant 112 : index
          %get3A_446 = tpu.vector_load %arg17[%get3A_444, %get3A_445] {strides = array<i32>} : memref<128x128xi32, #tpu.memory_space<vmem>>, vector<1x16xi32>,
          %get3A_447 = vector.shape_cast %get3A_446 : vector<1x16xi32> to vector<16xi32>
          %shift_left3A_448 = arith.constant 16 : i32
          %shift_left3A_449 = vector.broadcast %shift_left3A_448 : i32 to vector<16xi32>
          %shift_left3A_450 = arith.shli %get3A_447, %shift_left3A_449 : vector<16xi32>
          %bitcast_convert_type3A_451 = tpu.bitcast %shift_left3A_450 : vector<16xi32> -> vector<16xf32>
          %and3A_452 = arith.constant -65536 : i32
          %and3A_453 = vector.broadcast %and3A_452 : i32 to vector<16xi32>
          %and3A_454 = arith.andi %get3A_447, %and3A_453 : vector<16xi32>
          %bitcast_convert_type3A_455 = tpu.bitcast %and3A_454 : vector<16xi32> -> vector<16xf32>
          %mul3A_456 = vector.broadcast %squeeze3A_443 : f32 to vector<16xf32>
          %mul3A_457 = arith.mulf %mul3A_456, %bitcast_convert_type3A_451 : vector<16xf32>
          %add3A_458 = arith.addf %add3A_438, %mul3A_457 : vector<16xf32>
          %mul3A_459 = vector.broadcast %squeeze3A_443 : f32 to vector<16xf32>
          %mul3A_460 = arith.mulf %mul3A_459, %bitcast_convert_type3A_455 : vector<16xf32>
          %add3A_461 = arith.addf %add3A_441, %mul3A_460 : vector<16xf32>
          %swap3A_462 = arith.index_cast %add3A_278 : i32 to index
          %swap3A_463 = arith.constant 0 : index
          %swap3A_464 = tpu.vector_load %arg22[%swap3A_462, %swap3A_463] {strides = array<i32>} : memref<128x32xf32, #tpu.memory_space<vmem>>, vector<1x16xf32>,
          %swap3A_465 = vector.shape_cast %swap3A_464 : vector<1x16xf32> to vector<16xf32>
          %swap3A_466 = vector.shape_cast %add3A_458 : vector<16xf32> to vector<1x16xf32>
          tpu.vector_store %arg22[%swap3A_462, %swap3A_463], %swap3A_466 {strides = array<i32>} : memref<128x32xf32, #tpu.memory_space<vmem>>, vector<1x16xf32>,
          %swap3A_467 = arith.index_cast %add3A_278 : i32 to index
          %swap3A_468 = arith.constant 16 : index
          %swap3A_469 = tpu.vector_load %arg22[%swap3A_467, %swap3A_468] {strides = array<i32>} : memref<128x32xf32, #tpu.memory_space<vmem>>, vector<1x16xf32>,
          %swap3A_470 = vector.shape_cast %swap3A_469 : vector<1x16xf32> to vector<16xf32>
          %swap3A_471 = vector.shape_cast %add3A_461 : vector<16xf32> to vector<1x16xf32>
          tpu.vector_store %arg22[%swap3A_467, %swap3A_468], %swap3A_471 {strides = array<i32>} : memref<128x32xf32, #tpu.memory_space<vmem>>, vector<1x16xf32>,
        }
        %scan3A_254 = arith.constant 128 : i32
        %dma_start3A_255 = arith.constant 1 : i32
        %dma_start3A_256 = arith.constant 0 : i32
        %dma_start3A_257 = tpu.memref_slice %arg13[%dma_start3A_255, %dma_start3A_256] : memref<2x128xi32, #tpu.memory_space<vmem>> -> memref<1x128xi32, #tpu.memory_space<vmem>>
        %dma_start3A_258 = tpu.memref_squeeze %dma_start3A_257 : memref<1x128xi32, #tpu.memory_space<vmem>> -> memref<128xi32, #tpu.memory_space<vmem>>
        %dma_start3A_259 = arith.constant 0 : i32
        %dma_start3A_260 = arith.constant 0 : i32
        %dma_start3A_261 = tpu.memref_slice %arg9[%dma_start3A_259, %dma_start3A_260] : memref<10112x32xf32, #tpu.memory_space<vmem_shared>> -> memref<10112x32xf32, #tpu.memory_space<vmem_shared>>
        tpu.enqueue_indirect_dma source(%arg22 : memref<128x32xf32, #tpu.memory_space<vmem>>) target(%dma_start3A_261 : memref<10112x32xf32, #tpu.memory_space<vmem_shared>>) offsets(%dma_start3A_258 : memref<128xi32, #tpu.memory_space<vmem>>) semaphore(%arg31 : memref<!tpu.dma_semaphore, #tpu.memory_space<semaphore_mem>>) {add = true}
        %dma_start3A_262 = arith.constant 0 : i32
        %dma_start3A_263 = arith.constant 0 : i32
        %dma_start3A_264 = tpu.memref_slice %arg13[%dma_start3A_262, %dma_start3A_263] : memref<2x128xi32, #tpu.memory_space<vmem>> -> memref<1x128xi32, #tpu.memory_space<vmem>>
        %dma_start3A_265 = tpu.memref_squeeze %dma_start3A_264 : memref<1x128xi32, #tpu.memory_space<vmem>> -> memref<128xi32, #tpu.memory_space<vmem>>
        %dma_start3A_266 = arith.constant 0 : i32
        %dma_start3A_267 = arith.constant 0 : i32
        %dma_start3A_268 = tpu.memref_slice %arg10[%dma_start3A_266, %dma_start3A_267] : memref<10112x16xf32, #tpu.memory_space<vmem_shared>> -> memref<10112x16xf32, #tpu.memory_space<vmem_shared>>
        tpu.enqueue_indirect_dma source(%arg21 : memref<128x16xf32, #tpu.memory_space<vmem>>) target(%dma_start3A_268 : memref<10112x16xf32, #tpu.memory_space<vmem_shared>>) offsets(%dma_start3A_265 : memref<128xi32, #tpu.memory_space<vmem>>) semaphore(%arg31 : memref<!tpu.dma_semaphore, #tpu.memory_space<semaphore_mem>>) {add = true}
        %lt3A_269 = arith.constant 80 : i32
        %lt3A_270 = arith.cmpi slt, %add3A_140, %lt3A_269 : i32
        %convert_element_type3A_271 = arith.extui %lt3A_270 : i1 to i32
        %cond3A_272 = arith.constant 0 : i32
        %cond3A_273 = arith.cmpi ne, %convert_element_type3A_271, %cond3A_272 : i32
        scf.if %cond3A_273 {
          %add3A_274 = arith.constant 2 : i32
          %add3A_275 = arith.addi %add3A_140, %add3A_274 : i32
          %add3A_276 = arith.addi %mul3A_40, %add3A_275 : i32
          %dma_start3A_277 = arith.constant 0 : i32
          %dma_start3A_278 = arith.constant 0 : i32
          %dma_start3A_279 = tpu.memref_slice %arg2[%add3A_276, %dma_start3A_277, %dma_start3A_278] : memref<2624x2x128xi32, #tpu.memory_space<hbm>> -> memref<1x2x128xi32, #tpu.memory_space<hbm>>
          %dma_start3A_280 = tpu.memref_squeeze %dma_start3A_279 : memref<1x2x128xi32, #tpu.memory_space<hbm>> -> memref<2x128xi32, #tpu.memory_space<hbm>>
          %dma_start3A_281 = arith.constant 0 : i32
          %dma_start3A_282 = arith.constant 0 : i32
          %dma_start3A_283 = tpu.memref_slice %arg2[%add3A_276, %dma_start3A_281, %dma_start3A_282] : memref<2624x2x128xi32, #tpu.memory_space<hbm>> -> memref<1x2x128xi32, #tpu.memory_space<hbm>>
          %dma_start3A_284 = tpu.memref_squeeze %dma_start3A_283 : memref<1x2x128xi32, #tpu.memory_space<hbm>> -> memref<2x128xi32, #tpu.memory_space<hbm>>
          tpu.enqueue_dma source(%dma_start3A_284 : memref<2x128xi32, #tpu.memory_space<hbm>>) target(%arg11 : memref<2x128xi32, #tpu.memory_space<vmem>>) target_semaphore(%arg28 : memref<!tpu.dma_semaphore, #tpu.memory_space<semaphore_mem>>)
        } else {
        }
      } else {
      }
      %mul3A_174 = arith.constant 2 : i32
      %mul3A_175 = arith.muli %add3A_136, %mul3A_174 : i32
      %add3A_176 = arith.constant 1 : i32
      %add3A_177 = arith.addi %mul3A_175, %add3A_176 : i32
      %jit3A_178 = arith.constant 2 : i32
      %eq3A_179 = arith.constant 0 : i32
      %eq3A_180 = arith.cmpi eq, %jit3A_178, %eq3A_179 : i32
      %jit3A_181 = arith.constant 1 : i32
      %select_n3A_182 = arith.select %eq3A_180, %jit3A_181, %jit3A_178 : i32
      %rem3A_183 = arith.remsi %add3A_136, %select_n3A_182 : i32
      %ne3A_184 = arith.constant 0 : i32
      %ne3A_185 = arith.cmpi ne, %rem3A_183, %ne3A_184 : i32
      %lt3A_186 = arith.constant 0 : i32
      %lt3A_187 = arith.cmpi slt, %rem3A_183, %lt3A_186 : i32
      %lt3A_188 = arith.constant 0 : i32
      %lt3A_189 = arith.cmpi slt, %select_n3A_182, %lt3A_188 : i32
      %ne3A_190 = arith.xori %lt3A_187, %lt3A_189 : i1
      %and3A_191 = arith.andi %ne3A_190, %ne3A_185 : i1
      %add3A_192 = arith.addi %rem3A_183, %select_n3A_182 : i32
      %select_n3A_193 = arith.select %and3A_191, %add3A_192, %rem3A_183 : i32
      %eq3A_194 = arith.constant 0 : i32
      %eq3A_195 = arith.cmpi eq, %select_n3A_193, %eq3A_194 : i32
      %convert_element_type3A_196 = arith.extui %eq3A_195 : i1 to i32
      %cond3A_197 = arith.constant 0 : i32
      %cond3A_198 = arith.cmpi ne, %convert_element_type3A_196, %cond3A_197 : i32
      scf.if %cond3A_198 {
        %dma_wait3A_220 = arith.constant 0 : i32
        %dma_wait3A_221 = arith.constant 0 : i32
        %dma_wait3A_222 = tpu.memref_slice %arg12[%dma_wait3A_220, %dma_wait3A_221] : memref<2x128xi32, #tpu.memory_space<vmem>> -> memref<1x128xi32, #tpu.memory_space<vmem>>
        %dma_wait3A_223 = tpu.memref_squeeze %dma_wait3A_222 : memref<1x128xi32, #tpu.memory_space<vmem>> -> memref<128xi32, #tpu.memory_space<vmem>>
        %dma_wait3A_224 = arith.constant 0 : i32
        %dma_wait3A_225 = arith.constant 0 : i32
        %dma_wait3A_226 = tpu.memref_slice %arg3[%dma_wait3A_224, %dma_wait3A_225] : memref<10112x16xf32, #tpu.memory_space<hbm>> -> memref<10112x16xf32, #tpu.memory_space<hbm>>
        tpu.wait_indirect_dma semaphore(%arg30 : memref<!tpu.dma_semaphore, #tpu.memory_space<semaphore_mem>>) src(%dma_wait3A_226 : memref<10112x16xf32, #tpu.memory_space<hbm>>) dst(%arg18 : memref<128x16xf32, #tpu.memory_space<vmem>>)
        %dma_wait3A_227 = arith.constant 1 : i32
        %dma_wait3A_228 = arith.constant 0 : i32
        %dma_wait3A_229 = tpu.memref_slice %arg12[%dma_wait3A_227, %dma_wait3A_228] : memref<2x128xi32, #tpu.memory_space<vmem>> -> memref<1x128xi32, #tpu.memory_space<vmem>>
        %dma_wait3A_230 = tpu.memref_squeeze %dma_wait3A_229 : memref<1x128xi32, #tpu.memory_space<vmem>> -> memref<128xi32, #tpu.memory_space<vmem>>
        %dma_wait3A_231 = arith.constant 0 : i32
        %dma_wait3A_232 = arith.constant 0 : i32
        %dma_wait3A_233 = tpu.memref_slice %arg4[%dma_wait3A_231, %dma_wait3A_232] : memref<10112x32xf32, #tpu.memory_space<hbm>> -> memref<10112x32xf32, #tpu.memory_space<hbm>>
        tpu.wait_indirect_dma semaphore(%arg30 : memref<!tpu.dma_semaphore, #tpu.memory_space<semaphore_mem>>) src(%dma_wait3A_233 : memref<10112x32xf32, #tpu.memory_space<hbm>>) dst(%arg19 : memref<128x32xf32, #tpu.memory_space<vmem>>)
        %dma_wait3A_234 = arith.constant 0 : i32
        %dma_wait3A_235 = arith.constant 0 : i32
        %dma_wait3A_236 = tpu.memref_slice %arg12[%dma_wait3A_234, %dma_wait3A_235] : memref<2x128xi32, #tpu.memory_space<vmem>> -> memref<1x128xi32, #tpu.memory_space<vmem>>
        %dma_wait3A_237 = tpu.memref_squeeze %dma_wait3A_236 : memref<1x128xi32, #tpu.memory_space<vmem>> -> memref<128xi32, #tpu.memory_space<vmem>>
        %dma_wait3A_238 = arith.constant 0 : i32
        %dma_wait3A_239 = arith.constant 0 : i32
        %dma_wait3A_240 = tpu.memref_slice %arg5[%dma_wait3A_238, %dma_wait3A_239] : memref<10112x128xi32, #tpu.memory_space<hbm>> -> memref<10112x128xi32, #tpu.memory_space<hbm>>
        tpu.wait_indirect_dma semaphore(%arg30 : memref<!tpu.dma_semaphore, #tpu.memory_space<semaphore_mem>>) src(%dma_wait3A_240 : memref<10112x128xi32, #tpu.memory_space<hbm>>) dst(%arg20 : memref<128x128xi32, #tpu.memory_space<vmem>>)
        %ge3A = arith.constant 2 : i32
        %ge3A_241 = arith.cmpi sge, %add3A_177, %ge3A : i32
        %convert_element_type3A_242 = arith.extui %ge3A_241 : i1 to i32
        %cond3A_243 = arith.constant 0 : i32
        %cond3A_244 = arith.cmpi ne, %convert_element_type3A_242, %cond3A_243 : i32
        scf.if %cond3A_244 {
          %dma_wait3A_274 = arith.constant 1 : i32
          %dma_wait3A_275 = arith.constant 0 : i32
          %dma_wait3A_276 = tpu.memref_slice %arg14[%dma_wait3A_274, %dma_wait3A_275] : memref<2x128xi32, #tpu.memory_space<vmem>> -> memref<1x128xi32, #tpu.memory_space<vmem>>
          %dma_wait3A_277 = tpu.memref_squeeze %dma_wait3A_276 : memref<1x128xi32, #tpu.memory_space<vmem>> -> memref<128xi32, #tpu.memory_space<vmem>>
          %dma_wait3A_278 = arith.constant 0 : i32
          %dma_wait3A_279 = arith.constant 0 : i32
          %dma_wait3A_280 = tpu.memref_slice %arg9[%dma_wait3A_278, %dma_wait3A_279] : memref<10112x32xf32, #tpu.memory_space<vmem_shared>> -> memref<10112x32xf32, #tpu.memory_space<vmem_shared>>
          tpu.wait_indirect_dma semaphore(%arg32 : memref<!tpu.dma_semaphore, #tpu.memory_space<semaphore_mem>>) src(%arg24 : memref<128x32xf32, #tpu.memory_space<vmem>>) dst(%dma_wait3A_280 : memref<10112x32xf32, #tpu.memory_space<vmem_shared>>)
          %dma_wait3A_281 = arith.constant 0 : i32
          %dma_wait3A_282 = arith.constant 0 : i32
          %dma_wait3A_283 = tpu.memref_slice %arg14[%dma_wait3A_281, %dma_wait3A_282] : memref<2x128xi32, #tpu.memory_space<vmem>> -> memref<1x128xi32, #tpu.memory_space<vmem>>
          %dma_wait3A_284 = tpu.memref_squeeze %dma_wait3A_283 : memref<1x128xi32, #tpu.memory_space<vmem>> -> memref<128xi32, #tpu.memory_space<vmem>>
          %dma_wait3A_285 = arith.constant 0 : i32
          %dma_wait3A_286 = arith.constant 0 : i32
          %dma_wait3A_287 = tpu.memref_slice %arg10[%dma_wait3A_285, %dma_wait3A_286] : memref<10112x16xf32, #tpu.memory_space<vmem_shared>> -> memref<10112x16xf32, #tpu.memory_space<vmem_shared>>
          tpu.wait_indirect_dma semaphore(%arg32 : memref<!tpu.dma_semaphore, #tpu.memory_space<semaphore_mem>>) src(%arg23 : memref<128x16xf32, #tpu.memory_space<vmem>>) dst(%dma_wait3A_287 : memref<10112x16xf32, #tpu.memory_space<vmem_shared>>)
        } else {
        }
        %lt3A_245 = arith.constant 81 : i32
        %lt3A_246 = arith.cmpi slt, %add3A_177, %lt3A_245 : i32
        %convert_element_type3A_247 = arith.extui %lt3A_246 : i1 to i32
        %cond3A_248 = arith.constant 0 : i32
        %cond3A_249 = arith.cmpi ne, %convert_element_type3A_247, %cond3A_248 : i32
        scf.if %cond3A_249 {
          %add3A_274 = arith.constant 1 : i32
          %add3A_275 = arith.addi %add3A_177, %add3A_274 : i32
          %add3A_276 = arith.addi %mul3A_40, %add3A_275 : i32
          %dma_wait3A_277 = arith.constant 0 : i32
          %dma_wait3A_278 = arith.constant 0 : i32
          %dma_wait3A_279 = tpu.memref_slice %arg2[%add3A_276, %dma_wait3A_277, %dma_wait3A_278] : memref<2624x2x128xi32, #tpu.memory_space<hbm>> -> memref<1x2x128xi32, #tpu.memory_space<hbm>>
          %dma_wait3A_280 = tpu.memref_squeeze %dma_wait3A_279 : memref<1x2x128xi32, #tpu.memory_space<hbm>> -> memref<2x128xi32, #tpu.memory_space<hbm>>
          %dma_wait3A_281 = arith.constant 0 : i32
          %dma_wait3A_282 = arith.constant 0 : i32
          %dma_wait3A_283 = tpu.memref_slice %arg2[%add3A_276, %dma_wait3A_281, %dma_wait3A_282] : memref<2624x2x128xi32, #tpu.memory_space<hbm>> -> memref<1x2x128xi32, #tpu.memory_space<hbm>>
          %dma_wait3A_284 = tpu.memref_squeeze %dma_wait3A_283 : memref<1x2x128xi32, #tpu.memory_space<hbm>> -> memref<2x128xi32, #tpu.memory_space<hbm>>
          tpu.wait_dma2 semaphore(%arg28 : memref<!tpu.dma_semaphore, #tpu.memory_space<semaphore_mem>>) src(%dma_wait3A_284 : memref<2x128xi32, #tpu.memory_space<hbm>>) dst(%arg13 : memref<2x128xi32, #tpu.memory_space<vmem>>)
          %dma_start3A_285 = arith.constant 0 : i32
          %dma_start3A_286 = arith.constant 0 : i32
          %dma_start3A_287 = tpu.memref_slice %arg13[%dma_start3A_285, %dma_start3A_286] : memref<2x128xi32, #tpu.memory_space<vmem>> -> memref<1x128xi32, #tpu.memory_space<vmem>>
          %dma_start3A_288 = tpu.memref_squeeze %dma_start3A_287 : memref<1x128xi32, #tpu.memory_space<vmem>> -> memref<128xi32, #tpu.memory_space<vmem>>
          %dma_start3A_289 = arith.constant 0 : i32
          %dma_start3A_290 = arith.constant 0 : i32
          %dma_start3A_291 = tpu.memref_slice %arg3[%dma_start3A_289, %dma_start3A_290] : memref<10112x16xf32, #tpu.memory_space<hbm>> -> memref<10112x16xf32, #tpu.memory_space<hbm>>
          tpu.enqueue_indirect_dma source(%dma_start3A_291 : memref<10112x16xf32, #tpu.memory_space<hbm>>) target(%arg15 : memref<128x16xf32, #tpu.memory_space<vmem>>) offsets(%dma_start3A_288 : memref<128xi32, #tpu.memory_space<vmem>>) semaphore(%arg29 : memref<!tpu.dma_semaphore, #tpu.memory_space<semaphore_mem>>)
          %dma_start3A_292 = arith.constant 1 : i32
          %dma_start3A_293 = arith.constant 0 : i32
          %dma_start3A_294 = tpu.memref_slice %arg13[%dma_start3A_292, %dma_start3A_293] : memref<2x128xi32, #tpu.memory_space<vmem>> -> memref<1x128xi32, #tpu.memory_space<vmem>>
          %dma_start3A_295 = tpu.memref_squeeze %dma_start3A_294 : memref<1x128xi32, #tpu.memory_space<vmem>> -> memref<128xi32, #tpu.memory_space<vmem>>
          %dma_start3A_296 = arith.constant 0 : i32
          %dma_start3A_297 = arith.constant 0 : i32
          %dma_start3A_298 = tpu.memref_slice %arg4[%dma_start3A_296, %dma_start3A_297] : memref<10112x32xf32, #tpu.memory_space<hbm>> -> memref<10112x32xf32, #tpu.memory_space<hbm>>
          tpu.enqueue_indirect_dma source(%dma_start3A_298 : memref<10112x32xf32, #tpu.memory_space<hbm>>) target(%arg16 : memref<128x32xf32, #tpu.memory_space<vmem>>) offsets(%dma_start3A_295 : memref<128xi32, #tpu.memory_space<vmem>>) semaphore(%arg29 : memref<!tpu.dma_semaphore, #tpu.memory_space<semaphore_mem>>)
          %dma_start3A_299 = arith.constant 0 : i32
          %dma_start3A_300 = arith.constant 0 : i32
          %dma_start3A_301 = tpu.memref_slice %arg13[%dma_start3A_299, %dma_start3A_300] : memref<2x128xi32, #tpu.memory_space<vmem>> -> memref<1x128xi32, #tpu.memory_space<vmem>>
          %dma_start3A_302 = tpu.memref_squeeze %dma_start3A_301 : memref<1x128xi32, #tpu.memory_space<vmem>> -> memref<128xi32, #tpu.memory_space<vmem>>
          %dma_start3A_303 = arith.constant 0 : i32
          %dma_start3A_304 = arith.constant 0 : i32
          %dma_start3A_305 = tpu.memref_slice %arg5[%dma_start3A_303, %dma_start3A_304] : memref<10112x128xi32, #tpu.memory_space<hbm>> -> memref<10112x128xi32, #tpu.memory_space<hbm>>
          tpu.enqueue_indirect_dma source(%dma_start3A_305 : memref<10112x128xi32, #tpu.memory_space<hbm>>) target(%arg17 : memref<128x128xi32, #tpu.memory_space<vmem>>) offsets(%dma_start3A_302 : memref<128xi32, #tpu.memory_space<vmem>>) semaphore(%arg29 : memref<!tpu.dma_semaphore, #tpu.memory_space<semaphore_mem>>)
        } else {
        }
        %scan3A_250 = arith.constant 0 : i32
        %scan3A_251 = arith.constant 128 : i32
        %scan3A_252 = arith.addi %scan3A_250, %scan3A_251 : i32
        %scan3A_253 = arith.constant 1 : i32
        scf.for %scan3A_274 = %scan3A_250 to %scan3A_252 step %scan3A_253  : i32 {
          %mul3A_275 = arith.constant 1 : i32
          %mul3A_276 = arith.muli %scan3A_274, %mul3A_275 : i32
          %add3A_277 = arith.constant 0 : i32
          %add3A_278 = arith.addi %add3A_277, %mul3A_276 : i32
          %get3A_279 = arith.index_cast %add3A_278 : i32 to index
          %get3A_280 = arith.constant 0 : index
          %get3A_281 = tpu.vector_load %arg18[%get3A_279, %get3A_280] {strides = array<i32>} : memref<128x16xf32, #tpu.memory_space<vmem>>, vector<1x16xf32>,
          %get3A_282 = vector.shape_cast %get3A_281 : vector<1x16xf32> to vector<16xf32>
          %get3A_283 = arith.index_cast %add3A_278 : i32 to index
          %get3A_284 = arith.constant 0 : index
          %get3A_285 = tpu.vector_load %arg19[%get3A_283, %get3A_284] {strides = array<i32>} : memref<128x32xf32, #tpu.memory_space<vmem>>, vector<1x16xf32>,
          %get3A_286 = vector.shape_cast %get3A_285 : vector<1x16xf32> to vector<16xf32>
          %add3A_287 = arith.addf %get3A_282, %get3A_286 : vector<16xf32>
          %ge3A_288 = arith.constant 0.000000e+00 : f32
          %ge3A_289 = vector.broadcast %ge3A_288 : f32 to vector<16xf32>
          %ge3A_290 = arith.cmpf oge, %add3A_287, %ge3A_289 : vector<16xf32>
          %mul3A_291 = arith.constant 2.000000e-01 : f32
          %mul3A_292 = vector.broadcast %mul3A_291 : f32 to vector<16xf32>
          %mul3A_293 = arith.mulf %mul3A_292, %add3A_287 : vector<16xf32>
          %select_n3A_294 = arith.select %ge3A_290, %add3A_287, %mul3A_293 : vector<16xi1>, vector<16xf32>
          %sub3A = arith.subf %select_n3A_294, %get3A_38 : vector<16xf32>
          %exp3A = math.exp %sub3A : vector<16xf32>
          %get3A_295 = arith.index_cast %add3A_278 : i32 to index
          %get3A_296 = arith.constant 16 : index
          %get3A_297 = tpu.vector_load %arg19[%get3A_295, %get3A_296] {strides = array<i32>} : memref<128x32xf32, #tpu.memory_space<vmem>>, vector<1x16xf32>,
          %get3A_298 = vector.shape_cast %get3A_297 : vector<1x16xf32> to vector<16xf32>
          %div3A = arith.divf %exp3A, %get3A_298 : vector<16xf32>
          %swap3A = arith.index_cast %add3A_278 : i32 to index
          %swap3A_299 = arith.constant 0 : index
          %swap3A_300 = tpu.vector_load %arg23[%swap3A, %swap3A_299] {strides = array<i32>} : memref<128x16xf32, #tpu.memory_space<vmem>>, vector<1x16xf32>,
          %swap3A_301 = vector.shape_cast %swap3A_300 : vector<1x16xf32> to vector<16xf32>
          %swap3A_302 = vector.shape_cast %div3A : vector<16xf32> to vector<1x16xf32>
          tpu.vector_store %arg23[%swap3A, %swap3A_299], %swap3A_302 {strides = array<i32>} : memref<128x16xf32, #tpu.memory_space<vmem>>, vector<1x16xf32>,
          %broadcast_in_dim3A = arith.constant 0.000000e+00 : f32
          %broadcast_in_dim3A_303 = vector.broadcast %broadcast_in_dim3A : f32 to vector<16xf32>
          %broadcast_in_dim3A_304 = arith.constant 0.000000e+00 : f32
          %broadcast_in_dim3A_305 = vector.broadcast %broadcast_in_dim3A_304 : f32 to vector<16xf32>
          %slice3A = vector.extract_strided_slice %div3A {offsets = [0], sizes = [1], strides = [1]} : vector<16xf32> to vector<1xf32>
          %squeeze3A = vector.extract %slice3A[0] : f32 from vector<1xf32>
          %get3A_306 = arith.index_cast %add3A_278 : i32 to index
          %get3A_307 = arith.constant 0 : index
          %get3A_308 = tpu.vector_load %arg20[%get3A_306, %get3A_307] {strides = array<i32>} : memref<128x128xi32, #tpu.memory_space<vmem>>, vector<1x16xi32>,
          %get3A_309 = vector.shape_cast %get3A_308 : vector<1x16xi32> to vector<16xi32>
          %shift_left3A = arith.constant 16 : i32
          %shift_left3A_310 = vector.broadcast %shift_left3A : i32 to vector<16xi32>
          %shift_left3A_311 = arith.shli %get3A_309, %shift_left3A_310 : vector<16xi32>
          %bitcast_convert_type3A = tpu.bitcast %shift_left3A_311 : vector<16xi32> -> vector<16xf32>
          %and3A_312 = arith.constant -65536 : i32
          %and3A_313 = vector.broadcast %and3A_312 : i32 to vector<16xi32>
          %and3A_314 = arith.andi %get3A_309, %and3A_313 : vector<16xi32>
          %bitcast_convert_type3A_315 = tpu.bitcast %and3A_314 : vector<16xi32> -> vector<16xf32>
          %mul3A_316 = vector.broadcast %squeeze3A : f32 to vector<16xf32>
          %mul3A_317 = arith.mulf %mul3A_316, %bitcast_convert_type3A : vector<16xf32>
          %add3A_318 = arith.addf %broadcast_in_dim3A_303, %mul3A_317 : vector<16xf32>
          %mul3A_319 = vector.broadcast %squeeze3A : f32 to vector<16xf32>
          %mul3A_320 = arith.mulf %mul3A_319, %bitcast_convert_type3A_315 : vector<16xf32>
          %add3A_321 = arith.addf %broadcast_in_dim3A_305, %mul3A_320 : vector<16xf32>
          %slice3A_322 = vector.extract_strided_slice %div3A {offsets = [1], sizes = [1], strides = [1]} : vector<16xf32> to vector<1xf32>
          %squeeze3A_323 = vector.extract %slice3A_322[0] : f32 from vector<1xf32>
          %get3A_324 = arith.index_cast %add3A_278 : i32 to index
          %get3A_325 = arith.constant 16 : index
          %get3A_326 = tpu.vector_load %arg20[%get3A_324, %get3A_325] {strides = array<i32>} : memref<128x128xi32, #tpu.memory_space<vmem>>, vector<1x16xi32>,
          %get3A_327 = vector.shape_cast %get3A_326 : vector<1x16xi32> to vector<16xi32>
          %shift_left3A_328 = arith.constant 16 : i32
          %shift_left3A_329 = vector.broadcast %shift_left3A_328 : i32 to vector<16xi32>
          %shift_left3A_330 = arith.shli %get3A_327, %shift_left3A_329 : vector<16xi32>
          %bitcast_convert_type3A_331 = tpu.bitcast %shift_left3A_330 : vector<16xi32> -> vector<16xf32>
          %and3A_332 = arith.constant -65536 : i32
          %and3A_333 = vector.broadcast %and3A_332 : i32 to vector<16xi32>
          %and3A_334 = arith.andi %get3A_327, %and3A_333 : vector<16xi32>
          %bitcast_convert_type3A_335 = tpu.bitcast %and3A_334 : vector<16xi32> -> vector<16xf32>
          %mul3A_336 = vector.broadcast %squeeze3A_323 : f32 to vector<16xf32>
          %mul3A_337 = arith.mulf %mul3A_336, %bitcast_convert_type3A_331 : vector<16xf32>
          %add3A_338 = arith.addf %add3A_318, %mul3A_337 : vector<16xf32>
          %mul3A_339 = vector.broadcast %squeeze3A_323 : f32 to vector<16xf32>
          %mul3A_340 = arith.mulf %mul3A_339, %bitcast_convert_type3A_335 : vector<16xf32>
          %add3A_341 = arith.addf %add3A_321, %mul3A_340 : vector<16xf32>
          %slice3A_342 = vector.extract_strided_slice %div3A {offsets = [2], sizes = [1], strides = [1]} : vector<16xf32> to vector<1xf32>
          %squeeze3A_343 = vector.extract %slice3A_342[0] : f32 from vector<1xf32>
          %get3A_344 = arith.index_cast %add3A_278 : i32 to index
          %get3A_345 = arith.constant 32 : index
          %get3A_346 = tpu.vector_load %arg20[%get3A_344, %get3A_345] {strides = array<i32>} : memref<128x128xi32, #tpu.memory_space<vmem>>, vector<1x16xi32>,
          %get3A_347 = vector.shape_cast %get3A_346 : vector<1x16xi32> to vector<16xi32>
          %shift_left3A_348 = arith.constant 16 : i32
          %shift_left3A_349 = vector.broadcast %shift_left3A_348 : i32 to vector<16xi32>
          %shift_left3A_350 = arith.shli %get3A_347, %shift_left3A_349 : vector<16xi32>
          %bitcast_convert_type3A_351 = tpu.bitcast %shift_left3A_350 : vector<16xi32> -> vector<16xf32>
          %and3A_352 = arith.constant -65536 : i32
          %and3A_353 = vector.broadcast %and3A_352 : i32 to vector<16xi32>
          %and3A_354 = arith.andi %get3A_347, %and3A_353 : vector<16xi32>
          %bitcast_convert_type3A_355 = tpu.bitcast %and3A_354 : vector<16xi32> -> vector<16xf32>
          %mul3A_356 = vector.broadcast %squeeze3A_343 : f32 to vector<16xf32>
          %mul3A_357 = arith.mulf %mul3A_356, %bitcast_convert_type3A_351 : vector<16xf32>
          %add3A_358 = arith.addf %add3A_338, %mul3A_357 : vector<16xf32>
          %mul3A_359 = vector.broadcast %squeeze3A_343 : f32 to vector<16xf32>
          %mul3A_360 = arith.mulf %mul3A_359, %bitcast_convert_type3A_355 : vector<16xf32>
          %add3A_361 = arith.addf %add3A_341, %mul3A_360 : vector<16xf32>
          %slice3A_362 = vector.extract_strided_slice %div3A {offsets = [3], sizes = [1], strides = [1]} : vector<16xf32> to vector<1xf32>
          %squeeze3A_363 = vector.extract %slice3A_362[0] : f32 from vector<1xf32>
          %get3A_364 = arith.index_cast %add3A_278 : i32 to index
          %get3A_365 = arith.constant 48 : index
          %get3A_366 = tpu.vector_load %arg20[%get3A_364, %get3A_365] {strides = array<i32>} : memref<128x128xi32, #tpu.memory_space<vmem>>, vector<1x16xi32>,
          %get3A_367 = vector.shape_cast %get3A_366 : vector<1x16xi32> to vector<16xi32>
          %shift_left3A_368 = arith.constant 16 : i32
          %shift_left3A_369 = vector.broadcast %shift_left3A_368 : i32 to vector<16xi32>
          %shift_left3A_370 = arith.shli %get3A_367, %shift_left3A_369 : vector<16xi32>
          %bitcast_convert_type3A_371 = tpu.bitcast %shift_left3A_370 : vector<16xi32> -> vector<16xf32>
          %and3A_372 = arith.constant -65536 : i32
          %and3A_373 = vector.broadcast %and3A_372 : i32 to vector<16xi32>
          %and3A_374 = arith.andi %get3A_367, %and3A_373 : vector<16xi32>
          %bitcast_convert_type3A_375 = tpu.bitcast %and3A_374 : vector<16xi32> -> vector<16xf32>
          %mul3A_376 = vector.broadcast %squeeze3A_363 : f32 to vector<16xf32>
          %mul3A_377 = arith.mulf %mul3A_376, %bitcast_convert_type3A_371 : vector<16xf32>
          %add3A_378 = arith.addf %add3A_358, %mul3A_377 : vector<16xf32>
          %mul3A_379 = vector.broadcast %squeeze3A_363 : f32 to vector<16xf32>
          %mul3A_380 = arith.mulf %mul3A_379, %bitcast_convert_type3A_375 : vector<16xf32>
          %add3A_381 = arith.addf %add3A_361, %mul3A_380 : vector<16xf32>
          %slice3A_382 = vector.extract_strided_slice %div3A {offsets = [4], sizes = [1], strides = [1]} : vector<16xf32> to vector<1xf32>
          %squeeze3A_383 = vector.extract %slice3A_382[0] : f32 from vector<1xf32>
          %get3A_384 = arith.index_cast %add3A_278 : i32 to index
          %get3A_385 = arith.constant 64 : index
          %get3A_386 = tpu.vector_load %arg20[%get3A_384, %get3A_385] {strides = array<i32>} : memref<128x128xi32, #tpu.memory_space<vmem>>, vector<1x16xi32>,
          %get3A_387 = vector.shape_cast %get3A_386 : vector<1x16xi32> to vector<16xi32>
          %shift_left3A_388 = arith.constant 16 : i32
          %shift_left3A_389 = vector.broadcast %shift_left3A_388 : i32 to vector<16xi32>
          %shift_left3A_390 = arith.shli %get3A_387, %shift_left3A_389 : vector<16xi32>
          %bitcast_convert_type3A_391 = tpu.bitcast %shift_left3A_390 : vector<16xi32> -> vector<16xf32>
          %and3A_392 = arith.constant -65536 : i32
          %and3A_393 = vector.broadcast %and3A_392 : i32 to vector<16xi32>
          %and3A_394 = arith.andi %get3A_387, %and3A_393 : vector<16xi32>
          %bitcast_convert_type3A_395 = tpu.bitcast %and3A_394 : vector<16xi32> -> vector<16xf32>
          %mul3A_396 = vector.broadcast %squeeze3A_383 : f32 to vector<16xf32>
          %mul3A_397 = arith.mulf %mul3A_396, %bitcast_convert_type3A_391 : vector<16xf32>
          %add3A_398 = arith.addf %add3A_378, %mul3A_397 : vector<16xf32>
          %mul3A_399 = vector.broadcast %squeeze3A_383 : f32 to vector<16xf32>
          %mul3A_400 = arith.mulf %mul3A_399, %bitcast_convert_type3A_395 : vector<16xf32>
          %add3A_401 = arith.addf %add3A_381, %mul3A_400 : vector<16xf32>
          %slice3A_402 = vector.extract_strided_slice %div3A {offsets = [5], sizes = [1], strides = [1]} : vector<16xf32> to vector<1xf32>
          %squeeze3A_403 = vector.extract %slice3A_402[0] : f32 from vector<1xf32>
          %get3A_404 = arith.index_cast %add3A_278 : i32 to index
          %get3A_405 = arith.constant 80 : index
          %get3A_406 = tpu.vector_load %arg20[%get3A_404, %get3A_405] {strides = array<i32>} : memref<128x128xi32, #tpu.memory_space<vmem>>, vector<1x16xi32>,
          %get3A_407 = vector.shape_cast %get3A_406 : vector<1x16xi32> to vector<16xi32>
          %shift_left3A_408 = arith.constant 16 : i32
          %shift_left3A_409 = vector.broadcast %shift_left3A_408 : i32 to vector<16xi32>
          %shift_left3A_410 = arith.shli %get3A_407, %shift_left3A_409 : vector<16xi32>
          %bitcast_convert_type3A_411 = tpu.bitcast %shift_left3A_410 : vector<16xi32> -> vector<16xf32>
          %and3A_412 = arith.constant -65536 : i32
          %and3A_413 = vector.broadcast %and3A_412 : i32 to vector<16xi32>
          %and3A_414 = arith.andi %get3A_407, %and3A_413 : vector<16xi32>
          %bitcast_convert_type3A_415 = tpu.bitcast %and3A_414 : vector<16xi32> -> vector<16xf32>
          %mul3A_416 = vector.broadcast %squeeze3A_403 : f32 to vector<16xf32>
          %mul3A_417 = arith.mulf %mul3A_416, %bitcast_convert_type3A_411 : vector<16xf32>
          %add3A_418 = arith.addf %add3A_398, %mul3A_417 : vector<16xf32>
          %mul3A_419 = vector.broadcast %squeeze3A_403 : f32 to vector<16xf32>
          %mul3A_420 = arith.mulf %mul3A_419, %bitcast_convert_type3A_415 : vector<16xf32>
          %add3A_421 = arith.addf %add3A_401, %mul3A_420 : vector<16xf32>
          %slice3A_422 = vector.extract_strided_slice %div3A {offsets = [6], sizes = [1], strides = [1]} : vector<16xf32> to vector<1xf32>
          %squeeze3A_423 = vector.extract %slice3A_422[0] : f32 from vector<1xf32>
          %get3A_424 = arith.index_cast %add3A_278 : i32 to index
          %get3A_425 = arith.constant 96 : index
          %get3A_426 = tpu.vector_load %arg20[%get3A_424, %get3A_425] {strides = array<i32>} : memref<128x128xi32, #tpu.memory_space<vmem>>, vector<1x16xi32>,
          %get3A_427 = vector.shape_cast %get3A_426 : vector<1x16xi32> to vector<16xi32>
          %shift_left3A_428 = arith.constant 16 : i32
          %shift_left3A_429 = vector.broadcast %shift_left3A_428 : i32 to vector<16xi32>
          %shift_left3A_430 = arith.shli %get3A_427, %shift_left3A_429 : vector<16xi32>
          %bitcast_convert_type3A_431 = tpu.bitcast %shift_left3A_430 : vector<16xi32> -> vector<16xf32>
          %and3A_432 = arith.constant -65536 : i32
          %and3A_433 = vector.broadcast %and3A_432 : i32 to vector<16xi32>
          %and3A_434 = arith.andi %get3A_427, %and3A_433 : vector<16xi32>
          %bitcast_convert_type3A_435 = tpu.bitcast %and3A_434 : vector<16xi32> -> vector<16xf32>
          %mul3A_436 = vector.broadcast %squeeze3A_423 : f32 to vector<16xf32>
          %mul3A_437 = arith.mulf %mul3A_436, %bitcast_convert_type3A_431 : vector<16xf32>
          %add3A_438 = arith.addf %add3A_418, %mul3A_437 : vector<16xf32>
          %mul3A_439 = vector.broadcast %squeeze3A_423 : f32 to vector<16xf32>
          %mul3A_440 = arith.mulf %mul3A_439, %bitcast_convert_type3A_435 : vector<16xf32>
          %add3A_441 = arith.addf %add3A_421, %mul3A_440 : vector<16xf32>
          %slice3A_442 = vector.extract_strided_slice %div3A {offsets = [7], sizes = [1], strides = [1]} : vector<16xf32> to vector<1xf32>
          %squeeze3A_443 = vector.extract %slice3A_442[0] : f32 from vector<1xf32>
          %get3A_444 = arith.index_cast %add3A_278 : i32 to index
          %get3A_445 = arith.constant 112 : index
          %get3A_446 = tpu.vector_load %arg20[%get3A_444, %get3A_445] {strides = array<i32>} : memref<128x128xi32, #tpu.memory_space<vmem>>, vector<1x16xi32>,
          %get3A_447 = vector.shape_cast %get3A_446 : vector<1x16xi32> to vector<16xi32>
          %shift_left3A_448 = arith.constant 16 : i32
          %shift_left3A_449 = vector.broadcast %shift_left3A_448 : i32 to vector<16xi32>
          %shift_left3A_450 = arith.shli %get3A_447, %shift_left3A_449 : vector<16xi32>
          %bitcast_convert_type3A_451 = tpu.bitcast %shift_left3A_450 : vector<16xi32> -> vector<16xf32>
          %and3A_452 = arith.constant -65536 : i32
          %and3A_453 = vector.broadcast %and3A_452 : i32 to vector<16xi32>
          %and3A_454 = arith.andi %get3A_447, %and3A_453 : vector<16xi32>
          %bitcast_convert_type3A_455 = tpu.bitcast %and3A_454 : vector<16xi32> -> vector<16xf32>
          %mul3A_456 = vector.broadcast %squeeze3A_443 : f32 to vector<16xf32>
          %mul3A_457 = arith.mulf %mul3A_456, %bitcast_convert_type3A_451 : vector<16xf32>
          %add3A_458 = arith.addf %add3A_438, %mul3A_457 : vector<16xf32>
          %mul3A_459 = vector.broadcast %squeeze3A_443 : f32 to vector<16xf32>
          %mul3A_460 = arith.mulf %mul3A_459, %bitcast_convert_type3A_455 : vector<16xf32>
          %add3A_461 = arith.addf %add3A_441, %mul3A_460 : vector<16xf32>
          %swap3A_462 = arith.index_cast %add3A_278 : i32 to index
          %swap3A_463 = arith.constant 0 : index
          %swap3A_464 = tpu.vector_load %arg24[%swap3A_462, %swap3A_463] {strides = array<i32>} : memref<128x32xf32, #tpu.memory_space<vmem>>, vector<1x16xf32>,
          %swap3A_465 = vector.shape_cast %swap3A_464 : vector<1x16xf32> to vector<16xf32>
          %swap3A_466 = vector.shape_cast %add3A_458 : vector<16xf32> to vector<1x16xf32>
          tpu.vector_store %arg24[%swap3A_462, %swap3A_463], %swap3A_466 {strides = array<i32>} : memref<128x32xf32, #tpu.memory_space<vmem>>, vector<1x16xf32>,
          %swap3A_467 = arith.index_cast %add3A_278 : i32 to index
          %swap3A_468 = arith.constant 16 : index
          %swap3A_469 = tpu.vector_load %arg24[%swap3A_467, %swap3A_468] {strides = array<i32>} : memref<128x32xf32, #tpu.memory_space<vmem>>, vector<1x16xf32>,
          %swap3A_470 = vector.shape_cast %swap3A_469 : vector<1x16xf32> to vector<16xf32>
          %swap3A_471 = vector.shape_cast %add3A_461 : vector<16xf32> to vector<1x16xf32>
          tpu.vector_store %arg24[%swap3A_467, %swap3A_468], %swap3A_471 {strides = array<i32>} : memref<128x32xf32, #tpu.memory_space<vmem>>, vector<1x16xf32>,
        }
        %scan3A_254 = arith.constant 128 : i32
        %dma_start3A_255 = arith.constant 1 : i32
        %dma_start3A_256 = arith.constant 0 : i32
        %dma_start3A_257 = tpu.memref_slice %arg12[%dma_start3A_255, %dma_start3A_256] : memref<2x128xi32, #tpu.memory_space<vmem>> -> memref<1x128xi32, #tpu.memory_space<vmem>>
        %dma_start3A_258 = tpu.memref_squeeze %dma_start3A_257 : memref<1x128xi32, #tpu.memory_space<vmem>> -> memref<128xi32, #tpu.memory_space<vmem>>
        %dma_start3A_259 = arith.constant 0 : i32
        %dma_start3A_260 = arith.constant 0 : i32
        %dma_start3A_261 = tpu.memref_slice %arg9[%dma_start3A_259, %dma_start3A_260] : memref<10112x32xf32, #tpu.memory_space<vmem_shared>> -> memref<10112x32xf32, #tpu.memory_space<vmem_shared>>
        tpu.enqueue_indirect_dma source(%arg24 : memref<128x32xf32, #tpu.memory_space<vmem>>) target(%dma_start3A_261 : memref<10112x32xf32, #tpu.memory_space<vmem_shared>>) offsets(%dma_start3A_258 : memref<128xi32, #tpu.memory_space<vmem>>) semaphore(%arg32 : memref<!tpu.dma_semaphore, #tpu.memory_space<semaphore_mem>>) {add = true}
        %dma_start3A_262 = arith.constant 0 : i32
        %dma_start3A_263 = arith.constant 0 : i32
        %dma_start3A_264 = tpu.memref_slice %arg12[%dma_start3A_262, %dma_start3A_263] : memref<2x128xi32, #tpu.memory_space<vmem>> -> memref<1x128xi32, #tpu.memory_space<vmem>>
        %dma_start3A_265 = tpu.memref_squeeze %dma_start3A_264 : memref<1x128xi32, #tpu.memory_space<vmem>> -> memref<128xi32, #tpu.memory_space<vmem>>
        %dma_start3A_266 = arith.constant 0 : i32
        %dma_start3A_267 = arith.constant 0 : i32
        %dma_start3A_268 = tpu.memref_slice %arg10[%dma_start3A_266, %dma_start3A_267] : memref<10112x16xf32, #tpu.memory_space<vmem_shared>> -> memref<10112x16xf32, #tpu.memory_space<vmem_shared>>
        tpu.enqueue_indirect_dma source(%arg23 : memref<128x16xf32, #tpu.memory_space<vmem>>) target(%dma_start3A_268 : memref<10112x16xf32, #tpu.memory_space<vmem_shared>>) offsets(%dma_start3A_265 : memref<128xi32, #tpu.memory_space<vmem>>) semaphore(%arg32 : memref<!tpu.dma_semaphore, #tpu.memory_space<semaphore_mem>>) {add = true}
        %lt3A_269 = arith.constant 80 : i32
        %lt3A_270 = arith.cmpi slt, %add3A_177, %lt3A_269 : i32
        %convert_element_type3A_271 = arith.extui %lt3A_270 : i1 to i32
        %cond3A_272 = arith.constant 0 : i32
        %cond3A_273 = arith.cmpi ne, %convert_element_type3A_271, %cond3A_272 : i32
        scf.if %cond3A_273 {
          %add3A_274 = arith.constant 2 : i32
          %add3A_275 = arith.addi %add3A_177, %add3A_274 : i32
          %add3A_276 = arith.addi %mul3A_40, %add3A_275 : i32
          %dma_start3A_277 = arith.constant 0 : i32
          %dma_start3A_278 = arith.constant 0 : i32
          %dma_start3A_279 = tpu.memref_slice %arg2[%add3A_276, %dma_start3A_277, %dma_start3A_278] : memref<2624x2x128xi32, #tpu.memory_space<hbm>> -> memref<1x2x128xi32, #tpu.memory_space<hbm>>
          %dma_start3A_280 = tpu.memref_squeeze %dma_start3A_279 : memref<1x2x128xi32, #tpu.memory_space<hbm>> -> memref<2x128xi32, #tpu.memory_space<hbm>>
          %dma_start3A_281 = arith.constant 0 : i32
          %dma_start3A_282 = arith.constant 0 : i32
          %dma_start3A_283 = tpu.memref_slice %arg2[%add3A_276, %dma_start3A_281, %dma_start3A_282] : memref<2624x2x128xi32, #tpu.memory_space<hbm>> -> memref<1x2x128xi32, #tpu.memory_space<hbm>>
          %dma_start3A_284 = tpu.memref_squeeze %dma_start3A_283 : memref<1x2x128xi32, #tpu.memory_space<hbm>> -> memref<2x128xi32, #tpu.memory_space<hbm>>
          tpu.enqueue_dma source(%dma_start3A_284 : memref<2x128xi32, #tpu.memory_space<hbm>>) target(%arg14 : memref<2x128xi32, #tpu.memory_space<vmem>>) target_semaphore(%arg28 : memref<!tpu.dma_semaphore, #tpu.memory_space<semaphore_mem>>)
        } else {
        }
      } else {
      }
      %jit3A_199 = arith.constant 2 : i32
      %eq3A_200 = arith.constant 0 : i32
      %eq3A_201 = arith.cmpi eq, %jit3A_199, %eq3A_200 : i32
      %jit3A_202 = arith.constant 1 : i32
      %select_n3A_203 = arith.select %eq3A_201, %jit3A_202, %jit3A_199 : i32
      %rem3A_204 = arith.remsi %add3A_136, %select_n3A_203 : i32
      %ne3A_205 = arith.constant 0 : i32
      %ne3A_206 = arith.cmpi ne, %rem3A_204, %ne3A_205 : i32
      %lt3A_207 = arith.constant 0 : i32
      %lt3A_208 = arith.cmpi slt, %rem3A_204, %lt3A_207 : i32
      %lt3A_209 = arith.constant 0 : i32
      %lt3A_210 = arith.cmpi slt, %select_n3A_203, %lt3A_209 : i32
      %ne3A_211 = arith.xori %lt3A_208, %lt3A_210 : i1
      %and3A_212 = arith.andi %ne3A_211, %ne3A_206 : i1
      %add3A_213 = arith.addi %rem3A_204, %select_n3A_203 : i32
      %select_n3A_214 = arith.select %and3A_212, %add3A_213, %rem3A_204 : i32
      %eq3A_215 = arith.constant 1 : i32
      %eq3A_216 = arith.cmpi eq, %select_n3A_214, %eq3A_215 : i32
      %convert_element_type3A_217 = arith.extui %eq3A_216 : i1 to i32
      %cond3A_218 = arith.constant 0 : i32
      %cond3A_219 = arith.cmpi ne, %convert_element_type3A_217, %cond3A_218 : i32
      scf.if %cond3A_219 {
        %dma_wait3A_220 = arith.constant 0 : i32
        %dma_wait3A_221 = arith.constant 0 : i32
        %dma_wait3A_222 = tpu.memref_slice %arg14[%dma_wait3A_220, %dma_wait3A_221] : memref<2x128xi32, #tpu.memory_space<vmem>> -> memref<1x128xi32, #tpu.memory_space<vmem>>
        %dma_wait3A_223 = tpu.memref_squeeze %dma_wait3A_222 : memref<1x128xi32, #tpu.memory_space<vmem>> -> memref<128xi32, #tpu.memory_space<vmem>>
        %dma_wait3A_224 = arith.constant 0 : i32
        %dma_wait3A_225 = arith.constant 0 : i32
        %dma_wait3A_226 = tpu.memref_slice %arg3[%dma_wait3A_224, %dma_wait3A_225] : memref<10112x16xf32, #tpu.memory_space<hbm>> -> memref<10112x16xf32, #tpu.memory_space<hbm>>
        tpu.wait_indirect_dma semaphore(%arg30 : memref<!tpu.dma_semaphore, #tpu.memory_space<semaphore_mem>>) src(%dma_wait3A_226 : memref<10112x16xf32, #tpu.memory_space<hbm>>) dst(%arg18 : memref<128x16xf32, #tpu.memory_space<vmem>>)
        %dma_wait3A_227 = arith.constant 1 : i32
        %dma_wait3A_228 = arith.constant 0 : i32
        %dma_wait3A_229 = tpu.memref_slice %arg14[%dma_wait3A_227, %dma_wait3A_228] : memref<2x128xi32, #tpu.memory_space<vmem>> -> memref<1x128xi32, #tpu.memory_space<vmem>>
        %dma_wait3A_230 = tpu.memref_squeeze %dma_wait3A_229 : memref<1x128xi32, #tpu.memory_space<vmem>> -> memref<128xi32, #tpu.memory_space<vmem>>
        %dma_wait3A_231 = arith.constant 0 : i32
        %dma_wait3A_232 = arith.constant 0 : i32
        %dma_wait3A_233 = tpu.memref_slice %arg4[%dma_wait3A_231, %dma_wait3A_232] : memref<10112x32xf32, #tpu.memory_space<hbm>> -> memref<10112x32xf32, #tpu.memory_space<hbm>>
        tpu.wait_indirect_dma semaphore(%arg30 : memref<!tpu.dma_semaphore, #tpu.memory_space<semaphore_mem>>) src(%dma_wait3A_233 : memref<10112x32xf32, #tpu.memory_space<hbm>>) dst(%arg19 : memref<128x32xf32, #tpu.memory_space<vmem>>)
        %dma_wait3A_234 = arith.constant 0 : i32
        %dma_wait3A_235 = arith.constant 0 : i32
        %dma_wait3A_236 = tpu.memref_slice %arg14[%dma_wait3A_234, %dma_wait3A_235] : memref<2x128xi32, #tpu.memory_space<vmem>> -> memref<1x128xi32, #tpu.memory_space<vmem>>
        %dma_wait3A_237 = tpu.memref_squeeze %dma_wait3A_236 : memref<1x128xi32, #tpu.memory_space<vmem>> -> memref<128xi32, #tpu.memory_space<vmem>>
        %dma_wait3A_238 = arith.constant 0 : i32
        %dma_wait3A_239 = arith.constant 0 : i32
        %dma_wait3A_240 = tpu.memref_slice %arg5[%dma_wait3A_238, %dma_wait3A_239] : memref<10112x128xi32, #tpu.memory_space<hbm>> -> memref<10112x128xi32, #tpu.memory_space<hbm>>
        tpu.wait_indirect_dma semaphore(%arg30 : memref<!tpu.dma_semaphore, #tpu.memory_space<semaphore_mem>>) src(%dma_wait3A_240 : memref<10112x128xi32, #tpu.memory_space<hbm>>) dst(%arg20 : memref<128x128xi32, #tpu.memory_space<vmem>>)
        %ge3A = arith.constant 2 : i32
        %ge3A_241 = arith.cmpi sge, %add3A_177, %ge3A : i32
        %convert_element_type3A_242 = arith.extui %ge3A_241 : i1 to i32
        %cond3A_243 = arith.constant 0 : i32
        %cond3A_244 = arith.cmpi ne, %convert_element_type3A_242, %cond3A_243 : i32
        scf.if %cond3A_244 {
          %dma_wait3A_274 = arith.constant 1 : i32
          %dma_wait3A_275 = arith.constant 0 : i32
          %dma_wait3A_276 = tpu.memref_slice %arg12[%dma_wait3A_274, %dma_wait3A_275] : memref<2x128xi32, #tpu.memory_space<vmem>> -> memref<1x128xi32, #tpu.memory_space<vmem>>
          %dma_wait3A_277 = tpu.memref_squeeze %dma_wait3A_276 : memref<1x128xi32, #tpu.memory_space<vmem>> -> memref<128xi32, #tpu.memory_space<vmem>>
          %dma_wait3A_278 = arith.constant 0 : i32
          %dma_wait3A_279 = arith.constant 0 : i32
          %dma_wait3A_280 = tpu.memref_slice %arg9[%dma_wait3A_278, %dma_wait3A_279] : memref<10112x32xf32, #tpu.memory_space<vmem_shared>> -> memref<10112x32xf32, #tpu.memory_space<vmem_shared>>
          tpu.wait_indirect_dma semaphore(%arg32 : memref<!tpu.dma_semaphore, #tpu.memory_space<semaphore_mem>>) src(%arg24 : memref<128x32xf32, #tpu.memory_space<vmem>>) dst(%dma_wait3A_280 : memref<10112x32xf32, #tpu.memory_space<vmem_shared>>)
          %dma_wait3A_281 = arith.constant 0 : i32
          %dma_wait3A_282 = arith.constant 0 : i32
          %dma_wait3A_283 = tpu.memref_slice %arg12[%dma_wait3A_281, %dma_wait3A_282] : memref<2x128xi32, #tpu.memory_space<vmem>> -> memref<1x128xi32, #tpu.memory_space<vmem>>
          %dma_wait3A_284 = tpu.memref_squeeze %dma_wait3A_283 : memref<1x128xi32, #tpu.memory_space<vmem>> -> memref<128xi32, #tpu.memory_space<vmem>>
          %dma_wait3A_285 = arith.constant 0 : i32
          %dma_wait3A_286 = arith.constant 0 : i32
          %dma_wait3A_287 = tpu.memref_slice %arg10[%dma_wait3A_285, %dma_wait3A_286] : memref<10112x16xf32, #tpu.memory_space<vmem_shared>> -> memref<10112x16xf32, #tpu.memory_space<vmem_shared>>
          tpu.wait_indirect_dma semaphore(%arg32 : memref<!tpu.dma_semaphore, #tpu.memory_space<semaphore_mem>>) src(%arg23 : memref<128x16xf32, #tpu.memory_space<vmem>>) dst(%dma_wait3A_287 : memref<10112x16xf32, #tpu.memory_space<vmem_shared>>)
        } else {
        }
        %lt3A_245 = arith.constant 81 : i32
        %lt3A_246 = arith.cmpi slt, %add3A_177, %lt3A_245 : i32
        %convert_element_type3A_247 = arith.extui %lt3A_246 : i1 to i32
        %cond3A_248 = arith.constant 0 : i32
        %cond3A_249 = arith.cmpi ne, %convert_element_type3A_247, %cond3A_248 : i32
        scf.if %cond3A_249 {
          %add3A_274 = arith.constant 1 : i32
          %add3A_275 = arith.addi %add3A_177, %add3A_274 : i32
          %add3A_276 = arith.addi %mul3A_40, %add3A_275 : i32
          %dma_wait3A_277 = arith.constant 0 : i32
          %dma_wait3A_278 = arith.constant 0 : i32
          %dma_wait3A_279 = tpu.memref_slice %arg2[%add3A_276, %dma_wait3A_277, %dma_wait3A_278] : memref<2624x2x128xi32, #tpu.memory_space<hbm>> -> memref<1x2x128xi32, #tpu.memory_space<hbm>>
          %dma_wait3A_280 = tpu.memref_squeeze %dma_wait3A_279 : memref<1x2x128xi32, #tpu.memory_space<hbm>> -> memref<2x128xi32, #tpu.memory_space<hbm>>
          %dma_wait3A_281 = arith.constant 0 : i32
          %dma_wait3A_282 = arith.constant 0 : i32
          %dma_wait3A_283 = tpu.memref_slice %arg2[%add3A_276, %dma_wait3A_281, %dma_wait3A_282] : memref<2624x2x128xi32, #tpu.memory_space<hbm>> -> memref<1x2x128xi32, #tpu.memory_space<hbm>>
          %dma_wait3A_284 = tpu.memref_squeeze %dma_wait3A_283 : memref<1x2x128xi32, #tpu.memory_space<hbm>> -> memref<2x128xi32, #tpu.memory_space<hbm>>
          tpu.wait_dma2 semaphore(%arg28 : memref<!tpu.dma_semaphore, #tpu.memory_space<semaphore_mem>>) src(%dma_wait3A_284 : memref<2x128xi32, #tpu.memory_space<hbm>>) dst(%arg11 : memref<2x128xi32, #tpu.memory_space<vmem>>)
          %dma_start3A_285 = arith.constant 0 : i32
          %dma_start3A_286 = arith.constant 0 : i32
          %dma_start3A_287 = tpu.memref_slice %arg11[%dma_start3A_285, %dma_start3A_286] : memref<2x128xi32, #tpu.memory_space<vmem>> -> memref<1x128xi32, #tpu.memory_space<vmem>>
          %dma_start3A_288 = tpu.memref_squeeze %dma_start3A_287 : memref<1x128xi32, #tpu.memory_space<vmem>> -> memref<128xi32, #tpu.memory_space<vmem>>
          %dma_start3A_289 = arith.constant 0 : i32
          %dma_start3A_290 = arith.constant 0 : i32
          %dma_start3A_291 = tpu.memref_slice %arg3[%dma_start3A_289, %dma_start3A_290] : memref<10112x16xf32, #tpu.memory_space<hbm>> -> memref<10112x16xf32, #tpu.memory_space<hbm>>
          tpu.enqueue_indirect_dma source(%dma_start3A_291 : memref<10112x16xf32, #tpu.memory_space<hbm>>) target(%arg15 : memref<128x16xf32, #tpu.memory_space<vmem>>) offsets(%dma_start3A_288 : memref<128xi32, #tpu.memory_space<vmem>>) semaphore(%arg29 : memref<!tpu.dma_semaphore, #tpu.memory_space<semaphore_mem>>)
          %dma_start3A_292 = arith.constant 1 : i32
          %dma_start3A_293 = arith.constant 0 : i32
          %dma_start3A_294 = tpu.memref_slice %arg11[%dma_start3A_292, %dma_start3A_293] : memref<2x128xi32, #tpu.memory_space<vmem>> -> memref<1x128xi32, #tpu.memory_space<vmem>>
          %dma_start3A_295 = tpu.memref_squeeze %dma_start3A_294 : memref<1x128xi32, #tpu.memory_space<vmem>> -> memref<128xi32, #tpu.memory_space<vmem>>
          %dma_start3A_296 = arith.constant 0 : i32
          %dma_start3A_297 = arith.constant 0 : i32
          %dma_start3A_298 = tpu.memref_slice %arg4[%dma_start3A_296, %dma_start3A_297] : memref<10112x32xf32, #tpu.memory_space<hbm>> -> memref<10112x32xf32, #tpu.memory_space<hbm>>
          tpu.enqueue_indirect_dma source(%dma_start3A_298 : memref<10112x32xf32, #tpu.memory_space<hbm>>) target(%arg16 : memref<128x32xf32, #tpu.memory_space<vmem>>) offsets(%dma_start3A_295 : memref<128xi32, #tpu.memory_space<vmem>>) semaphore(%arg29 : memref<!tpu.dma_semaphore, #tpu.memory_space<semaphore_mem>>)
          %dma_start3A_299 = arith.constant 0 : i32
          %dma_start3A_300 = arith.constant 0 : i32
          %dma_start3A_301 = tpu.memref_slice %arg11[%dma_start3A_299, %dma_start3A_300] : memref<2x128xi32, #tpu.memory_space<vmem>> -> memref<1x128xi32, #tpu.memory_space<vmem>>
          %dma_start3A_302 = tpu.memref_squeeze %dma_start3A_301 : memref<1x128xi32, #tpu.memory_space<vmem>> -> memref<128xi32, #tpu.memory_space<vmem>>
          %dma_start3A_303 = arith.constant 0 : i32
          %dma_start3A_304 = arith.constant 0 : i32
          %dma_start3A_305 = tpu.memref_slice %arg5[%dma_start3A_303, %dma_start3A_304] : memref<10112x128xi32, #tpu.memory_space<hbm>> -> memref<10112x128xi32, #tpu.memory_space<hbm>>
          tpu.enqueue_indirect_dma source(%dma_start3A_305 : memref<10112x128xi32, #tpu.memory_space<hbm>>) target(%arg17 : memref<128x128xi32, #tpu.memory_space<vmem>>) offsets(%dma_start3A_302 : memref<128xi32, #tpu.memory_space<vmem>>) semaphore(%arg29 : memref<!tpu.dma_semaphore, #tpu.memory_space<semaphore_mem>>)
        } else {
        }
        %scan3A_250 = arith.constant 0 : i32
        %scan3A_251 = arith.constant 128 : i32
        %scan3A_252 = arith.addi %scan3A_250, %scan3A_251 : i32
        %scan3A_253 = arith.constant 1 : i32
        scf.for %scan3A_274 = %scan3A_250 to %scan3A_252 step %scan3A_253  : i32 {
          %mul3A_275 = arith.constant 1 : i32
          %mul3A_276 = arith.muli %scan3A_274, %mul3A_275 : i32
          %add3A_277 = arith.constant 0 : i32
          %add3A_278 = arith.addi %add3A_277, %mul3A_276 : i32
          %get3A_279 = arith.index_cast %add3A_278 : i32 to index
          %get3A_280 = arith.constant 0 : index
          %get3A_281 = tpu.vector_load %arg18[%get3A_279, %get3A_280] {strides = array<i32>} : memref<128x16xf32, #tpu.memory_space<vmem>>, vector<1x16xf32>,
          %get3A_282 = vector.shape_cast %get3A_281 : vector<1x16xf32> to vector<16xf32>
          %get3A_283 = arith.index_cast %add3A_278 : i32 to index
          %get3A_284 = arith.constant 0 : index
          %get3A_285 = tpu.vector_load %arg19[%get3A_283, %get3A_284] {strides = array<i32>} : memref<128x32xf32, #tpu.memory_space<vmem>>, vector<1x16xf32>,
          %get3A_286 = vector.shape_cast %get3A_285 : vector<1x16xf32> to vector<16xf32>
          %add3A_287 = arith.addf %get3A_282, %get3A_286 : vector<16xf32>
          %ge3A_288 = arith.constant 0.000000e+00 : f32
          %ge3A_289 = vector.broadcast %ge3A_288 : f32 to vector<16xf32>
          %ge3A_290 = arith.cmpf oge, %add3A_287, %ge3A_289 : vector<16xf32>
          %mul3A_291 = arith.constant 2.000000e-01 : f32
          %mul3A_292 = vector.broadcast %mul3A_291 : f32 to vector<16xf32>
          %mul3A_293 = arith.mulf %mul3A_292, %add3A_287 : vector<16xf32>
          %select_n3A_294 = arith.select %ge3A_290, %add3A_287, %mul3A_293 : vector<16xi1>, vector<16xf32>
          %sub3A = arith.subf %select_n3A_294, %get3A_38 : vector<16xf32>
          %exp3A = math.exp %sub3A : vector<16xf32>
          %get3A_295 = arith.index_cast %add3A_278 : i32 to index
          %get3A_296 = arith.constant 16 : index
          %get3A_297 = tpu.vector_load %arg19[%get3A_295, %get3A_296] {strides = array<i32>} : memref<128x32xf32, #tpu.memory_space<vmem>>, vector<1x16xf32>,
          %get3A_298 = vector.shape_cast %get3A_297 : vector<1x16xf32> to vector<16xf32>
          %div3A = arith.divf %exp3A, %get3A_298 : vector<16xf32>
          %swap3A = arith.index_cast %add3A_278 : i32 to index
          %swap3A_299 = arith.constant 0 : index
          %swap3A_300 = tpu.vector_load %arg23[%swap3A, %swap3A_299] {strides = array<i32>} : memref<128x16xf32, #tpu.memory_space<vmem>>, vector<1x16xf32>,
          %swap3A_301 = vector.shape_cast %swap3A_300 : vector<1x16xf32> to vector<16xf32>
          %swap3A_302 = vector.shape_cast %div3A : vector<16xf32> to vector<1x16xf32>
          tpu.vector_store %arg23[%swap3A, %swap3A_299], %swap3A_302 {strides = array<i32>} : memref<128x16xf32, #tpu.memory_space<vmem>>, vector<1x16xf32>,
          %broadcast_in_dim3A = arith.constant 0.000000e+00 : f32
          %broadcast_in_dim3A_303 = vector.broadcast %broadcast_in_dim3A : f32 to vector<16xf32>
          %broadcast_in_dim3A_304 = arith.constant 0.000000e+00 : f32
          %broadcast_in_dim3A_305 = vector.broadcast %broadcast_in_dim3A_304 : f32 to vector<16xf32>
          %slice3A = vector.extract_strided_slice %div3A {offsets = [0], sizes = [1], strides = [1]} : vector<16xf32> to vector<1xf32>
          %squeeze3A = vector.extract %slice3A[0] : f32 from vector<1xf32>
          %get3A_306 = arith.index_cast %add3A_278 : i32 to index
          %get3A_307 = arith.constant 0 : index
          %get3A_308 = tpu.vector_load %arg20[%get3A_306, %get3A_307] {strides = array<i32>} : memref<128x128xi32, #tpu.memory_space<vmem>>, vector<1x16xi32>,
          %get3A_309 = vector.shape_cast %get3A_308 : vector<1x16xi32> to vector<16xi32>
          %shift_left3A = arith.constant 16 : i32
          %shift_left3A_310 = vector.broadcast %shift_left3A : i32 to vector<16xi32>
          %shift_left3A_311 = arith.shli %get3A_309, %shift_left3A_310 : vector<16xi32>
          %bitcast_convert_type3A = tpu.bitcast %shift_left3A_311 : vector<16xi32> -> vector<16xf32>
          %and3A_312 = arith.constant -65536 : i32
          %and3A_313 = vector.broadcast %and3A_312 : i32 to vector<16xi32>
          %and3A_314 = arith.andi %get3A_309, %and3A_313 : vector<16xi32>
          %bitcast_convert_type3A_315 = tpu.bitcast %and3A_314 : vector<16xi32> -> vector<16xf32>
          %mul3A_316 = vector.broadcast %squeeze3A : f32 to vector<16xf32>
          %mul3A_317 = arith.mulf %mul3A_316, %bitcast_convert_type3A : vector<16xf32>
          %add3A_318 = arith.addf %broadcast_in_dim3A_303, %mul3A_317 : vector<16xf32>
          %mul3A_319 = vector.broadcast %squeeze3A : f32 to vector<16xf32>
          %mul3A_320 = arith.mulf %mul3A_319, %bitcast_convert_type3A_315 : vector<16xf32>
          %add3A_321 = arith.addf %broadcast_in_dim3A_305, %mul3A_320 : vector<16xf32>
          %slice3A_322 = vector.extract_strided_slice %div3A {offsets = [1], sizes = [1], strides = [1]} : vector<16xf32> to vector<1xf32>
          %squeeze3A_323 = vector.extract %slice3A_322[0] : f32 from vector<1xf32>
          %get3A_324 = arith.index_cast %add3A_278 : i32 to index
          %get3A_325 = arith.constant 16 : index
          %get3A_326 = tpu.vector_load %arg20[%get3A_324, %get3A_325] {strides = array<i32>} : memref<128x128xi32, #tpu.memory_space<vmem>>, vector<1x16xi32>,
          %get3A_327 = vector.shape_cast %get3A_326 : vector<1x16xi32> to vector<16xi32>
          %shift_left3A_328 = arith.constant 16 : i32
          %shift_left3A_329 = vector.broadcast %shift_left3A_328 : i32 to vector<16xi32>
          %shift_left3A_330 = arith.shli %get3A_327, %shift_left3A_329 : vector<16xi32>
          %bitcast_convert_type3A_331 = tpu.bitcast %shift_left3A_330 : vector<16xi32> -> vector<16xf32>
          %and3A_332 = arith.constant -65536 : i32
          %and3A_333 = vector.broadcast %and3A_332 : i32 to vector<16xi32>
          %and3A_334 = arith.andi %get3A_327, %and3A_333 : vector<16xi32>
          %bitcast_convert_type3A_335 = tpu.bitcast %and3A_334 : vector<16xi32> -> vector<16xf32>
          %mul3A_336 = vector.broadcast %squeeze3A_323 : f32 to vector<16xf32>
          %mul3A_337 = arith.mulf %mul3A_336, %bitcast_convert_type3A_331 : vector<16xf32>
          %add3A_338 = arith.addf %add3A_318, %mul3A_337 : vector<16xf32>
          %mul3A_339 = vector.broadcast %squeeze3A_323 : f32 to vector<16xf32>
          %mul3A_340 = arith.mulf %mul3A_339, %bitcast_convert_type3A_335 : vector<16xf32>
          %add3A_341 = arith.addf %add3A_321, %mul3A_340 : vector<16xf32>
          %slice3A_342 = vector.extract_strided_slice %div3A {offsets = [2], sizes = [1], strides = [1]} : vector<16xf32> to vector<1xf32>
          %squeeze3A_343 = vector.extract %slice3A_342[0] : f32 from vector<1xf32>
          %get3A_344 = arith.index_cast %add3A_278 : i32 to index
          %get3A_345 = arith.constant 32 : index
          %get3A_346 = tpu.vector_load %arg20[%get3A_344, %get3A_345] {strides = array<i32>} : memref<128x128xi32, #tpu.memory_space<vmem>>, vector<1x16xi32>,
          %get3A_347 = vector.shape_cast %get3A_346 : vector<1x16xi32> to vector<16xi32>
          %shift_left3A_348 = arith.constant 16 : i32
          %shift_left3A_349 = vector.broadcast %shift_left3A_348 : i32 to vector<16xi32>
          %shift_left3A_350 = arith.shli %get3A_347, %shift_left3A_349 : vector<16xi32>
          %bitcast_convert_type3A_351 = tpu.bitcast %shift_left3A_350 : vector<16xi32> -> vector<16xf32>
          %and3A_352 = arith.constant -65536 : i32
          %and3A_353 = vector.broadcast %and3A_352 : i32 to vector<16xi32>
          %and3A_354 = arith.andi %get3A_347, %and3A_353 : vector<16xi32>
          %bitcast_convert_type3A_355 = tpu.bitcast %and3A_354 : vector<16xi32> -> vector<16xf32>
          %mul3A_356 = vector.broadcast %squeeze3A_343 : f32 to vector<16xf32>
          %mul3A_357 = arith.mulf %mul3A_356, %bitcast_convert_type3A_351 : vector<16xf32>
          %add3A_358 = arith.addf %add3A_338, %mul3A_357 : vector<16xf32>
          %mul3A_359 = vector.broadcast %squeeze3A_343 : f32 to vector<16xf32>
          %mul3A_360 = arith.mulf %mul3A_359, %bitcast_convert_type3A_355 : vector<16xf32>
          %add3A_361 = arith.addf %add3A_341, %mul3A_360 : vector<16xf32>
          %slice3A_362 = vector.extract_strided_slice %div3A {offsets = [3], sizes = [1], strides = [1]} : vector<16xf32> to vector<1xf32>
          %squeeze3A_363 = vector.extract %slice3A_362[0] : f32 from vector<1xf32>
          %get3A_364 = arith.index_cast %add3A_278 : i32 to index
          %get3A_365 = arith.constant 48 : index
          %get3A_366 = tpu.vector_load %arg20[%get3A_364, %get3A_365] {strides = array<i32>} : memref<128x128xi32, #tpu.memory_space<vmem>>, vector<1x16xi32>,
          %get3A_367 = vector.shape_cast %get3A_366 : vector<1x16xi32> to vector<16xi32>
          %shift_left3A_368 = arith.constant 16 : i32
          %shift_left3A_369 = vector.broadcast %shift_left3A_368 : i32 to vector<16xi32>
          %shift_left3A_370 = arith.shli %get3A_367, %shift_left3A_369 : vector<16xi32>
          %bitcast_convert_type3A_371 = tpu.bitcast %shift_left3A_370 : vector<16xi32> -> vector<16xf32>
          %and3A_372 = arith.constant -65536 : i32
          %and3A_373 = vector.broadcast %and3A_372 : i32 to vector<16xi32>
          %and3A_374 = arith.andi %get3A_367, %and3A_373 : vector<16xi32>
          %bitcast_convert_type3A_375 = tpu.bitcast %and3A_374 : vector<16xi32> -> vector<16xf32>
          %mul3A_376 = vector.broadcast %squeeze3A_363 : f32 to vector<16xf32>
          %mul3A_377 = arith.mulf %mul3A_376, %bitcast_convert_type3A_371 : vector<16xf32>
          %add3A_378 = arith.addf %add3A_358, %mul3A_377 : vector<16xf32>
          %mul3A_379 = vector.broadcast %squeeze3A_363 : f32 to vector<16xf32>
          %mul3A_380 = arith.mulf %mul3A_379, %bitcast_convert_type3A_375 : vector<16xf32>
          %add3A_381 = arith.addf %add3A_361, %mul3A_380 : vector<16xf32>
          %slice3A_382 = vector.extract_strided_slice %div3A {offsets = [4], sizes = [1], strides = [1]} : vector<16xf32> to vector<1xf32>
          %squeeze3A_383 = vector.extract %slice3A_382[0] : f32 from vector<1xf32>
          %get3A_384 = arith.index_cast %add3A_278 : i32 to index
          %get3A_385 = arith.constant 64 : index
          %get3A_386 = tpu.vector_load %arg20[%get3A_384, %get3A_385] {strides = array<i32>} : memref<128x128xi32, #tpu.memory_space<vmem>>, vector<1x16xi32>,
          %get3A_387 = vector.shape_cast %get3A_386 : vector<1x16xi32> to vector<16xi32>
          %shift_left3A_388 = arith.constant 16 : i32
          %shift_left3A_389 = vector.broadcast %shift_left3A_388 : i32 to vector<16xi32>
          %shift_left3A_390 = arith.shli %get3A_387, %shift_left3A_389 : vector<16xi32>
          %bitcast_convert_type3A_391 = tpu.bitcast %shift_left3A_390 : vector<16xi32> -> vector<16xf32>
          %and3A_392 = arith.constant -65536 : i32
          %and3A_393 = vector.broadcast %and3A_392 : i32 to vector<16xi32>
          %and3A_394 = arith.andi %get3A_387, %and3A_393 : vector<16xi32>
          %bitcast_convert_type3A_395 = tpu.bitcast %and3A_394 : vector<16xi32> -> vector<16xf32>
          %mul3A_396 = vector.broadcast %squeeze3A_383 : f32 to vector<16xf32>
          %mul3A_397 = arith.mulf %mul3A_396, %bitcast_convert_type3A_391 : vector<16xf32>
          %add3A_398 = arith.addf %add3A_378, %mul3A_397 : vector<16xf32>
          %mul3A_399 = vector.broadcast %squeeze3A_383 : f32 to vector<16xf32>
          %mul3A_400 = arith.mulf %mul3A_399, %bitcast_convert_type3A_395 : vector<16xf32>
          %add3A_401 = arith.addf %add3A_381, %mul3A_400 : vector<16xf32>
          %slice3A_402 = vector.extract_strided_slice %div3A {offsets = [5], sizes = [1], strides = [1]} : vector<16xf32> to vector<1xf32>
          %squeeze3A_403 = vector.extract %slice3A_402[0] : f32 from vector<1xf32>
          %get3A_404 = arith.index_cast %add3A_278 : i32 to index
          %get3A_405 = arith.constant 80 : index
          %get3A_406 = tpu.vector_load %arg20[%get3A_404, %get3A_405] {strides = array<i32>} : memref<128x128xi32, #tpu.memory_space<vmem>>, vector<1x16xi32>,
          %get3A_407 = vector.shape_cast %get3A_406 : vector<1x16xi32> to vector<16xi32>
          %shift_left3A_408 = arith.constant 16 : i32
          %shift_left3A_409 = vector.broadcast %shift_left3A_408 : i32 to vector<16xi32>
          %shift_left3A_410 = arith.shli %get3A_407, %shift_left3A_409 : vector<16xi32>
          %bitcast_convert_type3A_411 = tpu.bitcast %shift_left3A_410 : vector<16xi32> -> vector<16xf32>
          %and3A_412 = arith.constant -65536 : i32
          %and3A_413 = vector.broadcast %and3A_412 : i32 to vector<16xi32>
          %and3A_414 = arith.andi %get3A_407, %and3A_413 : vector<16xi32>
          %bitcast_convert_type3A_415 = tpu.bitcast %and3A_414 : vector<16xi32> -> vector<16xf32>
          %mul3A_416 = vector.broadcast %squeeze3A_403 : f32 to vector<16xf32>
          %mul3A_417 = arith.mulf %mul3A_416, %bitcast_convert_type3A_411 : vector<16xf32>
          %add3A_418 = arith.addf %add3A_398, %mul3A_417 : vector<16xf32>
          %mul3A_419 = vector.broadcast %squeeze3A_403 : f32 to vector<16xf32>
          %mul3A_420 = arith.mulf %mul3A_419, %bitcast_convert_type3A_415 : vector<16xf32>
          %add3A_421 = arith.addf %add3A_401, %mul3A_420 : vector<16xf32>
          %slice3A_422 = vector.extract_strided_slice %div3A {offsets = [6], sizes = [1], strides = [1]} : vector<16xf32> to vector<1xf32>
          %squeeze3A_423 = vector.extract %slice3A_422[0] : f32 from vector<1xf32>
          %get3A_424 = arith.index_cast %add3A_278 : i32 to index
          %get3A_425 = arith.constant 96 : index
          %get3A_426 = tpu.vector_load %arg20[%get3A_424, %get3A_425] {strides = array<i32>} : memref<128x128xi32, #tpu.memory_space<vmem>>, vector<1x16xi32>,
          %get3A_427 = vector.shape_cast %get3A_426 : vector<1x16xi32> to vector<16xi32>
          %shift_left3A_428 = arith.constant 16 : i32
          %shift_left3A_429 = vector.broadcast %shift_left3A_428 : i32 to vector<16xi32>
          %shift_left3A_430 = arith.shli %get3A_427, %shift_left3A_429 : vector<16xi32>
          %bitcast_convert_type3A_431 = tpu.bitcast %shift_left3A_430 : vector<16xi32> -> vector<16xf32>
          %and3A_432 = arith.constant -65536 : i32
          %and3A_433 = vector.broadcast %and3A_432 : i32 to vector<16xi32>
          %and3A_434 = arith.andi %get3A_427, %and3A_433 : vector<16xi32>
          %bitcast_convert_type3A_435 = tpu.bitcast %and3A_434 : vector<16xi32> -> vector<16xf32>
          %mul3A_436 = vector.broadcast %squeeze3A_423 : f32 to vector<16xf32>
          %mul3A_437 = arith.mulf %mul3A_436, %bitcast_convert_type3A_431 : vector<16xf32>
          %add3A_438 = arith.addf %add3A_418, %mul3A_437 : vector<16xf32>
          %mul3A_439 = vector.broadcast %squeeze3A_423 : f32 to vector<16xf32>
          %mul3A_440 = arith.mulf %mul3A_439, %bitcast_convert_type3A_435 : vector<16xf32>
          %add3A_441 = arith.addf %add3A_421, %mul3A_440 : vector<16xf32>
          %slice3A_442 = vector.extract_strided_slice %div3A {offsets = [7], sizes = [1], strides = [1]} : vector<16xf32> to vector<1xf32>
          %squeeze3A_443 = vector.extract %slice3A_442[0] : f32 from vector<1xf32>
          %get3A_444 = arith.index_cast %add3A_278 : i32 to index
          %get3A_445 = arith.constant 112 : index
          %get3A_446 = tpu.vector_load %arg20[%get3A_444, %get3A_445] {strides = array<i32>} : memref<128x128xi32, #tpu.memory_space<vmem>>, vector<1x16xi32>,
          %get3A_447 = vector.shape_cast %get3A_446 : vector<1x16xi32> to vector<16xi32>
          %shift_left3A_448 = arith.constant 16 : i32
          %shift_left3A_449 = vector.broadcast %shift_left3A_448 : i32 to vector<16xi32>
          %shift_left3A_450 = arith.shli %get3A_447, %shift_left3A_449 : vector<16xi32>
          %bitcast_convert_type3A_451 = tpu.bitcast %shift_left3A_450 : vector<16xi32> -> vector<16xf32>
          %and3A_452 = arith.constant -65536 : i32
          %and3A_453 = vector.broadcast %and3A_452 : i32 to vector<16xi32>
          %and3A_454 = arith.andi %get3A_447, %and3A_453 : vector<16xi32>
          %bitcast_convert_type3A_455 = tpu.bitcast %and3A_454 : vector<16xi32> -> vector<16xf32>
          %mul3A_456 = vector.broadcast %squeeze3A_443 : f32 to vector<16xf32>
          %mul3A_457 = arith.mulf %mul3A_456, %bitcast_convert_type3A_451 : vector<16xf32>
          %add3A_458 = arith.addf %add3A_438, %mul3A_457 : vector<16xf32>
          %mul3A_459 = vector.broadcast %squeeze3A_443 : f32 to vector<16xf32>
          %mul3A_460 = arith.mulf %mul3A_459, %bitcast_convert_type3A_455 : vector<16xf32>
          %add3A_461 = arith.addf %add3A_441, %mul3A_460 : vector<16xf32>
          %swap3A_462 = arith.index_cast %add3A_278 : i32 to index
          %swap3A_463 = arith.constant 0 : index
          %swap3A_464 = tpu.vector_load %arg24[%swap3A_462, %swap3A_463] {strides = array<i32>} : memref<128x32xf32, #tpu.memory_space<vmem>>, vector<1x16xf32>,
          %swap3A_465 = vector.shape_cast %swap3A_464 : vector<1x16xf32> to vector<16xf32>
          %swap3A_466 = vector.shape_cast %add3A_458 : vector<16xf32> to vector<1x16xf32>
          tpu.vector_store %arg24[%swap3A_462, %swap3A_463], %swap3A_466 {strides = array<i32>} : memref<128x32xf32, #tpu.memory_space<vmem>>, vector<1x16xf32>,
          %swap3A_467 = arith.index_cast %add3A_278 : i32 to index
          %swap3A_468 = arith.constant 16 : index
          %swap3A_469 = tpu.vector_load %arg24[%swap3A_467, %swap3A_468] {strides = array<i32>} : memref<128x32xf32, #tpu.memory_space<vmem>>, vector<1x16xf32>,
          %swap3A_470 = vector.shape_cast %swap3A_469 : vector<1x16xf32> to vector<16xf32>
          %swap3A_471 = vector.shape_cast %add3A_461 : vector<16xf32> to vector<1x16xf32>
          tpu.vector_store %arg24[%swap3A_467, %swap3A_468], %swap3A_471 {strides = array<i32>} : memref<128x32xf32, #tpu.memory_space<vmem>>, vector<1x16xf32>,
        }
        %scan3A_254 = arith.constant 128 : i32
        %dma_start3A_255 = arith.constant 1 : i32
        %dma_start3A_256 = arith.constant 0 : i32
        %dma_start3A_257 = tpu.memref_slice %arg14[%dma_start3A_255, %dma_start3A_256] : memref<2x128xi32, #tpu.memory_space<vmem>> -> memref<1x128xi32, #tpu.memory_space<vmem>>
        %dma_start3A_258 = tpu.memref_squeeze %dma_start3A_257 : memref<1x128xi32, #tpu.memory_space<vmem>> -> memref<128xi32, #tpu.memory_space<vmem>>
        %dma_start3A_259 = arith.constant 0 : i32
        %dma_start3A_260 = arith.constant 0 : i32
        %dma_start3A_261 = tpu.memref_slice %arg9[%dma_start3A_259, %dma_start3A_260] : memref<10112x32xf32, #tpu.memory_space<vmem_shared>> -> memref<10112x32xf32, #tpu.memory_space<vmem_shared>>
        tpu.enqueue_indirect_dma source(%arg24 : memref<128x32xf32, #tpu.memory_space<vmem>>) target(%dma_start3A_261 : memref<10112x32xf32, #tpu.memory_space<vmem_shared>>) offsets(%dma_start3A_258 : memref<128xi32, #tpu.memory_space<vmem>>) semaphore(%arg32 : memref<!tpu.dma_semaphore, #tpu.memory_space<semaphore_mem>>) {add = true}
        %dma_start3A_262 = arith.constant 0 : i32
        %dma_start3A_263 = arith.constant 0 : i32
        %dma_start3A_264 = tpu.memref_slice %arg14[%dma_start3A_262, %dma_start3A_263] : memref<2x128xi32, #tpu.memory_space<vmem>> -> memref<1x128xi32, #tpu.memory_space<vmem>>
        %dma_start3A_265 = tpu.memref_squeeze %dma_start3A_264 : memref<1x128xi32, #tpu.memory_space<vmem>> -> memref<128xi32, #tpu.memory_space<vmem>>
        %dma_start3A_266 = arith.constant 0 : i32
        %dma_start3A_267 = arith.constant 0 : i32
        %dma_start3A_268 = tpu.memref_slice %arg10[%dma_start3A_266, %dma_start3A_267] : memref<10112x16xf32, #tpu.memory_space<vmem_shared>> -> memref<10112x16xf32, #tpu.memory_space<vmem_shared>>
        tpu.enqueue_indirect_dma source(%arg23 : memref<128x16xf32, #tpu.memory_space<vmem>>) target(%dma_start3A_268 : memref<10112x16xf32, #tpu.memory_space<vmem_shared>>) offsets(%dma_start3A_265 : memref<128xi32, #tpu.memory_space<vmem>>) semaphore(%arg32 : memref<!tpu.dma_semaphore, #tpu.memory_space<semaphore_mem>>) {add = true}
        %lt3A_269 = arith.constant 80 : i32
        %lt3A_270 = arith.cmpi slt, %add3A_177, %lt3A_269 : i32
        %convert_element_type3A_271 = arith.extui %lt3A_270 : i1 to i32
        %cond3A_272 = arith.constant 0 : i32
        %cond3A_273 = arith.cmpi ne, %convert_element_type3A_271, %cond3A_272 : i32
        scf.if %cond3A_273 {
          %add3A_274 = arith.constant 2 : i32
          %add3A_275 = arith.addi %add3A_177, %add3A_274 : i32
          %add3A_276 = arith.addi %mul3A_40, %add3A_275 : i32
          %dma_start3A_277 = arith.constant 0 : i32
          %dma_start3A_278 = arith.constant 0 : i32
          %dma_start3A_279 = tpu.memref_slice %arg2[%add3A_276, %dma_start3A_277, %dma_start3A_278] : memref<2624x2x128xi32, #tpu.memory_space<hbm>> -> memref<1x2x128xi32, #tpu.memory_space<hbm>>
          %dma_start3A_280 = tpu.memref_squeeze %dma_start3A_279 : memref<1x2x128xi32, #tpu.memory_space<hbm>> -> memref<2x128xi32, #tpu.memory_space<hbm>>
          %dma_start3A_281 = arith.constant 0 : i32
          %dma_start3A_282 = arith.constant 0 : i32
          %dma_start3A_283 = tpu.memref_slice %arg2[%add3A_276, %dma_start3A_281, %dma_start3A_282] : memref<2624x2x128xi32, #tpu.memory_space<hbm>> -> memref<1x2x128xi32, #tpu.memory_space<hbm>>
          %dma_start3A_284 = tpu.memref_squeeze %dma_start3A_283 : memref<1x2x128xi32, #tpu.memory_space<hbm>> -> memref<2x128xi32, #tpu.memory_space<hbm>>
          tpu.enqueue_dma source(%dma_start3A_284 : memref<2x128xi32, #tpu.memory_space<hbm>>) target(%arg12 : memref<2x128xi32, #tpu.memory_space<vmem>>) target_semaphore(%arg28 : memref<!tpu.dma_semaphore, #tpu.memory_space<semaphore_mem>>)
        } else {
        }
      } else {
      }
    }
    %scan3A_94 = arith.constant 41 : i32
    %dma_wait3A_95 = arith.constant 1 : i32
    %dma_wait3A_96 = arith.constant 0 : i32
    %dma_wait3A_97 = tpu.memref_slice %arg11[%dma_wait3A_95, %dma_wait3A_96] : memref<2x128xi32, #tpu.memory_space<vmem>> -> memref<1x128xi32, #tpu.memory_space<vmem>>
    %dma_wait3A_98 = tpu.memref_squeeze %dma_wait3A_97 : memref<1x128xi32, #tpu.memory_space<vmem>> -> memref<128xi32, #tpu.memory_space<vmem>>
    %dma_wait3A_99 = arith.constant 0 : i32
    %dma_wait3A_100 = arith.constant 0 : i32
    %dma_wait3A_101 = tpu.memref_slice %arg9[%dma_wait3A_99, %dma_wait3A_100] : memref<10112x32xf32, #tpu.memory_space<vmem_shared>> -> memref<10112x32xf32, #tpu.memory_space<vmem_shared>>
    tpu.wait_indirect_dma semaphore(%arg31 : memref<!tpu.dma_semaphore, #tpu.memory_space<semaphore_mem>>) src(%arg22 : memref<128x32xf32, #tpu.memory_space<vmem>>) dst(%dma_wait3A_101 : memref<10112x32xf32, #tpu.memory_space<vmem_shared>>)
    %dma_wait3A_102 = arith.constant 0 : i32
    %dma_wait3A_103 = arith.constant 0 : i32
    %dma_wait3A_104 = tpu.memref_slice %arg11[%dma_wait3A_102, %dma_wait3A_103] : memref<2x128xi32, #tpu.memory_space<vmem>> -> memref<1x128xi32, #tpu.memory_space<vmem>>
    %dma_wait3A_105 = tpu.memref_squeeze %dma_wait3A_104 : memref<1x128xi32, #tpu.memory_space<vmem>> -> memref<128xi32, #tpu.memory_space<vmem>>
    %dma_wait3A_106 = arith.constant 0 : i32
    %dma_wait3A_107 = arith.constant 0 : i32
    %dma_wait3A_108 = tpu.memref_slice %arg10[%dma_wait3A_106, %dma_wait3A_107] : memref<10112x16xf32, #tpu.memory_space<vmem_shared>> -> memref<10112x16xf32, #tpu.memory_space<vmem_shared>>
    tpu.wait_indirect_dma semaphore(%arg31 : memref<!tpu.dma_semaphore, #tpu.memory_space<semaphore_mem>>) src(%arg21 : memref<128x16xf32, #tpu.memory_space<vmem>>) dst(%dma_wait3A_108 : memref<10112x16xf32, #tpu.memory_space<vmem_shared>>)
    %dma_wait3A_109 = arith.constant 1 : i32
    %dma_wait3A_110 = arith.constant 0 : i32
    %dma_wait3A_111 = tpu.memref_slice %arg12[%dma_wait3A_109, %dma_wait3A_110] : memref<2x128xi32, #tpu.memory_space<vmem>> -> memref<1x128xi32, #tpu.memory_space<vmem>>
    %dma_wait3A_112 = tpu.memref_squeeze %dma_wait3A_111 : memref<1x128xi32, #tpu.memory_space<vmem>> -> memref<128xi32, #tpu.memory_space<vmem>>
    %dma_wait3A_113 = arith.constant 0 : i32
    %dma_wait3A_114 = arith.constant 0 : i32
    %dma_wait3A_115 = tpu.memref_slice %arg9[%dma_wait3A_113, %dma_wait3A_114] : memref<10112x32xf32, #tpu.memory_space<vmem_shared>> -> memref<10112x32xf32, #tpu.memory_space<vmem_shared>>
    tpu.wait_indirect_dma semaphore(%arg32 : memref<!tpu.dma_semaphore, #tpu.memory_space<semaphore_mem>>) src(%arg24 : memref<128x32xf32, #tpu.memory_space<vmem>>) dst(%dma_wait3A_115 : memref<10112x32xf32, #tpu.memory_space<vmem_shared>>)
    %dma_wait3A_116 = arith.constant 0 : i32
    %dma_wait3A_117 = arith.constant 0 : i32
    %dma_wait3A_118 = tpu.memref_slice %arg12[%dma_wait3A_116, %dma_wait3A_117] : memref<2x128xi32, #tpu.memory_space<vmem>> -> memref<1x128xi32, #tpu.memory_space<vmem>>
    %dma_wait3A_119 = tpu.memref_squeeze %dma_wait3A_118 : memref<1x128xi32, #tpu.memory_space<vmem>> -> memref<128xi32, #tpu.memory_space<vmem>>
    %dma_wait3A_120 = arith.constant 0 : i32
    %dma_wait3A_121 = arith.constant 0 : i32
    %dma_wait3A_122 = tpu.memref_slice %arg10[%dma_wait3A_120, %dma_wait3A_121] : memref<10112x16xf32, #tpu.memory_space<vmem_shared>> -> memref<10112x16xf32, #tpu.memory_space<vmem_shared>>
    tpu.wait_indirect_dma semaphore(%arg32 : memref<!tpu.dma_semaphore, #tpu.memory_space<semaphore_mem>>) src(%arg23 : memref<128x16xf32, #tpu.memory_space<vmem>>) dst(%dma_wait3A_122 : memref<10112x16xf32, #tpu.memory_space<vmem_shared>>)
    %barrier3A_123 = arith.constant 0 : index
    tpu.barrier barrier_id(%barrier3A_123)
    %mul3A_124 = arith.constant 632 : i32
    %mul3A_125 = arith.muli %arg1, %mul3A_124 : i32
    %mul3A_126 = arith.constant 632 : i32
    %mul3A_127 = arith.muli %arg1, %mul3A_126 : i32
    "tpu.region"() ({
      %run_scoped3A = tpu.sem_alloc : memref<!tpu.dma_semaphore, #tpu.memory_space<semaphore_mem>>
      %dma_start3A_132 = arith.constant 0 : i32
      %dma_start3A_133 = tpu.memref_slice %arg7[%arg0, %mul3A_127, %dma_start3A_132] : memref<2x10112x32xf32, #tpu.memory_space<hbm>> -> memref<1x632x32xf32, #tpu.memory_space<hbm>>
      %dma_start3A_134 = tpu.memref_squeeze %dma_start3A_133 : memref<1x632x32xf32, #tpu.memory_space<hbm>> -> memref<632x32xf32, #tpu.memory_space<hbm>>
      %dma_start3A_135 = arith.constant 0 : i32
      %dma_start3A_136 = tpu.memref_slice %arg9[%mul3A_125, %dma_start3A_135] : memref<10112x32xf32, #tpu.memory_space<vmem_shared>> -> memref<632x32xf32, #tpu.memory_space<vmem_shared>>
      tpu.enqueue_dma source(%dma_start3A_136 : memref<632x32xf32, #tpu.memory_space<vmem_shared>>) target(%dma_start3A_134 : memref<632x32xf32, #tpu.memory_space<hbm>>) target_semaphore(%run_scoped3A : memref<!tpu.dma_semaphore, #tpu.memory_space<semaphore_mem>>)
      %dma_wait3A_137 = arith.constant 0 : i32
      %dma_wait3A_138 = tpu.memref_slice %arg7[%arg0, %mul3A_127, %dma_wait3A_137] : memref<2x10112x32xf32, #tpu.memory_space<hbm>> -> memref<1x632x32xf32, #tpu.memory_space<hbm>>
      %dma_wait3A_139 = tpu.memref_squeeze %dma_wait3A_138 : memref<1x632x32xf32, #tpu.memory_space<hbm>> -> memref<632x32xf32, #tpu.memory_space<hbm>>
      %dma_wait3A_140 = arith.constant 0 : i32
      %dma_wait3A_141 = tpu.memref_slice %arg9[%mul3A_125, %dma_wait3A_140] : memref<10112x32xf32, #tpu.memory_space<vmem_shared>> -> memref<632x32xf32, #tpu.memory_space<vmem_shared>>
      tpu.wait_dma2 semaphore(%run_scoped3A : memref<!tpu.dma_semaphore, #tpu.memory_space<semaphore_mem>>) src(%dma_wait3A_141 : memref<632x32xf32, #tpu.memory_space<vmem_shared>>) dst(%dma_wait3A_139 : memref<632x32xf32, #tpu.memory_space<hbm>>)
      tpu.yield
    }) : () -> ()
    %mul3A_128 = arith.constant 632 : i32
    %mul3A_129 = arith.muli %arg1, %mul3A_128 : i32
    %mul3A_130 = arith.constant 632 : i32
    %mul3A_131 = arith.muli %arg1, %mul3A_130 : i32
    "tpu.region"() ({
      %run_scoped3A = tpu.sem_alloc : memref<!tpu.dma_semaphore, #tpu.memory_space<semaphore_mem>>
      %dma_start3A_132 = arith.constant 0 : i32
      %dma_start3A_133 = tpu.memref_slice %arg8[%arg0, %mul3A_131, %dma_start3A_132] : memref<2x10112x16xf32, #tpu.memory_space<hbm>> -> memref<1x632x16xf32, #tpu.memory_space<hbm>>
      %dma_start3A_134 = tpu.memref_squeeze %dma_start3A_133 : memref<1x632x16xf32, #tpu.memory_space<hbm>> -> memref<632x16xf32, #tpu.memory_space<hbm>>
      %dma_start3A_135 = arith.constant 0 : i32
      %dma_start3A_136 = tpu.memref_slice %arg10[%mul3A_129, %dma_start3A_135] : memref<10112x16xf32, #tpu.memory_space<vmem_shared>> -> memref<632x16xf32, #tpu.memory_space<vmem_shared>>
      tpu.enqueue_dma source(%dma_start3A_136 : memref<632x16xf32, #tpu.memory_space<vmem_shared>>) target(%dma_start3A_134 : memref<632x16xf32, #tpu.memory_space<hbm>>) target_semaphore(%run_scoped3A : memref<!tpu.dma_semaphore, #tpu.memory_space<semaphore_mem>>)
      %dma_wait3A_137 = arith.constant 0 : i32
      %dma_wait3A_138 = tpu.memref_slice %arg8[%arg0, %mul3A_131, %dma_wait3A_137] : memref<2x10112x16xf32, #tpu.memory_space<hbm>> -> memref<1x632x16xf32, #tpu.memory_space<hbm>>
      %dma_wait3A_139 = tpu.memref_squeeze %dma_wait3A_138 : memref<1x632x16xf32, #tpu.memory_space<hbm>> -> memref<632x16xf32, #tpu.memory_space<hbm>>
      %dma_wait3A_140 = arith.constant 0 : i32
      %dma_wait3A_141 = tpu.memref_slice %arg10[%mul3A_129, %dma_wait3A_140] : memref<10112x16xf32, #tpu.memory_space<vmem_shared>> -> memref<632x16xf32, #tpu.memory_space<vmem_shared>>
      tpu.wait_dma2 semaphore(%run_scoped3A : memref<!tpu.dma_semaphore, #tpu.memory_space<semaphore_mem>>) src(%dma_wait3A_141 : memref<632x16xf32, #tpu.memory_space<vmem_shared>>) dst(%dma_wait3A_139 : memref<632x16xf32, #tpu.memory_space<hbm>>)
      tpu.yield
    }) : () -> ()
    return
  }
}

#map = affine_map<(d0, d1) -> (0, 0, 0)>
#map1 = affine_map<(d0, d1) -> (0, 0)>
#map2 = affine_map<(d0, d1) -> (0)>
module attributes {stable_mosaic.version = 14 : i64} {
  func.func @_sc1_body(%arg0: i32, %arg1: i32, %arg2: memref<2624x2x128xi32, #tpu.memory_space<hbm>>, %arg3: memref<10112x16xf32, #tpu.memory_space<hbm>>, %arg4: memref<10112x16xf32, #tpu.memory_space<hbm>>, %arg5: memref<16xf32, #tpu.memory_space<hbm>>, %arg6: memref<2x10112x16xf32, #tpu.memory_space<hbm>>, %arg7: memref<10112x16xf32, #tpu.memory_space<vmem_shared>>, %arg8: memref<2x128xi32, #tpu.memory_space<vmem>>, %arg9: memref<2x128xi32, #tpu.memory_space<vmem>>, %arg10: memref<2x128xi32, #tpu.memory_space<vmem>>, %arg11: memref<2x128xi32, #tpu.memory_space<vmem>>, %arg12: memref<128x16xf32, #tpu.memory_space<vmem>>, %arg13: memref<128x16xf32, #tpu.memory_space<vmem>>, %arg14: memref<128x16xf32, #tpu.memory_space<vmem>>, %arg15: memref<128x16xf32, #tpu.memory_space<vmem>>, %arg16: memref<128x16xf32, #tpu.memory_space<vmem>>, %arg17: memref<128x16xf32, #tpu.memory_space<vmem>>, %arg18: memref<158x16xf32, #tpu.memory_space<vmem>>, %arg19: memref<16xf32, #tpu.memory_space<vmem>>, %arg20: memref<!tpu.dma_semaphore, #tpu.memory_space<semaphore_mem>>, %arg21: memref<!tpu.dma_semaphore, #tpu.memory_space<semaphore_mem>>, %arg22: memref<!tpu.dma_semaphore, #tpu.memory_space<semaphore_mem>>, %arg23: memref<!tpu.dma_semaphore, #tpu.memory_space<semaphore_mem>>, %arg24: memref<!tpu.dma_semaphore, #tpu.memory_space<semaphore_mem>>) attributes {dimension_semantics = [#tpu.dimension_semantics<core_parallel>, #tpu.dimension_semantics<subcore_parallel>], iteration_bounds = array<i64: 2, 16>, scalar_prefetch = 0 : i64, scratch_operands = 18 : i64, tpu.core_type = #tpu.core_type<sc_vector_subcore>, window_params = [{transform_indices = #map}, {transform_indices = #map1}, {transform_indices = #map1}, {transform_indices = #map2}, {transform_indices = #map}]} {
    %mul3A = arith.constant 16 : i32
    %mul3A_0 = arith.muli %arg0, %mul3A : i32
    %add3A = arith.addi %mul3A_0, %arg1 : i32
    %scan3A = arith.constant 0 : i32
    %scan3A_1 = arith.constant 158 : i32
    %scan3A_2 = arith.addi %scan3A, %scan3A_1 : i32
    %scan3A_3 = arith.constant 1 : i32
    scf.for %scan3A_91 = %scan3A to %scan3A_2 step %scan3A_3  : i32 {
      %mul3A_92 = arith.constant 1 : i32
      %mul3A_93 = arith.muli %scan3A_91, %mul3A_92 : i32
      %add3A_94 = arith.constant 0 : i32
      %add3A_95 = arith.addi %add3A_94, %mul3A_93 : i32
      %broadcast_in_dim3A = arith.constant 0.000000e+00 : f32
      %broadcast_in_dim3A_96 = vector.broadcast %broadcast_in_dim3A : f32 to vector<16xf32>
      %swap3A = arith.index_cast %add3A_95 : i32 to index
      %swap3A_97 = arith.constant 0 : index
      %swap3A_98 = tpu.vector_load %arg18[%swap3A, %swap3A_97] {strides = array<i32>} : memref<158x16xf32, #tpu.memory_space<vmem>>, vector<1x16xf32>,
      %swap3A_99 = vector.shape_cast %swap3A_98 : vector<1x16xf32> to vector<16xf32>
      %swap3A_100 = vector.shape_cast %broadcast_in_dim3A_96 : vector<16xf32> to vector<1x16xf32>
      tpu.vector_store %arg18[%swap3A, %swap3A_97], %swap3A_100 {strides = array<i32>} : memref<158x16xf32, #tpu.memory_space<vmem>>, vector<1x16xf32>,
    }
    %scan3A_4 = arith.constant 158 : i32
    %mul3A_5 = arith.constant 632 : i32
    %mul3A_6 = arith.muli %arg1, %mul3A_5 : i32
    %add3A_7 = arith.constant 0 : i32
    %add3A_8 = arith.addi %mul3A_6, %add3A_7 : i32
    "tpu.region"() ({
      %run_scoped3A = tpu.sem_alloc : memref<!tpu.dma_semaphore, #tpu.memory_space<semaphore_mem>>
      %dma_start3A_91 = arith.constant 0 : i32
      %dma_start3A_92 = tpu.memref_slice %arg7[%add3A_8, %dma_start3A_91] : memref<10112x16xf32, #tpu.memory_space<vmem_shared>> -> memref<158x16xf32, #tpu.memory_space<vmem_shared>>
      %dma_start3A_93 = arith.constant 0 : i32
      %dma_start3A_94 = tpu.memref_slice %arg7[%add3A_8, %dma_start3A_93] : memref<10112x16xf32, #tpu.memory_space<vmem_shared>> -> memref<158x16xf32, #tpu.memory_space<vmem_shared>>
      tpu.enqueue_dma source(%arg18 : memref<158x16xf32, #tpu.memory_space<vmem>>) target(%dma_start3A_94 : memref<158x16xf32, #tpu.memory_space<vmem_shared>>) target_semaphore(%run_scoped3A : memref<!tpu.dma_semaphore, #tpu.memory_space<semaphore_mem>>)
      %dma_wait3A_95 = arith.constant 0 : i32
      %dma_wait3A_96 = tpu.memref_slice %arg7[%add3A_8, %dma_wait3A_95] : memref<10112x16xf32, #tpu.memory_space<vmem_shared>> -> memref<158x16xf32, #tpu.memory_space<vmem_shared>>
      %dma_wait3A_97 = arith.constant 0 : i32
      %dma_wait3A_98 = tpu.memref_slice %arg7[%add3A_8, %dma_wait3A_97] : memref<10112x16xf32, #tpu.memory_space<vmem_shared>> -> memref<158x16xf32, #tpu.memory_space<vmem_shared>>
      tpu.wait_dma2 semaphore(%run_scoped3A : memref<!tpu.dma_semaphore, #tpu.memory_space<semaphore_mem>>) src(%arg18 : memref<158x16xf32, #tpu.memory_space<vmem>>) dst(%dma_wait3A_98 : memref<158x16xf32, #tpu.memory_space<vmem_shared>>)
      tpu.yield
    }) : () -> ()
    %mul3A_9 = arith.constant 632 : i32
    %mul3A_10 = arith.muli %arg1, %mul3A_9 : i32
    %add3A_11 = arith.constant 158 : i32
    %add3A_12 = arith.addi %mul3A_10, %add3A_11 : i32
    "tpu.region"() ({
      %run_scoped3A = tpu.sem_alloc : memref<!tpu.dma_semaphore, #tpu.memory_space<semaphore_mem>>
      %dma_start3A_91 = arith.constant 0 : i32
      %dma_start3A_92 = tpu.memref_slice %arg7[%add3A_12, %dma_start3A_91] : memref<10112x16xf32, #tpu.memory_space<vmem_shared>> -> memref<158x16xf32, #tpu.memory_space<vmem_shared>>
      %dma_start3A_93 = arith.constant 0 : i32
      %dma_start3A_94 = tpu.memref_slice %arg7[%add3A_12, %dma_start3A_93] : memref<10112x16xf32, #tpu.memory_space<vmem_shared>> -> memref<158x16xf32, #tpu.memory_space<vmem_shared>>
      tpu.enqueue_dma source(%arg18 : memref<158x16xf32, #tpu.memory_space<vmem>>) target(%dma_start3A_94 : memref<158x16xf32, #tpu.memory_space<vmem_shared>>) target_semaphore(%run_scoped3A : memref<!tpu.dma_semaphore, #tpu.memory_space<semaphore_mem>>)
      %dma_wait3A_95 = arith.constant 0 : i32
      %dma_wait3A_96 = tpu.memref_slice %arg7[%add3A_12, %dma_wait3A_95] : memref<10112x16xf32, #tpu.memory_space<vmem_shared>> -> memref<158x16xf32, #tpu.memory_space<vmem_shared>>
      %dma_wait3A_97 = arith.constant 0 : i32
      %dma_wait3A_98 = tpu.memref_slice %arg7[%add3A_12, %dma_wait3A_97] : memref<10112x16xf32, #tpu.memory_space<vmem_shared>> -> memref<158x16xf32, #tpu.memory_space<vmem_shared>>
      tpu.wait_dma2 semaphore(%run_scoped3A : memref<!tpu.dma_semaphore, #tpu.memory_space<semaphore_mem>>) src(%arg18 : memref<158x16xf32, #tpu.memory_space<vmem>>) dst(%dma_wait3A_98 : memref<158x16xf32, #tpu.memory_space<vmem_shared>>)
      tpu.yield
    }) : () -> ()
    %mul3A_13 = arith.constant 632 : i32
    %mul3A_14 = arith.muli %arg1, %mul3A_13 : i32
    %add3A_15 = arith.constant 316 : i32
    %add3A_16 = arith.addi %mul3A_14, %add3A_15 : i32
    "tpu.region"() ({
      %run_scoped3A = tpu.sem_alloc : memref<!tpu.dma_semaphore, #tpu.memory_space<semaphore_mem>>
      %dma_start3A_91 = arith.constant 0 : i32
      %dma_start3A_92 = tpu.memref_slice %arg7[%add3A_16, %dma_start3A_91] : memref<10112x16xf32, #tpu.memory_space<vmem_shared>> -> memref<158x16xf32, #tpu.memory_space<vmem_shared>>
      %dma_start3A_93 = arith.constant 0 : i32
      %dma_start3A_94 = tpu.memref_slice %arg7[%add3A_16, %dma_start3A_93] : memref<10112x16xf32, #tpu.memory_space<vmem_shared>> -> memref<158x16xf32, #tpu.memory_space<vmem_shared>>
      tpu.enqueue_dma source(%arg18 : memref<158x16xf32, #tpu.memory_space<vmem>>) target(%dma_start3A_94 : memref<158x16xf32, #tpu.memory_space<vmem_shared>>) target_semaphore(%run_scoped3A : memref<!tpu.dma_semaphore, #tpu.memory_space<semaphore_mem>>)
      %dma_wait3A_95 = arith.constant 0 : i32
      %dma_wait3A_96 = tpu.memref_slice %arg7[%add3A_16, %dma_wait3A_95] : memref<10112x16xf32, #tpu.memory_space<vmem_shared>> -> memref<158x16xf32, #tpu.memory_space<vmem_shared>>
      %dma_wait3A_97 = arith.constant 0 : i32
      %dma_wait3A_98 = tpu.memref_slice %arg7[%add3A_16, %dma_wait3A_97] : memref<10112x16xf32, #tpu.memory_space<vmem_shared>> -> memref<158x16xf32, #tpu.memory_space<vmem_shared>>
      tpu.wait_dma2 semaphore(%run_scoped3A : memref<!tpu.dma_semaphore, #tpu.memory_space<semaphore_mem>>) src(%arg18 : memref<158x16xf32, #tpu.memory_space<vmem>>) dst(%dma_wait3A_98 : memref<158x16xf32, #tpu.memory_space<vmem_shared>>)
      tpu.yield
    }) : () -> ()
    %mul3A_17 = arith.constant 632 : i32
    %mul3A_18 = arith.muli %arg1, %mul3A_17 : i32
    %add3A_19 = arith.constant 474 : i32
    %add3A_20 = arith.addi %mul3A_18, %add3A_19 : i32
    "tpu.region"() ({
      %run_scoped3A = tpu.sem_alloc : memref<!tpu.dma_semaphore, #tpu.memory_space<semaphore_mem>>
      %dma_start3A_91 = arith.constant 0 : i32
      %dma_start3A_92 = tpu.memref_slice %arg7[%add3A_20, %dma_start3A_91] : memref<10112x16xf32, #tpu.memory_space<vmem_shared>> -> memref<158x16xf32, #tpu.memory_space<vmem_shared>>
      %dma_start3A_93 = arith.constant 0 : i32
      %dma_start3A_94 = tpu.memref_slice %arg7[%add3A_20, %dma_start3A_93] : memref<10112x16xf32, #tpu.memory_space<vmem_shared>> -> memref<158x16xf32, #tpu.memory_space<vmem_shared>>
      tpu.enqueue_dma source(%arg18 : memref<158x16xf32, #tpu.memory_space<vmem>>) target(%dma_start3A_94 : memref<158x16xf32, #tpu.memory_space<vmem_shared>>) target_semaphore(%run_scoped3A : memref<!tpu.dma_semaphore, #tpu.memory_space<semaphore_mem>>)
      %dma_wait3A_95 = arith.constant 0 : i32
      %dma_wait3A_96 = tpu.memref_slice %arg7[%add3A_20, %dma_wait3A_95] : memref<10112x16xf32, #tpu.memory_space<vmem_shared>> -> memref<158x16xf32, #tpu.memory_space<vmem_shared>>
      %dma_wait3A_97 = arith.constant 0 : i32
      %dma_wait3A_98 = tpu.memref_slice %arg7[%add3A_20, %dma_wait3A_97] : memref<10112x16xf32, #tpu.memory_space<vmem_shared>> -> memref<158x16xf32, #tpu.memory_space<vmem_shared>>
      tpu.wait_dma2 semaphore(%run_scoped3A : memref<!tpu.dma_semaphore, #tpu.memory_space<semaphore_mem>>) src(%arg18 : memref<158x16xf32, #tpu.memory_space<vmem>>) dst(%dma_wait3A_98 : memref<158x16xf32, #tpu.memory_space<vmem_shared>>)
      tpu.yield
    }) : () -> ()
    "tpu.region"() ({
      %run_scoped3A = tpu.sem_alloc : memref<!tpu.dma_semaphore, #tpu.memory_space<semaphore_mem>>
      tpu.enqueue_dma source(%arg5 : memref<16xf32, #tpu.memory_space<hbm>>) target(%arg19 : memref<16xf32, #tpu.memory_space<vmem>>) target_semaphore(%run_scoped3A : memref<!tpu.dma_semaphore, #tpu.memory_space<semaphore_mem>>)
      tpu.wait_dma2 semaphore(%run_scoped3A : memref<!tpu.dma_semaphore, #tpu.memory_space<semaphore_mem>>) src(%arg5 : memref<16xf32, #tpu.memory_space<hbm>>) dst(%arg19 : memref<16xf32, #tpu.memory_space<vmem>>)
      tpu.yield
    }) : () -> ()
    %barrier3A = arith.constant 0 : index
    tpu.barrier barrier_id(%barrier3A)
    %get3A = arith.constant 0 : index
    %get3A_21 = tpu.vector_load %arg19[%get3A] {strides = array<i32>} : memref<16xf32, #tpu.memory_space<vmem>>, vector<16xf32>,
    %get3A_22 = vector.shape_cast %get3A_21 : vector<16xf32> to vector<16xf32>
    %mul3A_23 = arith.constant 82 : i32
    %mul3A_24 = arith.muli %add3A, %mul3A_23 : i32
    %add3A_25 = arith.constant 0 : i32
    %add3A_26 = arith.addi %mul3A_24, %add3A_25 : i32
    %dma_start3A = arith.constant 0 : i32
    %dma_start3A_27 = arith.constant 0 : i32
    %dma_start3A_28 = tpu.memref_slice %arg2[%add3A_26, %dma_start3A, %dma_start3A_27] : memref<2624x2x128xi32, #tpu.memory_space<hbm>> -> memref<1x2x128xi32, #tpu.memory_space<hbm>>
    %dma_start3A_29 = tpu.memref_squeeze %dma_start3A_28 : memref<1x2x128xi32, #tpu.memory_space<hbm>> -> memref<2x128xi32, #tpu.memory_space<hbm>>
    %dma_start3A_30 = arith.constant 0 : i32
    %dma_start3A_31 = arith.constant 0 : i32
    %dma_start3A_32 = tpu.memref_slice %arg2[%add3A_26, %dma_start3A_30, %dma_start3A_31] : memref<2624x2x128xi32, #tpu.memory_space<hbm>> -> memref<1x2x128xi32, #tpu.memory_space<hbm>>
    %dma_start3A_33 = tpu.memref_squeeze %dma_start3A_32 : memref<1x2x128xi32, #tpu.memory_space<hbm>> -> memref<2x128xi32, #tpu.memory_space<hbm>>
    tpu.enqueue_dma source(%dma_start3A_33 : memref<2x128xi32, #tpu.memory_space<hbm>>) target(%arg8 : memref<2x128xi32, #tpu.memory_space<vmem>>) target_semaphore(%arg20 : memref<!tpu.dma_semaphore, #tpu.memory_space<semaphore_mem>>)
    %add3A_34 = arith.constant 0 : i32
    %add3A_35 = arith.addi %mul3A_24, %add3A_34 : i32
    %dma_wait3A = arith.constant 0 : i32
    %dma_wait3A_36 = arith.constant 0 : i32
    %dma_wait3A_37 = tpu.memref_slice %arg2[%add3A_35, %dma_wait3A, %dma_wait3A_36] : memref<2624x2x128xi32, #tpu.memory_space<hbm>> -> memref<1x2x128xi32, #tpu.memory_space<hbm>>
    %dma_wait3A_38 = tpu.memref_squeeze %dma_wait3A_37 : memref<1x2x128xi32, #tpu.memory_space<hbm>> -> memref<2x128xi32, #tpu.memory_space<hbm>>
    %dma_wait3A_39 = arith.constant 0 : i32
    %dma_wait3A_40 = arith.constant 0 : i32
    %dma_wait3A_41 = tpu.memref_slice %arg2[%add3A_35, %dma_wait3A_39, %dma_wait3A_40] : memref<2624x2x128xi32, #tpu.memory_space<hbm>> -> memref<1x2x128xi32, #tpu.memory_space<hbm>>
    %dma_wait3A_42 = tpu.memref_squeeze %dma_wait3A_41 : memref<1x2x128xi32, #tpu.memory_space<hbm>> -> memref<2x128xi32, #tpu.memory_space<hbm>>
    tpu.wait_dma2 semaphore(%arg20 : memref<!tpu.dma_semaphore, #tpu.memory_space<semaphore_mem>>) src(%dma_wait3A_42 : memref<2x128xi32, #tpu.memory_space<hbm>>) dst(%arg8 : memref<2x128xi32, #tpu.memory_space<vmem>>)
    %dma_start3A_43 = arith.constant 0 : i32
    %dma_start3A_44 = arith.constant 0 : i32
    %dma_start3A_45 = tpu.memref_slice %arg8[%dma_start3A_43, %dma_start3A_44] : memref<2x128xi32, #tpu.memory_space<vmem>> -> memref<1x128xi32, #tpu.memory_space<vmem>>
    %dma_start3A_46 = tpu.memref_squeeze %dma_start3A_45 : memref<1x128xi32, #tpu.memory_space<vmem>> -> memref<128xi32, #tpu.memory_space<vmem>>
    %dma_start3A_47 = arith.constant 0 : i32
    %dma_start3A_48 = arith.constant 0 : i32
    %dma_start3A_49 = tpu.memref_slice %arg3[%dma_start3A_47, %dma_start3A_48] : memref<10112x16xf32, #tpu.memory_space<hbm>> -> memref<10112x16xf32, #tpu.memory_space<hbm>>
    tpu.enqueue_indirect_dma source(%dma_start3A_49 : memref<10112x16xf32, #tpu.memory_space<hbm>>) target(%arg12 : memref<128x16xf32, #tpu.memory_space<vmem>>) offsets(%dma_start3A_46 : memref<128xi32, #tpu.memory_space<vmem>>) semaphore(%arg21 : memref<!tpu.dma_semaphore, #tpu.memory_space<semaphore_mem>>)
    %dma_start3A_50 = arith.constant 1 : i32
    %dma_start3A_51 = arith.constant 0 : i32
    %dma_start3A_52 = tpu.memref_slice %arg8[%dma_start3A_50, %dma_start3A_51] : memref<2x128xi32, #tpu.memory_space<vmem>> -> memref<1x128xi32, #tpu.memory_space<vmem>>
    %dma_start3A_53 = tpu.memref_squeeze %dma_start3A_52 : memref<1x128xi32, #tpu.memory_space<vmem>> -> memref<128xi32, #tpu.memory_space<vmem>>
    %dma_start3A_54 = arith.constant 0 : i32
    %dma_start3A_55 = arith.constant 0 : i32
    %dma_start3A_56 = tpu.memref_slice %arg4[%dma_start3A_54, %dma_start3A_55] : memref<10112x16xf32, #tpu.memory_space<hbm>> -> memref<10112x16xf32, #tpu.memory_space<hbm>>
    tpu.enqueue_indirect_dma source(%dma_start3A_56 : memref<10112x16xf32, #tpu.memory_space<hbm>>) target(%arg13 : memref<128x16xf32, #tpu.memory_space<vmem>>) offsets(%dma_start3A_53 : memref<128xi32, #tpu.memory_space<vmem>>) semaphore(%arg21 : memref<!tpu.dma_semaphore, #tpu.memory_space<semaphore_mem>>)
    %add3A_57 = arith.constant 1 : i32
    %add3A_58 = arith.addi %mul3A_24, %add3A_57 : i32
    %dma_start3A_59 = arith.constant 0 : i32
    %dma_start3A_60 = arith.constant 0 : i32
    %dma_start3A_61 = tpu.memref_slice %arg2[%add3A_58, %dma_start3A_59, %dma_start3A_60] : memref<2624x2x128xi32, #tpu.memory_space<hbm>> -> memref<1x2x128xi32, #tpu.memory_space<hbm>>
    %dma_start3A_62 = tpu.memref_squeeze %dma_start3A_61 : memref<1x2x128xi32, #tpu.memory_space<hbm>> -> memref<2x128xi32, #tpu.memory_space<hbm>>
    %dma_start3A_63 = arith.constant 0 : i32
    %dma_start3A_64 = arith.constant 0 : i32
    %dma_start3A_65 = tpu.memref_slice %arg2[%add3A_58, %dma_start3A_63, %dma_start3A_64] : memref<2624x2x128xi32, #tpu.memory_space<hbm>> -> memref<1x2x128xi32, #tpu.memory_space<hbm>>
    %dma_start3A_66 = tpu.memref_squeeze %dma_start3A_65 : memref<1x2x128xi32, #tpu.memory_space<hbm>> -> memref<2x128xi32, #tpu.memory_space<hbm>>
    tpu.enqueue_dma source(%dma_start3A_66 : memref<2x128xi32, #tpu.memory_space<hbm>>) target(%arg9 : memref<2x128xi32, #tpu.memory_space<vmem>>) target_semaphore(%arg20 : memref<!tpu.dma_semaphore, #tpu.memory_space<semaphore_mem>>)
    %scan3A_67 = arith.constant 0 : i32
    %scan3A_68 = arith.constant 41 : i32
    %scan3A_69 = arith.addi %scan3A_67, %scan3A_68 : i32
    %scan3A_70 = arith.constant 1 : i32
    scf.for %scan3A_91 = %scan3A_67 to %scan3A_69 step %scan3A_70  : i32 {
      %mul3A_92 = arith.constant 1 : i32
      %mul3A_93 = arith.muli %scan3A_91, %mul3A_92 : i32
      %add3A_94 = arith.constant 0 : i32
      %add3A_95 = arith.addi %add3A_94, %mul3A_93 : i32
      %mul3A_96 = arith.constant 2 : i32
      %mul3A_97 = arith.muli %add3A_95, %mul3A_96 : i32
      %add3A_98 = arith.constant 0 : i32
      %add3A_99 = arith.addi %mul3A_97, %add3A_98 : i32
      %jit3A = arith.constant 2 : i32
      %eq3A = arith.constant 0 : i32
      %eq3A_100 = arith.cmpi eq, %jit3A, %eq3A : i32
      %jit3A_101 = arith.constant 1 : i32
      %select_n3A = arith.select %eq3A_100, %jit3A_101, %jit3A : i32
      %rem3A = arith.remsi %add3A_95, %select_n3A : i32
      %ne3A = arith.constant 0 : i32
      %ne3A_102 = arith.cmpi ne, %rem3A, %ne3A : i32
      %lt3A = arith.constant 0 : i32
      %lt3A_103 = arith.cmpi slt, %rem3A, %lt3A : i32
      %lt3A_104 = arith.constant 0 : i32
      %lt3A_105 = arith.cmpi slt, %select_n3A, %lt3A_104 : i32
      %ne3A_106 = arith.xori %lt3A_103, %lt3A_105 : i1
      %and3A = arith.andi %ne3A_106, %ne3A_102 : i1
      %add3A_107 = arith.addi %rem3A, %select_n3A : i32
      %select_n3A_108 = arith.select %and3A, %add3A_107, %rem3A : i32
      %eq3A_109 = arith.constant 0 : i32
      %eq3A_110 = arith.cmpi eq, %select_n3A_108, %eq3A_109 : i32
      %convert_element_type3A = arith.extui %eq3A_110 : i1 to i32
      %cond3A = arith.constant 0 : i32
      %cond3A_111 = arith.cmpi ne, %convert_element_type3A, %cond3A : i32
      scf.if %cond3A_111 {
        %dma_wait3A_179 = arith.constant 0 : i32
        %dma_wait3A_180 = arith.constant 0 : i32
        %dma_wait3A_181 = tpu.memref_slice %arg8[%dma_wait3A_179, %dma_wait3A_180] : memref<2x128xi32, #tpu.memory_space<vmem>> -> memref<1x128xi32, #tpu.memory_space<vmem>>
        %dma_wait3A_182 = tpu.memref_squeeze %dma_wait3A_181 : memref<1x128xi32, #tpu.memory_space<vmem>> -> memref<128xi32, #tpu.memory_space<vmem>>
        %dma_wait3A_183 = arith.constant 0 : i32
        %dma_wait3A_184 = arith.constant 0 : i32
        %dma_wait3A_185 = tpu.memref_slice %arg3[%dma_wait3A_183, %dma_wait3A_184] : memref<10112x16xf32, #tpu.memory_space<hbm>> -> memref<10112x16xf32, #tpu.memory_space<hbm>>
        tpu.wait_indirect_dma semaphore(%arg21 : memref<!tpu.dma_semaphore, #tpu.memory_space<semaphore_mem>>) src(%dma_wait3A_185 : memref<10112x16xf32, #tpu.memory_space<hbm>>) dst(%arg12 : memref<128x16xf32, #tpu.memory_space<vmem>>)
        %dma_wait3A_186 = arith.constant 1 : i32
        %dma_wait3A_187 = arith.constant 0 : i32
        %dma_wait3A_188 = tpu.memref_slice %arg8[%dma_wait3A_186, %dma_wait3A_187] : memref<2x128xi32, #tpu.memory_space<vmem>> -> memref<1x128xi32, #tpu.memory_space<vmem>>
        %dma_wait3A_189 = tpu.memref_squeeze %dma_wait3A_188 : memref<1x128xi32, #tpu.memory_space<vmem>> -> memref<128xi32, #tpu.memory_space<vmem>>
        %dma_wait3A_190 = arith.constant 0 : i32
        %dma_wait3A_191 = arith.constant 0 : i32
        %dma_wait3A_192 = tpu.memref_slice %arg4[%dma_wait3A_190, %dma_wait3A_191] : memref<10112x16xf32, #tpu.memory_space<hbm>> -> memref<10112x16xf32, #tpu.memory_space<hbm>>
        tpu.wait_indirect_dma semaphore(%arg21 : memref<!tpu.dma_semaphore, #tpu.memory_space<semaphore_mem>>) src(%dma_wait3A_192 : memref<10112x16xf32, #tpu.memory_space<hbm>>) dst(%arg13 : memref<128x16xf32, #tpu.memory_space<vmem>>)
        %ge3A = arith.constant 2 : i32
        %ge3A_193 = arith.cmpi sge, %add3A_99, %ge3A : i32
        %convert_element_type3A_194 = arith.extui %ge3A_193 : i1 to i32
        %cond3A_195 = arith.constant 0 : i32
        %cond3A_196 = arith.cmpi ne, %convert_element_type3A_194, %cond3A_195 : i32
        scf.if %cond3A_196 {
          %dma_wait3A_219 = arith.constant 1 : i32
          %dma_wait3A_220 = arith.constant 0 : i32
          %dma_wait3A_221 = tpu.memref_slice %arg10[%dma_wait3A_219, %dma_wait3A_220] : memref<2x128xi32, #tpu.memory_space<vmem>> -> memref<1x128xi32, #tpu.memory_space<vmem>>
          %dma_wait3A_222 = tpu.memref_squeeze %dma_wait3A_221 : memref<1x128xi32, #tpu.memory_space<vmem>> -> memref<128xi32, #tpu.memory_space<vmem>>
          %dma_wait3A_223 = arith.constant 0 : i32
          %dma_wait3A_224 = arith.constant 0 : i32
          %dma_wait3A_225 = tpu.memref_slice %arg7[%dma_wait3A_223, %dma_wait3A_224] : memref<10112x16xf32, #tpu.memory_space<vmem_shared>> -> memref<10112x16xf32, #tpu.memory_space<vmem_shared>>
          tpu.wait_indirect_dma semaphore(%arg23 : memref<!tpu.dma_semaphore, #tpu.memory_space<semaphore_mem>>) src(%arg16 : memref<128x16xf32, #tpu.memory_space<vmem>>) dst(%dma_wait3A_225 : memref<10112x16xf32, #tpu.memory_space<vmem_shared>>)
        } else {
        }
        %lt3A_197 = arith.constant 81 : i32
        %lt3A_198 = arith.cmpi slt, %add3A_99, %lt3A_197 : i32
        %convert_element_type3A_199 = arith.extui %lt3A_198 : i1 to i32
        %cond3A_200 = arith.constant 0 : i32
        %cond3A_201 = arith.cmpi ne, %convert_element_type3A_199, %cond3A_200 : i32
        scf.if %cond3A_201 {
          %add3A_219 = arith.constant 1 : i32
          %add3A_220 = arith.addi %add3A_99, %add3A_219 : i32
          %add3A_221 = arith.addi %mul3A_24, %add3A_220 : i32
          %dma_wait3A_222 = arith.constant 0 : i32
          %dma_wait3A_223 = arith.constant 0 : i32
          %dma_wait3A_224 = tpu.memref_slice %arg2[%add3A_221, %dma_wait3A_222, %dma_wait3A_223] : memref<2624x2x128xi32, #tpu.memory_space<hbm>> -> memref<1x2x128xi32, #tpu.memory_space<hbm>>
          %dma_wait3A_225 = tpu.memref_squeeze %dma_wait3A_224 : memref<1x2x128xi32, #tpu.memory_space<hbm>> -> memref<2x128xi32, #tpu.memory_space<hbm>>
          %dma_wait3A_226 = arith.constant 0 : i32
          %dma_wait3A_227 = arith.constant 0 : i32
          %dma_wait3A_228 = tpu.memref_slice %arg2[%add3A_221, %dma_wait3A_226, %dma_wait3A_227] : memref<2624x2x128xi32, #tpu.memory_space<hbm>> -> memref<1x2x128xi32, #tpu.memory_space<hbm>>
          %dma_wait3A_229 = tpu.memref_squeeze %dma_wait3A_228 : memref<1x2x128xi32, #tpu.memory_space<hbm>> -> memref<2x128xi32, #tpu.memory_space<hbm>>
          tpu.wait_dma2 semaphore(%arg20 : memref<!tpu.dma_semaphore, #tpu.memory_space<semaphore_mem>>) src(%dma_wait3A_229 : memref<2x128xi32, #tpu.memory_space<hbm>>) dst(%arg9 : memref<2x128xi32, #tpu.memory_space<vmem>>)
          %dma_start3A_230 = arith.constant 0 : i32
          %dma_start3A_231 = arith.constant 0 : i32
          %dma_start3A_232 = tpu.memref_slice %arg9[%dma_start3A_230, %dma_start3A_231] : memref<2x128xi32, #tpu.memory_space<vmem>> -> memref<1x128xi32, #tpu.memory_space<vmem>>
          %dma_start3A_233 = tpu.memref_squeeze %dma_start3A_232 : memref<1x128xi32, #tpu.memory_space<vmem>> -> memref<128xi32, #tpu.memory_space<vmem>>
          %dma_start3A_234 = arith.constant 0 : i32
          %dma_start3A_235 = arith.constant 0 : i32
          %dma_start3A_236 = tpu.memref_slice %arg3[%dma_start3A_234, %dma_start3A_235] : memref<10112x16xf32, #tpu.memory_space<hbm>> -> memref<10112x16xf32, #tpu.memory_space<hbm>>
          tpu.enqueue_indirect_dma source(%dma_start3A_236 : memref<10112x16xf32, #tpu.memory_space<hbm>>) target(%arg14 : memref<128x16xf32, #tpu.memory_space<vmem>>) offsets(%dma_start3A_233 : memref<128xi32, #tpu.memory_space<vmem>>) semaphore(%arg22 : memref<!tpu.dma_semaphore, #tpu.memory_space<semaphore_mem>>)
          %dma_start3A_237 = arith.constant 1 : i32
          %dma_start3A_238 = arith.constant 0 : i32
          %dma_start3A_239 = tpu.memref_slice %arg9[%dma_start3A_237, %dma_start3A_238] : memref<2x128xi32, #tpu.memory_space<vmem>> -> memref<1x128xi32, #tpu.memory_space<vmem>>
          %dma_start3A_240 = tpu.memref_squeeze %dma_start3A_239 : memref<1x128xi32, #tpu.memory_space<vmem>> -> memref<128xi32, #tpu.memory_space<vmem>>
          %dma_start3A_241 = arith.constant 0 : i32
          %dma_start3A_242 = arith.constant 0 : i32
          %dma_start3A_243 = tpu.memref_slice %arg4[%dma_start3A_241, %dma_start3A_242] : memref<10112x16xf32, #tpu.memory_space<hbm>> -> memref<10112x16xf32, #tpu.memory_space<hbm>>
          tpu.enqueue_indirect_dma source(%dma_start3A_243 : memref<10112x16xf32, #tpu.memory_space<hbm>>) target(%arg15 : memref<128x16xf32, #tpu.memory_space<vmem>>) offsets(%dma_start3A_240 : memref<128xi32, #tpu.memory_space<vmem>>) semaphore(%arg22 : memref<!tpu.dma_semaphore, #tpu.memory_space<semaphore_mem>>)
        } else {
        }
        %scan3A_202 = arith.constant 0 : i32
        %scan3A_203 = arith.constant 128 : i32
        %scan3A_204 = arith.addi %scan3A_202, %scan3A_203 : i32
        %scan3A_205 = arith.constant 1 : i32
        scf.for %scan3A_219 = %scan3A_202 to %scan3A_204 step %scan3A_205  : i32 {
          %mul3A_220 = arith.constant 1 : i32
          %mul3A_221 = arith.muli %scan3A_219, %mul3A_220 : i32
          %add3A_222 = arith.constant 0 : i32
          %add3A_223 = arith.addi %add3A_222, %mul3A_221 : i32
          %get3A_224 = arith.index_cast %add3A_223 : i32 to index
          %get3A_225 = arith.constant 0 : index
          %get3A_226 = tpu.vector_load %arg12[%get3A_224, %get3A_225] {strides = array<i32>} : memref<128x16xf32, #tpu.memory_space<vmem>>, vector<1x16xf32>,
          %get3A_227 = vector.shape_cast %get3A_226 : vector<1x16xf32> to vector<16xf32>
          %get3A_228 = arith.index_cast %add3A_223 : i32 to index
          %get3A_229 = arith.constant 0 : index
          %get3A_230 = tpu.vector_load %arg13[%get3A_228, %get3A_229] {strides = array<i32>} : memref<128x16xf32, #tpu.memory_space<vmem>>, vector<1x16xf32>,
          %get3A_231 = vector.shape_cast %get3A_230 : vector<1x16xf32> to vector<16xf32>
          %add3A_232 = arith.addf %get3A_227, %get3A_231 : vector<16xf32>
          %ge3A_233 = arith.constant 0.000000e+00 : f32
          %ge3A_234 = vector.broadcast %ge3A_233 : f32 to vector<16xf32>
          %ge3A_235 = arith.cmpf oge, %add3A_232, %ge3A_234 : vector<16xf32>
          %mul3A_236 = arith.constant 2.000000e-01 : f32
          %mul3A_237 = vector.broadcast %mul3A_236 : f32 to vector<16xf32>
          %mul3A_238 = arith.mulf %mul3A_237, %add3A_232 : vector<16xf32>
          %select_n3A_239 = arith.select %ge3A_235, %add3A_232, %mul3A_238 : vector<16xi1>, vector<16xf32>
          %sub3A = arith.subf %select_n3A_239, %get3A_22 : vector<16xf32>
          %exp3A = math.exp %sub3A : vector<16xf32>
          %swap3A = arith.index_cast %add3A_223 : i32 to index
          %swap3A_240 = arith.constant 0 : index
          %swap3A_241 = tpu.vector_load %arg16[%swap3A, %swap3A_240] {strides = array<i32>} : memref<128x16xf32, #tpu.memory_space<vmem>>, vector<1x16xf32>,
          %swap3A_242 = vector.shape_cast %swap3A_241 : vector<1x16xf32> to vector<16xf32>
          %swap3A_243 = vector.shape_cast %exp3A : vector<16xf32> to vector<1x16xf32>
          tpu.vector_store %arg16[%swap3A, %swap3A_240], %swap3A_243 {strides = array<i32>} : memref<128x16xf32, #tpu.memory_space<vmem>>, vector<1x16xf32>,
        }
        %scan3A_206 = arith.constant 128 : i32
        %dma_start3A_207 = arith.constant 1 : i32
        %dma_start3A_208 = arith.constant 0 : i32
        %dma_start3A_209 = tpu.memref_slice %arg8[%dma_start3A_207, %dma_start3A_208] : memref<2x128xi32, #tpu.memory_space<vmem>> -> memref<1x128xi32, #tpu.memory_space<vmem>>
        %dma_start3A_210 = tpu.memref_squeeze %dma_start3A_209 : memref<1x128xi32, #tpu.memory_space<vmem>> -> memref<128xi32, #tpu.memory_space<vmem>>
        %dma_start3A_211 = arith.constant 0 : i32
        %dma_start3A_212 = arith.constant 0 : i32
        %dma_start3A_213 = tpu.memref_slice %arg7[%dma_start3A_211, %dma_start3A_212] : memref<10112x16xf32, #tpu.memory_space<vmem_shared>> -> memref<10112x16xf32, #tpu.memory_space<vmem_shared>>
        tpu.enqueue_indirect_dma source(%arg16 : memref<128x16xf32, #tpu.memory_space<vmem>>) target(%dma_start3A_213 : memref<10112x16xf32, #tpu.memory_space<vmem_shared>>) offsets(%dma_start3A_210 : memref<128xi32, #tpu.memory_space<vmem>>) semaphore(%arg23 : memref<!tpu.dma_semaphore, #tpu.memory_space<semaphore_mem>>) {add = true}
        %lt3A_214 = arith.constant 80 : i32
        %lt3A_215 = arith.cmpi slt, %add3A_99, %lt3A_214 : i32
        %convert_element_type3A_216 = arith.extui %lt3A_215 : i1 to i32
        %cond3A_217 = arith.constant 0 : i32
        %cond3A_218 = arith.cmpi ne, %convert_element_type3A_216, %cond3A_217 : i32
        scf.if %cond3A_218 {
          %add3A_219 = arith.constant 2 : i32
          %add3A_220 = arith.addi %add3A_99, %add3A_219 : i32
          %add3A_221 = arith.addi %mul3A_24, %add3A_220 : i32
          %dma_start3A_222 = arith.constant 0 : i32
          %dma_start3A_223 = arith.constant 0 : i32
          %dma_start3A_224 = tpu.memref_slice %arg2[%add3A_221, %dma_start3A_222, %dma_start3A_223] : memref<2624x2x128xi32, #tpu.memory_space<hbm>> -> memref<1x2x128xi32, #tpu.memory_space<hbm>>
          %dma_start3A_225 = tpu.memref_squeeze %dma_start3A_224 : memref<1x2x128xi32, #tpu.memory_space<hbm>> -> memref<2x128xi32, #tpu.memory_space<hbm>>
          %dma_start3A_226 = arith.constant 0 : i32
          %dma_start3A_227 = arith.constant 0 : i32
          %dma_start3A_228 = tpu.memref_slice %arg2[%add3A_221, %dma_start3A_226, %dma_start3A_227] : memref<2624x2x128xi32, #tpu.memory_space<hbm>> -> memref<1x2x128xi32, #tpu.memory_space<hbm>>
          %dma_start3A_229 = tpu.memref_squeeze %dma_start3A_228 : memref<1x2x128xi32, #tpu.memory_space<hbm>> -> memref<2x128xi32, #tpu.memory_space<hbm>>
          tpu.enqueue_dma source(%dma_start3A_229 : memref<2x128xi32, #tpu.memory_space<hbm>>) target(%arg10 : memref<2x128xi32, #tpu.memory_space<vmem>>) target_semaphore(%arg20 : memref<!tpu.dma_semaphore, #tpu.memory_space<semaphore_mem>>)
        } else {
        }
      } else {
      }
      %jit3A_112 = arith.constant 2 : i32
      %eq3A_113 = arith.constant 0 : i32
      %eq3A_114 = arith.cmpi eq, %jit3A_112, %eq3A_113 : i32
      %jit3A_115 = arith.constant 1 : i32
      %select_n3A_116 = arith.select %eq3A_114, %jit3A_115, %jit3A_112 : i32
      %rem3A_117 = arith.remsi %add3A_95, %select_n3A_116 : i32
      %ne3A_118 = arith.constant 0 : i32
      %ne3A_119 = arith.cmpi ne, %rem3A_117, %ne3A_118 : i32
      %lt3A_120 = arith.constant 0 : i32
      %lt3A_121 = arith.cmpi slt, %rem3A_117, %lt3A_120 : i32
      %lt3A_122 = arith.constant 0 : i32
      %lt3A_123 = arith.cmpi slt, %select_n3A_116, %lt3A_122 : i32
      %ne3A_124 = arith.xori %lt3A_121, %lt3A_123 : i1
      %and3A_125 = arith.andi %ne3A_124, %ne3A_119 : i1
      %add3A_126 = arith.addi %rem3A_117, %select_n3A_116 : i32
      %select_n3A_127 = arith.select %and3A_125, %add3A_126, %rem3A_117 : i32
      %eq3A_128 = arith.constant 1 : i32
      %eq3A_129 = arith.cmpi eq, %select_n3A_127, %eq3A_128 : i32
      %convert_element_type3A_130 = arith.extui %eq3A_129 : i1 to i32
      %cond3A_131 = arith.constant 0 : i32
      %cond3A_132 = arith.cmpi ne, %convert_element_type3A_130, %cond3A_131 : i32
      scf.if %cond3A_132 {
        %dma_wait3A_179 = arith.constant 0 : i32
        %dma_wait3A_180 = arith.constant 0 : i32
        %dma_wait3A_181 = tpu.memref_slice %arg10[%dma_wait3A_179, %dma_wait3A_180] : memref<2x128xi32, #tpu.memory_space<vmem>> -> memref<1x128xi32, #tpu.memory_space<vmem>>
        %dma_wait3A_182 = tpu.memref_squeeze %dma_wait3A_181 : memref<1x128xi32, #tpu.memory_space<vmem>> -> memref<128xi32, #tpu.memory_space<vmem>>
        %dma_wait3A_183 = arith.constant 0 : i32
        %dma_wait3A_184 = arith.constant 0 : i32
        %dma_wait3A_185 = tpu.memref_slice %arg3[%dma_wait3A_183, %dma_wait3A_184] : memref<10112x16xf32, #tpu.memory_space<hbm>> -> memref<10112x16xf32, #tpu.memory_space<hbm>>
        tpu.wait_indirect_dma semaphore(%arg21 : memref<!tpu.dma_semaphore, #tpu.memory_space<semaphore_mem>>) src(%dma_wait3A_185 : memref<10112x16xf32, #tpu.memory_space<hbm>>) dst(%arg12 : memref<128x16xf32, #tpu.memory_space<vmem>>)
        %dma_wait3A_186 = arith.constant 1 : i32
        %dma_wait3A_187 = arith.constant 0 : i32
        %dma_wait3A_188 = tpu.memref_slice %arg10[%dma_wait3A_186, %dma_wait3A_187] : memref<2x128xi32, #tpu.memory_space<vmem>> -> memref<1x128xi32, #tpu.memory_space<vmem>>
        %dma_wait3A_189 = tpu.memref_squeeze %dma_wait3A_188 : memref<1x128xi32, #tpu.memory_space<vmem>> -> memref<128xi32, #tpu.memory_space<vmem>>
        %dma_wait3A_190 = arith.constant 0 : i32
        %dma_wait3A_191 = arith.constant 0 : i32
        %dma_wait3A_192 = tpu.memref_slice %arg4[%dma_wait3A_190, %dma_wait3A_191] : memref<10112x16xf32, #tpu.memory_space<hbm>> -> memref<10112x16xf32, #tpu.memory_space<hbm>>
        tpu.wait_indirect_dma semaphore(%arg21 : memref<!tpu.dma_semaphore, #tpu.memory_space<semaphore_mem>>) src(%dma_wait3A_192 : memref<10112x16xf32, #tpu.memory_space<hbm>>) dst(%arg13 : memref<128x16xf32, #tpu.memory_space<vmem>>)
        %ge3A = arith.constant 2 : i32
        %ge3A_193 = arith.cmpi sge, %add3A_99, %ge3A : i32
        %convert_element_type3A_194 = arith.extui %ge3A_193 : i1 to i32
        %cond3A_195 = arith.constant 0 : i32
        %cond3A_196 = arith.cmpi ne, %convert_element_type3A_194, %cond3A_195 : i32
        scf.if %cond3A_196 {
          %dma_wait3A_219 = arith.constant 1 : i32
          %dma_wait3A_220 = arith.constant 0 : i32
          %dma_wait3A_221 = tpu.memref_slice %arg8[%dma_wait3A_219, %dma_wait3A_220] : memref<2x128xi32, #tpu.memory_space<vmem>> -> memref<1x128xi32, #tpu.memory_space<vmem>>
          %dma_wait3A_222 = tpu.memref_squeeze %dma_wait3A_221 : memref<1x128xi32, #tpu.memory_space<vmem>> -> memref<128xi32, #tpu.memory_space<vmem>>
          %dma_wait3A_223 = arith.constant 0 : i32
          %dma_wait3A_224 = arith.constant 0 : i32
          %dma_wait3A_225 = tpu.memref_slice %arg7[%dma_wait3A_223, %dma_wait3A_224] : memref<10112x16xf32, #tpu.memory_space<vmem_shared>> -> memref<10112x16xf32, #tpu.memory_space<vmem_shared>>
          tpu.wait_indirect_dma semaphore(%arg23 : memref<!tpu.dma_semaphore, #tpu.memory_space<semaphore_mem>>) src(%arg16 : memref<128x16xf32, #tpu.memory_space<vmem>>) dst(%dma_wait3A_225 : memref<10112x16xf32, #tpu.memory_space<vmem_shared>>)
        } else {
        }
        %lt3A_197 = arith.constant 81 : i32
        %lt3A_198 = arith.cmpi slt, %add3A_99, %lt3A_197 : i32
        %convert_element_type3A_199 = arith.extui %lt3A_198 : i1 to i32
        %cond3A_200 = arith.constant 0 : i32
        %cond3A_201 = arith.cmpi ne, %convert_element_type3A_199, %cond3A_200 : i32
        scf.if %cond3A_201 {
          %add3A_219 = arith.constant 1 : i32
          %add3A_220 = arith.addi %add3A_99, %add3A_219 : i32
          %add3A_221 = arith.addi %mul3A_24, %add3A_220 : i32
          %dma_wait3A_222 = arith.constant 0 : i32
          %dma_wait3A_223 = arith.constant 0 : i32
          %dma_wait3A_224 = tpu.memref_slice %arg2[%add3A_221, %dma_wait3A_222, %dma_wait3A_223] : memref<2624x2x128xi32, #tpu.memory_space<hbm>> -> memref<1x2x128xi32, #tpu.memory_space<hbm>>
          %dma_wait3A_225 = tpu.memref_squeeze %dma_wait3A_224 : memref<1x2x128xi32, #tpu.memory_space<hbm>> -> memref<2x128xi32, #tpu.memory_space<hbm>>
          %dma_wait3A_226 = arith.constant 0 : i32
          %dma_wait3A_227 = arith.constant 0 : i32
          %dma_wait3A_228 = tpu.memref_slice %arg2[%add3A_221, %dma_wait3A_226, %dma_wait3A_227] : memref<2624x2x128xi32, #tpu.memory_space<hbm>> -> memref<1x2x128xi32, #tpu.memory_space<hbm>>
          %dma_wait3A_229 = tpu.memref_squeeze %dma_wait3A_228 : memref<1x2x128xi32, #tpu.memory_space<hbm>> -> memref<2x128xi32, #tpu.memory_space<hbm>>
          tpu.wait_dma2 semaphore(%arg20 : memref<!tpu.dma_semaphore, #tpu.memory_space<semaphore_mem>>) src(%dma_wait3A_229 : memref<2x128xi32, #tpu.memory_space<hbm>>) dst(%arg11 : memref<2x128xi32, #tpu.memory_space<vmem>>)
          %dma_start3A_230 = arith.constant 0 : i32
          %dma_start3A_231 = arith.constant 0 : i32
          %dma_start3A_232 = tpu.memref_slice %arg11[%dma_start3A_230, %dma_start3A_231] : memref<2x128xi32, #tpu.memory_space<vmem>> -> memref<1x128xi32, #tpu.memory_space<vmem>>
          %dma_start3A_233 = tpu.memref_squeeze %dma_start3A_232 : memref<1x128xi32, #tpu.memory_space<vmem>> -> memref<128xi32, #tpu.memory_space<vmem>>
          %dma_start3A_234 = arith.constant 0 : i32
          %dma_start3A_235 = arith.constant 0 : i32
          %dma_start3A_236 = tpu.memref_slice %arg3[%dma_start3A_234, %dma_start3A_235] : memref<10112x16xf32, #tpu.memory_space<hbm>> -> memref<10112x16xf32, #tpu.memory_space<hbm>>
          tpu.enqueue_indirect_dma source(%dma_start3A_236 : memref<10112x16xf32, #tpu.memory_space<hbm>>) target(%arg14 : memref<128x16xf32, #tpu.memory_space<vmem>>) offsets(%dma_start3A_233 : memref<128xi32, #tpu.memory_space<vmem>>) semaphore(%arg22 : memref<!tpu.dma_semaphore, #tpu.memory_space<semaphore_mem>>)
          %dma_start3A_237 = arith.constant 1 : i32
          %dma_start3A_238 = arith.constant 0 : i32
          %dma_start3A_239 = tpu.memref_slice %arg11[%dma_start3A_237, %dma_start3A_238] : memref<2x128xi32, #tpu.memory_space<vmem>> -> memref<1x128xi32, #tpu.memory_space<vmem>>
          %dma_start3A_240 = tpu.memref_squeeze %dma_start3A_239 : memref<1x128xi32, #tpu.memory_space<vmem>> -> memref<128xi32, #tpu.memory_space<vmem>>
          %dma_start3A_241 = arith.constant 0 : i32
          %dma_start3A_242 = arith.constant 0 : i32
          %dma_start3A_243 = tpu.memref_slice %arg4[%dma_start3A_241, %dma_start3A_242] : memref<10112x16xf32, #tpu.memory_space<hbm>> -> memref<10112x16xf32, #tpu.memory_space<hbm>>
          tpu.enqueue_indirect_dma source(%dma_start3A_243 : memref<10112x16xf32, #tpu.memory_space<hbm>>) target(%arg15 : memref<128x16xf32, #tpu.memory_space<vmem>>) offsets(%dma_start3A_240 : memref<128xi32, #tpu.memory_space<vmem>>) semaphore(%arg22 : memref<!tpu.dma_semaphore, #tpu.memory_space<semaphore_mem>>)
        } else {
        }
        %scan3A_202 = arith.constant 0 : i32
        %scan3A_203 = arith.constant 128 : i32
        %scan3A_204 = arith.addi %scan3A_202, %scan3A_203 : i32
        %scan3A_205 = arith.constant 1 : i32
        scf.for %scan3A_219 = %scan3A_202 to %scan3A_204 step %scan3A_205  : i32 {
          %mul3A_220 = arith.constant 1 : i32
          %mul3A_221 = arith.muli %scan3A_219, %mul3A_220 : i32
          %add3A_222 = arith.constant 0 : i32
          %add3A_223 = arith.addi %add3A_222, %mul3A_221 : i32
          %get3A_224 = arith.index_cast %add3A_223 : i32 to index
          %get3A_225 = arith.constant 0 : index
          %get3A_226 = tpu.vector_load %arg12[%get3A_224, %get3A_225] {strides = array<i32>} : memref<128x16xf32, #tpu.memory_space<vmem>>, vector<1x16xf32>,
          %get3A_227 = vector.shape_cast %get3A_226 : vector<1x16xf32> to vector<16xf32>
          %get3A_228 = arith.index_cast %add3A_223 : i32 to index
          %get3A_229 = arith.constant 0 : index
          %get3A_230 = tpu.vector_load %arg13[%get3A_228, %get3A_229] {strides = array<i32>} : memref<128x16xf32, #tpu.memory_space<vmem>>, vector<1x16xf32>,
          %get3A_231 = vector.shape_cast %get3A_230 : vector<1x16xf32> to vector<16xf32>
          %add3A_232 = arith.addf %get3A_227, %get3A_231 : vector<16xf32>
          %ge3A_233 = arith.constant 0.000000e+00 : f32
          %ge3A_234 = vector.broadcast %ge3A_233 : f32 to vector<16xf32>
          %ge3A_235 = arith.cmpf oge, %add3A_232, %ge3A_234 : vector<16xf32>
          %mul3A_236 = arith.constant 2.000000e-01 : f32
          %mul3A_237 = vector.broadcast %mul3A_236 : f32 to vector<16xf32>
          %mul3A_238 = arith.mulf %mul3A_237, %add3A_232 : vector<16xf32>
          %select_n3A_239 = arith.select %ge3A_235, %add3A_232, %mul3A_238 : vector<16xi1>, vector<16xf32>
          %sub3A = arith.subf %select_n3A_239, %get3A_22 : vector<16xf32>
          %exp3A = math.exp %sub3A : vector<16xf32>
          %swap3A = arith.index_cast %add3A_223 : i32 to index
          %swap3A_240 = arith.constant 0 : index
          %swap3A_241 = tpu.vector_load %arg16[%swap3A, %swap3A_240] {strides = array<i32>} : memref<128x16xf32, #tpu.memory_space<vmem>>, vector<1x16xf32>,
          %swap3A_242 = vector.shape_cast %swap3A_241 : vector<1x16xf32> to vector<16xf32>
          %swap3A_243 = vector.shape_cast %exp3A : vector<16xf32> to vector<1x16xf32>
          tpu.vector_store %arg16[%swap3A, %swap3A_240], %swap3A_243 {strides = array<i32>} : memref<128x16xf32, #tpu.memory_space<vmem>>, vector<1x16xf32>,
        }
        %scan3A_206 = arith.constant 128 : i32
        %dma_start3A_207 = arith.constant 1 : i32
        %dma_start3A_208 = arith.constant 0 : i32
        %dma_start3A_209 = tpu.memref_slice %arg10[%dma_start3A_207, %dma_start3A_208] : memref<2x128xi32, #tpu.memory_space<vmem>> -> memref<1x128xi32, #tpu.memory_space<vmem>>
        %dma_start3A_210 = tpu.memref_squeeze %dma_start3A_209 : memref<1x128xi32, #tpu.memory_space<vmem>> -> memref<128xi32, #tpu.memory_space<vmem>>
        %dma_start3A_211 = arith.constant 0 : i32
        %dma_start3A_212 = arith.constant 0 : i32
        %dma_start3A_213 = tpu.memref_slice %arg7[%dma_start3A_211, %dma_start3A_212] : memref<10112x16xf32, #tpu.memory_space<vmem_shared>> -> memref<10112x16xf32, #tpu.memory_space<vmem_shared>>
        tpu.enqueue_indirect_dma source(%arg16 : memref<128x16xf32, #tpu.memory_space<vmem>>) target(%dma_start3A_213 : memref<10112x16xf32, #tpu.memory_space<vmem_shared>>) offsets(%dma_start3A_210 : memref<128xi32, #tpu.memory_space<vmem>>) semaphore(%arg23 : memref<!tpu.dma_semaphore, #tpu.memory_space<semaphore_mem>>) {add = true}
        %lt3A_214 = arith.constant 80 : i32
        %lt3A_215 = arith.cmpi slt, %add3A_99, %lt3A_214 : i32
        %convert_element_type3A_216 = arith.extui %lt3A_215 : i1 to i32
        %cond3A_217 = arith.constant 0 : i32
        %cond3A_218 = arith.cmpi ne, %convert_element_type3A_216, %cond3A_217 : i32
        scf.if %cond3A_218 {
          %add3A_219 = arith.constant 2 : i32
          %add3A_220 = arith.addi %add3A_99, %add3A_219 : i32
          %add3A_221 = arith.addi %mul3A_24, %add3A_220 : i32
          %dma_start3A_222 = arith.constant 0 : i32
          %dma_start3A_223 = arith.constant 0 : i32
          %dma_start3A_224 = tpu.memref_slice %arg2[%add3A_221, %dma_start3A_222, %dma_start3A_223] : memref<2624x2x128xi32, #tpu.memory_space<hbm>> -> memref<1x2x128xi32, #tpu.memory_space<hbm>>
          %dma_start3A_225 = tpu.memref_squeeze %dma_start3A_224 : memref<1x2x128xi32, #tpu.memory_space<hbm>> -> memref<2x128xi32, #tpu.memory_space<hbm>>
          %dma_start3A_226 = arith.constant 0 : i32
          %dma_start3A_227 = arith.constant 0 : i32
          %dma_start3A_228 = tpu.memref_slice %arg2[%add3A_221, %dma_start3A_226, %dma_start3A_227] : memref<2624x2x128xi32, #tpu.memory_space<hbm>> -> memref<1x2x128xi32, #tpu.memory_space<hbm>>
          %dma_start3A_229 = tpu.memref_squeeze %dma_start3A_228 : memref<1x2x128xi32, #tpu.memory_space<hbm>> -> memref<2x128xi32, #tpu.memory_space<hbm>>
          tpu.enqueue_dma source(%dma_start3A_229 : memref<2x128xi32, #tpu.memory_space<hbm>>) target(%arg8 : memref<2x128xi32, #tpu.memory_space<vmem>>) target_semaphore(%arg20 : memref<!tpu.dma_semaphore, #tpu.memory_space<semaphore_mem>>)
        } else {
        }
      } else {
      }
      %mul3A_133 = arith.constant 2 : i32
      %mul3A_134 = arith.muli %add3A_95, %mul3A_133 : i32
      %add3A_135 = arith.constant 1 : i32
      %add3A_136 = arith.addi %mul3A_134, %add3A_135 : i32
      %jit3A_137 = arith.constant 2 : i32
      %eq3A_138 = arith.constant 0 : i32
      %eq3A_139 = arith.cmpi eq, %jit3A_137, %eq3A_138 : i32
      %jit3A_140 = arith.constant 1 : i32
      %select_n3A_141 = arith.select %eq3A_139, %jit3A_140, %jit3A_137 : i32
      %rem3A_142 = arith.remsi %add3A_95, %select_n3A_141 : i32
      %ne3A_143 = arith.constant 0 : i32
      %ne3A_144 = arith.cmpi ne, %rem3A_142, %ne3A_143 : i32
      %lt3A_145 = arith.constant 0 : i32
      %lt3A_146 = arith.cmpi slt, %rem3A_142, %lt3A_145 : i32
      %lt3A_147 = arith.constant 0 : i32
      %lt3A_148 = arith.cmpi slt, %select_n3A_141, %lt3A_147 : i32
      %ne3A_149 = arith.xori %lt3A_146, %lt3A_148 : i1
      %and3A_150 = arith.andi %ne3A_149, %ne3A_144 : i1
      %add3A_151 = arith.addi %rem3A_142, %select_n3A_141 : i32
      %select_n3A_152 = arith.select %and3A_150, %add3A_151, %rem3A_142 : i32
      %eq3A_153 = arith.constant 0 : i32
      %eq3A_154 = arith.cmpi eq, %select_n3A_152, %eq3A_153 : i32
      %convert_element_type3A_155 = arith.extui %eq3A_154 : i1 to i32
      %cond3A_156 = arith.constant 0 : i32
      %cond3A_157 = arith.cmpi ne, %convert_element_type3A_155, %cond3A_156 : i32
      scf.if %cond3A_157 {
        %dma_wait3A_179 = arith.constant 0 : i32
        %dma_wait3A_180 = arith.constant 0 : i32
        %dma_wait3A_181 = tpu.memref_slice %arg9[%dma_wait3A_179, %dma_wait3A_180] : memref<2x128xi32, #tpu.memory_space<vmem>> -> memref<1x128xi32, #tpu.memory_space<vmem>>
        %dma_wait3A_182 = tpu.memref_squeeze %dma_wait3A_181 : memref<1x128xi32, #tpu.memory_space<vmem>> -> memref<128xi32, #tpu.memory_space<vmem>>
        %dma_wait3A_183 = arith.constant 0 : i32
        %dma_wait3A_184 = arith.constant 0 : i32
        %dma_wait3A_185 = tpu.memref_slice %arg3[%dma_wait3A_183, %dma_wait3A_184] : memref<10112x16xf32, #tpu.memory_space<hbm>> -> memref<10112x16xf32, #tpu.memory_space<hbm>>
        tpu.wait_indirect_dma semaphore(%arg22 : memref<!tpu.dma_semaphore, #tpu.memory_space<semaphore_mem>>) src(%dma_wait3A_185 : memref<10112x16xf32, #tpu.memory_space<hbm>>) dst(%arg14 : memref<128x16xf32, #tpu.memory_space<vmem>>)
        %dma_wait3A_186 = arith.constant 1 : i32
        %dma_wait3A_187 = arith.constant 0 : i32
        %dma_wait3A_188 = tpu.memref_slice %arg9[%dma_wait3A_186, %dma_wait3A_187] : memref<2x128xi32, #tpu.memory_space<vmem>> -> memref<1x128xi32, #tpu.memory_space<vmem>>
        %dma_wait3A_189 = tpu.memref_squeeze %dma_wait3A_188 : memref<1x128xi32, #tpu.memory_space<vmem>> -> memref<128xi32, #tpu.memory_space<vmem>>
        %dma_wait3A_190 = arith.constant 0 : i32
        %dma_wait3A_191 = arith.constant 0 : i32
        %dma_wait3A_192 = tpu.memref_slice %arg4[%dma_wait3A_190, %dma_wait3A_191] : memref<10112x16xf32, #tpu.memory_space<hbm>> -> memref<10112x16xf32, #tpu.memory_space<hbm>>
        tpu.wait_indirect_dma semaphore(%arg22 : memref<!tpu.dma_semaphore, #tpu.memory_space<semaphore_mem>>) src(%dma_wait3A_192 : memref<10112x16xf32, #tpu.memory_space<hbm>>) dst(%arg15 : memref<128x16xf32, #tpu.memory_space<vmem>>)
        %ge3A = arith.constant 2 : i32
        %ge3A_193 = arith.cmpi sge, %add3A_136, %ge3A : i32
        %convert_element_type3A_194 = arith.extui %ge3A_193 : i1 to i32
        %cond3A_195 = arith.constant 0 : i32
        %cond3A_196 = arith.cmpi ne, %convert_element_type3A_194, %cond3A_195 : i32
        scf.if %cond3A_196 {
          %dma_wait3A_219 = arith.constant 1 : i32
          %dma_wait3A_220 = arith.constant 0 : i32
          %dma_wait3A_221 = tpu.memref_slice %arg11[%dma_wait3A_219, %dma_wait3A_220] : memref<2x128xi32, #tpu.memory_space<vmem>> -> memref<1x128xi32, #tpu.memory_space<vmem>>
          %dma_wait3A_222 = tpu.memref_squeeze %dma_wait3A_221 : memref<1x128xi32, #tpu.memory_space<vmem>> -> memref<128xi32, #tpu.memory_space<vmem>>
          %dma_wait3A_223 = arith.constant 0 : i32
          %dma_wait3A_224 = arith.constant 0 : i32
          %dma_wait3A_225 = tpu.memref_slice %arg7[%dma_wait3A_223, %dma_wait3A_224] : memref<10112x16xf32, #tpu.memory_space<vmem_shared>> -> memref<10112x16xf32, #tpu.memory_space<vmem_shared>>
          tpu.wait_indirect_dma semaphore(%arg24 : memref<!tpu.dma_semaphore, #tpu.memory_space<semaphore_mem>>) src(%arg17 : memref<128x16xf32, #tpu.memory_space<vmem>>) dst(%dma_wait3A_225 : memref<10112x16xf32, #tpu.memory_space<vmem_shared>>)
        } else {
        }
        %lt3A_197 = arith.constant 81 : i32
        %lt3A_198 = arith.cmpi slt, %add3A_136, %lt3A_197 : i32
        %convert_element_type3A_199 = arith.extui %lt3A_198 : i1 to i32
        %cond3A_200 = arith.constant 0 : i32
        %cond3A_201 = arith.cmpi ne, %convert_element_type3A_199, %cond3A_200 : i32
        scf.if %cond3A_201 {
          %add3A_219 = arith.constant 1 : i32
          %add3A_220 = arith.addi %add3A_136, %add3A_219 : i32
          %add3A_221 = arith.addi %mul3A_24, %add3A_220 : i32
          %dma_wait3A_222 = arith.constant 0 : i32
          %dma_wait3A_223 = arith.constant 0 : i32
          %dma_wait3A_224 = tpu.memref_slice %arg2[%add3A_221, %dma_wait3A_222, %dma_wait3A_223] : memref<2624x2x128xi32, #tpu.memory_space<hbm>> -> memref<1x2x128xi32, #tpu.memory_space<hbm>>
          %dma_wait3A_225 = tpu.memref_squeeze %dma_wait3A_224 : memref<1x2x128xi32, #tpu.memory_space<hbm>> -> memref<2x128xi32, #tpu.memory_space<hbm>>
          %dma_wait3A_226 = arith.constant 0 : i32
          %dma_wait3A_227 = arith.constant 0 : i32
          %dma_wait3A_228 = tpu.memref_slice %arg2[%add3A_221, %dma_wait3A_226, %dma_wait3A_227] : memref<2624x2x128xi32, #tpu.memory_space<hbm>> -> memref<1x2x128xi32, #tpu.memory_space<hbm>>
          %dma_wait3A_229 = tpu.memref_squeeze %dma_wait3A_228 : memref<1x2x128xi32, #tpu.memory_space<hbm>> -> memref<2x128xi32, #tpu.memory_space<hbm>>
          tpu.wait_dma2 semaphore(%arg20 : memref<!tpu.dma_semaphore, #tpu.memory_space<semaphore_mem>>) src(%dma_wait3A_229 : memref<2x128xi32, #tpu.memory_space<hbm>>) dst(%arg10 : memref<2x128xi32, #tpu.memory_space<vmem>>)
          %dma_start3A_230 = arith.constant 0 : i32
          %dma_start3A_231 = arith.constant 0 : i32
          %dma_start3A_232 = tpu.memref_slice %arg10[%dma_start3A_230, %dma_start3A_231] : memref<2x128xi32, #tpu.memory_space<vmem>> -> memref<1x128xi32, #tpu.memory_space<vmem>>
          %dma_start3A_233 = tpu.memref_squeeze %dma_start3A_232 : memref<1x128xi32, #tpu.memory_space<vmem>> -> memref<128xi32, #tpu.memory_space<vmem>>
          %dma_start3A_234 = arith.constant 0 : i32
          %dma_start3A_235 = arith.constant 0 : i32
          %dma_start3A_236 = tpu.memref_slice %arg3[%dma_start3A_234, %dma_start3A_235] : memref<10112x16xf32, #tpu.memory_space<hbm>> -> memref<10112x16xf32, #tpu.memory_space<hbm>>
          tpu.enqueue_indirect_dma source(%dma_start3A_236 : memref<10112x16xf32, #tpu.memory_space<hbm>>) target(%arg12 : memref<128x16xf32, #tpu.memory_space<vmem>>) offsets(%dma_start3A_233 : memref<128xi32, #tpu.memory_space<vmem>>) semaphore(%arg21 : memref<!tpu.dma_semaphore, #tpu.memory_space<semaphore_mem>>)
          %dma_start3A_237 = arith.constant 1 : i32
          %dma_start3A_238 = arith.constant 0 : i32
          %dma_start3A_239 = tpu.memref_slice %arg10[%dma_start3A_237, %dma_start3A_238] : memref<2x128xi32, #tpu.memory_space<vmem>> -> memref<1x128xi32, #tpu.memory_space<vmem>>
          %dma_start3A_240 = tpu.memref_squeeze %dma_start3A_239 : memref<1x128xi32, #tpu.memory_space<vmem>> -> memref<128xi32, #tpu.memory_space<vmem>>
          %dma_start3A_241 = arith.constant 0 : i32
          %dma_start3A_242 = arith.constant 0 : i32
          %dma_start3A_243 = tpu.memref_slice %arg4[%dma_start3A_241, %dma_start3A_242] : memref<10112x16xf32, #tpu.memory_space<hbm>> -> memref<10112x16xf32, #tpu.memory_space<hbm>>
          tpu.enqueue_indirect_dma source(%dma_start3A_243 : memref<10112x16xf32, #tpu.memory_space<hbm>>) target(%arg13 : memref<128x16xf32, #tpu.memory_space<vmem>>) offsets(%dma_start3A_240 : memref<128xi32, #tpu.memory_space<vmem>>) semaphore(%arg21 : memref<!tpu.dma_semaphore, #tpu.memory_space<semaphore_mem>>)
        } else {
        }
        %scan3A_202 = arith.constant 0 : i32
        %scan3A_203 = arith.constant 128 : i32
        %scan3A_204 = arith.addi %scan3A_202, %scan3A_203 : i32
        %scan3A_205 = arith.constant 1 : i32
        scf.for %scan3A_219 = %scan3A_202 to %scan3A_204 step %scan3A_205  : i32 {
          %mul3A_220 = arith.constant 1 : i32
          %mul3A_221 = arith.muli %scan3A_219, %mul3A_220 : i32
          %add3A_222 = arith.constant 0 : i32
          %add3A_223 = arith.addi %add3A_222, %mul3A_221 : i32
          %get3A_224 = arith.index_cast %add3A_223 : i32 to index
          %get3A_225 = arith.constant 0 : index
          %get3A_226 = tpu.vector_load %arg14[%get3A_224, %get3A_225] {strides = array<i32>} : memref<128x16xf32, #tpu.memory_space<vmem>>, vector<1x16xf32>,
          %get3A_227 = vector.shape_cast %get3A_226 : vector<1x16xf32> to vector<16xf32>
          %get3A_228 = arith.index_cast %add3A_223 : i32 to index
          %get3A_229 = arith.constant 0 : index
          %get3A_230 = tpu.vector_load %arg15[%get3A_228, %get3A_229] {strides = array<i32>} : memref<128x16xf32, #tpu.memory_space<vmem>>, vector<1x16xf32>,
          %get3A_231 = vector.shape_cast %get3A_230 : vector<1x16xf32> to vector<16xf32>
          %add3A_232 = arith.addf %get3A_227, %get3A_231 : vector<16xf32>
          %ge3A_233 = arith.constant 0.000000e+00 : f32
          %ge3A_234 = vector.broadcast %ge3A_233 : f32 to vector<16xf32>
          %ge3A_235 = arith.cmpf oge, %add3A_232, %ge3A_234 : vector<16xf32>
          %mul3A_236 = arith.constant 2.000000e-01 : f32
          %mul3A_237 = vector.broadcast %mul3A_236 : f32 to vector<16xf32>
          %mul3A_238 = arith.mulf %mul3A_237, %add3A_232 : vector<16xf32>
          %select_n3A_239 = arith.select %ge3A_235, %add3A_232, %mul3A_238 : vector<16xi1>, vector<16xf32>
          %sub3A = arith.subf %select_n3A_239, %get3A_22 : vector<16xf32>
          %exp3A = math.exp %sub3A : vector<16xf32>
          %swap3A = arith.index_cast %add3A_223 : i32 to index
          %swap3A_240 = arith.constant 0 : index
          %swap3A_241 = tpu.vector_load %arg17[%swap3A, %swap3A_240] {strides = array<i32>} : memref<128x16xf32, #tpu.memory_space<vmem>>, vector<1x16xf32>,
          %swap3A_242 = vector.shape_cast %swap3A_241 : vector<1x16xf32> to vector<16xf32>
          %swap3A_243 = vector.shape_cast %exp3A : vector<16xf32> to vector<1x16xf32>
          tpu.vector_store %arg17[%swap3A, %swap3A_240], %swap3A_243 {strides = array<i32>} : memref<128x16xf32, #tpu.memory_space<vmem>>, vector<1x16xf32>,
        }
        %scan3A_206 = arith.constant 128 : i32
        %dma_start3A_207 = arith.constant 1 : i32
        %dma_start3A_208 = arith.constant 0 : i32
        %dma_start3A_209 = tpu.memref_slice %arg9[%dma_start3A_207, %dma_start3A_208] : memref<2x128xi32, #tpu.memory_space<vmem>> -> memref<1x128xi32, #tpu.memory_space<vmem>>
        %dma_start3A_210 = tpu.memref_squeeze %dma_start3A_209 : memref<1x128xi32, #tpu.memory_space<vmem>> -> memref<128xi32, #tpu.memory_space<vmem>>
        %dma_start3A_211 = arith.constant 0 : i32
        %dma_start3A_212 = arith.constant 0 : i32
        %dma_start3A_213 = tpu.memref_slice %arg7[%dma_start3A_211, %dma_start3A_212] : memref<10112x16xf32, #tpu.memory_space<vmem_shared>> -> memref<10112x16xf32, #tpu.memory_space<vmem_shared>>
        tpu.enqueue_indirect_dma source(%arg17 : memref<128x16xf32, #tpu.memory_space<vmem>>) target(%dma_start3A_213 : memref<10112x16xf32, #tpu.memory_space<vmem_shared>>) offsets(%dma_start3A_210 : memref<128xi32, #tpu.memory_space<vmem>>) semaphore(%arg24 : memref<!tpu.dma_semaphore, #tpu.memory_space<semaphore_mem>>) {add = true}
        %lt3A_214 = arith.constant 80 : i32
        %lt3A_215 = arith.cmpi slt, %add3A_136, %lt3A_214 : i32
        %convert_element_type3A_216 = arith.extui %lt3A_215 : i1 to i32
        %cond3A_217 = arith.constant 0 : i32
        %cond3A_218 = arith.cmpi ne, %convert_element_type3A_216, %cond3A_217 : i32
        scf.if %cond3A_218 {
          %add3A_219 = arith.constant 2 : i32
          %add3A_220 = arith.addi %add3A_136, %add3A_219 : i32
          %add3A_221 = arith.addi %mul3A_24, %add3A_220 : i32
          %dma_start3A_222 = arith.constant 0 : i32
          %dma_start3A_223 = arith.constant 0 : i32
          %dma_start3A_224 = tpu.memref_slice %arg2[%add3A_221, %dma_start3A_222, %dma_start3A_223] : memref<2624x2x128xi32, #tpu.memory_space<hbm>> -> memref<1x2x128xi32, #tpu.memory_space<hbm>>
          %dma_start3A_225 = tpu.memref_squeeze %dma_start3A_224 : memref<1x2x128xi32, #tpu.memory_space<hbm>> -> memref<2x128xi32, #tpu.memory_space<hbm>>
          %dma_start3A_226 = arith.constant 0 : i32
          %dma_start3A_227 = arith.constant 0 : i32
          %dma_start3A_228 = tpu.memref_slice %arg2[%add3A_221, %dma_start3A_226, %dma_start3A_227] : memref<2624x2x128xi32, #tpu.memory_space<hbm>> -> memref<1x2x128xi32, #tpu.memory_space<hbm>>
          %dma_start3A_229 = tpu.memref_squeeze %dma_start3A_228 : memref<1x2x128xi32, #tpu.memory_space<hbm>> -> memref<2x128xi32, #tpu.memory_space<hbm>>
          tpu.enqueue_dma source(%dma_start3A_229 : memref<2x128xi32, #tpu.memory_space<hbm>>) target(%arg11 : memref<2x128xi32, #tpu.memory_space<vmem>>) target_semaphore(%arg20 : memref<!tpu.dma_semaphore, #tpu.memory_space<semaphore_mem>>)
        } else {
        }
      } else {
      }
      %jit3A_158 = arith.constant 2 : i32
      %eq3A_159 = arith.constant 0 : i32
      %eq3A_160 = arith.cmpi eq, %jit3A_158, %eq3A_159 : i32
      %jit3A_161 = arith.constant 1 : i32
      %select_n3A_162 = arith.select %eq3A_160, %jit3A_161, %jit3A_158 : i32
      %rem3A_163 = arith.remsi %add3A_95, %select_n3A_162 : i32
      %ne3A_164 = arith.constant 0 : i32
      %ne3A_165 = arith.cmpi ne, %rem3A_163, %ne3A_164 : i32
      %lt3A_166 = arith.constant 0 : i32
      %lt3A_167 = arith.cmpi slt, %rem3A_163, %lt3A_166 : i32
      %lt3A_168 = arith.constant 0 : i32
      %lt3A_169 = arith.cmpi slt, %select_n3A_162, %lt3A_168 : i32
      %ne3A_170 = arith.xori %lt3A_167, %lt3A_169 : i1
      %and3A_171 = arith.andi %ne3A_170, %ne3A_165 : i1
      %add3A_172 = arith.addi %rem3A_163, %select_n3A_162 : i32
      %select_n3A_173 = arith.select %and3A_171, %add3A_172, %rem3A_163 : i32
      %eq3A_174 = arith.constant 1 : i32
      %eq3A_175 = arith.cmpi eq, %select_n3A_173, %eq3A_174 : i32
      %convert_element_type3A_176 = arith.extui %eq3A_175 : i1 to i32
      %cond3A_177 = arith.constant 0 : i32
      %cond3A_178 = arith.cmpi ne, %convert_element_type3A_176, %cond3A_177 : i32
      scf.if %cond3A_178 {
        %dma_wait3A_179 = arith.constant 0 : i32
        %dma_wait3A_180 = arith.constant 0 : i32
        %dma_wait3A_181 = tpu.memref_slice %arg11[%dma_wait3A_179, %dma_wait3A_180] : memref<2x128xi32, #tpu.memory_space<vmem>> -> memref<1x128xi32, #tpu.memory_space<vmem>>
        %dma_wait3A_182 = tpu.memref_squeeze %dma_wait3A_181 : memref<1x128xi32, #tpu.memory_space<vmem>> -> memref<128xi32, #tpu.memory_space<vmem>>
        %dma_wait3A_183 = arith.constant 0 : i32
        %dma_wait3A_184 = arith.constant 0 : i32
        %dma_wait3A_185 = tpu.memref_slice %arg3[%dma_wait3A_183, %dma_wait3A_184] : memref<10112x16xf32, #tpu.memory_space<hbm>> -> memref<10112x16xf32, #tpu.memory_space<hbm>>
        tpu.wait_indirect_dma semaphore(%arg22 : memref<!tpu.dma_semaphore, #tpu.memory_space<semaphore_mem>>) src(%dma_wait3A_185 : memref<10112x16xf32, #tpu.memory_space<hbm>>) dst(%arg14 : memref<128x16xf32, #tpu.memory_space<vmem>>)
        %dma_wait3A_186 = arith.constant 1 : i32
        %dma_wait3A_187 = arith.constant 0 : i32
        %dma_wait3A_188 = tpu.memref_slice %arg11[%dma_wait3A_186, %dma_wait3A_187] : memref<2x128xi32, #tpu.memory_space<vmem>> -> memref<1x128xi32, #tpu.memory_space<vmem>>
        %dma_wait3A_189 = tpu.memref_squeeze %dma_wait3A_188 : memref<1x128xi32, #tpu.memory_space<vmem>> -> memref<128xi32, #tpu.memory_space<vmem>>
        %dma_wait3A_190 = arith.constant 0 : i32
        %dma_wait3A_191 = arith.constant 0 : i32
        %dma_wait3A_192 = tpu.memref_slice %arg4[%dma_wait3A_190, %dma_wait3A_191] : memref<10112x16xf32, #tpu.memory_space<hbm>> -> memref<10112x16xf32, #tpu.memory_space<hbm>>
        tpu.wait_indirect_dma semaphore(%arg22 : memref<!tpu.dma_semaphore, #tpu.memory_space<semaphore_mem>>) src(%dma_wait3A_192 : memref<10112x16xf32, #tpu.memory_space<hbm>>) dst(%arg15 : memref<128x16xf32, #tpu.memory_space<vmem>>)
        %ge3A = arith.constant 2 : i32
        %ge3A_193 = arith.cmpi sge, %add3A_136, %ge3A : i32
        %convert_element_type3A_194 = arith.extui %ge3A_193 : i1 to i32
        %cond3A_195 = arith.constant 0 : i32
        %cond3A_196 = arith.cmpi ne, %convert_element_type3A_194, %cond3A_195 : i32
        scf.if %cond3A_196 {
          %dma_wait3A_219 = arith.constant 1 : i32
          %dma_wait3A_220 = arith.constant 0 : i32
          %dma_wait3A_221 = tpu.memref_slice %arg9[%dma_wait3A_219, %dma_wait3A_220] : memref<2x128xi32, #tpu.memory_space<vmem>> -> memref<1x128xi32, #tpu.memory_space<vmem>>
          %dma_wait3A_222 = tpu.memref_squeeze %dma_wait3A_221 : memref<1x128xi32, #tpu.memory_space<vmem>> -> memref<128xi32, #tpu.memory_space<vmem>>
          %dma_wait3A_223 = arith.constant 0 : i32
          %dma_wait3A_224 = arith.constant 0 : i32
          %dma_wait3A_225 = tpu.memref_slice %arg7[%dma_wait3A_223, %dma_wait3A_224] : memref<10112x16xf32, #tpu.memory_space<vmem_shared>> -> memref<10112x16xf32, #tpu.memory_space<vmem_shared>>
          tpu.wait_indirect_dma semaphore(%arg24 : memref<!tpu.dma_semaphore, #tpu.memory_space<semaphore_mem>>) src(%arg17 : memref<128x16xf32, #tpu.memory_space<vmem>>) dst(%dma_wait3A_225 : memref<10112x16xf32, #tpu.memory_space<vmem_shared>>)
        } else {
        }
        %lt3A_197 = arith.constant 81 : i32
        %lt3A_198 = arith.cmpi slt, %add3A_136, %lt3A_197 : i32
        %convert_element_type3A_199 = arith.extui %lt3A_198 : i1 to i32
        %cond3A_200 = arith.constant 0 : i32
        %cond3A_201 = arith.cmpi ne, %convert_element_type3A_199, %cond3A_200 : i32
        scf.if %cond3A_201 {
          %add3A_219 = arith.constant 1 : i32
          %add3A_220 = arith.addi %add3A_136, %add3A_219 : i32
          %add3A_221 = arith.addi %mul3A_24, %add3A_220 : i32
          %dma_wait3A_222 = arith.constant 0 : i32
          %dma_wait3A_223 = arith.constant 0 : i32
          %dma_wait3A_224 = tpu.memref_slice %arg2[%add3A_221, %dma_wait3A_222, %dma_wait3A_223] : memref<2624x2x128xi32, #tpu.memory_space<hbm>> -> memref<1x2x128xi32, #tpu.memory_space<hbm>>
          %dma_wait3A_225 = tpu.memref_squeeze %dma_wait3A_224 : memref<1x2x128xi32, #tpu.memory_space<hbm>> -> memref<2x128xi32, #tpu.memory_space<hbm>>
          %dma_wait3A_226 = arith.constant 0 : i32
          %dma_wait3A_227 = arith.constant 0 : i32
          %dma_wait3A_228 = tpu.memref_slice %arg2[%add3A_221, %dma_wait3A_226, %dma_wait3A_227] : memref<2624x2x128xi32, #tpu.memory_space<hbm>> -> memref<1x2x128xi32, #tpu.memory_space<hbm>>
          %dma_wait3A_229 = tpu.memref_squeeze %dma_wait3A_228 : memref<1x2x128xi32, #tpu.memory_space<hbm>> -> memref<2x128xi32, #tpu.memory_space<hbm>>
          tpu.wait_dma2 semaphore(%arg20 : memref<!tpu.dma_semaphore, #tpu.memory_space<semaphore_mem>>) src(%dma_wait3A_229 : memref<2x128xi32, #tpu.memory_space<hbm>>) dst(%arg8 : memref<2x128xi32, #tpu.memory_space<vmem>>)
          %dma_start3A_230 = arith.constant 0 : i32
          %dma_start3A_231 = arith.constant 0 : i32
          %dma_start3A_232 = tpu.memref_slice %arg8[%dma_start3A_230, %dma_start3A_231] : memref<2x128xi32, #tpu.memory_space<vmem>> -> memref<1x128xi32, #tpu.memory_space<vmem>>
          %dma_start3A_233 = tpu.memref_squeeze %dma_start3A_232 : memref<1x128xi32, #tpu.memory_space<vmem>> -> memref<128xi32, #tpu.memory_space<vmem>>
          %dma_start3A_234 = arith.constant 0 : i32
          %dma_start3A_235 = arith.constant 0 : i32
          %dma_start3A_236 = tpu.memref_slice %arg3[%dma_start3A_234, %dma_start3A_235] : memref<10112x16xf32, #tpu.memory_space<hbm>> -> memref<10112x16xf32, #tpu.memory_space<hbm>>
          tpu.enqueue_indirect_dma source(%dma_start3A_236 : memref<10112x16xf32, #tpu.memory_space<hbm>>) target(%arg12 : memref<128x16xf32, #tpu.memory_space<vmem>>) offsets(%dma_start3A_233 : memref<128xi32, #tpu.memory_space<vmem>>) semaphore(%arg21 : memref<!tpu.dma_semaphore, #tpu.memory_space<semaphore_mem>>)
          %dma_start3A_237 = arith.constant 1 : i32
          %dma_start3A_238 = arith.constant 0 : i32
          %dma_start3A_239 = tpu.memref_slice %arg8[%dma_start3A_237, %dma_start3A_238] : memref<2x128xi32, #tpu.memory_space<vmem>> -> memref<1x128xi32, #tpu.memory_space<vmem>>
          %dma_start3A_240 = tpu.memref_squeeze %dma_start3A_239 : memref<1x128xi32, #tpu.memory_space<vmem>> -> memref<128xi32, #tpu.memory_space<vmem>>
          %dma_start3A_241 = arith.constant 0 : i32
          %dma_start3A_242 = arith.constant 0 : i32
          %dma_start3A_243 = tpu.memref_slice %arg4[%dma_start3A_241, %dma_start3A_242] : memref<10112x16xf32, #tpu.memory_space<hbm>> -> memref<10112x16xf32, #tpu.memory_space<hbm>>
          tpu.enqueue_indirect_dma source(%dma_start3A_243 : memref<10112x16xf32, #tpu.memory_space<hbm>>) target(%arg13 : memref<128x16xf32, #tpu.memory_space<vmem>>) offsets(%dma_start3A_240 : memref<128xi32, #tpu.memory_space<vmem>>) semaphore(%arg21 : memref<!tpu.dma_semaphore, #tpu.memory_space<semaphore_mem>>)
        } else {
        }
        %scan3A_202 = arith.constant 0 : i32
        %scan3A_203 = arith.constant 128 : i32
        %scan3A_204 = arith.addi %scan3A_202, %scan3A_203 : i32
        %scan3A_205 = arith.constant 1 : i32
        scf.for %scan3A_219 = %scan3A_202 to %scan3A_204 step %scan3A_205  : i32 {
          %mul3A_220 = arith.constant 1 : i32
          %mul3A_221 = arith.muli %scan3A_219, %mul3A_220 : i32
          %add3A_222 = arith.constant 0 : i32
          %add3A_223 = arith.addi %add3A_222, %mul3A_221 : i32
          %get3A_224 = arith.index_cast %add3A_223 : i32 to index
          %get3A_225 = arith.constant 0 : index
          %get3A_226 = tpu.vector_load %arg14[%get3A_224, %get3A_225] {strides = array<i32>} : memref<128x16xf32, #tpu.memory_space<vmem>>, vector<1x16xf32>,
          %get3A_227 = vector.shape_cast %get3A_226 : vector<1x16xf32> to vector<16xf32>
          %get3A_228 = arith.index_cast %add3A_223 : i32 to index
          %get3A_229 = arith.constant 0 : index
          %get3A_230 = tpu.vector_load %arg15[%get3A_228, %get3A_229] {strides = array<i32>} : memref<128x16xf32, #tpu.memory_space<vmem>>, vector<1x16xf32>,
          %get3A_231 = vector.shape_cast %get3A_230 : vector<1x16xf32> to vector<16xf32>
          %add3A_232 = arith.addf %get3A_227, %get3A_231 : vector<16xf32>
          %ge3A_233 = arith.constant 0.000000e+00 : f32
          %ge3A_234 = vector.broadcast %ge3A_233 : f32 to vector<16xf32>
          %ge3A_235 = arith.cmpf oge, %add3A_232, %ge3A_234 : vector<16xf32>
          %mul3A_236 = arith.constant 2.000000e-01 : f32
          %mul3A_237 = vector.broadcast %mul3A_236 : f32 to vector<16xf32>
          %mul3A_238 = arith.mulf %mul3A_237, %add3A_232 : vector<16xf32>
          %select_n3A_239 = arith.select %ge3A_235, %add3A_232, %mul3A_238 : vector<16xi1>, vector<16xf32>
          %sub3A = arith.subf %select_n3A_239, %get3A_22 : vector<16xf32>
          %exp3A = math.exp %sub3A : vector<16xf32>
          %swap3A = arith.index_cast %add3A_223 : i32 to index
          %swap3A_240 = arith.constant 0 : index
          %swap3A_241 = tpu.vector_load %arg17[%swap3A, %swap3A_240] {strides = array<i32>} : memref<128x16xf32, #tpu.memory_space<vmem>>, vector<1x16xf32>,
          %swap3A_242 = vector.shape_cast %swap3A_241 : vector<1x16xf32> to vector<16xf32>
          %swap3A_243 = vector.shape_cast %exp3A : vector<16xf32> to vector<1x16xf32>
          tpu.vector_store %arg17[%swap3A, %swap3A_240], %swap3A_243 {strides = array<i32>} : memref<128x16xf32, #tpu.memory_space<vmem>>, vector<1x16xf32>,
        }
        %scan3A_206 = arith.constant 128 : i32
        %dma_start3A_207 = arith.constant 1 : i32
        %dma_start3A_208 = arith.constant 0 : i32
        %dma_start3A_209 = tpu.memref_slice %arg11[%dma_start3A_207, %dma_start3A_208] : memref<2x128xi32, #tpu.memory_space<vmem>> -> memref<1x128xi32, #tpu.memory_space<vmem>>
        %dma_start3A_210 = tpu.memref_squeeze %dma_start3A_209 : memref<1x128xi32, #tpu.memory_space<vmem>> -> memref<128xi32, #tpu.memory_space<vmem>>
        %dma_start3A_211 = arith.constant 0 : i32
        %dma_start3A_212 = arith.constant 0 : i32
        %dma_start3A_213 = tpu.memref_slice %arg7[%dma_start3A_211, %dma_start3A_212] : memref<10112x16xf32, #tpu.memory_space<vmem_shared>> -> memref<10112x16xf32, #tpu.memory_space<vmem_shared>>
        tpu.enqueue_indirect_dma source(%arg17 : memref<128x16xf32, #tpu.memory_space<vmem>>) target(%dma_start3A_213 : memref<10112x16xf32, #tpu.memory_space<vmem_shared>>) offsets(%dma_start3A_210 : memref<128xi32, #tpu.memory_space<vmem>>) semaphore(%arg24 : memref<!tpu.dma_semaphore, #tpu.memory_space<semaphore_mem>>) {add = true}
        %lt3A_214 = arith.constant 80 : i32
        %lt3A_215 = arith.cmpi slt, %add3A_136, %lt3A_214 : i32
        %convert_element_type3A_216 = arith.extui %lt3A_215 : i1 to i32
        %cond3A_217 = arith.constant 0 : i32
        %cond3A_218 = arith.cmpi ne, %convert_element_type3A_216, %cond3A_217 : i32
        scf.if %cond3A_218 {
          %add3A_219 = arith.constant 2 : i32
          %add3A_220 = arith.addi %add3A_136, %add3A_219 : i32
          %add3A_221 = arith.addi %mul3A_24, %add3A_220 : i32
          %dma_start3A_222 = arith.constant 0 : i32
          %dma_start3A_223 = arith.constant 0 : i32
          %dma_start3A_224 = tpu.memref_slice %arg2[%add3A_221, %dma_start3A_222, %dma_start3A_223] : memref<2624x2x128xi32, #tpu.memory_space<hbm>> -> memref<1x2x128xi32, #tpu.memory_space<hbm>>
          %dma_start3A_225 = tpu.memref_squeeze %dma_start3A_224 : memref<1x2x128xi32, #tpu.memory_space<hbm>> -> memref<2x128xi32, #tpu.memory_space<hbm>>
          %dma_start3A_226 = arith.constant 0 : i32
          %dma_start3A_227 = arith.constant 0 : i32
          %dma_start3A_228 = tpu.memref_slice %arg2[%add3A_221, %dma_start3A_226, %dma_start3A_227] : memref<2624x2x128xi32, #tpu.memory_space<hbm>> -> memref<1x2x128xi32, #tpu.memory_space<hbm>>
          %dma_start3A_229 = tpu.memref_squeeze %dma_start3A_228 : memref<1x2x128xi32, #tpu.memory_space<hbm>> -> memref<2x128xi32, #tpu.memory_space<hbm>>
          tpu.enqueue_dma source(%dma_start3A_229 : memref<2x128xi32, #tpu.memory_space<hbm>>) target(%arg9 : memref<2x128xi32, #tpu.memory_space<vmem>>) target_semaphore(%arg20 : memref<!tpu.dma_semaphore, #tpu.memory_space<semaphore_mem>>)
        } else {
        }
      } else {
      }
    }
    %scan3A_71 = arith.constant 41 : i32
    %dma_wait3A_72 = arith.constant 1 : i32
    %dma_wait3A_73 = arith.constant 0 : i32
    %dma_wait3A_74 = tpu.memref_slice %arg8[%dma_wait3A_72, %dma_wait3A_73] : memref<2x128xi32, #tpu.memory_space<vmem>> -> memref<1x128xi32, #tpu.memory_space<vmem>>
    %dma_wait3A_75 = tpu.memref_squeeze %dma_wait3A_74 : memref<1x128xi32, #tpu.memory_space<vmem>> -> memref<128xi32, #tpu.memory_space<vmem>>
    %dma_wait3A_76 = arith.constant 0 : i32
    %dma_wait3A_77 = arith.constant 0 : i32
    %dma_wait3A_78 = tpu.memref_slice %arg7[%dma_wait3A_76, %dma_wait3A_77] : memref<10112x16xf32, #tpu.memory_space<vmem_shared>> -> memref<10112x16xf32, #tpu.memory_space<vmem_shared>>
    tpu.wait_indirect_dma semaphore(%arg23 : memref<!tpu.dma_semaphore, #tpu.memory_space<semaphore_mem>>) src(%arg16 : memref<128x16xf32, #tpu.memory_space<vmem>>) dst(%dma_wait3A_78 : memref<10112x16xf32, #tpu.memory_space<vmem_shared>>)
    %dma_wait3A_79 = arith.constant 1 : i32
    %dma_wait3A_80 = arith.constant 0 : i32
    %dma_wait3A_81 = tpu.memref_slice %arg9[%dma_wait3A_79, %dma_wait3A_80] : memref<2x128xi32, #tpu.memory_space<vmem>> -> memref<1x128xi32, #tpu.memory_space<vmem>>
    %dma_wait3A_82 = tpu.memref_squeeze %dma_wait3A_81 : memref<1x128xi32, #tpu.memory_space<vmem>> -> memref<128xi32, #tpu.memory_space<vmem>>
    %dma_wait3A_83 = arith.constant 0 : i32
    %dma_wait3A_84 = arith.constant 0 : i32
    %dma_wait3A_85 = tpu.memref_slice %arg7[%dma_wait3A_83, %dma_wait3A_84] : memref<10112x16xf32, #tpu.memory_space<vmem_shared>> -> memref<10112x16xf32, #tpu.memory_space<vmem_shared>>
    tpu.wait_indirect_dma semaphore(%arg24 : memref<!tpu.dma_semaphore, #tpu.memory_space<semaphore_mem>>) src(%arg17 : memref<128x16xf32, #tpu.memory_space<vmem>>) dst(%dma_wait3A_85 : memref<10112x16xf32, #tpu.memory_space<vmem_shared>>)
    %barrier3A_86 = arith.constant 0 : index
    tpu.barrier barrier_id(%barrier3A_86)
    %mul3A_87 = arith.constant 632 : i32
    %mul3A_88 = arith.muli %arg1, %mul3A_87 : i32
    %mul3A_89 = arith.constant 632 : i32
    %mul3A_90 = arith.muli %arg1, %mul3A_89 : i32
    "tpu.region"() ({
      %run_scoped3A = tpu.sem_alloc : memref<!tpu.dma_semaphore, #tpu.memory_space<semaphore_mem>>
      %dma_start3A_91 = arith.constant 0 : i32
      %dma_start3A_92 = tpu.memref_slice %arg6[%arg0, %mul3A_90, %dma_start3A_91] : memref<2x10112x16xf32, #tpu.memory_space<hbm>> -> memref<1x632x16xf32, #tpu.memory_space<hbm>>
      %dma_start3A_93 = tpu.memref_squeeze %dma_start3A_92 : memref<1x632x16xf32, #tpu.memory_space<hbm>> -> memref<632x16xf32, #tpu.memory_space<hbm>>
      %dma_start3A_94 = arith.constant 0 : i32
      %dma_start3A_95 = tpu.memref_slice %arg7[%mul3A_88, %dma_start3A_94] : memref<10112x16xf32, #tpu.memory_space<vmem_shared>> -> memref<632x16xf32, #tpu.memory_space<vmem_shared>>
      tpu.enqueue_dma source(%dma_start3A_95 : memref<632x16xf32, #tpu.memory_space<vmem_shared>>) target(%dma_start3A_93 : memref<632x16xf32, #tpu.memory_space<hbm>>) target_semaphore(%run_scoped3A : memref<!tpu.dma_semaphore, #tpu.memory_space<semaphore_mem>>)
      %dma_wait3A_96 = arith.constant 0 : i32
      %dma_wait3A_97 = tpu.memref_slice %arg6[%arg0, %mul3A_90, %dma_wait3A_96] : memref<2x10112x16xf32, #tpu.memory_space<hbm>> -> memref<1x632x16xf32, #tpu.memory_space<hbm>>
      %dma_wait3A_98 = tpu.memref_squeeze %dma_wait3A_97 : memref<1x632x16xf32, #tpu.memory_space<hbm>> -> memref<632x16xf32, #tpu.memory_space<hbm>>
      %dma_wait3A_99 = arith.constant 0 : i32
      %dma_wait3A_100 = tpu.memref_slice %arg7[%mul3A_88, %dma_wait3A_99] : memref<10112x16xf32, #tpu.memory_space<vmem_shared>> -> memref<632x16xf32, #tpu.memory_space<vmem_shared>>
      tpu.wait_dma2 semaphore(%run_scoped3A : memref<!tpu.dma_semaphore, #tpu.memory_space<semaphore_mem>>) src(%dma_wait3A_100 : memref<632x16xf32, #tpu.memory_space<vmem_shared>>) dst(%dma_wait3A_98 : memref<632x16xf32, #tpu.memory_space<hbm>>)
      tpu.yield
    }) : () -> ()
    return
  }
}

module attributes {stable_mosaic.version = 14 : i64} {
  func.func @_tc_a1_body(%arg0: i32, %arg1: memref<1000x128xf32, #tpu.memory_space<vmem>>, %arg2: memref<128x1024xf32, #tpu.memory_space<vmem>>, %arg3: memref<1x1024xf32, #tpu.memory_space<vmem>>, %arg4: memref<1x1024xf32, #tpu.memory_space<vmem>>, %arg5: memref<1000x16xf32, #tpu.memory_space<vmem>>, %arg6: memref<1000x16xf32, #tpu.memory_space<vmem>>, %arg7: memref<8x16xf32, #tpu.memory_space<vmem>>, %arg8: memref<128x32xf32, #tpu.memory_space<vmem>>) attributes {dimension_semantics = [#tpu.dimension_semantics<arbitrary>], iteration_bounds = array<i64: 10>, scalar_prefetch = 0 : i64, scratch_operands = 1 : i64, tpu.core_type = #tpu.core_type<tc>, window_params = [{transform_indices = @transform_0, window_bounds = array<i64: 1000, 128>}, {pipeline_mode = #tpu.pipeline_mode<synchronous>, transform_indices = @transform_1, window_bounds = array<i64: 128, 1024>}, {pipeline_mode = #tpu.pipeline_mode<synchronous>, transform_indices = @transform_2, window_bounds = array<i64: 1, 1024>}, {pipeline_mode = #tpu.pipeline_mode<synchronous>, transform_indices = @transform_3, window_bounds = array<i64: 1, 1024>}, {transform_indices = @transform_4, window_bounds = array<i64: 1000, 16>}, {transform_indices = @transform_5, window_bounds = array<i64: 1000, 16>}, {pipeline_mode = #tpu.pipeline_mode<synchronous>, transform_indices = @transform_6, window_bounds = array<i64: 8, 16>}]} {
    %eq3A = arith.constant 0 : i32
    %eq3A_0 = arith.cmpi eq, %arg0, %eq3A : i32
    %convert_element_type3A = arith.extui %eq3A_0 : i1 to i32
    %cond3A = arith.constant 0 : i32
    %cond3A_1 = arith.cmpi ne, %convert_element_type3A, %cond3A : i32
    scf.if %cond3A_1 {
      %broadcast_in_dim3A_29 = arith.constant 0.000000e+00 : f32
      %broadcast_in_dim3A_30 = vector.broadcast %broadcast_in_dim3A_29 : f32 to vector<128x8xf32>
      %get3A_31 = arith.constant 0 : index
      %get3A_32 = arith.constant 0 : index
      %get3A_33 = vector.load %arg2[%get3A_31, %get3A_32] : memref<128x1024xf32, #tpu.memory_space<vmem>>, vector<128x1024xf32>
      %get3A_34 = arith.constant 0 : index
      %get3A_35 = arith.constant 0 : index
      %get3A_36 = vector.load %arg3[%get3A_34, %get3A_35] : memref<1x1024xf32, #tpu.memory_space<vmem>>, vector<1x1024xf32>
      %mul3A = vector.broadcast %get3A_36 : vector<1x1024xf32> to vector<128x1024xf32>
      %mul3A_37 = arith.mulf %get3A_33, %mul3A : vector<128x1024xf32>
      %get3A_38 = arith.constant 0 : index
      %get3A_39 = arith.constant 0 : index
      %get3A_40 = vector.load %arg2[%get3A_38, %get3A_39] : memref<128x1024xf32, #tpu.memory_space<vmem>>, vector<128x1024xf32>
      %get3A_41 = arith.constant 0 : index
      %get3A_42 = arith.constant 0 : index
      %get3A_43 = vector.load %arg4[%get3A_41, %get3A_42] : memref<1x1024xf32, #tpu.memory_space<vmem>>, vector<1x1024xf32>
      %mul3A_44 = vector.broadcast %get3A_43 : vector<1x1024xf32> to vector<128x1024xf32>
      %mul3A_45 = arith.mulf %get3A_40, %mul3A_44 : vector<128x1024xf32>
      %slice3A_46 = vector.extract_strided_slice %mul3A_37 {offsets = [0, 0], sizes = [128, 128], strides = [1, 1]} : vector<128x1024xf32> to vector<128x128xf32>
      %reduce_sum3A = arith.constant dense<0.000000e+00> : vector<128xf32>
      %reduce_sum3A_47 = vector.multi_reduction <add>, %slice3A_46, %reduce_sum3A [1] : vector<128x128xf32> to vector<128xf32>
      %broadcast_in_dim3A_48 = vector.shape_cast %reduce_sum3A_47 : vector<128xf32> to vector<128x1xf32>
      %slice3A_49 = vector.extract_strided_slice %mul3A_37 {offsets = [0, 128], sizes = [128, 128], strides = [1, 1]} : vector<128x1024xf32> to vector<128x128xf32>
      %reduce_sum3A_50 = arith.constant dense<0.000000e+00> : vector<128xf32>
      %reduce_sum3A_51 = vector.multi_reduction <add>, %slice3A_49, %reduce_sum3A_50 [1] : vector<128x128xf32> to vector<128xf32>
      %broadcast_in_dim3A_52 = vector.shape_cast %reduce_sum3A_51 : vector<128xf32> to vector<128x1xf32>
      %slice3A_53 = vector.extract_strided_slice %mul3A_37 {offsets = [0, 256], sizes = [128, 128], strides = [1, 1]} : vector<128x1024xf32> to vector<128x128xf32>
      %reduce_sum3A_54 = arith.constant dense<0.000000e+00> : vector<128xf32>
      %reduce_sum3A_55 = vector.multi_reduction <add>, %slice3A_53, %reduce_sum3A_54 [1] : vector<128x128xf32> to vector<128xf32>
      %broadcast_in_dim3A_56 = vector.shape_cast %reduce_sum3A_55 : vector<128xf32> to vector<128x1xf32>
      %slice3A_57 = vector.extract_strided_slice %mul3A_37 {offsets = [0, 384], sizes = [128, 128], strides = [1, 1]} : vector<128x1024xf32> to vector<128x128xf32>
      %reduce_sum3A_58 = arith.constant dense<0.000000e+00> : vector<128xf32>
      %reduce_sum3A_59 = vector.multi_reduction <add>, %slice3A_57, %reduce_sum3A_58 [1] : vector<128x128xf32> to vector<128xf32>
      %broadcast_in_dim3A_60 = vector.shape_cast %reduce_sum3A_59 : vector<128xf32> to vector<128x1xf32>
      %slice3A_61 = vector.extract_strided_slice %mul3A_37 {offsets = [0, 512], sizes = [128, 128], strides = [1, 1]} : vector<128x1024xf32> to vector<128x128xf32>
      %reduce_sum3A_62 = arith.constant dense<0.000000e+00> : vector<128xf32>
      %reduce_sum3A_63 = vector.multi_reduction <add>, %slice3A_61, %reduce_sum3A_62 [1] : vector<128x128xf32> to vector<128xf32>
      %broadcast_in_dim3A_64 = vector.shape_cast %reduce_sum3A_63 : vector<128xf32> to vector<128x1xf32>
      %slice3A_65 = vector.extract_strided_slice %mul3A_37 {offsets = [0, 640], sizes = [128, 128], strides = [1, 1]} : vector<128x1024xf32> to vector<128x128xf32>
      %reduce_sum3A_66 = arith.constant dense<0.000000e+00> : vector<128xf32>
      %reduce_sum3A_67 = vector.multi_reduction <add>, %slice3A_65, %reduce_sum3A_66 [1] : vector<128x128xf32> to vector<128xf32>
      %broadcast_in_dim3A_68 = vector.shape_cast %reduce_sum3A_67 : vector<128xf32> to vector<128x1xf32>
      %slice3A_69 = vector.extract_strided_slice %mul3A_37 {offsets = [0, 768], sizes = [128, 128], strides = [1, 1]} : vector<128x1024xf32> to vector<128x128xf32>
      %reduce_sum3A_70 = arith.constant dense<0.000000e+00> : vector<128xf32>
      %reduce_sum3A_71 = vector.multi_reduction <add>, %slice3A_69, %reduce_sum3A_70 [1] : vector<128x128xf32> to vector<128xf32>
      %broadcast_in_dim3A_72 = vector.shape_cast %reduce_sum3A_71 : vector<128xf32> to vector<128x1xf32>
      %slice3A_73 = vector.extract_strided_slice %mul3A_37 {offsets = [0, 896], sizes = [128, 128], strides = [1, 1]} : vector<128x1024xf32> to vector<128x128xf32>
      %reduce_sum3A_74 = arith.constant dense<0.000000e+00> : vector<128xf32>
      %reduce_sum3A_75 = vector.multi_reduction <add>, %slice3A_73, %reduce_sum3A_74 [1] : vector<128x128xf32> to vector<128xf32>
      %broadcast_in_dim3A_76 = vector.shape_cast %reduce_sum3A_75 : vector<128xf32> to vector<128x1xf32>
      %slice3A_77 = vector.extract_strided_slice %mul3A_45 {offsets = [0, 0], sizes = [128, 128], strides = [1, 1]} : vector<128x1024xf32> to vector<128x128xf32>
      %reduce_sum3A_78 = arith.constant dense<0.000000e+00> : vector<128xf32>
      %reduce_sum3A_79 = vector.multi_reduction <add>, %slice3A_77, %reduce_sum3A_78 [1] : vector<128x128xf32> to vector<128xf32>
      %broadcast_in_dim3A_80 = vector.shape_cast %reduce_sum3A_79 : vector<128xf32> to vector<128x1xf32>
      %slice3A_81 = vector.extract_strided_slice %mul3A_45 {offsets = [0, 128], sizes = [128, 128], strides = [1, 1]} : vector<128x1024xf32> to vector<128x128xf32>
      %reduce_sum3A_82 = arith.constant dense<0.000000e+00> : vector<128xf32>
      %reduce_sum3A_83 = vector.multi_reduction <add>, %slice3A_81, %reduce_sum3A_82 [1] : vector<128x128xf32> to vector<128xf32>
      %broadcast_in_dim3A_84 = vector.shape_cast %reduce_sum3A_83 : vector<128xf32> to vector<128x1xf32>
      %slice3A_85 = vector.extract_strided_slice %mul3A_45 {offsets = [0, 256], sizes = [128, 128], strides = [1, 1]} : vector<128x1024xf32> to vector<128x128xf32>
      %reduce_sum3A_86 = arith.constant dense<0.000000e+00> : vector<128xf32>
      %reduce_sum3A_87 = vector.multi_reduction <add>, %slice3A_85, %reduce_sum3A_86 [1] : vector<128x128xf32> to vector<128xf32>
      %broadcast_in_dim3A_88 = vector.shape_cast %reduce_sum3A_87 : vector<128xf32> to vector<128x1xf32>
      %slice3A_89 = vector.extract_strided_slice %mul3A_45 {offsets = [0, 384], sizes = [128, 128], strides = [1, 1]} : vector<128x1024xf32> to vector<128x128xf32>
      %reduce_sum3A_90 = arith.constant dense<0.000000e+00> : vector<128xf32>
      %reduce_sum3A_91 = vector.multi_reduction <add>, %slice3A_89, %reduce_sum3A_90 [1] : vector<128x128xf32> to vector<128xf32>
      %broadcast_in_dim3A_92 = vector.shape_cast %reduce_sum3A_91 : vector<128xf32> to vector<128x1xf32>
      %slice3A_93 = vector.extract_strided_slice %mul3A_45 {offsets = [0, 512], sizes = [128, 128], strides = [1, 1]} : vector<128x1024xf32> to vector<128x128xf32>
      %reduce_sum3A_94 = arith.constant dense<0.000000e+00> : vector<128xf32>
      %reduce_sum3A_95 = vector.multi_reduction <add>, %slice3A_93, %reduce_sum3A_94 [1] : vector<128x128xf32> to vector<128xf32>
      %broadcast_in_dim3A_96 = vector.shape_cast %reduce_sum3A_95 : vector<128xf32> to vector<128x1xf32>
      %slice3A_97 = vector.extract_strided_slice %mul3A_45 {offsets = [0, 640], sizes = [128, 128], strides = [1, 1]} : vector<128x1024xf32> to vector<128x128xf32>
      %reduce_sum3A_98 = arith.constant dense<0.000000e+00> : vector<128xf32>
      %reduce_sum3A_99 = vector.multi_reduction <add>, %slice3A_97, %reduce_sum3A_98 [1] : vector<128x128xf32> to vector<128xf32>
      %broadcast_in_dim3A_100 = vector.shape_cast %reduce_sum3A_99 : vector<128xf32> to vector<128x1xf32>
      %slice3A_101 = vector.extract_strided_slice %mul3A_45 {offsets = [0, 768], sizes = [128, 128], strides = [1, 1]} : vector<128x1024xf32> to vector<128x128xf32>
      %reduce_sum3A_102 = arith.constant dense<0.000000e+00> : vector<128xf32>
      %reduce_sum3A_103 = vector.multi_reduction <add>, %slice3A_101, %reduce_sum3A_102 [1] : vector<128x128xf32> to vector<128xf32>
      %broadcast_in_dim3A_104 = vector.shape_cast %reduce_sum3A_103 : vector<128xf32> to vector<128x1xf32>
      %slice3A_105 = vector.extract_strided_slice %mul3A_45 {offsets = [0, 896], sizes = [128, 128], strides = [1, 1]} : vector<128x1024xf32> to vector<128x128xf32>
      %reduce_sum3A_106 = arith.constant dense<0.000000e+00> : vector<128xf32>
      %reduce_sum3A_107 = vector.multi_reduction <add>, %slice3A_105, %reduce_sum3A_106 [1] : vector<128x128xf32> to vector<128xf32>
      %broadcast_in_dim3A_108 = vector.shape_cast %reduce_sum3A_107 : vector<128xf32> to vector<128x1xf32>
      %concatenate3A_109 = tpu.concatenate %broadcast_in_dim3A_48, %broadcast_in_dim3A_52, %broadcast_in_dim3A_56, %broadcast_in_dim3A_60, %broadcast_in_dim3A_64, %broadcast_in_dim3A_68, %broadcast_in_dim3A_72, %broadcast_in_dim3A_76, %broadcast_in_dim3A_30, %broadcast_in_dim3A_80, %broadcast_in_dim3A_84, %broadcast_in_dim3A_88, %broadcast_in_dim3A_92, %broadcast_in_dim3A_96, %broadcast_in_dim3A_100, %broadcast_in_dim3A_104, %broadcast_in_dim3A_108, %broadcast_in_dim3A_30 in 1 : vector<128x1xf32>, vector<128x1xf32>, vector<128x1xf32>, vector<128x1xf32>, vector<128x1xf32>, vector<128x1xf32>, vector<128x1xf32>, vector<128x1xf32>, vector<128x8xf32>, vector<128x1xf32>, vector<128x1xf32>, vector<128x1xf32>, vector<128x1xf32>, vector<128x1xf32>, vector<128x1xf32>, vector<128x1xf32>, vector<128x1xf32>, vector<128x8xf32> -> vector<128x32xf32>
      %swap3A_110 = arith.constant 0 : index
      %swap3A_111 = arith.constant 0 : index
      %swap3A_112 = vector.load %arg8[%swap3A_110, %swap3A_111] : memref<128x32xf32, #tpu.memory_space<vmem>>, vector<128x32xf32>
      tpu.vector_store %arg8[%swap3A_110, %swap3A_111], %concatenate3A_109 {strides = array<i32>} : memref<128x32xf32, #tpu.memory_space<vmem>>, vector<128x32xf32>,
    } else {
    }
    %get3A = arith.constant 0 : index
    %get3A_2 = arith.constant 0 : index
    %get3A_3 = vector.load %arg1[%get3A, %get3A_2] : memref<1000x128xf32, #tpu.memory_space<vmem>>, vector<1000x128xf32>
    %get3A_4 = arith.constant 0 : index
    %get3A_5 = arith.constant 0 : index
    %get3A_6 = vector.load %arg8[%get3A_4, %get3A_5] : memref<128x32xf32, #tpu.memory_space<vmem>>, vector<128x32xf32>
    %dot_general3A = arith.constant dense<0.000000e+00> : vector<1000x32xf32>
    %dot_general3A_7 = tpu.matmul %get3A_3, %get3A_6, %dot_general3A {dimension_numbers = #tpu.dot_dimension_numbers<[1], [0], [0], [1], [0, 0, 1, 1], [], []>, transpose_lhs_hint = false} : vector<1000x128xf32>, vector<128x32xf32>, vector<1000x32xf32> -> vector<1000x32xf32>
    %slice3A = vector.extract_strided_slice %dot_general3A_7 {offsets = [0, 0], sizes = [1000, 16], strides = [1, 1]} : vector<1000x32xf32> to vector<1000x16xf32>
    %slice3A_8 = vector.extract_strided_slice %dot_general3A_7 {offsets = [0, 16], sizes = [1000, 16], strides = [1, 1]} : vector<1000x32xf32> to vector<1000x16xf32>
    %swap3A = arith.constant 0 : index
    %swap3A_9 = arith.constant 0 : index
    %swap3A_10 = vector.load %arg5[%swap3A, %swap3A_9] : memref<1000x16xf32, #tpu.memory_space<vmem>>, vector<1000x16xf32>
    tpu.vector_store %arg5[%swap3A, %swap3A_9], %slice3A {strides = array<i32>} : memref<1000x16xf32, #tpu.memory_space<vmem>>, vector<1000x16xf32>,
    %swap3A_11 = arith.constant 0 : index
    %swap3A_12 = arith.constant 0 : index
    %swap3A_13 = vector.load %arg6[%swap3A_11, %swap3A_12] : memref<1000x16xf32, #tpu.memory_space<vmem>>, vector<1000x16xf32>
    tpu.vector_store %arg6[%swap3A_11, %swap3A_12], %slice3A_8 {strides = array<i32>} : memref<1000x16xf32, #tpu.memory_space<vmem>>, vector<1000x16xf32>,
    %reduce_max3A = arith.constant dense<0xFF800000> : vector<16xf32>
    %reduce_max3A_14 = vector.multi_reduction <maximumf>, %slice3A, %reduce_max3A [0] : vector<1000x16xf32> to vector<16xf32>
    %broadcast_in_dim3A = vector.shape_cast %reduce_max3A_14 : vector<16xf32> to vector<1x16xf32>
    %reduce_max3A_15 = arith.constant dense<0xFF800000> : vector<16xf32>
    %reduce_max3A_16 = vector.multi_reduction <maximumf>, %slice3A_8, %reduce_max3A_15 [0] : vector<1000x16xf32> to vector<16xf32>
    %broadcast_in_dim3A_17 = vector.shape_cast %reduce_max3A_16 : vector<16xf32> to vector<1x16xf32>
    %broadcast_in_dim3A_18 = arith.constant 0xFF800000 : f32
    %broadcast_in_dim3A_19 = vector.broadcast %broadcast_in_dim3A_18 : f32 to vector<6x16xf32>
    %concatenate3A = tpu.concatenate %broadcast_in_dim3A, %broadcast_in_dim3A_17, %broadcast_in_dim3A_19 in 0 : vector<1x16xf32>, vector<1x16xf32>, vector<6x16xf32> -> vector<8x16xf32>
    %eq3A_20 = arith.constant 0 : i32
    %eq3A_21 = arith.cmpi eq, %arg0, %eq3A_20 : i32
    %convert_element_type3A_22 = arith.extui %eq3A_21 : i1 to i32
    %cond3A_23 = arith.constant 0 : i32
    %cond3A_24 = arith.cmpi ne, %convert_element_type3A_22, %cond3A_23 : i32
    scf.if %cond3A_24 {
      %swap3A_29 = arith.constant 0 : index
      %swap3A_30 = arith.constant 0 : index
      %swap3A_31 = vector.load %arg7[%swap3A_29, %swap3A_30] : memref<8x16xf32, #tpu.memory_space<vmem>>, vector<8x16xf32>
      tpu.vector_store %arg7[%swap3A_29, %swap3A_30], %concatenate3A {strides = array<i32>} : memref<8x16xf32, #tpu.memory_space<vmem>>, vector<8x16xf32>,
    } else {
    }
    %gt3A = arith.constant 0 : i32
    %gt3A_25 = arith.cmpi sgt, %arg0, %gt3A : i32
    %convert_element_type3A_26 = arith.extui %gt3A_25 : i1 to i32
    %cond3A_27 = arith.constant 0 : i32
    %cond3A_28 = arith.cmpi ne, %convert_element_type3A_26, %cond3A_27 : i32
    scf.if %cond3A_28 {
      %get3A_29 = arith.constant 0 : index
      %get3A_30 = arith.constant 0 : index
      %get3A_31 = vector.load %arg7[%get3A_29, %get3A_30] : memref<8x16xf32, #tpu.memory_space<vmem>>, vector<8x16xf32>
      %max3A = arith.maximumf %get3A_31, %concatenate3A : vector<8x16xf32>
      %swap3A_32 = arith.constant 0 : index
      %swap3A_33 = arith.constant 0 : index
      %swap3A_34 = vector.load %arg7[%swap3A_32, %swap3A_33] : memref<8x16xf32, #tpu.memory_space<vmem>>, vector<8x16xf32>
      tpu.vector_store %arg7[%swap3A_32, %swap3A_33], %max3A {strides = array<i32>} : memref<8x16xf32, #tpu.memory_space<vmem>>, vector<8x16xf32>,
    } else {
    }
    return
  }
  func.func @transform_0(%arg0: i32) -> (i32, i32) {
    %c0_i32 = arith.constant 0 : i32
    %c0_i32_0 = arith.constant 0 : i32
    return %arg0, %c0_i32 : i32, i32
  }
  func.func @transform_1(%arg0: i32) -> (i32, i32) {
    %c0_i32 = arith.constant 0 : i32
    %c0_i32_0 = arith.constant 0 : i32
    %c0_i32_1 = arith.constant 0 : i32
    return %c0_i32, %c0_i32_0 : i32, i32
  }
  func.func @transform_2(%arg0: i32) -> (i32, i32) {
    %c0_i32 = arith.constant 0 : i32
    %c0_i32_0 = arith.constant 0 : i32
    %c0_i32_1 = arith.constant 0 : i32
    return %c0_i32, %c0_i32_0 : i32, i32
  }
  func.func @transform_3(%arg0: i32) -> (i32, i32) {
    %c0_i32 = arith.constant 0 : i32
    %c0_i32_0 = arith.constant 0 : i32
    %c0_i32_1 = arith.constant 0 : i32
    return %c0_i32, %c0_i32_0 : i32, i32
  }
  func.func @transform_4(%arg0: i32) -> (i32, i32) {
    %c0_i32 = arith.constant 0 : i32
    %c0_i32_0 = arith.constant 0 : i32
    return %arg0, %c0_i32 : i32, i32
  }
  func.func @transform_5(%arg0: i32) -> (i32, i32) {
    %c0_i32 = arith.constant 0 : i32
    %c0_i32_0 = arith.constant 0 : i32
    return %arg0, %c0_i32 : i32, i32
  }
  func.func @transform_6(%arg0: i32) -> (i32, i32) {
    %c0_i32 = arith.constant 0 : i32
    %c0_i32_0 = arith.constant 0 : i32
    %c0_i32_1 = arith.constant 0 : i32
    return %c0_i32, %c0_i32_0 : i32, i32
  }
}

module attributes {stable_mosaic.version = 14 : i64} {
  func.func @_tc_a2_body(%arg0: i32, %arg1: memref<1000x128xf32, #tpu.memory_space<vmem>>, %arg2: memref<128x1024xf32, #tpu.memory_space<vmem>>, %arg3: memref<1024x256xf32, #tpu.memory_space<vmem>>, %arg4: memref<1000x256xbf16, #tpu.memory_space<vmem>>, %arg5: memref<128x256xf32, #tpu.memory_space<vmem>>) attributes {dimension_semantics = [#tpu.dimension_semantics<arbitrary>], iteration_bounds = array<i64: 10>, scalar_prefetch = 0 : i64, scratch_operands = 1 : i64, tpu.core_type = #tpu.core_type<tc>, window_params = [{transform_indices = @transform_0, window_bounds = array<i64: 1000, 128>}, {pipeline_mode = #tpu.pipeline_mode<synchronous>, transform_indices = @transform_1, window_bounds = array<i64: 128, 1024>}, {pipeline_mode = #tpu.pipeline_mode<synchronous>, transform_indices = @transform_2, window_bounds = array<i64: 1024, 256>}, {transform_indices = @transform_3, window_bounds = array<i64: 1000, 256>}]} {
    %eq3A = arith.constant 0 : i32
    %eq3A_0 = arith.cmpi eq, %arg0, %eq3A : i32
    %convert_element_type3A = arith.extui %eq3A_0 : i1 to i32
    %cond3A = arith.constant 0 : i32
    %cond3A_1 = arith.cmpi ne, %convert_element_type3A, %cond3A : i32
    scf.if %cond3A_1 {
      %get3A_11 = arith.constant 0 : index
      %get3A_12 = arith.constant 0 : index
      %get3A_13 = vector.load %arg2[%get3A_11, %get3A_12] : memref<128x1024xf32, #tpu.memory_space<vmem>>, vector<128x1024xf32>
      %get3A_14 = arith.constant 0 : index
      %get3A_15 = arith.constant 0 : index
      %get3A_16 = vector.load %arg3[%get3A_14, %get3A_15] : memref<1024x256xf32, #tpu.memory_space<vmem>>, vector<1024x256xf32>
      %dot_general3A_17 = arith.constant dense<0.000000e+00> : vector<128x256xf32>
      %dot_general3A_18 = tpu.matmul %get3A_13, %get3A_16, %dot_general3A_17 {dimension_numbers = #tpu.dot_dimension_numbers<[1], [0], [0], [1], [0, 0, 1, 1], [], []>, transpose_lhs_hint = false} : vector<128x1024xf32>, vector<1024x256xf32>, vector<128x256xf32> -> vector<128x256xf32>
      %swap3A_19 = arith.constant 0 : index
      %swap3A_20 = arith.constant 0 : index
      %swap3A_21 = vector.load %arg5[%swap3A_19, %swap3A_20] : memref<128x256xf32, #tpu.memory_space<vmem>>, vector<128x256xf32>
      tpu.vector_store %arg5[%swap3A_19, %swap3A_20], %dot_general3A_18 {strides = array<i32>} : memref<128x256xf32, #tpu.memory_space<vmem>>, vector<128x256xf32>,
    } else {
    }
    %get3A = arith.constant 0 : index
    %get3A_2 = arith.constant 0 : index
    %get3A_3 = vector.load %arg1[%get3A, %get3A_2] : memref<1000x128xf32, #tpu.memory_space<vmem>>, vector<1000x128xf32>
    %get3A_4 = arith.constant 0 : index
    %get3A_5 = arith.constant 0 : index
    %get3A_6 = vector.load %arg5[%get3A_4, %get3A_5] : memref<128x256xf32, #tpu.memory_space<vmem>>, vector<128x256xf32>
    %dot_general3A = arith.constant dense<0.000000e+00> : vector<1000x256xf32>
    %dot_general3A_7 = tpu.matmul %get3A_3, %get3A_6, %dot_general3A {dimension_numbers = #tpu.dot_dimension_numbers<[1], [0], [0], [1], [0, 0, 1, 1], [], []>, transpose_lhs_hint = false} : vector<1000x128xf32>, vector<128x256xf32>, vector<1000x256xf32> -> vector<1000x256xf32>
    %convert_element_type3A_8 = arith.truncf %dot_general3A_7 : vector<1000x256xf32> to vector<1000x256xbf16>
    %swap3A = arith.constant 0 : index
    %swap3A_9 = arith.constant 0 : index
    %swap3A_10 = vector.load %arg4[%swap3A, %swap3A_9] : memref<1000x256xbf16, #tpu.memory_space<vmem>>, vector<1000x256xbf16>
    tpu.vector_store %arg4[%swap3A, %swap3A_9], %convert_element_type3A_8 {strides = array<i32>} : memref<1000x256xbf16, #tpu.memory_space<vmem>>, vector<1000x256xbf16>,
    return
  }
  func.func @transform_0(%arg0: i32) -> (i32, i32) {
    %c0_i32 = arith.constant 0 : i32
    %c0_i32_0 = arith.constant 0 : i32
    return %arg0, %c0_i32 : i32, i32
  }
  func.func @transform_1(%arg0: i32) -> (i32, i32) {
    %c0_i32 = arith.constant 0 : i32
    %c0_i32_0 = arith.constant 0 : i32
    %c0_i32_1 = arith.constant 0 : i32
    return %c0_i32, %c0_i32_0 : i32, i32
  }
  func.func @transform_2(%arg0: i32) -> (i32, i32) {
    %c0_i32 = arith.constant 0 : i32
    %c0_i32_0 = arith.constant 0 : i32
    %c0_i32_1 = arith.constant 0 : i32
    return %c0_i32, %c0_i32_0 : i32, i32
  }
  func.func @transform_3(%arg0: i32) -> (i32, i32) {
    %c0_i32 = arith.constant 0 : i32
    %c0_i32_0 = arith.constant 0 : i32
    return %arg0, %c0_i32 : i32, i32
  }
}

module attributes {stable_mosaic.version = 14 : i64} {
  func.func @_tc_b1_body(%arg0: i32, %arg1: memref<1000x128xf32, #tpu.memory_space<vmem>>, %arg2: memref<128x1024xf32, #tpu.memory_space<vmem>>, %arg3: memref<2x1000x16xf32, #tpu.memory_space<vmem>>, %arg4: memref<16x1024xf32, #tpu.memory_space<vmem>>, %arg5: memref<1024x128xf32, #tpu.memory_space<vmem>>, %arg6: memref<1x1024xf32, #tpu.memory_space<vmem>>, %arg7: memref<1x128xf32, #tpu.memory_space<vmem>>, %arg8: memref<1x128xf32, #tpu.memory_space<vmem>>, %arg9: memref<1x1024xf32, #tpu.memory_space<vmem>>) attributes {dimension_semantics = [#tpu.dimension_semantics<arbitrary>], iteration_bounds = array<i64: 10>, scalar_prefetch = 0 : i64, scratch_operands = 1 : i64, tpu.core_type = #tpu.core_type<tc>, window_params = [{transform_indices = @transform_0, window_bounds = array<i64: 1000, 128>}, {pipeline_mode = #tpu.pipeline_mode<synchronous>, transform_indices = @transform_1, window_bounds = array<i64: 128, 1024>}, {transform_indices = @transform_2, window_bounds = array<i64: 2, 1000, 16>}, {pipeline_mode = #tpu.pipeline_mode<synchronous>, transform_indices = @transform_3, window_bounds = array<i64: 16, 1024>}, {pipeline_mode = #tpu.pipeline_mode<synchronous>, transform_indices = @transform_4, window_bounds = array<i64: 1024, 128>}, {pipeline_mode = #tpu.pipeline_mode<synchronous>, transform_indices = @transform_5, window_bounds = array<i64: 1, 1024>}, {pipeline_mode = #tpu.pipeline_mode<synchronous>, transform_indices = @transform_6, window_bounds = array<i64: 1, 128>}, {pipeline_mode = #tpu.pipeline_mode<synchronous>, transform_indices = @transform_7, window_bounds = array<i64: 1, 128>}]} {
    %get3A = arith.constant 0 : index
    %get3A_0 = arith.constant 0 : index
    %get3A_1 = vector.load %arg1[%get3A, %get3A_0] : memref<1000x128xf32, #tpu.memory_space<vmem>>, vector<1000x128xf32>
    %get3A_2 = arith.constant 0 : index
    %get3A_3 = arith.constant 0 : index
    %get3A_4 = vector.load %arg2[%get3A_2, %get3A_3] : memref<128x1024xf32, #tpu.memory_space<vmem>>, vector<128x1024xf32>
    %dot_general3A = arith.constant dense<0.000000e+00> : vector<1000x1024xf32>
    %dot_general3A_5 = tpu.matmul %get3A_1, %get3A_4, %dot_general3A {dimension_numbers = #tpu.dot_dimension_numbers<[1], [0], [0], [1], [0, 0, 1, 1], [], []>, transpose_lhs_hint = false} : vector<1000x128xf32>, vector<128x1024xf32>, vector<1000x1024xf32> -> vector<1000x1024xf32>
    %get3A_6 = arith.constant 0 : index
    %get3A_7 = arith.constant 0 : index
    %get3A_8 = arith.constant 0 : index
    %get3A_9 = vector.load %arg3[%get3A_6, %get3A_7, %get3A_8] : memref<2x1000x16xf32, #tpu.memory_space<vmem>>, vector<1x1000x16xf32>
    %get3A_10 = vector.shape_cast %get3A_9 : vector<1x1000x16xf32> to vector<1000x16xf32>
    %get3A_11 = arith.constant 1 : index
    %get3A_12 = arith.constant 0 : index
    %get3A_13 = arith.constant 0 : index
    %get3A_14 = vector.load %arg3[%get3A_11, %get3A_12, %get3A_13] : memref<2x1000x16xf32, #tpu.memory_space<vmem>>, vector<1x1000x16xf32>
    %get3A_15 = vector.shape_cast %get3A_14 : vector<1x1000x16xf32> to vector<1000x16xf32>
    %add3A = arith.addf %get3A_10, %get3A_15 : vector<1000x16xf32>
    %get3A_16 = arith.constant 0 : index
    %get3A_17 = arith.constant 0 : index
    %get3A_18 = vector.load %arg4[%get3A_16, %get3A_17] : memref<16x1024xf32, #tpu.memory_space<vmem>>, vector<16x1024xf32>
    %dot_general3A_19 = arith.constant dense<0.000000e+00> : vector<1000x1024xf32>
    %dot_general3A_20 = tpu.matmul %add3A, %get3A_18, %dot_general3A_19 {dimension_numbers = #tpu.dot_dimension_numbers<[1], [0], [0], [1], [0, 0, 1, 1], [], []>, transpose_lhs_hint = false} : vector<1000x16xf32>, vector<16x1024xf32>, vector<1000x1024xf32> -> vector<1000x1024xf32>
    %mul3A = arith.mulf %dot_general3A_5, %dot_general3A_20 : vector<1000x1024xf32>
    %reduce_sum3A = arith.constant dense<0.000000e+00> : vector<1024xf32>
    %reduce_sum3A_21 = vector.multi_reduction <add>, %mul3A, %reduce_sum3A [0] : vector<1000x1024xf32> to vector<1024xf32>
    %broadcast_in_dim3A = vector.shape_cast %reduce_sum3A_21 : vector<1024xf32> to vector<1x1024xf32>
    %eq3A = arith.constant 0 : i32
    %eq3A_22 = arith.cmpi eq, %arg0, %eq3A : i32
    %convert_element_type3A = arith.extui %eq3A_22 : i1 to i32
    %cond3A = arith.constant 0 : i32
    %cond3A_23 = arith.cmpi ne, %convert_element_type3A, %cond3A : i32
    scf.if %cond3A_23 {
      %swap3A = arith.constant 0 : index
      %swap3A_33 = arith.constant 0 : index
      %swap3A_34 = vector.load %arg9[%swap3A, %swap3A_33] : memref<1x1024xf32, #tpu.memory_space<vmem>>, vector<1x1024xf32>
      tpu.vector_store %arg9[%swap3A, %swap3A_33], %broadcast_in_dim3A {strides = array<i32>} : memref<1x1024xf32, #tpu.memory_space<vmem>>, vector<1x1024xf32>,
    } else {
    }
    %gt3A = arith.constant 0 : i32
    %gt3A_24 = arith.cmpi sgt, %arg0, %gt3A : i32
    %convert_element_type3A_25 = arith.extui %gt3A_24 : i1 to i32
    %cond3A_26 = arith.constant 0 : i32
    %cond3A_27 = arith.cmpi ne, %convert_element_type3A_25, %cond3A_26 : i32
    scf.if %cond3A_27 {
      %get3A_33 = arith.constant 0 : index
      %get3A_34 = arith.constant 0 : index
      %get3A_35 = vector.load %arg9[%get3A_33, %get3A_34] : memref<1x1024xf32, #tpu.memory_space<vmem>>, vector<1x1024xf32>
      %add3A_36 = arith.addf %get3A_35, %broadcast_in_dim3A : vector<1x1024xf32>
      %swap3A = arith.constant 0 : index
      %swap3A_37 = arith.constant 0 : index
      %swap3A_38 = vector.load %arg9[%swap3A, %swap3A_37] : memref<1x1024xf32, #tpu.memory_space<vmem>>, vector<1x1024xf32>
      tpu.vector_store %arg9[%swap3A, %swap3A_37], %add3A_36 {strides = array<i32>} : memref<1x1024xf32, #tpu.memory_space<vmem>>, vector<1x1024xf32>,
    } else {
    }
    %eq3A_28 = arith.constant 9 : i32
    %eq3A_29 = arith.cmpi eq, %arg0, %eq3A_28 : i32
    %convert_element_type3A_30 = arith.extui %eq3A_29 : i1 to i32
    %cond3A_31 = arith.constant 0 : i32
    %cond3A_32 = arith.cmpi ne, %convert_element_type3A_30, %cond3A_31 : i32
    scf.if %cond3A_32 {
      %get3A_33 = arith.constant 0 : index
      %get3A_34 = arith.constant 0 : index
      %get3A_35 = vector.load %arg9[%get3A_33, %get3A_34] : memref<1x1024xf32, #tpu.memory_space<vmem>>, vector<1x1024xf32>
      %div3A = arith.constant 1.000000e+04 : f32
      %div3A_36 = vector.broadcast %div3A : f32 to vector<1x1024xf32>
      %div3A_37 = arith.divf %get3A_35, %div3A_36 : vector<1x1024xf32>
      %get3A_38 = arith.constant 0 : index
      %get3A_39 = arith.constant 0 : index
      %get3A_40 = vector.load %arg6[%get3A_38, %get3A_39] : memref<1x1024xf32, #tpu.memory_space<vmem>>, vector<1x1024xf32>
      %add3A_41 = arith.addf %div3A_37, %get3A_40 : vector<1x1024xf32>
      %get3A_42 = arith.constant 0 : index
      %get3A_43 = arith.constant 0 : index
      %get3A_44 = vector.load %arg5[%get3A_42, %get3A_43] : memref<1024x128xf32, #tpu.memory_space<vmem>>, vector<1024x128xf32>
      %dot_general3A_45 = arith.constant dense<0.000000e+00> : vector<1x128xf32>
      %dot_general3A_46 = tpu.matmul %add3A_41, %get3A_44, %dot_general3A_45 {dimension_numbers = #tpu.dot_dimension_numbers<[1], [0], [0], [1], [0, 0, 1, 1], [], []>, transpose_lhs_hint = false} : vector<1x1024xf32>, vector<1024x128xf32>, vector<1x128xf32> -> vector<1x128xf32>
      %get3A_47 = arith.constant 0 : index
      %get3A_48 = arith.constant 0 : index
      %get3A_49 = vector.load %arg7[%get3A_47, %get3A_48] : memref<1x128xf32, #tpu.memory_space<vmem>>, vector<1x128xf32>
      %add3A_50 = arith.addf %dot_general3A_46, %get3A_49 : vector<1x128xf32>
      %max3A = arith.constant 0.000000e+00 : f32
      %max3A_51 = vector.broadcast %max3A : f32 to vector<1x128xf32>
      %max3A_52 = arith.maximumf %add3A_50, %max3A_51 : vector<1x128xf32>
      %swap3A = arith.constant 0 : index
      %swap3A_53 = arith.constant 0 : index
      %swap3A_54 = vector.load %arg8[%swap3A, %swap3A_53] : memref<1x128xf32, #tpu.memory_space<vmem>>, vector<1x128xf32>
      tpu.vector_store %arg8[%swap3A, %swap3A_53], %max3A_52 {strides = array<i32>} : memref<1x128xf32, #tpu.memory_space<vmem>>, vector<1x128xf32>,
    } else {
    }
    return
  }
  func.func @transform_0(%arg0: i32) -> (i32, i32) {
    %c0_i32 = arith.constant 0 : i32
    %c0_i32_0 = arith.constant 0 : i32
    return %arg0, %c0_i32 : i32, i32
  }
  func.func @transform_1(%arg0: i32) -> (i32, i32) {
    %c0_i32 = arith.constant 0 : i32
    %c0_i32_0 = arith.constant 0 : i32
    %c0_i32_1 = arith.constant 0 : i32
    return %c0_i32, %c0_i32_0 : i32, i32
  }
  func.func @transform_2(%arg0: i32) -> (i32, i32, i32) {
    %c0_i32 = arith.constant 0 : i32
    %c0_i32_0 = arith.constant 0 : i32
    %c0_i32_1 = arith.constant 0 : i32
    return %c0_i32, %arg0, %c0_i32_0 : i32, i32, i32
  }
  func.func @transform_3(%arg0: i32) -> (i32, i32) {
    %c0_i32 = arith.constant 0 : i32
    %c0_i32_0 = arith.constant 0 : i32
    %c0_i32_1 = arith.constant 0 : i32
    return %c0_i32, %c0_i32_0 : i32, i32
  }
  func.func @transform_4(%arg0: i32) -> (i32, i32) {
    %c0_i32 = arith.constant 0 : i32
    %c0_i32_0 = arith.constant 0 : i32
    %c0_i32_1 = arith.constant 0 : i32
    return %c0_i32, %c0_i32_0 : i32, i32
  }
  func.func @transform_5(%arg0: i32) -> (i32, i32) {
    %c0_i32 = arith.constant 0 : i32
    %c0_i32_0 = arith.constant 0 : i32
    %c0_i32_1 = arith.constant 0 : i32
    return %c0_i32, %c0_i32_0 : i32, i32
  }
  func.func @transform_6(%arg0: i32) -> (i32, i32) {
    %c0_i32 = arith.constant 0 : i32
    %c0_i32_0 = arith.constant 0 : i32
    %c0_i32_1 = arith.constant 0 : i32
    return %c0_i32, %c0_i32_0 : i32, i32
  }
  func.func @transform_7(%arg0: i32) -> (i32, i32) {
    %c0_i32 = arith.constant 0 : i32
    %c0_i32_0 = arith.constant 0 : i32
    %c0_i32_1 = arith.constant 0 : i32
    return %c0_i32, %c0_i32_0 : i32, i32
  }
}

module attributes {stable_mosaic.version = 14 : i64} {
  func.func @_tc_b2_body(%arg0: i32, %arg1: memref<2x1000x32xf32, #tpu.memory_space<vmem>>, %arg2: memref<1x32xf32, #tpu.memory_space<vmem>>, %arg3: memref<1x128xf32, #tpu.memory_space<vmem>>, %arg4: memref<160x64xf32, #tpu.memory_space<vmem>>, %arg5: memref<1x64xf32, #tpu.memory_space<vmem>>, %arg6: memref<64x1xf32, #tpu.memory_space<vmem>>, %arg7: memref<1x1xf32, #tpu.memory_space<vmem>>, %arg8: memref<1000x32xf32, #tpu.memory_space<vmem>>, %arg9: memref<1000x1xf32, #tpu.memory_space<vmem>>) attributes {dimension_semantics = [#tpu.dimension_semantics<arbitrary>], iteration_bounds = array<i64: 10>, scalar_prefetch = 0 : i64, scratch_operands = 0 : i64, tpu.core_type = #tpu.core_type<tc>, window_params = [{transform_indices = @transform_0, window_bounds = array<i64: 2, 1000, 32>}, {pipeline_mode = #tpu.pipeline_mode<synchronous>, transform_indices = @transform_1, window_bounds = array<i64: 1, 32>}, {pipeline_mode = #tpu.pipeline_mode<synchronous>, transform_indices = @transform_2, window_bounds = array<i64: 1, 128>}, {pipeline_mode = #tpu.pipeline_mode<synchronous>, transform_indices = @transform_3, window_bounds = array<i64: 160, 64>}, {pipeline_mode = #tpu.pipeline_mode<synchronous>, transform_indices = @transform_4, window_bounds = array<i64: 1, 64>}, {pipeline_mode = #tpu.pipeline_mode<synchronous>, transform_indices = @transform_5, window_bounds = array<i64: 64, 1>}, {pipeline_mode = #tpu.pipeline_mode<synchronous>, transform_indices = @transform_6, window_bounds = array<i64: 1, 1>}, {transform_indices = @transform_7, window_bounds = array<i64: 1000, 32>}, {transform_indices = @transform_8, window_bounds = array<i64: 1000, 1>}]} {
    %get3A = arith.constant 0 : index
    %get3A_0 = arith.constant 0 : index
    %get3A_1 = arith.constant 0 : index
    %get3A_2 = vector.load %arg1[%get3A, %get3A_0, %get3A_1] : memref<2x1000x32xf32, #tpu.memory_space<vmem>>, vector<1x1000x32xf32>
    %get3A_3 = vector.shape_cast %get3A_2 : vector<1x1000x32xf32> to vector<1000x32xf32>
    %get3A_4 = arith.constant 1 : index
    %get3A_5 = arith.constant 0 : index
    %get3A_6 = arith.constant 0 : index
    %get3A_7 = vector.load %arg1[%get3A_4, %get3A_5, %get3A_6] : memref<2x1000x32xf32, #tpu.memory_space<vmem>>, vector<1x1000x32xf32>
    %get3A_8 = vector.shape_cast %get3A_7 : vector<1x1000x32xf32> to vector<1000x32xf32>
    %add3A = arith.addf %get3A_3, %get3A_8 : vector<1000x32xf32>
    %get3A_9 = arith.constant 0 : index
    %get3A_10 = arith.constant 0 : index
    %get3A_11 = vector.load %arg2[%get3A_9, %get3A_10] : memref<1x32xf32, #tpu.memory_space<vmem>>, vector<1x32xf32>
    %add3A_12 = vector.broadcast %get3A_11 : vector<1x32xf32> to vector<1000x32xf32>
    %add3A_13 = arith.addf %add3A, %add3A_12 : vector<1000x32xf32>
    %swap3A = arith.constant 0 : index
    %swap3A_14 = arith.constant 0 : index
    %swap3A_15 = vector.load %arg8[%swap3A, %swap3A_14] : memref<1000x32xf32, #tpu.memory_space<vmem>>, vector<1000x32xf32>
    tpu.vector_store %arg8[%swap3A, %swap3A_14], %add3A_13 {strides = array<i32>} : memref<1000x32xf32, #tpu.memory_space<vmem>>, vector<1000x32xf32>,
    %get3A_16 = arith.constant 0 : index
    %get3A_17 = arith.constant 0 : index
    %get3A_18 = vector.load %arg3[%get3A_16, %get3A_17] : memref<1x128xf32, #tpu.memory_space<vmem>>, vector<1x128xf32>
    %broadcast_in_dim3A = vector.shape_cast %get3A_18 : vector<1x128xf32> to vector<1x128xf32>
    %broadcast_in_dim3A_19 = vector.broadcast %broadcast_in_dim3A : vector<1x128xf32> to vector<1000x128xf32>
    %concatenate3A = tpu.concatenate %add3A_13, %broadcast_in_dim3A_19 in 1 : vector<1000x32xf32>, vector<1000x128xf32> -> vector<1000x160xf32>
    %get3A_20 = arith.constant 0 : index
    %get3A_21 = arith.constant 0 : index
    %get3A_22 = vector.load %arg4[%get3A_20, %get3A_21] : memref<160x64xf32, #tpu.memory_space<vmem>>, vector<160x64xf32>
    %dot_general3A = arith.constant dense<0.000000e+00> : vector<1000x64xf32>
    %dot_general3A_23 = tpu.matmul %concatenate3A, %get3A_22, %dot_general3A {dimension_numbers = #tpu.dot_dimension_numbers<[1], [0], [0], [1], [0, 0, 1, 1], [], []>, transpose_lhs_hint = false} : vector<1000x160xf32>, vector<160x64xf32>, vector<1000x64xf32> -> vector<1000x64xf32>
    %get3A_24 = arith.constant 0 : index
    %get3A_25 = arith.constant 0 : index
    %get3A_26 = vector.load %arg5[%get3A_24, %get3A_25] : memref<1x64xf32, #tpu.memory_space<vmem>>, vector<1x64xf32>
    %add3A_27 = vector.broadcast %get3A_26 : vector<1x64xf32> to vector<1000x64xf32>
    %add3A_28 = arith.addf %dot_general3A_23, %add3A_27 : vector<1000x64xf32>
    %max3A = arith.constant 0.000000e+00 : f32
    %max3A_29 = vector.broadcast %max3A : f32 to vector<1000x64xf32>
    %max3A_30 = arith.maximumf %add3A_28, %max3A_29 : vector<1000x64xf32>
    %get3A_31 = arith.constant 0 : index
    %get3A_32 = arith.constant 0 : index
    %get3A_33 = vector.load %arg6[%get3A_31, %get3A_32] : memref<64x1xf32, #tpu.memory_space<vmem>>, vector<64x1xf32>
    %dot_general3A_34 = arith.constant dense<0.000000e+00> : vector<1000x1xf32>
    %dot_general3A_35 = tpu.matmul %max3A_30, %get3A_33, %dot_general3A_34 {dimension_numbers = #tpu.dot_dimension_numbers<[1], [0], [0], [1], [0, 0, 1, 1], [], []>, transpose_lhs_hint = false} : vector<1000x64xf32>, vector<64x1xf32>, vector<1000x1xf32> -> vector<1000x1xf32>
    %get3A_36 = arith.constant 0 : index
    %get3A_37 = arith.constant 0 : index
    %get3A_38 = vector.load %arg7[%get3A_36, %get3A_37] : memref<1x1xf32, #tpu.memory_space<vmem>>, vector<1x1xf32>
    %add3A_39 = vector.broadcast %get3A_38 : vector<1x1xf32> to vector<1000x1xf32>
    %add3A_40 = arith.addf %dot_general3A_35, %add3A_39 : vector<1000x1xf32>
    %neg3A = arith.constant 0.000000e+00 : f32
    %neg3A_41 = vector.broadcast %neg3A : f32 to vector<1000x1xf32>
    %neg3A_42 = arith.subf %neg3A_41, %add3A_40 : vector<1000x1xf32>
    %exp3A = math.exp %neg3A_42 : vector<1000x1xf32>
    %add3A_43 = arith.constant 1.000000e+00 : f32
    %add3A_44 = vector.broadcast %add3A_43 : f32 to vector<1000x1xf32>
    %add3A_45 = arith.addf %add3A_44, %exp3A : vector<1000x1xf32>
    %div3A = arith.constant 1.000000e+00 : f32
    %div3A_46 = vector.broadcast %div3A : f32 to vector<1000x1xf32>
    %div3A_47 = arith.divf %div3A_46, %add3A_45 : vector<1000x1xf32>
    %swap3A_48 = arith.constant 0 : index
    %swap3A_49 = arith.constant 0 : index
    %swap3A_50 = vector.load %arg9[%swap3A_48, %swap3A_49] : memref<1000x1xf32, #tpu.memory_space<vmem>>, vector<1000x1xf32>
    tpu.vector_store %arg9[%swap3A_48, %swap3A_49], %div3A_47 {strides = array<i32>} : memref<1000x1xf32, #tpu.memory_space<vmem>>, vector<1000x1xf32>,
    return
  }
  func.func @transform_0(%arg0: i32) -> (i32, i32, i32) {
    %c0_i32 = arith.constant 0 : i32
    %c0_i32_0 = arith.constant 0 : i32
    %c0_i32_1 = arith.constant 0 : i32
    return %c0_i32, %arg0, %c0_i32_0 : i32, i32, i32
  }
  func.func @transform_1(%arg0: i32) -> (i32, i32) {
    %c0_i32 = arith.constant 0 : i32
    %c0_i32_0 = arith.constant 0 : i32
    %c0_i32_1 = arith.constant 0 : i32
    return %c0_i32, %c0_i32_0 : i32, i32
  }
  func.func @transform_2(%arg0: i32) -> (i32, i32) {
    %c0_i32 = arith.constant 0 : i32
    %c0_i32_0 = arith.constant 0 : i32
    %c0_i32_1 = arith.constant 0 : i32
    return %c0_i32, %c0_i32_0 : i32, i32
  }
  func.func @transform_3(%arg0: i32) -> (i32, i32) {
    %c0_i32 = arith.constant 0 : i32
    %c0_i32_0 = arith.constant 0 : i32
    %c0_i32_1 = arith.constant 0 : i32
    return %c0_i32, %c0_i32_0 : i32, i32
  }
  func.func @transform_4(%arg0: i32) -> (i32, i32) {
    %c0_i32 = arith.constant 0 : i32
    %c0_i32_0 = arith.constant 0 : i32
    %c0_i32_1 = arith.constant 0 : i32
    return %c0_i32, %c0_i32_0 : i32, i32
  }
  func.func @transform_5(%arg0: i32) -> (i32, i32) {
    %c0_i32 = arith.constant 0 : i32
    %c0_i32_0 = arith.constant 0 : i32
    %c0_i32_1 = arith.constant 0 : i32
    return %c0_i32, %c0_i32_0 : i32, i32
  }
  func.func @transform_6(%arg0: i32) -> (i32, i32) {
    %c0_i32 = arith.constant 0 : i32
    %c0_i32_0 = arith.constant 0 : i32
    %c0_i32_1 = arith.constant 0 : i32
    return %c0_i32, %c0_i32_0 : i32, i32
  }
  func.func @transform_7(%arg0: i32) -> (i32, i32) {
    %c0_i32 = arith.constant 0 : i32
    %c0_i32_0 = arith.constant 0 : i32
    return %arg0, %c0_i32 : i32, i32
  }
  func.func @transform_8(%arg0: i32) -> (i32, i32) {
    %c0_i32 = arith.constant 0 : i32
    %c0_i32_0 = arith.constant 0 : i32
    return %arg0, %c0_i32 : i32, i32
  }
}

</mosaic_0001>

<sc_bundles>
// kernel: kernel.11.cloned.1.call-start
scs
__scs_entry_jumppad:
0x0: {  	(pc) =	sbr.rel $0x88, $3  }
0x1: {  	(tag) =	ssettag $0x0;
	lr =	simm.s32 $0x1  }
0x2: {  	[smem:$0x3F93] =	sst lr;
	_ =	strace $0xD0000000  }
0x3: {  	_ = 	snop  }
0x4: {  	_ = 	snop  }
0x5: {  	_ = 	snop  }
0x6: {  	_ = 	snop  }
0x7: {  	_ = 	snop  }
__scs_overlays_trampoline_lowered:
0x8: {  	[smem:$0x3FA2] =	sst s0  }
0x9: {  	[smem:$0x3FA3] =	sst s1  }
0xa: {  	[smem:$0x3FA4] =	sst s2  }
0xb: {  	[smem:$0x3FA5] =	sst s3  }
0xc: {  	[smem:$0x3FA6] =	sst s4  }
0xd: {  	[smem:$0x3FA7] =	sst s5  }
0xe: {  	[smem:$0x3FA8] =	sst s6  }
0xf: {  	[smem:$0x3FA9] =	sst s7  }
0x10: {  	[smem:$0x3FAA] =	sst s8  }
0x11: {  	[smem:$0x3FAB] =	sst s9;
	s0 =	simm.s32 @!p0 $0x0  }
0x12: {  	s1 =	sld [smem:$0x3F91];
	s0 =	simm.s32 @p0 $0x1  }
0x13: {  	[smem:$0x3FAC] =	sst s0;
	s0 =	simm.s32 @!p1 $0x0  }
0x14: {  	s2 =	sld [smem:$0x3F90];
	s0 =	simm.s32 @p1 $0x1  }
0x15: {  	[smem:$0x3FAD] =	sst s0;
	s0 =	simm.s32 @!p2 $0x0  }
0x16: {  	s3 =	sld [smem:$0x3FDB];
	s0 =	simm.s32 @p2 $0x1  }
0x17: {  	s4 =	simm.s32 $0x1BF5;
	[smem:$0x3FAF] =	sst s0  }
0x18: {  	s0 =	sld [smem:$0x3F92];
	_ =	swait.ge [sflag:s4], $0x0  }
0x19: {  	s7 =	sld [smem:$0x3F93]  }
0x1a: {  	s8 =	sadd.s32 $0xFFFFE003, lr  }
0x1b: {  	s9 =	sadd.s32 $0xFFFFFEF7, lr;
	s5 =	simm.s32 $0xFFFFFFFF;
	p2 =	slt.u32 s8, $0xFFFFF086  }
0x1c: {  	p1 =	slt.u32 s9, $0xF7A;
	s5 =	simm.s32 @!p2 $0x0  }
0x1d: {  	s5 =	simm.s32 @p1 $0x1;
	p0 =	seq.s32 s7, s2  }
0x1e: {  	s7 =	smul.u32 @!p0 $0xF7A, s2;
	p2 =	seq.s32 @!p0 s5, $0x0  }
0x1f: {  	s9 =	smul.u32 $0xF7A, s1;
	s8 =	simm.s32 @!p0 $0x1BF5;
	p2 =	por !p2, p0  }
0x20: {  	[sflag:s8] =	ssyncset.s32 @!p0 $0xFFFFF086;
	s6 =	sadd.s32 @!p0 s3, s7;
	s7 =	simm.s32 @!p0 $0x108  }
0x21: {  	s3 =	sadd.s32 s3, s9;
	s6 =	sadd.s32 @!p0 $0x88, s6;
	s7 =	simm.s32 @p2 $0x1082  }
0x22: {  	[simem:s7], [sflag:s8] =	dma.local @!p0 [hbm:s6], $0xF7A  }
0x23: {  	s9 =	sor.u32 $0xD0000000, s2;
	s6 =	simm.s32 $0x108;
	_ =	swait.ge @!p0 [sflag:s8], $0x0  }
0x24: {  	s3 =	sadd.s32 $0x88, s3;
	s6 =	simm.s32 @!p1 $0x1082;
	[sflag:s4] =	ssyncset.s32 $0xFFFFF086  }
0x25: {  	[simem:s6], [sflag:s4] =	dma.local [hbm:s3], $0xF7A  }
0x26: {  	[smem:$0x3F93] =	sst s1;
	(tag) =	ssettag s2;
	_ =	strace s9  }
0x27: {  	s1 =	sld [smem:$0x3FA3]  }
0x28: {  	s2 =	sld [smem:$0x3FA4]  }
0x29: {  	s4 =	sld [smem:$0x3FA6]  }
0x2a: {  	p0 =	seq.s32 s5, $0x0;
	s5 =	sld [smem:$0x3FA7]  }
0x2b: {  	s6 =	sld [smem:$0x3FA8]  }
0x2c: {  	s7 =	sld [smem:$0x3FA9]  }
0x2d: {  	s3 =	simm.s32 $0x108;
	s8 =	sld [smem:$0x3FAA]  }
0x2e: {  	s3 =	simm.s32 @!p0 $0x1082;
	s9 =	sld [smem:$0x3FAB]  }
0x2f: {  	lr =	sadd.s32 s0, s3;
	s0 =	sld [smem:$0x3FA2]  }
0x30: {  	s3 =	sld [smem:$0x3FA5]  }
0x31: {  	[smem:$0x3FAE] =	sst s10  }
0x32: {  	s10 =	sld [smem:$0x3FAC];
	_ =	sdelay $0x3  }
0x33: {  	p0 =	seq.s32 s10, $0x1;
	s10 =	sld [smem:$0x3FAE];
	_ =	sdelay $0x3  }
0x34: {  	[smem:$0x3FAE] =	sst s10  }
0x35: {  	s10 =	sld [smem:$0x3FAD];
	_ =	sdelay $0x3  }
0x36: {  	p1 =	seq.s32 s10, $0x1;
	s10 =	sld [smem:$0x3FAE];
	_ =	sdelay $0x3  }
0x37: {  	[smem:$0x3FAE] =	sst s10  }
0x38: {  	s10 =	sld [smem:$0x3FAF]  }
0x39: {  	_ = 	snop;
	(pc) =	sbr.ind lr, $3  }
0x3a: {  	_ = 	snop  }
0x3b: {  	_ = 	snop  }
0x3c: {  	p2 =	seq.s32 s10, $0x1;
	s10 =	sld [smem:$0x3FAE]  }
0x3d: {  	_ =	shalt  }
0x3e: {  	_ =	shalt  }
0x3f: {  	_ =	shalt  }
0x40: {  	_ =	shalt  }
0x41: {  	_ =	shalt  }
0x42: {  	_ =	shalt  }
0x43: {  	_ =	shalt  }
0x44: {  	_ =	shalt  }
0x45: {  	_ =	shalt  }
0x46: {  	_ =	shalt  }
0x47: {  	_ =	shalt  }
0x48: {  	_ =	shalt  }
0x49: {  	_ =	shalt  }
0x4a: {  	_ =	shalt  }
0x4b: {  	_ =	shalt  }
0x4c: {  	_ =	shalt  }
0x4d: {  	_ =	shalt  }
0x4e: {  	_ =	shalt  }
0x4f: {  	_ =	shalt  }
0x50: {  	_ =	shalt  }
0x51: {  	_ =	shalt  }
0x52: {  	_ =	shalt  }
0x53: {  	_ =	shalt  }
0x54: {  	_ =	shalt  }
0x55: {  	_ =	shalt  }
0x56: {  	_ =	shalt  }
0x57: {  	_ =	shalt  }
0x58: {  	_ =	shalt  }
0x59: {  	_ =	shalt  }
0x5a: {  	_ =	shalt  }
0x5b: {  	_ =	shalt  }
0x5c: {  	_ =	shalt  }
0x5d: {  	_ =	shalt  }
0x5e: {  	_ =	shalt  }
0x5f: {  	_ =	shalt  }
0x60: {  	_ =	shalt  }
0x61: {  	_ =	shalt  }
0x62: {  	_ =	shalt  }
0x63: {  	_ =	shalt  }
0x64: {  	_ =	shalt  }
0x65: {  	_ =	shalt  }
0x66: {  	_ =	shalt  }
0x67: {  	_ =	shalt  }
0x68: {  	_ =	shalt  }
0x69: {  	_ =	shalt  }
0x6a: {  	_ =	shalt  }
0x6b: {  	_ =	shalt  }
0x6c: {  	_ =	shalt  }
0x6d: {  	_ =	shalt  }
0x6e: {  	_ =	shalt  }
0x6f: {  	_ =	shalt  }
0x70: {  	_ =	shalt  }
0x71: {  	_ =	shalt  }
0x72: {  	_ =	shalt  }
0x73: {  	_ =	shalt  }
0x74: {  	_ =	shalt  }
0x75: {  	_ =	shalt  }
0x76: {  	_ =	shalt  }
0x77: {  	_ =	shalt  }
0x78: {  	_ =	shalt  }
0x79: {  	_ =	shalt  }
0x7a: {  	_ =	shalt  }
0x7b: {  	_ =	shalt  }
0x7c: {  	_ =	shalt  }
0x7d: {  	_ =	shalt  }
0x7e: {  	_ =	shalt  }
0x7f: {  	_ =	shalt  }
0x80: {  	_ =	shalt  }
0x81: {  	_ =	shalt  }
0x82: {  	_ =	shalt  }
0x83: {  	_ =	shalt  }
0x84: {  	_ =	shalt  }
0x85: {  	_ =	shalt  }
0x86: {  	_ =	shalt  }
0x87: {  	_ =	shalt  }
.Lfunc_end0:
.L_simem_size_0:
called_computation.1_lowered:
.L_overlay_start_0:
0x88: {  	s2 =	sld [smem:$0x3FD9]  }
0x89: {  	s3 =	sld [smem:$0x3FFE];
	_ =	sdelay $0x1  }
0x8a: {  	s1 =	srdreg.scid  }
0x8b: {  	s0 =	sand.u32 $0x1, s1  }
0x8c: {  	s14 =	sshll.u32 s0, $0xA;
	s2 =	sadd.s32 s3, s2  }
0x8d: {  	s2 =	sadd.s32 s2, s14  }
0x8e: {  	[smem:$0x3FBA] =	sst s2  }
0x8f: {  	_ = 	snop  }
0x90: {  	s2 =	sld [smem:$0x3FD0];
	_ =	sdelay $0x2  }
0x91: {  	s15 =	simm.s32 $0xA;
	s4 =	simm.s32 $0x10  }
0x92: {  	[smem:s4], [sflag:s15] =	dma.local [hbm:s2], $0x1  }
0x93: {  	_ =	swait.eq [sflag:s15], $0x1  }
0x94: {  	[sflag:s15] =	ssyncset.done $0x0  }
0x95: {  	s16 =	sld [smem:$0x10];
	[sflag:s15] =	ssyncadd.s32 $0xFFFFFFFF  }
0x96: {  	s17 =	sld [smem:$0x11];
	(tm) =	ssettm $0x1  }
0x97: {  	s18 =	sld [smem:$0x3FFB];
	_ =	sdelay $0x3  }
0x98: {  	_ =	strace s18  }
0x99: {  	s4 =	sld [smem:$0x3FFC];
	_ =	sdelay $0x3  }
0x9a: {  	_ =	strace s4  }
0x9b: {  	s4 =	sld [smem:$0x3FFD];
	_ =	sdelay $0x3  }
0x9c: {  	_ =	strace s4  }
0x9d: {  	_ =	strace $0x8FFFFFFF  }
0x9e: {  	s19 =	sld [smem:$0x3FDB];
	_ =	sdelay $0x1  }
0x9f: {  	s5 =	simm.s32 $_scs_section_size  }
0xa0: {  	s6 =	simm.s32 $_size__tile_overlayer_lowered;
	s7 =	simm.s32 $_tile_overlayer_lowered  }
0xa1: {  	s22 =	simm.s32 $0x1BFF;
	s21 =	sshll.u32 s7, $0x1;
	s4 =	sadd.s32 s5, s19  }
0xa2: {  	s8 =	simm.s32 $0x0;
	s20 =	sshll.u32 s6, $0x1;
	s6 =	sadd.s32 s21, s4  }
0xa3: {  	[timem:s8], [sflag:s22] =	dma.local [hbm:s6], s20  }
0xa4: {  	_ =	swait.ge [sflag:s22], s20  }
0xa5: {  	s5 =	ssub.s32 $0x0, s20;
	[sflag:s22] =	ssyncset.done $0x0  }
0xa6: {  	[sflag:s22] =	ssyncadd.s32 s5;
	_ =	sdelay $0x1  }
0xa7: {  	s23 =	simm.s32 $0x1B8B  }
0xa8: {  	_ =	swait.ge [sflag:s23], $0x1  }
0xa9: {  	[sflag:s23] =	ssyncset.done $0x0  }
0xaa: {  	s25 =	simm.s32 $0x1B8E;
	s24 =	sld [smem:$0x3FFE];
	[sflag:s23] =	ssyncadd.s32 $0xFFFFFFFF  }
0xab: {  	s26 =	simm.s32 $execute0_lowered;
	[smem:$0x3FD2] =	sst s25  }
0xac: {  	s6 =	sshll.u32 s26, $0x1;
	_ =	strace $0x80000049;
	[dreg:$0x1] =	wrdreg $0xFFFFFFFF  }
0xad: {  	s28 =	simm.s32 $_size_execute0_lowered;
	s4 =	sadd.s32 s4, s6;
	[dreg:$0x0] =	wrdreg $0x0  }
0xae: {  	s6 =	sshll.u32 s28, $0x1;
	[dreg:$0x2] =	wrdreg s4  }
0xaf: {  	[dreg:$0x3] =	wrdreg s6  }
0xb0: {  	[dreg:$0x4] =	wrdreg $0xC0  }
0xb1: {  	_ =	task [dreg:s8], $0x5FFFF  }
0xb2: {  	[dreg:$0x1] =	wrdreg $0xFFFFFFFF  }
0xb3: {  	[dreg:$0x0] =	wrdreg $0x60  }
0xb4: {  	[dreg:$0x2] =	wrdreg s24  }
0xb5: {  	[dreg:$0x3] =	wrdreg s16  }
0xb6: {  	[dreg:$0x4] =	wrdreg s17  }
0xb7: {  	[dreg:$0x5] =	wrdreg $0x0  }
0xb8: {  	[dreg:$0x6] =	wrdreg $0x4F000  }
0xb9: {  	[dreg:$0x7] =	wrdreg $0x9  }
0xba: {  	_ =	task.clear_ibuf [dreg:s8], $0x8FFFF;
	_ =	strace $0x90000049  }
0xbb: {  	s29 =	simm.s32 $0x9;
	_ =	strace $0x8000004B  }
0xbc: {  	_ =	swait.ge [sflag:s29], $0x1  }
0xbd: {  	[sflag:s29] =	ssyncadd.s32 $0xFFFFFFFF  }
0xbe: {  	_ =	strace $0x9000004B  }
0xbf: {  	_ =	sfence  }
0xc0: {  	s30 =	sld [smem:$0x0];
	_ =	sdelay $0x2  }
0xc1: {  	s31 =	sshll.u32 s1, $0xD;
	s1 =	sshrl.u32 s1, $0x2  }
0xc2: {  	s3 =	sand.u32 $0x4000, s31;
	s1 =	sadd.s32 s1, s30  }
0xc3: {  	s0 =	sor.u32 s3, s0;
	s1 =	sshll.u32 s1, $0x11  }
0xc4: {  	s0 =	sor.u32 s1, s0  }
0xc5: {  	s0 =	sadd.s32 $0x8F2B, s0  }
0xc6: {  	[sflag:s0] =	ssyncadd.remote.s32 $0x1  }
0xc7: {  	_ =	sfence.sel $0xFFFF  }
0xc8: {  	[dreg:$0x0] =	wrdreg $0xFFFFFFFF;
	(pc) =	sbr.abs _section_cstart, $3  }
0xc9: {  	[dreg:$0x1] =	wrdreg $0xFFFFFFFF  }
0xca: {  	_ =	task.clear_ibuf [dreg:s8], $0x2FFFF;
	_ =	strace $0x9FFFFFFF  }
0xcb: {  	(tm) =	ssettm $0x7FFFFFFF  }
tec
execute0_lowered:
.L_overlay_start_1:
0x0: {  	(tag) =	ssettag $0x1  }
0x1: {  	s0 =	rddreg [dreg:$0x0]  }
0x2: {  	s1 =	rddreg [dreg:$0x1]  }
0x3: {  	s2 =	srdreg.scid;
	s4 =	rddreg [dreg:$0x3]  }
0x4: {  	s15 =	stileid.u32;
	s5 =	rddreg [dreg:$0x4]  }
0x5: {  	s6 =	simm.s32 $0x0;
	s30 =	simm.s32 $0x7680;
	s3 =	smul.u32 $0x4F00, s15  }
0x6: {  	s31 =	simm.s32 $0x1;
	s28 =	simm.s32 $0x4;
	s10 =	smul.u32 $0x2780, s15  }
0x7: {  	s2 =	sand.u32 $0x1, s2;
	[smem:$0x7FF] =	sst s6;
	s14 =	smul.u32 $0x278, s15  }
0x8: {  	s7 =	sadd.s32 $0xB600, s0;
	s8 =	sadd.s32 $0x1600, s0;
	s9 =	smul.u32 $0x4F000, s2  }
0x9: {  	s11 =	smul.u32 $0x27800, s2;
	s23 =	ssub.s32 $0x2, s2;
	s2 =	sshll.u32 s2, $0x4  }
0xa: {  	_ =	strace $0x8000004A;
	s13 =	sshrl.u32 s23, $0x1;
	s2 =	sor.u32 s15, s2  }
0xb: {  	s16 =	sadd.s32 s3, s4;
	s18 =	sadd.s32 s10, s5;
	s24 =	sadd.s32 $0x9E, s14  }
0xc: {  	s25 =	sadd.s32 $0x13C, s14;
	s20 =	sadd.s32 $0x1DA, s14;
	s14 =	simm.s32 $0x2  }
0xd: {  	s12 =	sadd.s32 s3, s9;
	s11 =	sadd.s32 s10, s11;
	s9 =	sadd.s32 $0x1FE00, s0  }
0xe: {  	s26 =	sshll.u32 s24, $0x5;
	s3 =	sshll.u32 s24, $0x4;
	s29 =	sshll.u32 s25, $0x5  }
0xf: {  	s19 =	sshll.u32 s25, $0x4;
	s21 =	smul.u32 $0xA40, s2;
	[dreg:$0x6] =	wrdreg s16  }
0x10: {  	s22 =	sshll.u32 s20, $0x5;
	s2 =	smul.u32 $0x52, s2;
	[dreg:$0x7] =	wrdreg s18  }
0x11: {  	s12 =	sshrl.u32 s12, $0x3;
	s11 =	sshrl.u32 s11, $0x3;
	s3 =	sadd.s32 s3, s5  }
0x12: {  	s17 =	sadd.s32 s29, s4;
	s12 =	sadd.s32 s12, s0;
	s0 =	sadd.s32 s11, s0  }
0x13: {  	s11 =	ssub.s32 s23, s13;
	s13 =	sadd.s32 s26, s4;
	[dreg:$0x9] =	wrdreg s3  }
0x14: {  	[dreg:$0xa] =	wrdreg s17;
	s3 =	sadd.s32 s19, s5;
	s23 =	sshll.u32 s20, $0x4  }
0x15: {  	s24 =	sadd.s32 s7, s21;
	s20 =	sadd.s32 $0x2, s2;
	[dreg:$0x8] =	wrdreg s13  }
0x16: {  	s21 =	sadd.s32 $0x3, s2;
	s17 =	simm.s32 $0x7880;
	[dreg:$0xb] =	wrdreg s3  }
0x17: {  	s2 =	simm.s32 $0x7980;
	s3 =	sadd.s32 s22, s4;
	[dreg:$0xd] =	wrdreg s24  }
0x18: {  	s25 =	sadd.s32 $0x20, s24;
	s26 =	sadd.s32 $0x51400, s12;
	[dreg:$0xc] =	wrdreg s3  }
0x19: {  	s0 =	sadd.s32 $0x47600, s0;
	s29 =	smax.u32 s11, $0x1;
	[dreg:$0xf] =	wrdreg s25  }
.Ltmp0:
0x1a: {  	s13 =	simm.s32 $0x7780;
	[dreg:$0x10] =	wrdreg s26;
	(pc) =	sbr.rel .LBB2_1-.Ltmp0, $4  }
0x1b: {  	s24 =	simm.s32 $0x3;
	s11 =	simm.s32 $0x14A80;
	[dreg:$0x11] =	wrdreg s0  }
0x1c: {  	s12 =	simm.s32 $0x0;
	s3 =	sadd.s32 s23, s5;
	[dreg:$0x12] =	wrdreg s29  }
0x1d: {  	s26 =	simm.s32 $0x6;
	s23 =	simm.s32 $0x12A80;
	s25 =	simm.s32 $0x14280  }
0x1e: {  	v0 =	vimm.f32 $0.0e+00;
	s0 =	simm.s32 $0x7A00;
	[dreg:$0xe] =	wrdreg s3;
	s3 =	simm.s32 $0x80  }
.LBB2_16:
0x1f: {  	_ =	swait.ge [sflag:s28], $0x1000  }
0x20: {  	[sflag:s28] =	ssyncset.done $0x0  }
0x21: {  	[sflag:s28] =	ssyncadd.s32 $0xFFFFF000  }
0x22: {  	_ =	swait.ge [sflag:s28], $0x800  }
0x23: {  	[sflag:s28] =	ssyncset.done $0x0  }
0x24: {  	s10 =	simm.s32 $0x5;
	[sflag:s28] =	ssyncadd.s32 $0xFFFFF800  }
0x25: {  	_ =	swait.ge [sflag:s10], $0x1000  }
0x26: {  	[sflag:s10] =	ssyncset.done $0x0  }
0x27: {  	[sflag:s10] =	ssyncadd.s32 $0xFFFFF000  }
0x28: {  	_ =	swait.ge [sflag:s10], $0x800  }
0x29: {  	[sflag:s10] =	ssyncset.done $0x0  }
0x2a: {  	[sflag:s10] =	ssyncadd.s32 $0xFFFFF800  }
0x2b: {  	s12 =	stileid.u32;
	[bflag:$0x0] =	sbarrier.arrive $0xFFFF  }
0x2c: {  	s10 =	sshll.u32 s12, $0x6;
	s16 =	rddreg [dreg:$0x6]  }
0x2d: {  	s10 =	sor.u32 $0x1C06, s10;
	s15 =	rddreg [dreg:$0x10];
	s12 =	sshrl.u32 s16, $0x3  }
0x2e: {  	[hbm:s15], [sflag:s10] =	dma.local [spmem:s12], $0x9E0  }
0x2f: {  	_ =	swait.ge [sflag:s26], $0x9E0  }
0x30: {  	[sflag:s26] =	ssyncset.done $0x0;
	s18 =	rddreg [dreg:$0x7]  }
0x31: {  	s19 =	rddreg [dreg:$0x11];
	[sflag:s26] =	ssyncadd.s32 $0xFFFFF620;
	s15 =	sshrl.u32 s18, $0x3  }
0x32: {  	[hbm:s19], [sflag:s10] =	dma.local [spmem:s15], $0x4F0  }
0x33: {  	_ =	swait.ge [sflag:s26], $0x4F0  }
0x34: {  	s22 =	rddreg [dreg:$0x13]  }
0x35: {  	s29 =	rddreg [dreg:$0x12];
	s12 =	sadd.s32 $0x1, s22  }
0x36: {  	p0 =	sne.s32 s12, s29  }
.Ltmp1:
0x37: {  	_ = 	snop;
	(pc) =	sbr.rel @!p0 .LBB2_17-.Ltmp1, $3  }
0x38: {  	_ =	sdelay $0x1  }
0x39: {  	[sflag:s26] =	ssyncset.done $0x0  }
0x3a: {  	[sflag:s26] =	ssyncadd.s32 $0xFFFFFB10  }
.LBB2_1:
0x3b: {  	s10 =	simm.s32 $0x15A90  }
0x3c: {  	[tilespmem:s10+$0xFFFFFFF0] =	vst v0  }
0x3d: {  	[dreg:$0x13] =	wrdreg s12;
	s12 =	simm.s32 $0x40;
	s15 =	simm.s32 $0x0;
	[tilespmem:s10+$0x0] =	vst v0  }
.LBB2_2:
0x3e: {  	p0 =	sne.s32 s12, $0x2740  }
0x3f: {  	[tilespmem:s15+$0x16E40] =	vst v0;
	s10 =	sadd.s32 $0x20, s10;
	s15 =	smov.u32 s12;
	s12 =	sadd.s32 $0x40, s12  }
.Ltmp2:
0x40: {  	[tilespmem:s10+$0xFFFFFFF0] =	vst v0;
	(pc) =	sbr.rel @p0 .LBB2_2-.Ltmp2, $2  }
0x41: {  	_ =	sdelay $0x2  }
0x42: {  	s15 =	sshra.s32 s15, $0x2;
	[tilespmem:s10+$0x0] =	vst v0  }
0x43: {  	[tilespmem:s15+$0x16E40] =	vst v0;
	s12 =	simm.s32 $0x15A80  }
0x44: {  	[spmem:s16] =	stream.linear.scatter [tilespmem:s12], [sflag:$0x6], $0x13C0, $0x38;
	[tilespmem:$0x17830] =	vst v63  }
0x45: {  	_ =	swait.ge [sflag:s26], $0x13C0  }
0x46: {  	[sflag:s26] =	ssyncset.done $0x0  }
0x47: {  	s15 =	simm.s32 $0x16E40;
	[sflag:s26] =	ssyncadd.s32 $0xFFFFEC40  }
0x48: {  	[spmem:s18] =	stream.linear.scatter [tilespmem:s15], [sflag:$0x6], $0x9E0, $0x38;
	[tilespmem:$0x17830] =	vst v63  }
0x49: {  	_ =	swait.ge [sflag:s26], $0x9E0  }
0x4a: {  	[sflag:s26] =	ssyncset.done $0x0  }
0x4b: {  	s10 =	rddreg [dreg:$0x8];
	[sflag:s26] =	ssyncadd.s32 $0xFFFFF620  }
0x4c: {  	[spmem:s10] =	stream.linear.scatter [tilespmem:s12], [sflag:$0x6], $0x13C0, $0x38;
	[tilespmem:$0x17830] =	vst v63  }
0x4d: {  	_ =	swait.ge [sflag:s26], $0x13C0  }
0x4e: {  	[sflag:s26] =	ssyncset.done $0x0  }
0x4f: {  	s22 =	rddreg [dreg:$0x9];
	[sflag:s26] =	ssyncadd.s32 $0xFFFFEC40  }
0x50: {  	[spmem:s22] =	stream.linear.scatter [tilespmem:s15], [sflag:$0x6], $0x9E0, $0x38;
	[tilespmem:$0x17830] =	vst v63  }
0x51: {  	_ =	swait.ge [sflag:s26], $0x9E0  }
0x52: {  	[sflag:s26] =	ssyncset.done $0x0  }
0x53: {  	s29 =	rddreg [dreg:$0xa];
	[sflag:s26] =	ssyncadd.s32 $0xFFFFF620  }
0x54: {  	[spmem:s29] =	stream.linear.scatter [tilespmem:s12], [sflag:$0x6], $0x13C0, $0x38;
	[tilespmem:$0x17830] =	vst v63  }
0x55: {  	_ =	swait.ge [sflag:s26], $0x13C0  }
0x56: {  	[sflag:s26] =	ssyncset.done $0x0  }
0x57: {  	s16 =	rddreg [dreg:$0xb];
	[sflag:s26] =	ssyncadd.s32 $0xFFFFEC40  }
0x58: {  	[spmem:s16] =	stream.linear.scatter [tilespmem:s15], [sflag:$0x6], $0x9E0, $0x38;
	[tilespmem:$0x17830] =	vst v63  }
0x59: {  	_ =	swait.ge [sflag:s26], $0x9E0  }
0x5a: {  	[sflag:s26] =	ssyncset.done $0x0  }
0x5b: {  	s18 =	rddreg [dreg:$0xc];
	[sflag:s26] =	ssyncadd.s32 $0xFFFFF620  }
0x5c: {  	[spmem:s18] =	stream.linear.scatter [tilespmem:s12], [sflag:$0x6], $0x13C0, $0x38;
	[tilespmem:$0x17830] =	vst v63  }
0x5d: {  	_ =	swait.ge [sflag:s26], $0x13C0  }
0x5e: {  	[sflag:s26] =	ssyncset.done $0x0  }
0x5f: {  	s19 =	rddreg [dreg:$0xe];
	[sflag:s26] =	ssyncadd.s32 $0xFFFFEC40  }
0x60: {  	[spmem:s19] =	stream.linear.scatter [tilespmem:s15], [sflag:$0x6], $0x9E0, $0x38;
	[tilespmem:$0x17830] =	vst v63  }
0x61: {  	_ =	swait.ge [sflag:s26], $0x9E0  }
0x62: {  	[sflag:s26] =	ssyncset.done $0x0  }
0x63: {  	[sflag:s26] =	ssyncadd.s32 $0xFFFFF620  }
0x64: {  	s29 =	simm.s32 $0x17820;
	s12 =	simm.s32 $0x0;
	s22 =	rddreg [dreg:$0x2]  }
0x65: {  	[tilespmem:s29], [sflag:$0x6] =	stream.linear.gather [hbm4b:s22+s12], $0x10, $0x38;
	[tilespmem:$0x17830] =	vst v63  }
0x66: {  	_ =	swait.ge [sflag:s26], $0x10  }
0x67: {  	[sflag:s26] =	ssyncset.done $0x0  }
0x68: {  	[sflag:s26] =	ssyncadd.s32 $0xFFFFFFF0  }
0x69: {  	[bflag:$0x0] =	sbarrier.arrive $0xFFFF  }
0x6a: {  	s15 =	rddreg [dreg:$0xd]  }
0x6b: {  	v1 =	vld [tilespmem:$0x17820];
	[tilespmem:s30], [sflag:$0x1] =	stream.linear.gather [hbm4b:s15+s12], $0x100, $0x38  }
0x6c: {  	_ =	swait.ge [sflag:s31], $0x100  }
0x6d: {  	[sflag:s31] =	ssyncset.done $0x0  }
0x6e: {  	s16 =	simm.s32 $0x7A80;
	[sflag:s31] =	ssyncadd.s32 $0xFFFFFF00  }
0x6f: {  	[tilespmem:s16], [sflag:$0x2] =	stream.indirect.gather [hbm4b:s8+s3], $0x10, s30, s3, $0xb8;
	[tilespmem:$0x17830] =	vst v63  }
0x70: {  	s18 =	simm.s32 $0x7700;
	s19 =	simm.s32 $0x8280  }
0x71: {  	[tilespmem:s19], [sflag:$0x2] =	stream.indirect.gather [hbm4b:s1+s3], $0x20, s18, s3, $0xb8;
	[tilespmem:$0x17830] =	vst v63  }
.Ltmp3:
0x72: {  	_ = 	snop;
	(pc) =	sbr.rel .LBB2_4-.Ltmp3, $4  }
0x73: {  	s22 =	simm.s32 $0x9280  }
0x74: {  	[tilespmem:s22], [sflag:$0x2] =	stream.indirect.gather [hbm4b:s9+s3], $0x80, s30, s3, $0xb8;
	[tilespmem:$0x17830] =	vst v63  }
0x75: {  	s29 =	rddreg [dreg:$0xf]  }
0x76: {  	[tilespmem:s13], [sflag:$0x1] =	stream.linear.gather [hbm4b:s29+s12], $0x100, $0x38;
	[tilespmem:$0x17830] =	vst v63  }
.LBB2_14:
0x77: {  	v3 =	vadd.f32 v3, v4  }
0x78: {  	[tilespmem:s19+$0xFFFFFFF0] =	vst v2  }
0x79: {  	[tilespmem:s19+$0x0] =	vst v3  }
0x7a: {  	[spmem:s4] =	stream.indirect.scatter.add.f32 [tilespmem:s11], [sflag:$0x5], $0x20, s0, s3, $0xb8;
	[tilespmem:$0x17830] =	vst v63  }
0x7b: {  	s15 =	simm.s32 $0x7780  }
0x7c: {  	[spmem:s5] =	stream.indirect.scatter.add.f32 [tilespmem:s25], [sflag:$0x5], $0x10, s2, s3, $0xb8;
	[tilespmem:$0x17830] =	vst v63  }
.LBB2_15:
0x7d: {  	s12 =	sadd.s32 $0x1, s12  }
0x7e: {  	p0 =	sne.s32 s12, $0x29  }
.Ltmp4:
0x7f: {  	s10 =	sadd.s32 s10, s21;
	(pc) =	sbr.rel @!p0 .LBB2_16-.Ltmp4, $4  }
0x80: {  	s10 =	sshll.u32 s10, $0x5  }
0x81: {  	s10 =	sand.u32 $0x1FFFFFE0, s10  }
0x82: {  	s10 =	sadd.s32 s7, s10  }
0x83: {  	[tilespmem:s15], [sflag:$0x1] =	stream.linear.gather [hbm4b:s10+s6], $0x100, $0x38;
	[tilespmem:$0x17830] =	vst v63  }
.LBB2_4:
0x84: {  	_ =	swait.ge [sflag:s14], $0x800  }
0x85: {  	[sflag:s14] =	ssyncset.done $0x0  }
0x86: {  	s10 =	sand.u32 $0x1, s12;
	[sflag:s14] =	ssyncadd.s32 $0xFFFFF800  }
0x87: {  	p2 =	seq.s32 s10, $0x1;
	_ =	swait.ge [sflag:s14], $0x1000  }
.Ltmp5:
0x88: {  	[sflag:s14] =	ssyncset.done $0x0;
	(pc) =	sbr.rel @p2 .LBB2_10-.Ltmp5, $4  }
0x89: {  	[sflag:s14] =	ssyncadd.s32 $0xFFFFF000  }
0x8a: {  	_ =	swait.ge [sflag:s14], $0x4000  }
0x8b: {  	p0 =	seq.s32 s12, $0x0;
	[sflag:s14] =	ssyncset.done $0x0  }
0x8c: {  	s10 =	sshll.u32 s12, $0x1;
	p1 =	sgt.u32 @!p0 s12, $0x27;
	[sflag:s14] =	ssyncadd.s32 $0xFFFFC000  }
0x8d: {  	s15 =	simm.s32 @!p0 $0x4  }
0x8e: {  	_ =	swait.ge @!p0 [sflag:s15], $0x1000  }
0x8f: {  	[sflag:s15] =	ssyncset.done @!p0 $0x0  }
0x90: {  	[sflag:s15] =	ssyncadd.s32 @!p0 $0xFFFFF000  }
0x91: {  	_ =	swait.ge @!p0 [sflag:s15], $0x800  }
0x92: {  	[sflag:s15] =	ssyncset.done @!p0 $0x0  }
0x93: {  	[sflag:s15] =	ssyncadd.s32 @!p0 $0xFFFFF800  }
0x94: {  	_ =	swait.ge [sflag:s31], $0x100  }
0x95: {  	[sflag:s31] =	ssyncset.done $0x0  }
0x96: {  	s16 =	simm.s32 $0xD280;
	[sflag:s31] =	ssyncadd.s32 $0xFFFFFF00  }
0x97: {  	[tilespmem:s16], [sflag:$0x3] =	stream.indirect.gather [hbm4b:s8+s3], $0x10, s13, s3, $0xb8;
	[tilespmem:$0x17830] =	vst v63  }
0x98: {  	s18 =	simm.s32 $0x7800;
	s16 =	simm.s32 $0xDA80  }
0x99: {  	[tilespmem:s16], [sflag:$0x3] =	stream.indirect.gather [hbm4b:s1+s3], $0x20, s18, s3, $0xb8;
	[tilespmem:$0x17830] =	vst v63  }
0x9a: {  	s19 =	simm.s32 $0xEA80;
	s22 =	simm.s32 $0x0  }
0x9b: {  	[tilespmem:s19], [sflag:$0x3] =	stream.indirect.gather [hbm4b:s9+s3], $0x80, s13, s3, $0xb8;
	[tilespmem:$0x17830] =	vst v63  }
0x9c: {  	s29 =	simm.s32 $0x8290;
	v2 =	vld [tilespmem:s22+$0x7A80]  }
0x9d: {  	v3 =	vld [tilespmem:s29+$0xFFFFFFF0];
	_ =	sdelay $0x4  }
0x9e: {  	v2 =	vadd.f32 v3, v2;
	_ =	sdelay $0x1  }
0x9f: {  	v3 =	vmul.f32 $2.000000030e-01, v2  }
0xa0: {  	v4 =	vld [tilespmem:s29+$0x0];
	vm0 =	vge.f32 v2, $0.0e+00  }
0xa1: {  	v2 =	vsel vm0, v2, v3  }
0xa2: {  	v2 =	vsub.f32 v2, v1;
	_ =	sdelay $0x1  }
0xa3: {  	v2 =	vmul.f32 $1.442695020e+00, v2  }
0xa4: {  	(erf) = vrcp.f32 v4  }
0xa5: {  	(erf) = vpow2.f32 v2;
	_ =	sdelay $0x7  }
0xa6: {  	v2 =	vpop (erf)  }
0xa7: {  	v3 =	vpop (erf)  }
0xa8: {  	v2 =	vmul.f32 v3, v2;
	_ =	sdelay $0x1  }
0xa9: {  	s15 =	simm.s32 $0x92C0;
	[tilespmem:s22+$0x12A80] =	vst v2  }
0xaa: {  	v3 =	vld [tilespmem:s15+$0xFFFFFFC0];
	_ =	sdelay $0x1  }
0xab: {  	v5 =	vbroadcast v2, $0x5;
	v4 =	vld [tilespmem:s15+$0xFFFFFFD0]  }
0xac: {  	v6 =	vbroadcast v2, $0x6;
	v7 =	vbroadcast v2, $0x0  }
0xad: {  	v9 =	vbroadcast v2, $0x4;
	v11 =	vbroadcast v2, $0x1;
	v8 =	vld [tilespmem:s15+$0xFFFFFFE0]  }
0xae: {  	v13 =	vbroadcast v2, $0x2;
	v10 =	vshll.u32 v3, $0x10;
	v3 =	vand.u32 $0xFFFF0000, v3  }
0xaf: {  	v10 =	vmul.f32 v10, v7;
	v3 =	vmul.f32 v3, v7;
	v7 =	vld [tilespmem:s15+$0xFFFFFFF0]  }
0xb0: {  	v56 =	vbroadcast v2, $0x3;
	v2 =	vbroadcast v2, $0x7;
	v12 =	vshll.u32 v4, $0x10  }
0xb1: {  	v14 =	vld [tilespmem:s15+$0x0];
	v4 =	vand.u32 $0xFFFF0000, v4;
	v12 =	vmul.f32 v12, v11;
	v10 =	vadd.f32 $0.0e+00, v10  }
0xb2: {  	v55 =	vshll.u32 v8, $0x10;
	v4 =	vmul.f32 v4, v11;
	v3 =	vadd.f32 $0.0e+00, v3  }
0xb3: {  	v15 =	vld [tilespmem:s15+$0x10];
	v8 =	vand.u32 $0xFFFF0000, v8;
	v11 =	vmul.f32 v55, v13;
	v10 =	vadd.f32 v10, v12  }
0xb4: {  	v3 =	vadd.f32 v3, v4;
	v4 =	vmul.f32 v8, v13;
	v57 =	vshll.u32 v7, $0x10  }
0xb5: {  	v58 =	vld [tilespmem:s15+$0x20];
	v7 =	vand.u32 $0xFFFF0000, v7;
	v10 =	vadd.f32 v10, v11;
	v8 =	vmul.f32 v57, v56  }
0xb6: {  	v3 =	vadd.f32 v3, v4;
	v4 =	vmul.f32 v7, v56;
	v7 =	vshll.u32 v14, $0x10  }
0xb7: {  	v60 =	vld [tilespmem:s15+$0x30];
	v59 =	vand.u32 $0xFFFF0000, v14;
	v7 =	vmul.f32 v7, v9;
	v8 =	vadd.f32 v10, v8  }
0xb8: {  	v61 =	vshll.u32 v15, $0x10;
	v3 =	vadd.f32 v3, v4;
	v4 =	vmul.f32 v59, v9  }
0xb9: {  	v62 =	vand.u32 $0xFFFF0000, v15;
	v9 =	vmul.f32 v61, v5;
	v7 =	vadd.f32 v8, v7  }
0xba: {  	v3 =	vadd.f32 v3, v4;
	v4 =	vmul.f32 v62, v5;
	v5 =	vshll.u32 v58, $0x10  }
0xbb: {  	v63 =	vand.u32 $0xFFFF0000, v58;
	v5 =	vmul.f32 v5, v6;
	v7 =	vadd.f32 v7, v9  }
0xbc: {  	v6 =	vmul.f32 v63, v6;
	v3 =	vadd.f32 v3, v4;
	v4 =	vshll.u32 v60, $0x10  }
0xbd: {  	v5 =	vadd.f32 v7, v5;
	v7 =	vmul.f32 v4, v2;
	v4 =	vand.u32 $0xFFFF0000, v60  }
0xbe: {  	v3 =	vadd.f32 v3, v6;
	v4 =	vmul.f32 v4, v2  }
0xbf: {  	s16 =	simm.s32 $0x13290;
	s18 =	simm.s32 $0x40;
	s19 =	simm.s32 $0x13290;
	v2 =	vadd.f32 v5, v7  }
.LBB2_6:
0xc0: {  	v3 =	vadd.f32 v3, v4;
	s15 =	sadd.s32 $0x80, s15;
	s29 =	sadd.s32 $0x20, s29;
	s16 =	sadd.s32 $0x20, s16  }
0xc1: {  	p2 =	sne.s32 s18, $0x1FC0;
	s22 =	smov.u32 s18;
	s18 =	sadd.s32 $0x40, s18;
	[tilespmem:s19+$0xFFFFFFF0] =	vst v2  }
0xc2: {  	s22 =	sshra.s32 s22, $0x2;
	[tilespmem:s19+$0x0] =	vst v3;
	s19 =	smov.u32 s16  }
0xc3: {  	v2 =	vld [tilespmem:s22+$0x7A80]  }
0xc4: {  	v3 =	vld [tilespmem:s29+$0xFFFFFFF0];
	_ =	sdelay $0x4  }
0xc5: {  	v2 =	vadd.f32 v3, v2;
	_ =	sdelay $0x1  }
0xc6: {  	v3 =	vmul.f32 $2.000000030e-01, v2  }
0xc7: {  	vm0 =	vge.f32 v2, $0.0e+00;
	v4 =	vld [tilespmem:s29+$0x0]  }
0xc8: {  	v2 =	vsel vm0, v2, v3  }
0xc9: {  	v2 =	vsub.f32 v2, v1;
	_ =	sdelay $0x1  }
0xca: {  	v2 =	vmul.f32 $1.442695020e+00, v2  }
0xcb: {  	(erf) = vrcp.f32 v4  }
0xcc: {  	(erf) = vpow2.f32 v2;
	_ =	sdelay $0x7  }
0xcd: {  	v2 =	vpop (erf)  }
0xce: {  	v3 =	vpop (erf)  }
0xcf: {  	v2 =	vmul.f32 v3, v2;
	_ =	sdelay $0x1  }
0xd0: {  	[tilespmem:s22+$0x12A80] =	vst v2  }
0xd1: {  	v3 =	vld [tilespmem:s15+$0xFFFFFFC0];
	_ =	sdelay $0x1  }
0xd2: {  	v5 =	vbroadcast v2, $0x7;
	v4 =	vld [tilespmem:s15+$0xFFFFFFD0]  }
0xd3: {  	v6 =	vbroadcast v2, $0x5;
	v7 =	vbroadcast v2, $0x6  }
0xd4: {  	v8 =	vbroadcast v2, $0x0;
	v10 =	vbroadcast v2, $0x4;
	v9 =	vld [tilespmem:s15+$0xFFFFFFE0]  }
0xd5: {  	v12 =	vbroadcast v2, $0x1;
	v11 =	vshll.u32 v3, $0x10;
	v3 =	vand.u32 $0xFFFF0000, v3  }
0xd6: {  	v11 =	vmul.f32 v11, v8;
	v3 =	vmul.f32 v3, v8;
	v8 =	vld [tilespmem:s15+$0xFFFFFFF0]  }
0xd7: {  	v14 =	vbroadcast v2, $0x2;
	v13 =	vshll.u32 v4, $0x10;
	v4 =	vand.u32 $0xFFFF0000, v4  }
0xd8: {  	v11 =	vadd.f32 $0.0e+00, v11;
	v3 =	vadd.f32 $0.0e+00, v3;
	v13 =	vmul.f32 v13, v12;
	v15 =	vld [tilespmem:s15+$0x0]  }
0xd9: {  	v4 =	vmul.f32 v4, v12;
	v12 =	vshll.u32 v9, $0x10;
	v9 =	vand.u32 $0xFFFF0000, v9  }
0xda: {  	v2 =	vbroadcast v2, $0x3;
	v11 =	vadd.f32 v11, v13;
	v12 =	vmul.f32 v12, v14;
	v13 =	vld [tilespmem:s15+$0x10]  }
0xdb: {  	v3 =	vadd.f32 v3, v4;
	v4 =	vmul.f32 v9, v14;
	v9 =	vshll.u32 v8, $0x10  }
0xdc: {  	v8 =	vand.u32 $0xFFFF0000, v8;
	v11 =	vadd.f32 v11, v12;
	v9 =	vmul.f32 v9, v2;
	v12 =	vld [tilespmem:s15+$0x20]  }
0xdd: {  	v3 =	vadd.f32 v3, v4;
	v2 =	vmul.f32 v8, v2;
	v4 =	vshll.u32 v15, $0x10  }
0xde: {  	v8 =	vadd.f32 v11, v9;
	v9 =	vand.u32 $0xFFFF0000, v15;
	v4 =	vmul.f32 v4, v10;
	v11 =	vld [tilespmem:s15+$0x30]  }
0xdf: {  	v2 =	vadd.f32 v3, v2;
	v3 =	vmul.f32 v9, v10;
	v9 =	vshll.u32 v13, $0x10  }
0xe0: {  	v4 =	vadd.f32 v8, v4;
	v8 =	vand.u32 $0xFFFF0000, v13;
	v9 =	vmul.f32 v9, v6  }
0xe1: {  	v2 =	vadd.f32 v2, v3;
	v3 =	vmul.f32 v8, v6;
	v6 =	vshll.u32 v12, $0x10  }
.Ltmp6:
0xe2: {  	v8 =	vand.u32 $0xFFFF0000, v12;
	v4 =	vadd.f32 v4, v9;
	v6 =	vmul.f32 v6, v7;
	(pc) =	sbr.rel @p2 .LBB2_6-.Ltmp6, $4  }
0xe3: {  	v2 =	vadd.f32 v2, v3;
	v3 =	vmul.f32 v8, v7;
	v7 =	vshll.u32 v11, $0x10  }
0xe4: {  	v6 =	vadd.f32 v4, v6;
	v4 =	vand.u32 $0xFFFF0000, v11;
	v7 =	vmul.f32 v7, v5  }
0xe5: {  	v3 =	vadd.f32 v2, v3;
	v4 =	vmul.f32 v4, v5  }
0xe6: {  	v2 =	vadd.f32 v6, v7  }
0xe7: {  	v3 =	vadd.f32 v3, v4  }
0xe8: {  	[tilespmem:s19+$0xFFFFFFF0] =	vst v2  }
0xe9: {  	s15 =	simm.s32 $0x7700;
	s16 =	simm.s32 $0x13280;
	p2 =	seq.s32 s12, $0x28;
	[tilespmem:s19+$0x0] =	vst v3  }
0xea: {  	[spmem:s4] =	stream.indirect.scatter.add.f32 [tilespmem:s16], [sflag:$0x4], $0x20, s15, s3, $0xb8;
	[tilespmem:$0x17830] =	vst v63  }
0xeb: {  	s15 =	sadd.s32 @!p2 s10, s20  }
0xec: {  	s15 =	sshll.u32 @!p2 s15, $0x5  }
0xed: {  	[spmem:s5] =	stream.indirect.scatter.add.f32 [tilespmem:s23], [sflag:$0x4], $0x10, s30, s3, $0xb8;
	[tilespmem:$0x17830] =	vst v63  }
0xee: {  	s15 =	sand.u32 @!p2 $0x1FFFFFC0, s15  }
0xef: {  	s18 =	simm.s32 @!p2 $0x7880;
	s16 =	simm.s32 @!p2 $0x0;
	s15 =	sadd.s32 @!p2 s7, s15  }
0xf0: {  	[tilespmem:s18], [sflag:$0x1] =	stream.linear.gather @!p2 [hbm4b:s15+s16], $0x100, $0x38;
	[tilespmem:$0x17830] =	vst v63  }
0xf1: {  	_ =	swait.ge [sflag:s24], $0x800  }
0xf2: {  	[sflag:s24] =	ssyncset.done $0x0  }
0xf3: {  	[sflag:s24] =	ssyncadd.s32 $0xFFFFF800  }
0xf4: {  	_ =	swait.ge [sflag:s24], $0x1000  }
0xf5: {  	[sflag:s24] =	ssyncset.done $0x0  }
0xf6: {  	[sflag:s24] =	ssyncadd.s32 $0xFFFFF000  }
0xf7: {  	_ =	swait.ge [sflag:s24], $0x4000  }
0xf8: {  	[sflag:s24] =	ssyncset.done $0x0  }
0xf9: {  	s15 =	simm.s32 @!p0 $0x5;
	[sflag:s24] =	ssyncadd.s32 $0xFFFFC000  }
0xfa: {  	_ =	swait.ge @!p0 [sflag:s15], $0x1000  }
0xfb: {  	[sflag:s15] =	ssyncset.done @!p0 $0x0  }
0xfc: {  	[sflag:s15] =	ssyncadd.s32 @!p0 $0xFFFFF000  }
0xfd: {  	_ =	swait.ge @!p0 [sflag:s15], $0x800  }
0xfe: {  	[sflag:s15] =	ssyncset.done @!p0 $0x0  }
0xff: {  	p1 =	por p0, !p1;
	[sflag:s15] =	ssyncadd.s32 @!p0 $0xFFFFF800  }
0x100: {  	_ =	swait.ge @p1 [sflag:s31], $0x100  }
0x101: {  	[sflag:s31] =	ssyncset.done @p1 $0x0  }
0x102: {  	s15 =	simm.s32 @p1 $0x7A80;
	[sflag:s31] =	ssyncadd.s32 @p1 $0xFFFFFF00  }
0x103: {  	[tilespmem:s15], [sflag:$0x2] =	stream.indirect.gather @p1 [hbm4b:s8+s3], $0x10, s17, s3, $0xb8;
	[tilespmem:$0x17830] =	vst v63  }
0x104: {  	s16 =	simm.s32 @p1 $0x7900;
	s15 =	simm.s32 @p1 $0x8280  }
0x105: {  	[tilespmem:s15], [sflag:$0x2] =	stream.indirect.gather @p1 [hbm4b:s1+s3], $0x20, s16, s3, $0xb8;
	[tilespmem:$0x17830] =	vst v63  }
0x106: {  	s22 =	simm.s32 $0x0;
	s15 =	simm.s32 @p1 $0x9280  }
0x107: {  	[tilespmem:s15], [sflag:$0x2] =	stream.indirect.gather @p1 [hbm4b:s9+s3], $0x80, s17, s3, $0xb8;
	[tilespmem:$0x17830] =	vst v63  }
0x108: {  	s29 =	simm.s32 $0xDA90;
	v2 =	vld [tilespmem:s22+$0xD280]  }
0x109: {  	v3 =	vld [tilespmem:s29+$0xFFFFFFF0];
	_ =	sdelay $0x4  }
0x10a: {  	v2 =	vadd.f32 v3, v2;
	_ =	sdelay $0x1  }
0x10b: {  	v3 =	vmul.f32 $2.000000030e-01, v2  }
0x10c: {  	v4 =	vld [tilespmem:s29+$0x0];
	vm0 =	vge.f32 v2, $0.0e+00  }
0x10d: {  	v2 =	vsel vm0, v2, v3  }
0x10e: {  	v2 =	vsub.f32 v2, v1;
	_ =	sdelay $0x1  }
0x10f: {  	v2 =	vmul.f32 $1.442695020e+00, v2  }
0x110: {  	(erf) = vrcp.f32 v4  }
0x111: {  	(erf) = vpow2.f32 v2;
	_ =	sdelay $0x7  }
0x112: {  	v2 =	vpop (erf)  }
0x113: {  	v3 =	vpop (erf)  }
0x114: {  	v2 =	vmul.f32 v3, v2;
	_ =	sdelay $0x1  }
0x115: {  	s15 =	simm.s32 $0xEAC0;
	[tilespmem:s22+$0x14280] =	vst v2  }
0x116: {  	v3 =	vld [tilespmem:s15+$0xFFFFFFC0];
	_ =	sdelay $0x1  }
0x117: {  	v5 =	vbroadcast v2, $0x5;
	v4 =	vld [tilespmem:s15+$0xFFFFFFD0]  }
0x118: {  	v6 =	vbroadcast v2, $0x6;
	v7 =	vbroadcast v2, $0x0  }
0x119: {  	v9 =	vbroadcast v2, $0x4;
	v11 =	vbroadcast v2, $0x1;
	v8 =	vld [tilespmem:s15+$0xFFFFFFE0]  }
0x11a: {  	v13 =	vbroadcast v2, $0x2;
	v10 =	vshll.u32 v3, $0x10;
	v3 =	vand.u32 $0xFFFF0000, v3  }
0x11b: {  	v10 =	vmul.f32 v10, v7;
	v3 =	vmul.f32 v3, v7;
	v7 =	vld [tilespmem:s15+$0xFFFFFFF0]  }
0x11c: {  	v56 =	vbroadcast v2, $0x3;
	v2 =	vbroadcast v2, $0x7;
	v12 =	vshll.u32 v4, $0x10  }
0x11d: {  	v14 =	vld [tilespmem:s15+$0x0];
	v4 =	vand.u32 $0xFFFF0000, v4;
	v12 =	vmul.f32 v12, v11;
	v10 =	vadd.f32 $0.0e+00, v10  }
0x11e: {  	v55 =	vshll.u32 v8, $0x10;
	v4 =	vmul.f32 v4, v11;
	v3 =	vadd.f32 $0.0e+00, v3  }
0x11f: {  	v15 =	vld [tilespmem:s15+$0x10];
	v8 =	vand.u32 $0xFFFF0000, v8;
	v11 =	vmul.f32 v55, v13;
	v10 =	vadd.f32 v10, v12  }
0x120: {  	v3 =	vadd.f32 v3, v4;
	v4 =	vmul.f32 v8, v13;
	v57 =	vshll.u32 v7, $0x10  }
0x121: {  	v58 =	vld [tilespmem:s15+$0x20];
	v7 =	vand.u32 $0xFFFF0000, v7;
	v10 =	vadd.f32 v10, v11;
	v8 =	vmul.f32 v57, v56  }
0x122: {  	v3 =	vadd.f32 v3, v4;
	v4 =	vmul.f32 v7, v56;
	v7 =	vshll.u32 v14, $0x10  }
0x123: {  	v60 =	vld [tilespmem:s15+$0x30];
	v59 =	vand.u32 $0xFFFF0000, v14;
	v7 =	vmul.f32 v7, v9;
	v8 =	vadd.f32 v10, v8  }
0x124: {  	v61 =	vshll.u32 v15, $0x10;
	v3 =	vadd.f32 v3, v4;
	v4 =	vmul.f32 v59, v9  }
0x125: {  	v62 =	vand.u32 $0xFFFF0000, v15;
	v9 =	vmul.f32 v61, v5;
	v7 =	vadd.f32 v8, v7  }
0x126: {  	v3 =	vadd.f32 v3, v4;
	v4 =	vmul.f32 v62, v5;
	v5 =	vshll.u32 v58, $0x10  }
0x127: {  	v63 =	vand.u32 $0xFFFF0000, v58;
	v5 =	vmul.f32 v5, v6;
	v7 =	vadd.f32 v7, v9  }
0x128: {  	v6 =	vmul.f32 v63, v6;
	v3 =	vadd.f32 v3, v4;
	v4 =	vshll.u32 v60, $0x10  }
0x129: {  	v5 =	vadd.f32 v7, v5;
	v7 =	vmul.f32 v4, v2;
	v4 =	vand.u32 $0xFFFF0000, v60  }
0x12a: {  	v3 =	vadd.f32 v3, v6;
	v4 =	vmul.f32 v4, v2  }
0x12b: {  	s19 =	simm.s32 $0x14A90;
	s18 =	simm.s32 $0x40;
	s16 =	simm.s32 $0x14A90;
	v2 =	vadd.f32 v5, v7  }
.LBB2_8:
0x12c: {  	v3 =	vadd.f32 v3, v4;
	s15 =	sadd.s32 $0x80, s15;
	s29 =	sadd.s32 $0x20, s29;
	s16 =	sadd.s32 $0x20, s16  }
0x12d: {  	p0 =	sne.s32 s18, $0x1FC0;
	s22 =	smov.u32 s18;
	s18 =	sadd.s32 $0x40, s18;
	[tilespmem:s19+$0xFFFFFFF0] =	vst v2  }
0x12e: {  	s22 =	sshra.s32 s22, $0x2;
	[tilespmem:s19+$0x0] =	vst v3;
	s19 =	smov.u32 s16  }
0x12f: {  	v2 =	vld [tilespmem:s22+$0xD280]  }
0x130: {  	v3 =	vld [tilespmem:s29+$0xFFFFFFF0];
	_ =	sdelay $0x4  }
0x131: {  	v2 =	vadd.f32 v3, v2;
	_ =	sdelay $0x1  }
0x132: {  	v3 =	vmul.f32 $2.000000030e-01, v2  }
0x133: {  	vm0 =	vge.f32 v2, $0.0e+00;
	v4 =	vld [tilespmem:s29+$0x0]  }
0x134: {  	v2 =	vsel vm0, v2, v3  }
0x135: {  	v2 =	vsub.f32 v2, v1;
	_ =	sdelay $0x1  }
0x136: {  	v2 =	vmul.f32 $1.442695020e+00, v2  }
0x137: {  	(erf) = vrcp.f32 v4  }
0x138: {  	(erf) = vpow2.f32 v2;
	_ =	sdelay $0x7  }
0x139: {  	v2 =	vpop (erf)  }
0x13a: {  	v3 =	vpop (erf)  }
0x13b: {  	v2 =	vmul.f32 v3, v2;
	_ =	sdelay $0x1  }
0x13c: {  	[tilespmem:s22+$0x14280] =	vst v2  }
0x13d: {  	v3 =	vld [tilespmem:s15+$0xFFFFFFC0];
	_ =	sdelay $0x1  }
0x13e: {  	v5 =	vbroadcast v2, $0x7;
	v4 =	vld [tilespmem:s15+$0xFFFFFFD0]  }
0x13f: {  	v6 =	vbroadcast v2, $0x5;
	v7 =	vbroadcast v2, $0x6  }
0x140: {  	v8 =	vbroadcast v2, $0x0;
	v10 =	vbroadcast v2, $0x4;
	v9 =	vld [tilespmem:s15+$0xFFFFFFE0]  }
0x141: {  	v12 =	vbroadcast v2, $0x1;
	v11 =	vshll.u32 v3, $0x10;
	v3 =	vand.u32 $0xFFFF0000, v3  }
0x142: {  	v11 =	vmul.f32 v11, v8;
	v3 =	vmul.f32 v3, v8;
	v8 =	vld [tilespmem:s15+$0xFFFFFFF0]  }
0x143: {  	v14 =	vbroadcast v2, $0x2;
	v13 =	vshll.u32 v4, $0x10;
	v4 =	vand.u32 $0xFFFF0000, v4  }
0x144: {  	v11 =	vadd.f32 $0.0e+00, v11;
	v3 =	vadd.f32 $0.0e+00, v3;
	v13 =	vmul.f32 v13, v12;
	v15 =	vld [tilespmem:s15+$0x0]  }
0x145: {  	v4 =	vmul.f32 v4, v12;
	v12 =	vshll.u32 v9, $0x10;
	v9 =	vand.u32 $0xFFFF0000, v9  }
0x146: {  	v2 =	vbroadcast v2, $0x3;
	v11 =	vadd.f32 v11, v13;
	v12 =	vmul.f32 v12, v14;
	v13 =	vld [tilespmem:s15+$0x10]  }
0x147: {  	v3 =	vadd.f32 v3, v4;
	v4 =	vmul.f32 v9, v14;
	v9 =	vshll.u32 v8, $0x10  }
0x148: {  	v8 =	vand.u32 $0xFFFF0000, v8;
	v11 =	vadd.f32 v11, v12;
	v9 =	vmul.f32 v9, v2;
	v12 =	vld [tilespmem:s15+$0x20]  }
0x149: {  	v3 =	vadd.f32 v3, v4;
	v2 =	vmul.f32 v8, v2;
	v4 =	vshll.u32 v15, $0x10  }
0x14a: {  	v8 =	vadd.f32 v11, v9;
	v9 =	vand.u32 $0xFFFF0000, v15;
	v4 =	vmul.f32 v4, v10;
	v11 =	vld [tilespmem:s15+$0x30]  }
0x14b: {  	v2 =	vadd.f32 v3, v2;
	v3 =	vmul.f32 v9, v10;
	v9 =	vshll.u32 v13, $0x10  }
0x14c: {  	v4 =	vadd.f32 v8, v4;
	v8 =	vand.u32 $0xFFFF0000, v13;
	v9 =	vmul.f32 v9, v6  }
0x14d: {  	v2 =	vadd.f32 v2, v3;
	v3 =	vmul.f32 v8, v6;
	v6 =	vshll.u32 v12, $0x10  }
.Ltmp7:
0x14e: {  	v8 =	vand.u32 $0xFFFF0000, v12;
	v4 =	vadd.f32 v4, v9;
	v6 =	vmul.f32 v6, v7;
	(pc) =	sbr.rel @p0 .LBB2_8-.Ltmp7, $4  }
0x14f: {  	v2 =	vadd.f32 v2, v3;
	v3 =	vmul.f32 v8, v7;
	v7 =	vshll.u32 v11, $0x10  }
0x150: {  	v6 =	vadd.f32 v4, v6;
	v4 =	vand.u32 $0xFFFF0000, v11;
	v7 =	vmul.f32 v7, v5  }
0x151: {  	v3 =	vadd.f32 v2, v3;
	v4 =	vmul.f32 v4, v5  }
0x152: {  	v2 =	vadd.f32 v6, v7  }
0x153: {  	v3 =	vadd.f32 v3, v4  }
.Ltmp8:
0x154: {  	[tilespmem:s19+$0xFFFFFFF0] =	vst v2;
	(pc) =	sbr.rel @!p2 .LBB2_15-.Ltmp8, $4  }
.Ltmp9:
0x155: {  	s15 =	simm.s32 $0x7800;
	[tilespmem:s19+$0x0] =	vst v3;
	(pc) =	sbr.rel @p2 .LBB2_16-.Ltmp9, $4  }
0x156: {  	[spmem:s4] =	stream.indirect.scatter.add.f32 [tilespmem:s11], [sflag:$0x5], $0x20, s15, s3, $0xb8;
	[tilespmem:$0x17830] =	vst v63  }
0x157: {  	s15 =	simm.s32 $0x7980  }
0x158: {  	[spmem:s5] =	stream.indirect.scatter.add.f32 [tilespmem:s25], [sflag:$0x5], $0x10, s13, s3, $0xb8;
	[tilespmem:$0x17830] =	vst v63  }
0x159: {  	_ = 	snop  }
.LBB2_10:
0x15a: {  	_ =	swait.ge [sflag:s28], $0x1000  }
0x15b: {  	[sflag:s28] =	ssyncset.done $0x0  }
0x15c: {  	[sflag:s28] =	ssyncadd.s32 $0xFFFFF000  }
0x15d: {  	_ =	swait.ge [sflag:s28], $0x800  }
0x15e: {  	[sflag:s28] =	ssyncset.done $0x0  }
0x15f: {  	[sflag:s28] =	ssyncadd.s32 $0xFFFFF800  }
0x160: {  	_ =	swait.ge [sflag:s31], $0x100  }
0x161: {  	[sflag:s31] =	ssyncset.done $0x0  }
0x162: {  	s15 =	simm.s32 $0xD280;
	[sflag:s31] =	ssyncadd.s32 $0xFFFFFF00  }
0x163: {  	[tilespmem:s15], [sflag:$0x3] =	stream.indirect.gather [hbm4b:s8+s3], $0x10, s2, s3, $0xb8;
	[tilespmem:$0x17830] =	vst v63  }
0x164: {  	s19 =	simm.s32 $0xDA80  }
0x165: {  	[tilespmem:s19], [sflag:$0x3] =	stream.indirect.gather [hbm4b:s1+s3], $0x20, s0, s3, $0xb8;
	[tilespmem:$0x17830] =	vst v63  }
0x166: {  	s22 =	simm.s32 $0xEA80;
	s16 =	simm.s32 $0x0  }
0x167: {  	[tilespmem:s22], [sflag:$0x3] =	stream.indirect.gather [hbm4b:s9+s3], $0x80, s2, s3, $0xb8;
	[tilespmem:$0x17830] =	vst v63  }
0x168: {  	s29 =	simm.s32 $0x8290;
	v2 =	vld [tilespmem:s16+$0x7A80]  }
0x169: {  	v3 =	vld [tilespmem:s29+$0xFFFFFFF0];
	_ =	sdelay $0x4  }
0x16a: {  	v2 =	vadd.f32 v3, v2;
	_ =	sdelay $0x1  }
0x16b: {  	v3 =	vmul.f32 $2.000000030e-01, v2  }
0x16c: {  	v4 =	vld [tilespmem:s29+$0x0];
	vm0 =	vge.f32 v2, $0.0e+00  }
0x16d: {  	v2 =	vsel vm0, v2, v3  }
0x16e: {  	v2 =	vsub.f32 v2, v1;
	_ =	sdelay $0x1  }
0x16f: {  	v2 =	vmul.f32 $1.442695020e+00, v2  }
0x170: {  	(erf) = vrcp.f32 v4  }
0x171: {  	(erf) = vpow2.f32 v2;
	_ =	sdelay $0x7  }
0x172: {  	v2 =	vpop (erf)  }
0x173: {  	v3 =	vpop (erf)  }
0x174: {  	v2 =	vmul.f32 v3, v2;
	_ =	sdelay $0x1  }
0x175: {  	s15 =	simm.s32 $0x92C0;
	[tilespmem:s16+$0x12A80] =	vst v2  }
0x176: {  	v3 =	vld [tilespmem:s15+$0xFFFFFFC0];
	_ =	sdelay $0x1  }
0x177: {  	v5 =	vbroadcast v2, $0x5;
	v4 =	vld [tilespmem:s15+$0xFFFFFFD0]  }
0x178: {  	v6 =	vbroadcast v2, $0x6;
	v7 =	vbroadcast v2, $0x0  }
0x179: {  	v9 =	vbroadcast v2, $0x4;
	v11 =	vbroadcast v2, $0x1;
	v8 =	vld [tilespmem:s15+$0xFFFFFFE0]  }
0x17a: {  	v13 =	vbroadcast v2, $0x2;
	v10 =	vshll.u32 v3, $0x10;
	v3 =	vand.u32 $0xFFFF0000, v3  }
0x17b: {  	v10 =	vmul.f32 v10, v7;
	v3 =	vmul.f32 v3, v7;
	v7 =	vld [tilespmem:s15+$0xFFFFFFF0]  }
0x17c: {  	v56 =	vbroadcast v2, $0x3;
	v2 =	vbroadcast v2, $0x7;
	v12 =	vshll.u32 v4, $0x10  }
0x17d: {  	v14 =	vld [tilespmem:s15+$0x0];
	v4 =	vand.u32 $0xFFFF0000, v4;
	v12 =	vmul.f32 v12, v11;
	v10 =	vadd.f32 $0.0e+00, v10  }
0x17e: {  	v55 =	vshll.u32 v8, $0x10;
	v4 =	vmul.f32 v4, v11;
	v3 =	vadd.f32 $0.0e+00, v3  }
0x17f: {  	v15 =	vld [tilespmem:s15+$0x10];
	v8 =	vand.u32 $0xFFFF0000, v8;
	v11 =	vmul.f32 v55, v13;
	v10 =	vadd.f32 v10, v12  }
0x180: {  	v3 =	vadd.f32 v3, v4;
	v4 =	vmul.f32 v8, v13;
	v57 =	vshll.u32 v7, $0x10  }
0x181: {  	v58 =	vld [tilespmem:s15+$0x20];
	v7 =	vand.u32 $0xFFFF0000, v7;
	v10 =	vadd.f32 v10, v11;
	v8 =	vmul.f32 v57, v56  }
0x182: {  	v3 =	vadd.f32 v3, v4;
	v4 =	vmul.f32 v7, v56;
	v7 =	vshll.u32 v14, $0x10  }
0x183: {  	v60 =	vld [tilespmem:s15+$0x30];
	v59 =	vand.u32 $0xFFFF0000, v14;
	v7 =	vmul.f32 v7, v9;
	v8 =	vadd.f32 v10, v8  }
0x184: {  	v61 =	vshll.u32 v15, $0x10;
	v3 =	vadd.f32 v3, v4;
	v4 =	vmul.f32 v59, v9  }
0x185: {  	v62 =	vand.u32 $0xFFFF0000, v15;
	v9 =	vmul.f32 v61, v5;
	v7 =	vadd.f32 v8, v7  }
0x186: {  	v3 =	vadd.f32 v3, v4;
	v4 =	vmul.f32 v62, v5;
	v5 =	vshll.u32 v58, $0x10  }
0x187: {  	v63 =	vand.u32 $0xFFFF0000, v58;
	v5 =	vmul.f32 v5, v6;
	v7 =	vadd.f32 v7, v9  }
0x188: {  	v6 =	vmul.f32 v63, v6;
	v3 =	vadd.f32 v3, v4;
	v4 =	vshll.u32 v60, $0x10  }
0x189: {  	v5 =	vadd.f32 v7, v5;
	v7 =	vmul.f32 v4, v2;
	v4 =	vand.u32 $0xFFFF0000, v60  }
0x18a: {  	v3 =	vadd.f32 v3, v6;
	v4 =	vmul.f32 v4, v2  }
0x18b: {  	s18 =	simm.s32 $0x40;
	s19 =	simm.s32 $0x13290;
	s16 =	simm.s32 $0x13290;
	v2 =	vadd.f32 v5, v7  }
.LBB2_11:
0x18c: {  	v3 =	vadd.f32 v3, v4;
	s15 =	sadd.s32 $0x80, s15;
	s29 =	sadd.s32 $0x20, s29;
	s16 =	sadd.s32 $0x20, s16  }
0x18d: {  	p2 =	seq.s32 s18, $0x1FC0;
	s22 =	smov.u32 s18;
	s18 =	sadd.s32 $0x40, s18;
	[tilespmem:s19+$0xFFFFFFF0] =	vst v2  }
0x18e: {  	s22 =	sshra.s32 s22, $0x2;
	[tilespmem:s19+$0x0] =	vst v3;
	s19 =	smov.u32 s16  }
0x18f: {  	v2 =	vld [tilespmem:s22+$0x7A80]  }
0x190: {  	v3 =	vld [tilespmem:s29+$0xFFFFFFF0];
	_ =	sdelay $0x4  }
0x191: {  	v2 =	vadd.f32 v3, v2;
	_ =	sdelay $0x1  }
0x192: {  	v3 =	vmul.f32 $2.000000030e-01, v2  }
0x193: {  	vm0 =	vge.f32 v2, $0.0e+00;
	v4 =	vld [tilespmem:s29+$0x0]  }
0x194: {  	v2 =	vsel vm0, v2, v3  }
0x195: {  	v2 =	vsub.f32 v2, v1;
	_ =	sdelay $0x1  }
0x196: {  	v2 =	vmul.f32 $1.442695020e+00, v2  }
0x197: {  	(erf) = vrcp.f32 v4  }
0x198: {  	(erf) = vpow2.f32 v2;
	_ =	sdelay $0x7  }
0x199: {  	v2 =	vpop (erf)  }
0x19a: {  	v3 =	vpop (erf)  }
0x19b: {  	v2 =	vmul.f32 v3, v2;
	_ =	sdelay $0x1  }
0x19c: {  	[tilespmem:s22+$0x12A80] =	vst v2  }
0x19d: {  	v3 =	vld [tilespmem:s15+$0xFFFFFFC0];
	_ =	sdelay $0x1  }
0x19e: {  	v5 =	vbroadcast v2, $0x7;
	v4 =	vld [tilespmem:s15+$0xFFFFFFD0]  }
0x19f: {  	v6 =	vbroadcast v2, $0x5;
	v7 =	vbroadcast v2, $0x6  }
0x1a0: {  	v8 =	vbroadcast v2, $0x0;
	v10 =	vbroadcast v2, $0x4;
	v9 =	vld [tilespmem:s15+$0xFFFFFFE0]  }
0x1a1: {  	v12 =	vbroadcast v2, $0x1;
	v11 =	vshll.u32 v3, $0x10;
	v3 =	vand.u32 $0xFFFF0000, v3  }
0x1a2: {  	v11 =	vmul.f32 v11, v8;
	v3 =	vmul.f32 v3, v8;
	v8 =	vld [tilespmem:s15+$0xFFFFFFF0]  }
0x1a3: {  	v14 =	vbroadcast v2, $0x2;
	v13 =	vshll.u32 v4, $0x10;
	v4 =	vand.u32 $0xFFFF0000, v4  }
0x1a4: {  	v11 =	vadd.f32 $0.0e+00, v11;
	v3 =	vadd.f32 $0.0e+00, v3;
	v13 =	vmul.f32 v13, v12;
	v15 =	vld [tilespmem:s15+$0x0]  }
0x1a5: {  	v4 =	vmul.f32 v4, v12;
	v12 =	vshll.u32 v9, $0x10;
	v9 =	vand.u32 $0xFFFF0000, v9  }
0x1a6: {  	v2 =	vbroadcast v2, $0x3;
	v11 =	vadd.f32 v11, v13;
	v12 =	vmul.f32 v12, v14;
	v13 =	vld [tilespmem:s15+$0x10]  }
0x1a7: {  	v3 =	vadd.f32 v3, v4;
	v4 =	vmul.f32 v9, v14;
	v9 =	vshll.u32 v8, $0x10  }
0x1a8: {  	v8 =	vand.u32 $0xFFFF0000, v8;
	v11 =	vadd.f32 v11, v12;
	v9 =	vmul.f32 v9, v2;
	v12 =	vld [tilespmem:s15+$0x20]  }
0x1a9: {  	v3 =	vadd.f32 v3, v4;
	v2 =	vmul.f32 v8, v2;
	v4 =	vshll.u32 v15, $0x10  }
0x1aa: {  	v8 =	vadd.f32 v11, v9;
	v9 =	vand.u32 $0xFFFF0000, v15;
	v4 =	vmul.f32 v4, v10;
	v11 =	vld [tilespmem:s15+$0x30]  }
0x1ab: {  	v2 =	vadd.f32 v3, v2;
	v3 =	vmul.f32 v9, v10;
	v9 =	vshll.u32 v13, $0x10  }
0x1ac: {  	v4 =	vadd.f32 v8, v4;
	v8 =	vand.u32 $0xFFFF0000, v13;
	v9 =	vmul.f32 v9, v6  }
0x1ad: {  	v2 =	vadd.f32 v2, v3;
	v3 =	vmul.f32 v8, v6;
	v6 =	vshll.u32 v12, $0x10  }
.Ltmp10:
0x1ae: {  	v8 =	vand.u32 $0xFFFF0000, v12;
	v4 =	vadd.f32 v4, v9;
	v6 =	vmul.f32 v6, v7;
	(pc) =	sbr.rel @!p2 .LBB2_11-.Ltmp10, $4  }
0x1af: {  	v2 =	vadd.f32 v2, v3;
	v3 =	vmul.f32 v8, v7;
	v7 =	vshll.u32 v11, $0x10  }
0x1b0: {  	v6 =	vadd.f32 v4, v6;
	v4 =	vand.u32 $0xFFFF0000, v11;
	v7 =	vmul.f32 v7, v5  }
0x1b1: {  	v3 =	vadd.f32 v2, v3;
	v4 =	vmul.f32 v4, v5  }
0x1b2: {  	v2 =	vadd.f32 v6, v7  }
0x1b3: {  	v3 =	vadd.f32 v3, v4  }
0x1b4: {  	[tilespmem:s19+$0xFFFFFFF0] =	vst v2  }
0x1b5: {  	s15 =	simm.s32 $0x13280;
	s16 =	simm.s32 $0x7900;
	[tilespmem:s19+$0x0] =	vst v3;
	s19 =	sadd.s32 s10, s20  }
0x1b6: {  	[spmem:s4] =	stream.indirect.scatter.add.f32 [tilespmem:s15], [sflag:$0x4], $0x20, s16, s3, $0xb8;
	[tilespmem:$0x17830] =	vst v63  }
0x1b7: {  	s15 =	sshll.u32 s19, $0x5  }
0x1b8: {  	s15 =	sand.u32 $0x1FFFFFC0, s15  }
0x1b9: {  	[spmem:s5] =	stream.indirect.scatter.add.f32 [tilespmem:s23], [sflag:$0x4], $0x10, s17, s3, $0xb8;
	[tilespmem:$0x17830] =	vst v63  }
0x1ba: {  	s15 =	sadd.s32 s7, s15  }
0x1bb: {  	[tilespmem:s30], [sflag:$0x1] =	stream.linear.gather [hbm4b:s15+s6], $0x100, $0x38;
	[tilespmem:$0x17830] =	vst v63  }
0x1bc: {  	_ =	swait.ge [sflag:s24], $0x800  }
0x1bd: {  	[sflag:s24] =	ssyncset.done $0x0  }
0x1be: {  	[sflag:s24] =	ssyncadd.s32 $0xFFFFF800  }
0x1bf: {  	_ =	swait.ge [sflag:s24], $0x1000  }
0x1c0: {  	[sflag:s24] =	ssyncset.done $0x0  }
0x1c1: {  	[sflag:s24] =	ssyncadd.s32 $0xFFFFF000  }
0x1c2: {  	_ =	swait.ge [sflag:s24], $0x4000  }
0x1c3: {  	[sflag:s24] =	ssyncset.done $0x0  }
0x1c4: {  	s15 =	simm.s32 @!p0 $0x5;
	[sflag:s24] =	ssyncadd.s32 $0xFFFFC000  }
0x1c5: {  	_ =	swait.ge @!p0 [sflag:s15], $0x1000  }
0x1c6: {  	[sflag:s15] =	ssyncset.done @!p0 $0x0  }
0x1c7: {  	[sflag:s15] =	ssyncadd.s32 @!p0 $0xFFFFF000  }
0x1c8: {  	_ =	swait.ge @!p0 [sflag:s15], $0x800  }
0x1c9: {  	[sflag:s15] =	ssyncset.done @!p0 $0x0  }
0x1ca: {  	p1 =	por p0, !p1;
	[sflag:s15] =	ssyncadd.s32 @!p0 $0xFFFFF800  }
0x1cb: {  	_ =	swait.ge @p1 [sflag:s31], $0x100  }
0x1cc: {  	[sflag:s31] =	ssyncset.done @p1 $0x0  }
0x1cd: {  	s15 =	simm.s32 @p1 $0x7A80;
	[sflag:s31] =	ssyncadd.s32 @p1 $0xFFFFFF00  }
0x1ce: {  	[tilespmem:s15], [sflag:$0x2] =	stream.indirect.gather @p1 [hbm4b:s8+s3], $0x10, s30, s3, $0xb8;
	[tilespmem:$0x17830] =	vst v63  }
0x1cf: {  	s16 =	simm.s32 @p1 $0x8280;
	s15 =	simm.s32 @p1 $0x7700  }
0x1d0: {  	[tilespmem:s16], [sflag:$0x2] =	stream.indirect.gather @p1 [hbm4b:s1+s3], $0x20, s15, s3, $0xb8;
	[tilespmem:$0x17830] =	vst v63  }
0x1d1: {  	s22 =	simm.s32 $0x0;
	s15 =	simm.s32 @p1 $0x9280  }
0x1d2: {  	[tilespmem:s15], [sflag:$0x2] =	stream.indirect.gather @p1 [hbm4b:s9+s3], $0x80, s30, s3, $0xb8;
	[tilespmem:$0x17830] =	vst v63  }
0x1d3: {  	s29 =	simm.s32 $0xDA90;
	v2 =	vld [tilespmem:s22+$0xD280]  }
0x1d4: {  	v3 =	vld [tilespmem:s29+$0xFFFFFFF0];
	_ =	sdelay $0x4  }
0x1d5: {  	v2 =	vadd.f32 v3, v2;
	_ =	sdelay $0x1  }
0x1d6: {  	v3 =	vmul.f32 $2.000000030e-01, v2  }
0x1d7: {  	v4 =	vld [tilespmem:s29+$0x0];
	vm0 =	vge.f32 v2, $0.0e+00  }
0x1d8: {  	v2 =	vsel vm0, v2, v3  }
0x1d9: {  	v2 =	vsub.f32 v2, v1;
	_ =	sdelay $0x1  }
0x1da: {  	v2 =	vmul.f32 $1.442695020e+00, v2  }
0x1db: {  	(erf) = vrcp.f32 v4  }
0x1dc: {  	(erf) = vpow2.f32 v2;
	_ =	sdelay $0x7  }
0x1dd: {  	v2 =	vpop (erf)  }
0x1de: {  	v3 =	vpop (erf)  }
0x1df: {  	v2 =	vmul.f32 v3, v2;
	_ =	sdelay $0x1  }
0x1e0: {  	s15 =	simm.s32 $0xEAC0;
	[tilespmem:s22+$0x14280] =	vst v2  }
0x1e1: {  	v3 =	vld [tilespmem:s15+$0xFFFFFFC0];
	_ =	sdelay $0x1  }
0x1e2: {  	v5 =	vbroadcast v2, $0x5;
	v4 =	vld [tilespmem:s15+$0xFFFFFFD0]  }
0x1e3: {  	v6 =	vbroadcast v2, $0x6;
	v7 =	vbroadcast v2, $0x0  }
0x1e4: {  	v9 =	vbroadcast v2, $0x4;
	v11 =	vbroadcast v2, $0x1;
	v8 =	vld [tilespmem:s15+$0xFFFFFFE0]  }
0x1e5: {  	v13 =	vbroadcast v2, $0x2;
	v10 =	vshll.u32 v3, $0x10;
	v3 =	vand.u32 $0xFFFF0000, v3  }
0x1e6: {  	v10 =	vmul.f32 v10, v7;
	v3 =	vmul.f32 v3, v7;
	v7 =	vld [tilespmem:s15+$0xFFFFFFF0]  }
0x1e7: {  	v56 =	vbroadcast v2, $0x3;
	v2 =	vbroadcast v2, $0x7;
	v12 =	vshll.u32 v4, $0x10  }
0x1e8: {  	v14 =	vld [tilespmem:s15+$0x0];
	v4 =	vand.u32 $0xFFFF0000, v4;
	v12 =	vmul.f32 v12, v11;
	v10 =	vadd.f32 $0.0e+00, v10  }
0x1e9: {  	v55 =	vshll.u32 v8, $0x10;
	v4 =	vmul.f32 v4, v11;
	v3 =	vadd.f32 $0.0e+00, v3  }
0x1ea: {  	v15 =	vld [tilespmem:s15+$0x10];
	v8 =	vand.u32 $0xFFFF0000, v8;
	v11 =	vmul.f32 v55, v13;
	v10 =	vadd.f32 v10, v12  }
0x1eb: {  	v3 =	vadd.f32 v3, v4;
	v4 =	vmul.f32 v8, v13;
	v57 =	vshll.u32 v7, $0x10  }
0x1ec: {  	v58 =	vld [tilespmem:s15+$0x20];
	v7 =	vand.u32 $0xFFFF0000, v7;
	v10 =	vadd.f32 v10, v11;
	v8 =	vmul.f32 v57, v56  }
0x1ed: {  	v3 =	vadd.f32 v3, v4;
	v4 =	vmul.f32 v7, v56;
	v7 =	vshll.u32 v14, $0x10  }
0x1ee: {  	v60 =	vld [tilespmem:s15+$0x30];
	v59 =	vand.u32 $0xFFFF0000, v14;
	v7 =	vmul.f32 v7, v9;
	v8 =	vadd.f32 v10, v8  }
0x1ef: {  	v61 =	vshll.u32 v15, $0x10;
	v3 =	vadd.f32 v3, v4;
	v4 =	vmul.f32 v59, v9  }
0x1f0: {  	v62 =	vand.u32 $0xFFFF0000, v15;
	v9 =	vmul.f32 v61, v5;
	v7 =	vadd.f32 v8, v7  }
0x1f1: {  	v3 =	vadd.f32 v3, v4;
	v4 =	vmul.f32 v62, v5;
	v5 =	vshll.u32 v58, $0x10  }
0x1f2: {  	v63 =	vand.u32 $0xFFFF0000, v58;
	v5 =	vmul.f32 v5, v6;
	v7 =	vadd.f32 v7, v9  }
0x1f3: {  	v6 =	vmul.f32 v63, v6;
	v3 =	vadd.f32 v3, v4;
	v4 =	vshll.u32 v60, $0x10  }
0x1f4: {  	v5 =	vadd.f32 v7, v5;
	v7 =	vmul.f32 v4, v2;
	v4 =	vand.u32 $0xFFFF0000, v60  }
0x1f5: {  	v3 =	vadd.f32 v3, v6;
	v4 =	vmul.f32 v4, v2  }
0x1f6: {  	s18 =	simm.s32 $0x40;
	s19 =	simm.s32 $0x14A90;
	s16 =	simm.s32 $0x14A90;
	v2 =	vadd.f32 v5, v7  }
.LBB2_13:
0x1f7: {  	v3 =	vadd.f32 v3, v4;
	s15 =	sadd.s32 $0x80, s15;
	s29 =	sadd.s32 $0x20, s29;
	s16 =	sadd.s32 $0x20, s16  }
0x1f8: {  	p0 =	sne.s32 s18, $0x1FC0;
	s22 =	smov.u32 s18;
	s18 =	sadd.s32 $0x40, s18;
	[tilespmem:s19+$0xFFFFFFF0] =	vst v2  }
0x1f9: {  	s22 =	sshra.s32 s22, $0x2;
	[tilespmem:s19+$0x0] =	vst v3;
	s19 =	smov.u32 s16  }
0x1fa: {  	v2 =	vld [tilespmem:s22+$0xD280]  }
0x1fb: {  	v3 =	vld [tilespmem:s29+$0xFFFFFFF0];
	_ =	sdelay $0x4  }
0x1fc: {  	v2 =	vadd.f32 v3, v2;
	_ =	sdelay $0x1  }
0x1fd: {  	v3 =	vmul.f32 $2.000000030e-01, v2  }
0x1fe: {  	vm0 =	vge.f32 v2, $0.0e+00;
	v4 =	vld [tilespmem:s29+$0x0]  }
0x1ff: {  	v2 =	vsel vm0, v2, v3  }
0x200: {  	v2 =	vsub.f32 v2, v1;
	_ =	sdelay $0x1  }
0x201: {  	v2 =	vmul.f32 $1.442695020e+00, v2  }
0x202: {  	(erf) = vrcp.f32 v4  }
0x203: {  	(erf) = vpow2.f32 v2;
	_ =	sdelay $0x7  }
0x204: {  	v2 =	vpop (erf)  }
0x205: {  	v3 =	vpop (erf)  }
0x206: {  	v2 =	vmul.f32 v3, v2;
	_ =	sdelay $0x1  }
0x207: {  	[tilespmem:s22+$0x14280] =	vst v2  }
0x208: {  	v3 =	vld [tilespmem:s15+$0xFFFFFFC0];
	_ =	sdelay $0x1  }
0x209: {  	v5 =	vbroadcast v2, $0x7;
	v4 =	vld [tilespmem:s15+$0xFFFFFFD0]  }
0x20a: {  	v6 =	vbroadcast v2, $0x5;
	v7 =	vbroadcast v2, $0x6  }
0x20b: {  	v8 =	vbroadcast v2, $0x0;
	v10 =	vbroadcast v2, $0x4;
	v9 =	vld [tilespmem:s15+$0xFFFFFFE0]  }
0x20c: {  	v12 =	vbroadcast v2, $0x1;
	v11 =	vshll.u32 v3, $0x10;
	v3 =	vand.u32 $0xFFFF0000, v3  }
0x20d: {  	v11 =	vmul.f32 v11, v8;
	v3 =	vmul.f32 v3, v8;
	v8 =	vld [tilespmem:s15+$0xFFFFFFF0]  }
0x20e: {  	v14 =	vbroadcast v2, $0x2;
	v13 =	vshll.u32 v4, $0x10;
	v4 =	vand.u32 $0xFFFF0000, v4  }
0x20f: {  	v11 =	vadd.f32 $0.0e+00, v11;
	v3 =	vadd.f32 $0.0e+00, v3;
	v13 =	vmul.f32 v13, v12;
	v15 =	vld [tilespmem:s15+$0x0]  }
0x210: {  	v4 =	vmul.f32 v4, v12;
	v12 =	vshll.u32 v9, $0x10;
	v9 =	vand.u32 $0xFFFF0000, v9  }
0x211: {  	v2 =	vbroadcast v2, $0x3;
	v11 =	vadd.f32 v11, v13;
	v12 =	vmul.f32 v12, v14;
	v13 =	vld [tilespmem:s15+$0x10]  }
0x212: {  	v3 =	vadd.f32 v3, v4;
	v4 =	vmul.f32 v9, v14;
	v9 =	vshll.u32 v8, $0x10  }
0x213: {  	v8 =	vand.u32 $0xFFFF0000, v8;
	v11 =	vadd.f32 v11, v12;
	v9 =	vmul.f32 v9, v2;
	v12 =	vld [tilespmem:s15+$0x20]  }
0x214: {  	v3 =	vadd.f32 v3, v4;
	v2 =	vmul.f32 v8, v2;
	v4 =	vshll.u32 v15, $0x10  }
0x215: {  	v8 =	vadd.f32 v11, v9;
	v9 =	vand.u32 $0xFFFF0000, v15;
	v4 =	vmul.f32 v4, v10;
	v11 =	vld [tilespmem:s15+$0x30]  }
0x216: {  	v2 =	vadd.f32 v3, v2;
	v3 =	vmul.f32 v9, v10;
	v9 =	vshll.u32 v13, $0x10  }
0x217: {  	v4 =	vadd.f32 v8, v4;
	v8 =	vand.u32 $0xFFFF0000, v13;
	v9 =	vmul.f32 v9, v6  }
0x218: {  	v2 =	vadd.f32 v2, v3;
	v3 =	vmul.f32 v8, v6;
	v6 =	vshll.u32 v12, $0x10  }
.Ltmp11:
0x219: {  	v8 =	vand.u32 $0xFFFF0000, v12;
	v4 =	vadd.f32 v4, v9;
	v6 =	vmul.f32 v6, v7;
	(pc) =	sbr.rel @p0 .LBB2_13-.Ltmp11, $4  }
0x21a: {  	v2 =	vadd.f32 v2, v3;
	v3 =	vmul.f32 v8, v7;
	v7 =	vshll.u32 v11, $0x10  }
0x21b: {  	v6 =	vadd.f32 v4, v6;
	v4 =	vand.u32 $0xFFFF0000, v11;
	v7 =	vmul.f32 v7, v5  }
0x21c: {  	v3 =	vadd.f32 v2, v3;
	v4 =	vmul.f32 v4, v5  }
0x21d: {  	v2 =	vadd.f32 v6, v7  }
.Ltmp12:
0x21e: {  	_ = 	snop;
	(pc) =	sbr.rel .LBB2_14-.Ltmp12, $1  }
0x21f: {  	_ =	sdelay $0x3  }
.LBB2_17:
0x220: {  	_ =	sfence.sel $0x180000  }
0x221: {  	[bflag:$0x0] =	sbarrier.arrive $0xFFFF  }
0x222: {  	_ =	strace $0x9000004A  }
0x223: {  	s0 =	stileid.u32;
	[bflag:$0x2] =	sbarrier.arrive $0xFFFF  }
0x224: {  	p0 =	sne.s32 s0, $0x0;
	s0 =	rddreg [dreg:$0x5]  }
0x225: {  	s0 =	sadd.s32 @!p0 $0x100000, s0  }
0x226: {  	[sflag:s0] =	ssyncadd.tile.s32 @!p0 $0x1;
	_ =	shalt  }
.Lfunc_end2:
_tile_overlayer_lowered:
.L_overlay_start_2:
0x227: {  	(tag) =	ssettag $0x2  }
0x228: {  	s0 =	rddreg [dreg:$0x0];
	s2 =	stileid.u32  }
0x229: {  	s1 =	rddreg [dreg:$0x1];
	p0 =	sne.s32 s2, $0x0  }
0x22a: {  	s3 =	rddreg [dreg:$0x2];
	[bflag:$0x3] =	sbarrier.arrive $0xFFFF;
	s2 =	simm.s32 @!p0 $0x1C06  }
0x22b: {  	[timem:s3], [sflag:s2] =	dma.local @!p0 [hbm:s0], s1  }
0x22c: {  	s0 =	simm.s32 @!p0 $0x6  }
0x22d: {  	_ =	swait.ge @!p0 [sflag:s0], s1  }
0x22e: {  	s1 =	ssub.s32 @!p0 $0x0, s1;
	[sflag:s0] =	ssyncset.done @!p0 $0x0  }
0x22f: {  	[sflag:s0] =	ssyncadd.s32 @!p0 s1  }
0x230: {  	[bflag:$0x3] =	sbarrier.arrive $0xFFFF  }
0x231: {  	_ =	shalt  }

// kernel: kernel.8.cloned.1.call-start
scs
__scs_entry_jumppad:
0x0: {  	(pc) =	sbr.rel $0x88, $3  }
0x1: {  	(tag) =	ssettag $0x0;
	lr =	simm.s32 $0x1  }
0x2: {  	[smem:$0x3F93] =	sst lr;
	_ =	strace $0xD0000000  }
0x3: {  	_ = 	snop  }
0x4: {  	_ = 	snop  }
0x5: {  	_ = 	snop  }
0x6: {  	_ = 	snop  }
0x7: {  	_ = 	snop  }
__scs_overlays_trampoline_lowered:
0x8: {  	[smem:$0x3FA2] =	sst s0  }
0x9: {  	[smem:$0x3FA3] =	sst s1  }
0xa: {  	[smem:$0x3FA4] =	sst s2  }
0xb: {  	[smem:$0x3FA5] =	sst s3  }
0xc: {  	[smem:$0x3FA6] =	sst s4  }
0xd: {  	[smem:$0x3FA7] =	sst s5  }
0xe: {  	[smem:$0x3FA8] =	sst s6  }
0xf: {  	[smem:$0x3FA9] =	sst s7  }
0x10: {  	[smem:$0x3FAA] =	sst s8  }
0x11: {  	[smem:$0x3FAB] =	sst s9;
	s0 =	simm.s32 @!p0 $0x0  }
0x12: {  	s1 =	sld [smem:$0x3F91];
	s0 =	simm.s32 @p0 $0x1  }
0x13: {  	[smem:$0x3FAC] =	sst s0;
	s0 =	simm.s32 @!p1 $0x0  }
0x14: {  	s2 =	sld [smem:$0x3F90];
	s0 =	simm.s32 @p1 $0x1  }
0x15: {  	[smem:$0x3FAD] =	sst s0;
	s0 =	simm.s32 @!p2 $0x0  }
0x16: {  	s3 =	sld [smem:$0x3FDB];
	s0 =	simm.s32 @p2 $0x1  }
0x17: {  	s4 =	simm.s32 $0x1BF5;
	[smem:$0x3FAF] =	sst s0  }
0x18: {  	s0 =	sld [smem:$0x3F92];
	_ =	swait.ge [sflag:s4], $0x0  }
0x19: {  	s7 =	sld [smem:$0x3F93]  }
0x1a: {  	s8 =	sadd.s32 $0xFFFFE003, lr  }
0x1b: {  	s9 =	sadd.s32 $0xFFFFFEF7, lr;
	s5 =	simm.s32 $0xFFFFFFFF;
	p2 =	slt.u32 s8, $0xFFFFF086  }
0x1c: {  	p1 =	slt.u32 s9, $0xF7A;
	s5 =	simm.s32 @!p2 $0x0  }
0x1d: {  	s5 =	simm.s32 @p1 $0x1;
	p0 =	seq.s32 s7, s2  }
0x1e: {  	s7 =	smul.u32 @!p0 $0xF7A, s2;
	p2 =	seq.s32 @!p0 s5, $0x0  }
0x1f: {  	s9 =	smul.u32 $0xF7A, s1;
	s8 =	simm.s32 @!p0 $0x1BF5;
	p2 =	por !p2, p0  }
0x20: {  	[sflag:s8] =	ssyncset.s32 @!p0 $0xFFFFF086;
	s6 =	sadd.s32 @!p0 s3, s7;
	s7 =	simm.s32 @!p0 $0x108  }
0x21: {  	s3 =	sadd.s32 s3, s9;
	s6 =	sadd.s32 @!p0 $0x88, s6;
	s7 =	simm.s32 @p2 $0x1082  }
0x22: {  	[simem:s7], [sflag:s8] =	dma.local @!p0 [hbm:s6], $0xF7A  }
0x23: {  	s9 =	sor.u32 $0xD0000000, s2;
	s6 =	simm.s32 $0x108;
	_ =	swait.ge @!p0 [sflag:s8], $0x0  }
0x24: {  	s3 =	sadd.s32 $0x88, s3;
	s6 =	simm.s32 @!p1 $0x1082;
	[sflag:s4] =	ssyncset.s32 $0xFFFFF086  }
0x25: {  	[simem:s6], [sflag:s4] =	dma.local [hbm:s3], $0xF7A  }
0x26: {  	[smem:$0x3F93] =	sst s1;
	(tag) =	ssettag s2;
	_ =	strace s9  }
0x27: {  	s1 =	sld [smem:$0x3FA3]  }
0x28: {  	s2 =	sld [smem:$0x3FA4]  }
0x29: {  	s4 =	sld [smem:$0x3FA6]  }
0x2a: {  	p0 =	seq.s32 s5, $0x0;
	s5 =	sld [smem:$0x3FA7]  }
0x2b: {  	s6 =	sld [smem:$0x3FA8]  }
0x2c: {  	s7 =	sld [smem:$0x3FA9]  }
0x2d: {  	s3 =	simm.s32 $0x108;
	s8 =	sld [smem:$0x3FAA]  }
0x2e: {  	s3 =	simm.s32 @!p0 $0x1082;
	s9 =	sld [smem:$0x3FAB]  }
0x2f: {  	lr =	sadd.s32 s0, s3;
	s0 =	sld [smem:$0x3FA2]  }
0x30: {  	s3 =	sld [smem:$0x3FA5]  }
0x31: {  	[smem:$0x3FAE] =	sst s10  }
0x32: {  	s10 =	sld [smem:$0x3FAC];
	_ =	sdelay $0x3  }
0x33: {  	p0 =	seq.s32 s10, $0x1;
	s10 =	sld [smem:$0x3FAE];
	_ =	sdelay $0x3  }
0x34: {  	[smem:$0x3FAE] =	sst s10  }
0x35: {  	s10 =	sld [smem:$0x3FAD];
	_ =	sdelay $0x3  }
0x36: {  	p1 =	seq.s32 s10, $0x1;
	s10 =	sld [smem:$0x3FAE];
	_ =	sdelay $0x3  }
0x37: {  	[smem:$0x3FAE] =	sst s10  }
0x38: {  	s10 =	sld [smem:$0x3FAF]  }
0x39: {  	_ = 	snop;
	(pc) =	sbr.ind lr, $3  }
0x3a: {  	_ = 	snop  }
0x3b: {  	_ = 	snop  }
0x3c: {  	p2 =	seq.s32 s10, $0x1;
	s10 =	sld [smem:$0x3FAE]  }
0x3d: {  	_ =	shalt  }
0x3e: {  	_ =	shalt  }
0x3f: {  	_ =	shalt  }
0x40: {  	_ =	shalt  }
0x41: {  	_ =	shalt  }
0x42: {  	_ =	shalt  }
0x43: {  	_ =	shalt  }
0x44: {  	_ =	shalt  }
0x45: {  	_ =	shalt  }
0x46: {  	_ =	shalt  }
0x47: {  	_ =	shalt  }
0x48: {  	_ =	shalt  }
0x49: {  	_ =	shalt  }
0x4a: {  	_ =	shalt  }
0x4b: {  	_ =	shalt  }
0x4c: {  	_ =	shalt  }
0x4d: {  	_ =	shalt  }
0x4e: {  	_ =	shalt  }
0x4f: {  	_ =	shalt  }
0x50: {  	_ =	shalt  }
0x51: {  	_ =	shalt  }
0x52: {  	_ =	shalt  }
0x53: {  	_ =	shalt  }
0x54: {  	_ =	shalt  }
0x55: {  	_ =	shalt  }
0x56: {  	_ =	shalt  }
0x57: {  	_ =	shalt  }
0x58: {  	_ =	shalt  }
0x59: {  	_ =	shalt  }
0x5a: {  	_ =	shalt  }
0x5b: {  	_ =	shalt  }
0x5c: {  	_ =	shalt  }
0x5d: {  	_ =	shalt  }
0x5e: {  	_ =	shalt  }
0x5f: {  	_ =	shalt  }
0x60: {  	_ =	shalt  }
0x61: {  	_ =	shalt  }
0x62: {  	_ =	shalt  }
0x63: {  	_ =	shalt  }
0x64: {  	_ =	shalt  }
0x65: {  	_ =	shalt  }
0x66: {  	_ =	shalt  }
0x67: {  	_ =	shalt  }
0x68: {  	_ =	shalt  }
0x69: {  	_ =	shalt  }
0x6a: {  	_ =	shalt  }
0x6b: {  	_ =	shalt  }
0x6c: {  	_ =	shalt  }
0x6d: {  	_ =	shalt  }
0x6e: {  	_ =	shalt  }
0x6f: {  	_ =	shalt  }
0x70: {  	_ =	shalt  }
0x71: {  	_ =	shalt  }
0x72: {  	_ =	shalt  }
0x73: {  	_ =	shalt  }
0x74: {  	_ =	shalt  }
0x75: {  	_ =	shalt  }
0x76: {  	_ =	shalt  }
0x77: {  	_ =	shalt  }
0x78: {  	_ =	shalt  }
0x79: {  	_ =	shalt  }
0x7a: {  	_ =	shalt  }
0x7b: {  	_ =	shalt  }
0x7c: {  	_ =	shalt  }
0x7d: {  	_ =	shalt  }
0x7e: {  	_ =	shalt  }
0x7f: {  	_ =	shalt  }
0x80: {  	_ =	shalt  }
0x81: {  	_ =	shalt  }
0x82: {  	_ =	shalt  }
0x83: {  	_ =	shalt  }
0x84: {  	_ =	shalt  }
0x85: {  	_ =	shalt  }
0x86: {  	_ =	shalt  }
0x87: {  	_ =	shalt  }
.Lfunc_end0:
.L_simem_size_0:
called_computation_lowered:
.L_overlay_start_0:
0x88: {  	s2 =	sld [smem:$0x3FD9]  }
0x89: {  	s3 =	sld [smem:$0x3FFE];
	_ =	sdelay $0x1  }
0x8a: {  	s1 =	srdreg.scid  }
0x8b: {  	s0 =	sand.u32 $0x1, s1  }
0x8c: {  	s14 =	sshll.u32 s0, $0xA;
	s2 =	sadd.s32 s3, s2  }
0x8d: {  	s2 =	sadd.s32 s2, s14  }
0x8e: {  	[smem:$0x3FBA] =	sst s2  }
0x8f: {  	_ = 	snop  }
0x90: {  	s2 =	sld [smem:$0x3FD0];
	_ =	sdelay $0x2  }
0x91: {  	s15 =	simm.s32 $0xA;
	s4 =	simm.s32 $0x10  }
0x92: {  	[smem:s4], [sflag:s15] =	dma.local [hbm:s2], $0x1  }
0x93: {  	_ =	swait.eq [sflag:s15], $0x1  }
0x94: {  	[sflag:s15] =	ssyncset.done $0x0  }
0x95: {  	s16 =	sld [smem:$0x10];
	[sflag:s15] =	ssyncadd.s32 $0xFFFFFFFF  }
0x96: {  	s17 =	sld [smem:$0x11];
	(tm) =	ssettm $0x1  }
0x97: {  	s18 =	sld [smem:$0x3FFB];
	_ =	sdelay $0x3  }
0x98: {  	_ =	strace s18  }
0x99: {  	s4 =	sld [smem:$0x3FFC];
	_ =	sdelay $0x3  }
0x9a: {  	_ =	strace s4  }
0x9b: {  	s4 =	sld [smem:$0x3FFD];
	_ =	sdelay $0x3  }
0x9c: {  	_ =	strace s4  }
0x9d: {  	_ =	strace $0x8FFFFFFF  }
0x9e: {  	s19 =	sld [smem:$0x3FDB];
	_ =	sdelay $0x1  }
0x9f: {  	s5 =	simm.s32 $_scs_section_size  }
0xa0: {  	s6 =	simm.s32 $_size__tile_overlayer_lowered;
	s7 =	simm.s32 $_tile_overlayer_lowered  }
0xa1: {  	s22 =	simm.s32 $0x1BFF;
	s21 =	sshll.u32 s7, $0x1;
	s4 =	sadd.s32 s5, s19  }
0xa2: {  	s8 =	simm.s32 $0x0;
	s20 =	sshll.u32 s6, $0x1;
	s6 =	sadd.s32 s21, s4  }
0xa3: {  	[timem:s8], [sflag:s22] =	dma.local [hbm:s6], s20  }
0xa4: {  	_ =	swait.ge [sflag:s22], s20  }
0xa5: {  	s5 =	ssub.s32 $0x0, s20;
	[sflag:s22] =	ssyncset.done $0x0  }
0xa6: {  	[sflag:s22] =	ssyncadd.s32 s5;
	_ =	sdelay $0x1  }
0xa7: {  	s23 =	simm.s32 $0x1B8B  }
0xa8: {  	_ =	swait.ge [sflag:s23], $0x1  }
0xa9: {  	[sflag:s23] =	ssyncset.done $0x0  }
0xaa: {  	s25 =	simm.s32 $0x1B8E;
	s24 =	sld [smem:$0x3FFE];
	[sflag:s23] =	ssyncadd.s32 $0xFFFFFFFF  }
0xab: {  	s26 =	simm.s32 $execute0_lowered;
	[smem:$0x3FD2] =	sst s25  }
0xac: {  	s6 =	sshll.u32 s26, $0x1;
	_ =	strace $0x80000046;
	[dreg:$0x1] =	wrdreg $0xFFFFFFFF  }
0xad: {  	s28 =	simm.s32 $_size_execute0_lowered;
	s4 =	sadd.s32 s4, s6;
	[dreg:$0x0] =	wrdreg $0x0  }
0xae: {  	s6 =	sshll.u32 s28, $0x1;
	[dreg:$0x2] =	wrdreg s4  }
0xaf: {  	[dreg:$0x3] =	wrdreg s6  }
0xb0: {  	[dreg:$0x4] =	wrdreg $0xC0  }
0xb1: {  	_ =	task [dreg:s8], $0x5FFFF  }
0xb2: {  	[dreg:$0x1] =	wrdreg $0xFFFFFFFF  }
0xb3: {  	[dreg:$0x0] =	wrdreg $0x60  }
0xb4: {  	[dreg:$0x2] =	wrdreg s24  }
0xb5: {  	[dreg:$0x3] =	wrdreg s17  }
0xb6: {  	[dreg:$0x4] =	wrdreg s16  }
0xb7: {  	[dreg:$0x5] =	wrdreg $0x0  }
0xb8: {  	[dreg:$0x6] =	wrdreg $0x9  }
0xb9: {  	_ =	task.clear_ibuf [dreg:s8], $0x7FFFF;
	_ =	strace $0x90000046  }
0xba: {  	s29 =	simm.s32 $0x9;
	_ =	strace $0x80000048  }
0xbb: {  	_ =	swait.ge [sflag:s29], $0x1  }
0xbc: {  	[sflag:s29] =	ssyncadd.s32 $0xFFFFFFFF  }
0xbd: {  	_ =	strace $0x90000048  }
0xbe: {  	_ =	sfence  }
0xbf: {  	s30 =	sld [smem:$0x0];
	_ =	sdelay $0x2  }
0xc0: {  	s31 =	sshll.u32 s1, $0xD;
	s1 =	sshrl.u32 s1, $0x2  }
0xc1: {  	s3 =	sand.u32 $0x4000, s31;
	s1 =	sadd.s32 s1, s30  }
0xc2: {  	s0 =	sor.u32 s3, s0;
	s1 =	sshll.u32 s1, $0x11  }
0xc3: {  	s0 =	sor.u32 s1, s0  }
0xc4: {  	s0 =	sadd.s32 $0x8F2B, s0  }
0xc5: {  	[sflag:s0] =	ssyncadd.remote.s32 $0x1  }
0xc6: {  	_ =	sfence.sel $0xFFFF  }
0xc7: {  	[dreg:$0x0] =	wrdreg $0xFFFFFFFF;
	(pc) =	sbr.abs _section_cstart, $3  }
0xc8: {  	[dreg:$0x1] =	wrdreg $0xFFFFFFFF  }
0xc9: {  	_ =	task.clear_ibuf [dreg:s8], $0x2FFFF;
	_ =	strace $0x9FFFFFFF  }
0xca: {  	(tm) =	ssettm $0x7FFFFFFF  }
0xcb: {  	_ =	shalt  }
tec
execute0_lowered:
.L_overlay_start_1:
0x0: {  	(tag) =	ssettag $0x1  }
0x1: {  	s0 =	rddreg [dreg:$0x0]  }
0x2: {  	s1 =	rddreg [dreg:$0x2]  }
0x3: {  	s2 =	rddreg [dreg:$0x3];
	s3 =	simm.s32 $0x0  }
0x4: {  	s4 =	srdreg.scid;
	s11 =	stileid.u32;
	s19 =	simm.s32 $0x6  }
0x5: {  	s21 =	simm.s32 $0x2780;
	s22 =	simm.s32 $0x1;
	s29 =	simm.s32 $0x2  }
0x6: {  	s30 =	simm.s32 $0x3B80;
	s31 =	simm.s32 $0x2900;
	s20 =	simm.s32 $0x3  }
0x7: {  	s17 =	simm.s32 $0x2B00;
	[smem:$0x7FF] =	sst s3;
	s5 =	sadd.s32 $0xB600, s0  }
0x8: {  	s6 =	sadd.s32 $0x1600, s0;
	s7 =	sadd.s32 $0x6600, s0;
	s23 =	sand.u32 $0x1, s4  }
0x9: {  	s9 =	smul.u32 $0x9E00, s11;
	_ =	strace $0x80000047;
	s4 =	ssub.s32 $0x2, s23  }
0xa: {  	s8 =	sshll.u32 s23, $0x4;
	s0 =	smul.u32 $0x27800, s23;
	s23 =	simm.s32 $0x80  }
0xb: {  	s10 =	sshrl.u32 s4, $0x1;
	s8 =	sor.u32 s11, s8;
	s11 =	smul.u32 $0x2780, s11  }
0xc: {  	s9 =	sshrl.u32 s9, $0x2;
	s4 =	ssub.s32 s4, s10;
	s24 =	smul.u32 $0xA40, s8  }
0xd: {  	s9 =	sadd.s32 s9, s2;
	s8 =	smul.u32 $0x52, s8;
	s10 =	simm.s32 $0x5380  }
0xe: {  	s13 =	sadd.s32 s11, s2;
	s12 =	sadd.s32 $0x9E0, s9;
	s25 =	sadd.s32 $0x13C0, s9  }
0xf: {  	s9 =	sadd.s32 $0x1DA0, s9;
	s0 =	sadd.s32 s11, s0;
	[dreg:$0x6] =	wrdreg s12  }
0x10: {  	s28 =	smax.u32 s4, $0x1;
	s11 =	simm.s32 $0x4;
	[dreg:$0x7] =	wrdreg s25  }
0x11: {  	[dreg:$0x8] =	wrdreg s9;
	s26 =	sadd.s32 s5, s24;
	s14 =	sadd.s32 $0x2, s8  }
.Ltmp0:
0x12: {  	s0 =	sshrl.u32 s0, $0x3;
	[dreg:$0xc] =	wrdreg s28;
	(pc) =	sbr.rel .LBB2_1-.Ltmp0, $4  }
0x13: {  	s15 =	sadd.s32 $0x3, s8;
	s25 =	simm.s32 $0x2800;
	[dreg:$0x5] =	wrdreg s13  }
0x14: {  	s12 =	simm.s32 $0x0;
	[dreg:$0x9] =	wrdreg s26;
	s9 =	sadd.s32 $0x20, s26  }
0x15: {  	s0 =	sadd.s32 s1, s0;
	s1 =	simm.s32 $0x4B80;
	[dreg:$0xa] =	wrdreg s9  }
0x16: {  	v0 =	vimm.f32 $0.0e+00;
	[dreg:$0xb] =	wrdreg s0;
	s0 =	simm.s32 $0x4380;
	s9 =	simm.s32 $0x2A00  }
.LBB2_16:
0x17: {  	_ =	swait.ge [sflag:s11], $0x800  }
0x18: {  	[sflag:s11] =	ssyncset.done $0x0  }
0x19: {  	s4 =	simm.s32 $0x5;
	[sflag:s11] =	ssyncadd.s32 $0xFFFFF800  }
0x1a: {  	_ =	swait.ge [sflag:s4], $0x800  }
0x1b: {  	[sflag:s4] =	ssyncset.done $0x0  }
0x1c: {  	[sflag:s4] =	ssyncadd.s32 $0xFFFFF800  }
0x1d: {  	s26 =	stileid.u32;
	[bflag:$0x0] =	sbarrier.arrive $0xFFFF  }
0x1e: {  	s4 =	sshll.u32 s26, $0x6;
	s13 =	rddreg [dreg:$0x5]  }
0x1f: {  	s4 =	sor.u32 $0x1C06, s4;
	s16 =	rddreg [dreg:$0xb];
	s8 =	sshrl.u32 s13, $0x3  }
0x20: {  	[hbm:s16], [sflag:s4] =	dma.local [spmem:s8], $0x4F0  }
0x21: {  	_ =	swait.ge [sflag:s19], $0x4F0  }
0x22: {  	s12 =	sadd.s32 $0x1, s12;
	s28 =	rddreg [dreg:$0xc]  }
0x23: {  	p0 =	sne.s32 s12, s28  }
.Ltmp1:
0x24: {  	_ = 	snop;
	(pc) =	sbr.rel @!p0 .LBB2_17-.Ltmp1, $3  }
0x25: {  	_ =	sdelay $0x1  }
0x26: {  	[sflag:s19] =	ssyncset.done $0x0  }
0x27: {  	[sflag:s19] =	ssyncadd.s32 $0xFFFFFB10  }
.LBB2_1:
0x28: {  	s4 =	simm.s32 $0x40;
	s8 =	simm.s32 $0x0  }
.LBB2_2:
0x29: {  	p0 =	sne.s32 s4, $0x2740;
	[tilespmem:s8+$0x5B80] =	vst v0;
	s8 =	smov.u32 s4;
	s4 =	sadd.s32 $0x40, s4  }
.Ltmp2:
0x2a: {  	(pc) =	sbr.rel @p0 .LBB2_2-.Ltmp2, $2  }
0x2b: {  	_ =	sdelay $0x2  }
0x2c: {  	s8 =	sshra.s32 s8, $0x2  }
0x2d: {  	[tilespmem:s8+$0x5B80] =	vst v0;
	s16 =	simm.s32 $0x5B80  }
0x2e: {  	[spmem:s13] =	stream.linear.scatter [tilespmem:s16], [sflag:$0x6], $0x9E0, $0x38;
	[tilespmem:$0x6570] =	vst v63  }
0x2f: {  	_ =	swait.ge [sflag:s19], $0x9E0  }
0x30: {  	[sflag:s19] =	ssyncset.done $0x0  }
0x31: {  	s4 =	rddreg [dreg:$0x6];
	[sflag:s19] =	ssyncadd.s32 $0xFFFFF620  }
0x32: {  	[spmem:s4] =	stream.linear.scatter [tilespmem:s16], [sflag:$0x6], $0x9E0, $0x38;
	[tilespmem:$0x6570] =	vst v63  }
0x33: {  	_ =	swait.ge [sflag:s19], $0x9E0  }
0x34: {  	[sflag:s19] =	ssyncset.done $0x0  }
0x35: {  	s18 =	rddreg [dreg:$0x7];
	[sflag:s19] =	ssyncadd.s32 $0xFFFFF620  }
0x36: {  	[spmem:s18] =	stream.linear.scatter [tilespmem:s16], [sflag:$0x6], $0x9E0, $0x38;
	[tilespmem:$0x6570] =	vst v63  }
0x37: {  	_ =	swait.ge [sflag:s19], $0x9E0  }
0x38: {  	[sflag:s19] =	ssyncset.done $0x0  }
0x39: {  	s24 =	rddreg [dreg:$0x8];
	[sflag:s19] =	ssyncadd.s32 $0xFFFFF620  }
0x3a: {  	[spmem:s24] =	stream.linear.scatter [tilespmem:s16], [sflag:$0x6], $0x9E0, $0x38;
	[tilespmem:$0x6570] =	vst v63  }
0x3b: {  	_ =	swait.ge [sflag:s19], $0x9E0  }
0x3c: {  	[sflag:s19] =	ssyncset.done $0x0  }
0x3d: {  	[sflag:s19] =	ssyncadd.s32 $0xFFFFF620  }
0x3e: {  	s28 =	simm.s32 $0x6560;
	s13 =	simm.s32 $0x0;
	s26 =	rddreg [dreg:$0x1]  }
0x3f: {  	[tilespmem:s28], [sflag:$0x6] =	stream.linear.gather [hbm4b:s26+s13], $0x10, $0x38;
	[tilespmem:$0x6570] =	vst v63  }
0x40: {  	_ =	swait.ge [sflag:s19], $0x10  }
0x41: {  	[sflag:s19] =	ssyncset.done $0x0  }
0x42: {  	[sflag:s19] =	ssyncadd.s32 $0xFFFFFFF0  }
0x43: {  	[bflag:$0x0] =	sbarrier.arrive $0xFFFF  }
0x44: {  	s16 =	rddreg [dreg:$0x9]  }
0x45: {  	v1 =	vld [tilespmem:$0x6560];
	[tilespmem:s21], [sflag:$0x1] =	stream.linear.gather [hbm4b:s16+s13], $0x100, $0x38  }
0x46: {  	_ =	swait.ge [sflag:s22], $0x100  }
0x47: {  	[sflag:s22] =	ssyncset.done $0x0  }
0x48: {  	s18 =	simm.s32 $0x2B80;
	[sflag:s22] =	ssyncadd.s32 $0xFFFFFF00  }
0x49: {  	[tilespmem:s18], [sflag:$0x2] =	stream.indirect.gather [hbm4b:s6+s23], $0x10, s21, s23, $0xb8;
	[tilespmem:$0x6570] =	vst v63  }
.Ltmp3:
0x4a: {  	_ = 	snop;
	(pc) =	sbr.rel .LBB2_4-.Ltmp3, $4  }
0x4b: {  	s24 =	simm.s32 $0x3380  }
0x4c: {  	[tilespmem:s24], [sflag:$0x2] =	stream.indirect.gather [hbm4b:s7+s23], $0x10, s25, s23, $0xb8;
	[tilespmem:$0x6570] =	vst v63  }
0x4d: {  	s28 =	simm.s32 $0x2880;
	s26 =	rddreg [dreg:$0xa]  }
0x4e: {  	[tilespmem:s28], [sflag:$0x1] =	stream.linear.gather [hbm4b:s26+s13], $0x100, $0x38;
	[tilespmem:$0x6570] =	vst v63  }
.LBB2_14:
0x4f: {  	v2 =	vadd.f32 v3, v2;
	_ =	sdelay $0x1  }
0x50: {  	v3 =	vmul.f32 $2.000000030e-01, v2  }
0x51: {  	vm0 =	vge.f32 v2, $0.0e+00  }
0x52: {  	v4 =	vsub.f32 v4, v1;
	v2 =	vsel vm0, v2, v3  }
0x53: {  	v2 =	vsub.f32 v2, v1  }
0x54: {  	v3 =	vmul.f32 $1.442695020e+00, v4  }
0x55: {  	v2 =	vmul.f32 $1.442695020e+00, v2  }
0x56: {  	(erf) = vpow2.f32 v3  }
0x57: {  	(erf) = vpow2.f32 v2;
	_ =	sdelay $0x5  }
0x58: {  	v2 =	vpop (erf)  }
0x59: {  	v3 =	vpop (erf);
	[tilespmem:s18+$0x5380] =	vst v2  }
0x5a: {  	[tilespmem:s4+$0x5380] =	vst v3;
	v2 =	vpop (erf)  }
0x5b: {  	[tilespmem:s16+$0x5380] =	vst v2;
	v2 =	vpop (erf)  }
0x5c: {  	s4 =	simm.s32 $0x2880;
	[tilespmem:s24+$0x5380] =	vst v2  }
0x5d: {  	[spmem:s2] =	stream.indirect.scatter.add.f32 [tilespmem:s10], [sflag:$0x5], $0x10, s17, s23, $0xb8;
	[tilespmem:$0x6570] =	vst v63  }
.LBB2_15:
0x5e: {  	s13 =	sadd.s32 $0x1, s13  }
0x5f: {  	p0 =	sne.s32 s13, $0x29  }
.Ltmp4:
0x60: {  	s8 =	sadd.s32 s8, s15;
	(pc) =	sbr.rel @!p0 .LBB2_16-.Ltmp4, $4  }
0x61: {  	s8 =	sshll.u32 s8, $0x5  }
0x62: {  	s8 =	sand.u32 $0x1FFFFFE0, s8  }
0x63: {  	s8 =	sadd.s32 s5, s8  }
0x64: {  	[tilespmem:s4], [sflag:$0x1] =	stream.linear.gather [hbm4b:s8+s3], $0x100, $0x38;
	[tilespmem:$0x6570] =	vst v63  }
.LBB2_4:
0x65: {  	s4 =	sand.u32 $0x1, s13  }
0x66: {  	_ =	swait.ge [sflag:s29], $0x800;
	p2 =	seq.s32 s4, $0x1  }
.Ltmp5:
0x67: {  	[sflag:s29] =	ssyncset.done $0x0;
	(pc) =	sbr.rel @p2 .LBB2_10-.Ltmp5, $4  }
0x68: {  	[sflag:s29] =	ssyncadd.s32 $0xFFFFF800  }
0x69: {  	_ =	swait.ge [sflag:s29], $0x800  }
0x6a: {  	p0 =	seq.s32 s13, $0x0;
	[sflag:s29] =	ssyncset.done $0x0  }
0x6b: {  	s8 =	sshll.u32 s13, $0x1;
	p1 =	sgt.u32 @!p0 s13, $0x27;
	[sflag:s29] =	ssyncadd.s32 $0xFFFFF800  }
0x6c: {  	s4 =	simm.s32 @!p0 $0x4  }
0x6d: {  	_ =	swait.ge @!p0 [sflag:s4], $0x800  }
0x6e: {  	[sflag:s4] =	ssyncset.done @!p0 $0x0  }
0x6f: {  	[sflag:s4] =	ssyncadd.s32 @!p0 $0xFFFFF800  }
0x70: {  	_ =	swait.ge [sflag:s22], $0x100  }
0x71: {  	[sflag:s22] =	ssyncset.done $0x0  }
0x72: {  	s28 =	simm.s32 $0x2880;
	[sflag:s22] =	ssyncadd.s32 $0xFFFFFF00  }
0x73: {  	[tilespmem:s30], [sflag:$0x3] =	stream.indirect.gather [hbm4b:s6+s23], $0x10, s28, s23, $0xb8;
	[tilespmem:$0x6570] =	vst v63  }
0x74: {  	s18 =	simm.s32 $0x0  }
0x75: {  	[tilespmem:s0], [sflag:$0x3] =	stream.indirect.gather [hbm4b:s7+s23], $0x10, s31, s23, $0xb8;
	[tilespmem:$0x6570] =	vst v63  }
0x76: {  	v2 =	vld [tilespmem:s18+$0x2B80]  }
0x77: {  	v3 =	vld [tilespmem:s18+$0x3380];
	_ =	sdelay $0x1  }
0x78: {  	s4 =	simm.s32 $0x10  }
0x79: {  	v4 =	vld [tilespmem:s4+$0x2B80]  }
0x7a: {  	v5 =	vld [tilespmem:s4+$0x3380]  }
0x7b: {  	v2 =	vadd.f32 v3, v2;
	_ =	sdelay $0x1  }
0x7c: {  	v6 =	vmul.f32 $2.000000030e-01, v2  }
0x7d: {  	vm0 =	vge.f32 v2, $0.0e+00  }
0x7e: {  	v4 =	vadd.f32 v5, v4;
	v2 =	vsel vm0, v2, v6  }
0x7f: {  	s16 =	simm.s32 $0x20;
	v2 =	vsub.f32 v2, v1  }
0x80: {  	v3 =	vld [tilespmem:s16+$0x2B80];
	v7 =	vmul.f32 $2.000000030e-01, v4  }
0x81: {  	v5 =	vld [tilespmem:s16+$0x3380];
	vm14 =	vge.f32 v4, $0.0e+00;
	v2 =	vmul.f32 $1.442695020e+00, v2  }
0x82: {  	v4 =	vsel vm14, v4, v7  }
0x83: {  	v4 =	vsub.f32 v4, v1;
	(erf) = vpow2.f32 v2;
	_ =	sdelay $0x1  }
0x84: {  	s24 =	simm.s32 $0x30;
	v4 =	vmul.f32 $1.442695020e+00, v4  }
0x85: {  	v5 =	vadd.f32 v5, v3;
	v3 =	vld [tilespmem:s24+$0x3380]  }
0x86: {  	v2 =	vld [tilespmem:s24+$0x2B80];
	(erf) = vpow2.f32 v4  }
0x87: {  	v6 =	vmul.f32 $2.000000030e-01, v5  }
0x88: {  	vm15 =	vge.f32 v5, $0.0e+00  }
0x89: {  	s26 =	simm.s32 $0x100;
	v4 =	vsel vm15, v5, v6  }
.LBB2_6:
0x8a: {  	s28 =	sshra.s32 s26, $0x2;
	v4 =	vsub.f32 v4, v1;
	p2 =	sne.s32 s26, $0x1FC0  }
.Ltmp6:
0x8b: {  	s26 =	sadd.s32 $0x40, s26;
	v5 =	vadd.f32 v3, v2;
	v2 =	vld [tilespmem:s28+$0x2B80];
	v6 =	vpop (erf);
	(pc) =	sbr.rel @p2 .LBB2_6-.Ltmp6, $4  }
0x8c: {  	v3 =	vld [tilespmem:s28+$0x3380];
	v4 =	vmul.f32 $1.442695020e+00, v4;
	[tilespmem:s18+$0x4B80] =	vst v6;
	s18 =	smov.u32 s4;
	s4 =	smov.u32 s16;
	s16 =	smov.u32 s24  }
0x8d: {  	s24 =	smov.u32 s28;
	v6 =	vmul.f32 $2.000000030e-01, v5  }
0x8e: {  	vm0 =	vge.f32 v5, $0.0e+00;
	(erf) = vpow2.f32 v4  }
0x8f: {  	v4 =	vsel vm0, v5, v6  }
0x90: {  	_ = 	snop  }
0x91: {  	v2 =	vadd.f32 v3, v2;
	_ =	sdelay $0x1  }
0x92: {  	v3 =	vmul.f32 $2.000000030e-01, v2  }
0x93: {  	vm0 =	vge.f32 v2, $0.0e+00  }
0x94: {  	v4 =	vsub.f32 v4, v1;
	v2 =	vsel vm0, v2, v3  }
0x95: {  	v2 =	vsub.f32 v2, v1  }
0x96: {  	v3 =	vmul.f32 $1.442695020e+00, v4  }
0x97: {  	v2 =	vmul.f32 $1.442695020e+00, v2  }
0x98: {  	(erf) = vpow2.f32 v3  }
0x99: {  	(erf) = vpow2.f32 v2;
	_ =	sdelay $0x5  }
0x9a: {  	v2 =	vpop (erf)  }
0x9b: {  	p2 =	seq.s32 s13, $0x28;
	v3 =	vpop (erf);
	[tilespmem:s18+$0x4B80] =	vst v2  }
0x9c: {  	[tilespmem:s4+$0x4B80] =	vst v3;
	s4 =	sadd.s32 @!p2 s8, s14;
	v2 =	vpop (erf)  }
0x9d: {  	s4 =	sshll.u32 @!p2 s4, $0x5;
	[tilespmem:s16+$0x4B80] =	vst v2;
	v2 =	vpop (erf)  }
0x9e: {  	s4 =	sand.u32 @!p2 $0x1FFFFFC0, s4;
	[tilespmem:s24+$0x4B80] =	vst v2  }
0x9f: {  	[spmem:s2] =	stream.indirect.scatter.add.f32 [tilespmem:s1], [sflag:$0x4], $0x10, s25, s23, $0xb8;
	[tilespmem:$0x6570] =	vst v63  }
0xa0: {  	s18 =	simm.s32 @!p2 $0x2980;
	s4 =	sadd.s32 @!p2 s5, s4;
	s16 =	simm.s32 @!p2 $0x0  }
0xa1: {  	[tilespmem:s18], [sflag:$0x1] =	stream.linear.gather @!p2 [hbm4b:s4+s16], $0x100, $0x38;
	[tilespmem:$0x6570] =	vst v63  }
0xa2: {  	_ =	swait.ge [sflag:s20], $0x800  }
0xa3: {  	[sflag:s20] =	ssyncset.done $0x0  }
0xa4: {  	[sflag:s20] =	ssyncadd.s32 $0xFFFFF800  }
0xa5: {  	_ =	swait.ge [sflag:s20], $0x800  }
0xa6: {  	[sflag:s20] =	ssyncset.done $0x0  }
0xa7: {  	s4 =	simm.s32 @!p0 $0x5;
	[sflag:s20] =	ssyncadd.s32 $0xFFFFF800  }
0xa8: {  	_ =	swait.ge @!p0 [sflag:s4], $0x800  }
0xa9: {  	[sflag:s4] =	ssyncset.done @!p0 $0x0  }
0xaa: {  	p1 =	por p0, !p1;
	[sflag:s4] =	ssyncadd.s32 @!p0 $0xFFFFF800  }
0xab: {  	_ =	swait.ge @p1 [sflag:s22], $0x100  }
0xac: {  	[sflag:s22] =	ssyncset.done @p1 $0x0  }
0xad: {  	s16 =	simm.s32 @p1 $0x2980;
	s4 =	simm.s32 @p1 $0x2B80;
	[sflag:s22] =	ssyncadd.s32 @p1 $0xFFFFFF00  }
0xae: {  	[tilespmem:s4], [sflag:$0x2] =	stream.indirect.gather @p1 [hbm4b:s6+s23], $0x10, s16, s23, $0xb8;
	[tilespmem:$0x6570] =	vst v63  }
0xaf: {  	s18 =	simm.s32 $0x0;
	s4 =	simm.s32 @p1 $0x3380  }
0xb0: {  	[tilespmem:s4], [sflag:$0x2] =	stream.indirect.gather @p1 [hbm4b:s7+s23], $0x10, s9, s23, $0xb8;
	[tilespmem:$0x6570] =	vst v63  }
0xb1: {  	v2 =	vld [tilespmem:s18+$0x3B80]  }
0xb2: {  	v3 =	vld [tilespmem:s18+$0x4380];
	_ =	sdelay $0x1  }
0xb3: {  	s4 =	simm.s32 $0x10  }
0xb4: {  	v4 =	vld [tilespmem:s4+$0x3B80]  }
0xb5: {  	v5 =	vld [tilespmem:s4+$0x4380]  }
0xb6: {  	v2 =	vadd.f32 v3, v2;
	_ =	sdelay $0x1  }
0xb7: {  	v6 =	vmul.f32 $2.000000030e-01, v2  }
0xb8: {  	vm13 =	vge.f32 v2, $0.0e+00  }
0xb9: {  	v4 =	vadd.f32 v5, v4;
	v2 =	vsel vm13, v2, v6  }
0xba: {  	s16 =	simm.s32 $0x20;
	v2 =	vsub.f32 v2, v1  }
0xbb: {  	v3 =	vld [tilespmem:s16+$0x3B80];
	v7 =	vmul.f32 $2.000000030e-01, v4  }
0xbc: {  	v5 =	vld [tilespmem:s16+$0x4380];
	vm14 =	vge.f32 v4, $0.0e+00;
	v2 =	vmul.f32 $1.442695020e+00, v2  }
0xbd: {  	v4 =	vsel vm14, v4, v7  }
0xbe: {  	v4 =	vsub.f32 v4, v1;
	(erf) = vpow2.f32 v2;
	_ =	sdelay $0x1  }
0xbf: {  	s24 =	simm.s32 $0x30;
	v4 =	vmul.f32 $1.442695020e+00, v4  }
0xc0: {  	v5 =	vadd.f32 v5, v3;
	v3 =	vld [tilespmem:s24+$0x4380]  }
0xc1: {  	v2 =	vld [tilespmem:s24+$0x3B80];
	(erf) = vpow2.f32 v4  }
0xc2: {  	v6 =	vmul.f32 $2.000000030e-01, v5  }
0xc3: {  	vm15 =	vge.f32 v5, $0.0e+00  }
0xc4: {  	s26 =	simm.s32 $0x100;
	v4 =	vsel vm15, v5, v6  }
.LBB2_8:
0xc5: {  	s28 =	sshra.s32 s26, $0x2;
	v4 =	vsub.f32 v4, v1;
	p0 =	sne.s32 s26, $0x1FC0  }
.Ltmp7:
0xc6: {  	s26 =	sadd.s32 $0x40, s26;
	v5 =	vadd.f32 v3, v2;
	v2 =	vld [tilespmem:s28+$0x3B80];
	v6 =	vpop (erf);
	(pc) =	sbr.rel @p0 .LBB2_8-.Ltmp7, $4  }
0xc7: {  	v3 =	vld [tilespmem:s28+$0x4380];
	v4 =	vmul.f32 $1.442695020e+00, v4;
	[tilespmem:s18+$0x5380] =	vst v6;
	s18 =	smov.u32 s4;
	s4 =	smov.u32 s16;
	s16 =	smov.u32 s24  }
0xc8: {  	s24 =	smov.u32 s28;
	v6 =	vmul.f32 $2.000000030e-01, v5  }
0xc9: {  	vm0 =	vge.f32 v5, $0.0e+00;
	(erf) = vpow2.f32 v4  }
0xca: {  	v4 =	vsel vm0, v5, v6  }
0xcb: {  	_ = 	snop  }
0xcc: {  	v2 =	vadd.f32 v3, v2;
	_ =	sdelay $0x1  }
0xcd: {  	v3 =	vmul.f32 $2.000000030e-01, v2  }
0xce: {  	vm0 =	vge.f32 v2, $0.0e+00  }
0xcf: {  	v4 =	vsub.f32 v4, v1;
	v2 =	vsel vm0, v2, v3  }
0xd0: {  	v2 =	vsub.f32 v2, v1  }
0xd1: {  	v3 =	vmul.f32 $1.442695020e+00, v4  }
0xd2: {  	v2 =	vmul.f32 $1.442695020e+00, v2  }
0xd3: {  	(erf) = vpow2.f32 v3  }
0xd4: {  	(erf) = vpow2.f32 v2;
	_ =	sdelay $0x5  }
0xd5: {  	v2 =	vpop (erf)  }
.Ltmp8:
0xd6: {  	v3 =	vpop (erf);
	[tilespmem:s18+$0x5380] =	vst v2;
	(pc) =	sbr.rel @!p2 .LBB2_15-.Ltmp8, $4  }
.Ltmp9:
0xd7: {  	[tilespmem:s4+$0x5380] =	vst v3;
	v2 =	vpop (erf);
	(pc) =	sbr.rel @p2 .LBB2_16-.Ltmp9, $4  }
0xd8: {  	[tilespmem:s16+$0x5380] =	vst v2;
	v2 =	vpop (erf)  }
0xd9: {  	s4 =	simm.s32 $0x2A80;
	[tilespmem:s24+$0x5380] =	vst v2  }
0xda: {  	[spmem:s2] =	stream.indirect.scatter.add.f32 [tilespmem:s10], [sflag:$0x5], $0x10, s31, s23, $0xb8;
	[tilespmem:$0x6570] =	vst v63  }
0xdb: {  	_ = 	snop  }
.LBB2_10:
0xdc: {  	_ =	swait.ge [sflag:s11], $0x800  }
0xdd: {  	[sflag:s11] =	ssyncset.done $0x0  }
0xde: {  	[sflag:s11] =	ssyncadd.s32 $0xFFFFF800  }
0xdf: {  	_ =	swait.ge [sflag:s22], $0x100  }
0xe0: {  	[sflag:s22] =	ssyncset.done $0x0  }
0xe1: {  	s4 =	simm.s32 $0x2A80;
	[sflag:s22] =	ssyncadd.s32 $0xFFFFFF00  }
0xe2: {  	[tilespmem:s30], [sflag:$0x3] =	stream.indirect.gather [hbm4b:s6+s23], $0x10, s4, s23, $0xb8;
	[tilespmem:$0x6570] =	vst v63  }
0xe3: {  	s18 =	simm.s32 $0x0  }
0xe4: {  	[tilespmem:s0], [sflag:$0x3] =	stream.indirect.gather [hbm4b:s7+s23], $0x10, s17, s23, $0xb8;
	[tilespmem:$0x6570] =	vst v63  }
0xe5: {  	v2 =	vld [tilespmem:s18+$0x2B80]  }
0xe6: {  	v3 =	vld [tilespmem:s18+$0x3380];
	_ =	sdelay $0x1  }
0xe7: {  	s4 =	simm.s32 $0x10  }
0xe8: {  	v4 =	vld [tilespmem:s4+$0x2B80]  }
0xe9: {  	v5 =	vld [tilespmem:s4+$0x3380]  }
0xea: {  	v2 =	vadd.f32 v3, v2;
	_ =	sdelay $0x1  }
0xeb: {  	v6 =	vmul.f32 $2.000000030e-01, v2  }
0xec: {  	vm0 =	vge.f32 v2, $0.0e+00  }
0xed: {  	v4 =	vadd.f32 v5, v4;
	v2 =	vsel vm0, v2, v6  }
0xee: {  	s16 =	simm.s32 $0x20;
	v2 =	vsub.f32 v2, v1  }
0xef: {  	v3 =	vld [tilespmem:s16+$0x2B80];
	v7 =	vmul.f32 $2.000000030e-01, v4  }
0xf0: {  	v5 =	vld [tilespmem:s16+$0x3380];
	vm14 =	vge.f32 v4, $0.0e+00;
	v2 =	vmul.f32 $1.442695020e+00, v2  }
0xf1: {  	v4 =	vsel vm14, v4, v7  }
0xf2: {  	v4 =	vsub.f32 v4, v1;
	(erf) = vpow2.f32 v2;
	_ =	sdelay $0x1  }
0xf3: {  	s24 =	simm.s32 $0x30;
	v4 =	vmul.f32 $1.442695020e+00, v4  }
0xf4: {  	v5 =	vadd.f32 v5, v3;
	v3 =	vld [tilespmem:s24+$0x3380]  }
0xf5: {  	v2 =	vld [tilespmem:s24+$0x2B80];
	(erf) = vpow2.f32 v4  }
0xf6: {  	v6 =	vmul.f32 $2.000000030e-01, v5  }
0xf7: {  	vm15 =	vge.f32 v5, $0.0e+00  }
0xf8: {  	s26 =	simm.s32 $0x100;
	v4 =	vsel vm15, v5, v6  }
.LBB2_11:
0xf9: {  	s28 =	sshra.s32 s26, $0x2;
	v4 =	vsub.f32 v4, v1;
	p2 =	seq.s32 s26, $0x1FC0  }
.Ltmp10:
0xfa: {  	s26 =	sadd.s32 $0x40, s26;
	v5 =	vadd.f32 v3, v2;
	v2 =	vld [tilespmem:s28+$0x2B80];
	v6 =	vpop (erf);
	(pc) =	sbr.rel @!p2 .LBB2_11-.Ltmp10, $4  }
0xfb: {  	v3 =	vld [tilespmem:s28+$0x3380];
	v4 =	vmul.f32 $1.442695020e+00, v4;
	[tilespmem:s18+$0x4B80] =	vst v6;
	s18 =	smov.u32 s4;
	s4 =	smov.u32 s16;
	s16 =	smov.u32 s24  }
0xfc: {  	s24 =	smov.u32 s28;
	v6 =	vmul.f32 $2.000000030e-01, v5  }
0xfd: {  	vm0 =	vge.f32 v5, $0.0e+00;
	(erf) = vpow2.f32 v4  }
0xfe: {  	v4 =	vsel vm0, v5, v6  }
0xff: {  	_ = 	snop  }
0x100: {  	v2 =	vadd.f32 v3, v2;
	_ =	sdelay $0x1  }
0x101: {  	v3 =	vmul.f32 $2.000000030e-01, v2  }
0x102: {  	vm0 =	vge.f32 v2, $0.0e+00  }
0x103: {  	v4 =	vsub.f32 v4, v1;
	v2 =	vsel vm0, v2, v3  }
0x104: {  	v2 =	vsub.f32 v2, v1  }
0x105: {  	v3 =	vmul.f32 $1.442695020e+00, v4  }
0x106: {  	v2 =	vmul.f32 $1.442695020e+00, v2  }
0x107: {  	(erf) = vpow2.f32 v3  }
0x108: {  	(erf) = vpow2.f32 v2;
	_ =	sdelay $0x5  }
0x109: {  	v2 =	vpop (erf)  }
0x10a: {  	v3 =	vpop (erf);
	[tilespmem:s18+$0x4B80] =	vst v2  }
0x10b: {  	s28 =	sadd.s32 s8, s14;
	[tilespmem:s4+$0x4B80] =	vst v3;
	v2 =	vpop (erf)  }
0x10c: {  	s4 =	sshll.u32 s28, $0x5;
	[tilespmem:s16+$0x4B80] =	vst v2;
	v2 =	vpop (erf)  }
0x10d: {  	s4 =	sand.u32 $0x1FFFFFC0, s4;
	[tilespmem:s24+$0x4B80] =	vst v2  }
0x10e: {  	[spmem:s2] =	stream.indirect.scatter.add.f32 [tilespmem:s1], [sflag:$0x4], $0x10, s9, s23, $0xb8;
	[tilespmem:$0x6570] =	vst v63  }
0x10f: {  	s4 =	sadd.s32 s5, s4  }
0x110: {  	[tilespmem:s21], [sflag:$0x1] =	stream.linear.gather [hbm4b:s4+s3], $0x100, $0x38;
	[tilespmem:$0x6570] =	vst v63  }
0x111: {  	_ =	swait.ge [sflag:s20], $0x800  }
0x112: {  	[sflag:s20] =	ssyncset.done $0x0  }
0x113: {  	[sflag:s20] =	ssyncadd.s32 $0xFFFFF800  }
0x114: {  	_ =	swait.ge [sflag:s20], $0x800  }
0x115: {  	[sflag:s20] =	ssyncset.done $0x0  }
0x116: {  	s4 =	simm.s32 @!p0 $0x5;
	[sflag:s20] =	ssyncadd.s32 $0xFFFFF800  }
0x117: {  	_ =	swait.ge @!p0 [sflag:s4], $0x800  }
0x118: {  	[sflag:s4] =	ssyncset.done @!p0 $0x0  }
0x119: {  	p1 =	por p0, !p1;
	[sflag:s4] =	ssyncadd.s32 @!p0 $0xFFFFF800  }
0x11a: {  	_ =	swait.ge @p1 [sflag:s22], $0x100  }
0x11b: {  	[sflag:s22] =	ssyncset.done @p1 $0x0  }
0x11c: {  	s4 =	simm.s32 @p1 $0x2B80;
	[sflag:s22] =	ssyncadd.s32 @p1 $0xFFFFFF00  }
0x11d: {  	[tilespmem:s4], [sflag:$0x2] =	stream.indirect.gather @p1 [hbm4b:s6+s23], $0x10, s21, s23, $0xb8;
	[tilespmem:$0x6570] =	vst v63  }
0x11e: {  	s18 =	simm.s32 $0x0;
	s4 =	simm.s32 @p1 $0x3380  }
0x11f: {  	[tilespmem:s4], [sflag:$0x2] =	stream.indirect.gather @p1 [hbm4b:s7+s23], $0x10, s25, s23, $0xb8;
	[tilespmem:$0x6570] =	vst v63  }
0x120: {  	v2 =	vld [tilespmem:s18+$0x3B80]  }
0x121: {  	v3 =	vld [tilespmem:s18+$0x4380];
	_ =	sdelay $0x4  }
0x122: {  	s4 =	simm.s32 $0x10;
	v2 =	vadd.f32 v3, v2  }
0x123: {  	v4 =	vld [tilespmem:s4+$0x3B80]  }
0x124: {  	v5 =	vld [tilespmem:s4+$0x4380];
	v6 =	vmul.f32 $2.000000030e-01, v2  }
0x125: {  	vm13 =	vge.f32 v2, $0.0e+00  }
0x126: {  	v2 =	vsel vm13, v2, v6  }
0x127: {  	s16 =	simm.s32 $0x20;
	v2 =	vsub.f32 v2, v1  }
0x128: {  	v3 =	vld [tilespmem:s16+$0x3B80]  }
0x129: {  	v4 =	vadd.f32 v5, v4;
	v5 =	vld [tilespmem:s16+$0x4380];
	v2 =	vmul.f32 $1.442695020e+00, v2;
	_ =	sdelay $0x1  }
0x12a: {  	v7 =	vmul.f32 $2.000000030e-01, v4;
	(erf) = vpow2.f32 v2  }
0x12b: {  	vm14 =	vge.f32 v4, $0.0e+00  }
0x12c: {  	s24 =	simm.s32 $0x30;
	v4 =	vsel vm14, v4, v7  }
0x12d: {  	v4 =	vsub.f32 v4, v1;
	v5 =	vadd.f32 v5, v3;
	v3 =	vld [tilespmem:s24+$0x4380]  }
0x12e: {  	v2 =	vld [tilespmem:s24+$0x3B80]  }
0x12f: {  	v4 =	vmul.f32 $1.442695020e+00, v4;
	v6 =	vmul.f32 $2.000000030e-01, v5  }
0x130: {  	vm15 =	vge.f32 v5, $0.0e+00  }
0x131: {  	s26 =	simm.s32 $0x100;
	(erf) = vpow2.f32 v4;
	v4 =	vsel vm15, v5, v6  }
.LBB2_13:
0x132: {  	s28 =	sshra.s32 s26, $0x2;
	v4 =	vsub.f32 v4, v1;
	p0 =	sne.s32 s26, $0x1FC0  }
.Ltmp11:
0x133: {  	s26 =	sadd.s32 $0x40, s26;
	v5 =	vadd.f32 v3, v2;
	v2 =	vld [tilespmem:s28+$0x3B80];
	v6 =	vpop (erf);
	(pc) =	sbr.rel @p0 .LBB2_13-.Ltmp11, $4  }
0x134: {  	v3 =	vld [tilespmem:s28+$0x4380];
	v4 =	vmul.f32 $1.442695020e+00, v4;
	[tilespmem:s18+$0x5380] =	vst v6;
	s18 =	smov.u32 s4;
	s4 =	smov.u32 s16;
	s16 =	smov.u32 s24  }
0x135: {  	v6 =	vmul.f32 $2.000000030e-01, v5;
	s24 =	smov.u32 s28  }
0x136: {  	vm0 =	vge.f32 v5, $0.0e+00;
	(erf) = vpow2.f32 v4  }
0x137: {  	v4 =	vsel vm0, v5, v6  }
.Ltmp12:
0x138: {  	_ = 	snop;
	(pc) =	sbr.rel .LBB2_14-.Ltmp12, $1  }
0x139: {  	_ =	sdelay $0x3  }
.LBB2_17:
0x13a: {  	_ =	sfence.sel $0x180000  }
0x13b: {  	[bflag:$0x0] =	sbarrier.arrive $0xFFFF  }
0x13c: {  	_ =	strace $0x90000047  }
0x13d: {  	s0 =	stileid.u32;
	[bflag:$0x2] =	sbarrier.arrive $0xFFFF  }
0x13e: {  	p0 =	sne.s32 s0, $0x0;
	s0 =	rddreg [dreg:$0x4]  }
0x13f: {  	s0 =	sadd.s32 @!p0 $0x100000, s0  }
0x140: {  	[sflag:s0] =	ssyncadd.tile.s32 @!p0 $0x1;
	_ =	shalt  }
.Lfunc_end2:
_tile_overlayer_lowered:
.L_overlay_start_2:
0x141: {  	(tag) =	ssettag $0x2  }
0x142: {  	s0 =	rddreg [dreg:$0x0];
	s2 =	stileid.u32  }
0x143: {  	s1 =	rddreg [dreg:$0x1];
	p0 =	sne.s32 s2, $0x0  }
0x144: {  	s3 =	rddreg [dreg:$0x2];
	[bflag:$0x3] =	sbarrier.arrive $0xFFFF;
	s2 =	simm.s32 @!p0 $0x1C06  }
0x145: {  	[timem:s3], [sflag:s2] =	dma.local @!p0 [hbm:s0], s1  }
0x146: {  	s0 =	simm.s32 @!p0 $0x6  }
0x147: {  	_ =	swait.ge @!p0 [sflag:s0], s1  }
0x148: {  	s1 =	ssub.s32 @!p0 $0x0, s1;
	[sflag:s0] =	ssyncset.done @!p0 $0x0  }
0x149: {  	[sflag:s0] =	ssyncadd.s32 @!p0 s1  }
0x14a: {  	[bflag:$0x3] =	sbarrier.arrive $0xFFFF  }
0x14b: {  	_ =	shalt  }

</sc_bundles>
